<compile_context>
chip_gen: v7x
topology: tpu7x:2x2x1
jax: 0.10.2.dev20260603
libtpu: 0.0.44.dev20260713+nightly
codegen_flags: <defaults>
</compile_context>

<pallas_src>
import functools
import math

import jax
import jax.numpy as jnp
import numpy as np
from jax import lax
from jax.experimental import pallas as pl
from jax.experimental.pallas import tpu as pltpu
from jax.experimental.pallas import tpu_sc as plsc

_B, _P, _NF, _K = 16, 4096, 3, 64
_S1 = math.ceil(0.2 * _P)
_S2 = math.ceil(0.25 * _S1)
_L1 = 832
_L2 = 256
_INF = np.float32(np.inf)



def _fps_level(px, py, pz, n_valid, S, acc_lanes):
    Bc, L = px.shape
    lane = jax.lax.broadcasted_iota(jnp.int32, (Bc, L), 1)
    alane = jax.lax.broadcasted_iota(jnp.int32, (Bc, acc_lanes), 1)
    valid = lane < n_valid
    x0, y0, z0 = px[:, 0:1], py[:, 0:1], pz[:, 0:1]
    dx, dy, dz = px - x0, py - y0, pz - z0
    d = (dx * dx + dy * dy) + dz * dz
    d = jnp.where(valid, d, -1.0)
    ix = jnp.zeros((Bc, acc_lanes), jnp.int32)
    ax = jnp.where(alane == 0, x0, 0.0)
    ay = jnp.where(alane == 0, y0, 0.0)
    az = jnp.where(alane == 0, z0, 0.0)

    def body(i, carry):
        d, ix, ax, ay, az = carry
        m = jnp.max(d, axis=1, keepdims=True)
        cand = jnp.where(d == m, lane, L)
        nxt = jnp.min(cand, axis=1, keepdims=True)
        sel = lane == nxt
        qx = jnp.max(jnp.where(sel, px, -_INF), axis=1, keepdims=True)
        qy = jnp.max(jnp.where(sel, py, -_INF), axis=1, keepdims=True)
        qz = jnp.max(jnp.where(sel, pz, -_INF), axis=1, keepdims=True)
        hit = alane == i
        ix = jnp.where(hit, nxt, ix)
        ax = jnp.where(hit, qx, ax)
        ay = jnp.where(hit, qy, ay)
        az = jnp.where(hit, qz, az)
        ddx, ddy, ddz = px - qx, py - qy, pz - qz
        dn = (ddx * ddx + ddy * ddy) + ddz * ddz
        d = jnp.minimum(d, jnp.where(valid, dn, -1.0))
        return (d, ix, ax, ay, az)

    _, ix, ax, ay, az = jax.lax.fori_loop(1, S, body, (d, ix, ax, ay, az))
    return ix, ax, ay, az


def _fps_body(px_ref, py_ref, pz_ref,
              ix1_ref, ax1_ref, ay1_ref, az1_ref,
              ix2_ref, ax2_ref, ay2_ref, az2_ref):
    px, py, pz = px_ref[...], py_ref[...], pz_ref[...]
    ix1, ax1, ay1, az1 = _fps_level(px, py, pz, _P, _S1, _L1)
    ix1_ref[...], ax1_ref[...], ay1_ref[...], az1_ref[...] = ix1, ax1, ay1, az1
    ix2, ax2, ay2, az2 = _fps_level(ax1, ay1, az1, _S1, _S2, _L2)
    ix2_ref[...], ax2_ref[...], ay2_ref[...], az2_ref[...] = ix2, ax2, ay2, az2


def _fps_call(px, py, pz):
    f32, i32 = jnp.float32, jnp.int32
    outs = pl.pallas_call(
        _fps_body,
        out_shape=(
            jax.ShapeDtypeStruct((_B, _L1), i32),
            jax.ShapeDtypeStruct((_B, _L1), f32),
            jax.ShapeDtypeStruct((_B, _L1), f32),
            jax.ShapeDtypeStruct((_B, _L1), f32),
            jax.ShapeDtypeStruct((_B, _L2), i32),
            jax.ShapeDtypeStruct((_B, _L2), f32),
            jax.ShapeDtypeStruct((_B, _L2), f32),
            jax.ShapeDtypeStruct((_B, _L2), f32),
        ),
    )(px, py, pz)
    return outs



def _n2t_body(p1x_ref, p1y_ref, p1z_ref, q2x_ref, q2y_ref, q2z_ref, thr_ref):
    px, py, pz = p1x_ref[...][0], p1y_ref[...][0], p1z_ref[...][0]
    qx = jnp.transpose(q2x_ref[...][0][:, :208])
    qy = jnp.transpose(q2y_ref[...][0][:, :208])
    qz = jnp.transpose(q2z_ref[...][0][:, :208])
    q3 = jnp.concatenate([qx, qy, qz], axis=1)
    p3 = jnp.concatenate([px, py, pz], axis=0)
    cross = jnp.dot(q3, p3, preferred_element_type=jnp.float32)
    sqq = (qx * qx + qy * qy) + qz * qz
    sqp = (px * px + py * py) + pz * pz
    d2 = (sqq + sqp) - 2.0 * cross
    d2 = jnp.maximum(d2, 0.0)
    lane = jax.lax.broadcasted_iota(jnp.int32, (208, _L1), 1)
    d2 = jnp.where(lane < _S1, d2, _INF)
    lo = jnp.zeros((208, 1), jnp.float32)
    hi = jnp.full((208, 1), 3.0, jnp.float32)

    def it(i, carry):
        lo, hi = carry
        t = (lo + hi) * 0.5
        c = jnp.sum((d2 <= t).astype(jnp.float32), axis=1, keepdims=True)
        ge = c >= float(_K)
        return (jnp.where(ge, lo, t), jnp.where(ge, t, hi))

    lo, hi = jax.lax.fori_loop(0, 44, it, (lo, hi))
    thr = jnp.minimum(hi, 0.25)
    thr_ref[...] = jnp.transpose(thr)[None]


def _n2t_call(p1x, p1y, p1z, q2x, q2y, q2z):
    thr = pl.pallas_call(
        _n2t_body,
        grid=(_B,),
        in_specs=[pl.BlockSpec((1, 1, _L1), lambda b: (b, 0, 0))] * 3
                 + [pl.BlockSpec((1, 1, _L2), lambda b: (b, 0, 0))] * 3,
        out_specs=pl.BlockSpec((1, 1, 208), lambda b: (b, 0, 0)),
        out_shape=jax.ShapeDtypeStruct((_B, 1, 208), jnp.float32),
    )(p1x[:, None], p1y[:, None], p1z[:, None],
      q2x[:, None], q2y[:, None], q2z[:, None])
    return thr.reshape(_B, 208)



def _sc_gather(table, idx, CH):
    E = idx.shape[0]
    D = table.shape[1]
    NW = 32
    per_w = E // NW
    n_ch = per_w // CH
    assert per_w % CH == 0 and CH % 128 == 0 and E % NW == 0
    nsub = CH // 128
    mesh = plsc.VectorSubcoreMesh(core_axis_name="c", subcore_axis_name="s")

    @functools.partial(
        pl.kernel, mesh=mesh,
        out_type=jax.ShapeDtypeStruct((E, D), jnp.float32),
        compiler_params=pltpu.CompilerParams(use_tc_tiling_on_sc=False),
        scratch_types=[
            pltpu.VMEM((CH,), jnp.int32),
            pltpu.VMEM((CH, D), jnp.float32),
            pltpu.SemaphoreType.DMA,
        ],
    )
    def gk(table_hbm, idx_hbm, out_hbm, idx_v, rows_v, sem):
        wid = lax.axis_index("s") * 2 + lax.axis_index("c")
        base = wid * per_w

        def body(j, carry):
            off = base + j * CH
            pltpu.sync_copy(idx_hbm.at[pl.ds(off, CH)], idx_v)
            pltpu.async_copy(table_hbm.at[idx_v], rows_v, sem).wait()
            pltpu.sync_copy(rows_v, out_hbm.at[pl.ds(off, CH)])
            return carry

        lax.fori_loop(0, n_ch, body, 0)

    return gk(table, idx)



_SLOTS = 96


def _sc_select(pxf, pyf, pzf, qxf, qyf, qzf, thrf, PC, QC, sent):
    i32, f32 = jnp.int32, jnp.float32
    mesh = plsc.VectorSubcoreMesh(core_axis_name="c", subcore_axis_name="s")
    NQT = _B * QC // 32

    @functools.partial(
        pl.kernel, mesh=mesh,
        out_type=jax.ShapeDtypeStruct((_B * QC * _SLOTS,), i32),
        compiler_params=pltpu.CompilerParams(use_tc_tiling_on_sc=False,
                                             needs_layout_passes=False),
        scratch_types=[
            pltpu.VMEM((PC,), f32),
            pltpu.VMEM((PC,), f32),
            pltpu.VMEM((PC,), f32),
            pltpu.VMEM((NQT,), f32),
            pltpu.VMEM((NQT,), f32),
            pltpu.VMEM((NQT,), f32),
            pltpu.VMEM((NQT,), f32),
            pltpu.VMEM((NQT * _SLOTS,), i32),
        ],
    )
    def nk(px_h, py_h, pz_h, qx_h, qy_h, qz_h, th_h, out_h,
           pxv, pyv, pzv, qxv, qyv, qzv, thv, buf):
        wid = lax.axis_index("s") * 2 + lax.axis_index("c")
        cloud = wid // 2
        soff = (wid % 2) * NQT
        pltpu.sync_copy(px_h.at[pl.ds(cloud * PC, PC)], pxv)
        pltpu.sync_copy(py_h.at[pl.ds(cloud * PC, PC)], pyv)
        pltpu.sync_copy(pz_h.at[pl.ds(cloud * PC, PC)], pzv)
        qbase = cloud * QC + soff
        pltpu.sync_copy(qx_h.at[pl.ds(qbase, NQT)], qxv)
        pltpu.sync_copy(qy_h.at[pl.ds(qbase, NQT)], qyv)
        pltpu.sync_copy(qz_h.at[pl.ds(qbase, NQT)], qzv)
        pltpu.sync_copy(th_h.at[pl.ds(qbase, NQT)], thv)

        sentv = jnp.full((16,), sent, i32)

        def fill(i, c):
            buf[pl.ds(i * 16, 16)] = sentv
            return c

        lax.fori_loop(0, NQT * _SLOTS // 16, fill, 0)

        iota16 = lax.broadcasted_iota(i32, (16,), 0)
        gbase = cloud * PC

        def per_qgroup(qq, c):
            zf = jnp.zeros((16,), f32)

            def pick(ref, q):
                sel16 = iota16 == (q % 16)
                v = jnp.sum(jnp.where(sel16, ref[pl.ds((q // 16) * 16, 16)],
                                      0.0), axis=0)
                return zf + v

            qs = []
            for k in range(4):
                q = qq * 4 + k
                qs.append((q, pick(qxv, q), pick(qyv, q), pick(qzv, q),
                           pick(thv, q)))

            def per_chunk(ci, curs):
                pxc = pxv[pl.ds(ci * 16, 16)]
                pyc = pyv[pl.ds(ci * 16, 16)]
                pzc = pzv[pl.ds(ci * 16, 16)]
                vals = (gbase + ci * 16) + iota16
                out = []
                for k in range(4):
                    q, qxs, qys, qzs, ths = qs[k]
                    dx, dy, dz = pxc - qxs, pyc - qys, pzc - qzs
                    d2 = (dx * dx + dy * dy) + dz * dz
                    msk = d2 <= ths
                    plsc.store_compressed(
                        buf.at[pl.ds(q * _SLOTS + curs[k], 16)], vals, mask=msk)
                    cnt = jnp.sum(msk.astype(i32), axis=0)
                    out.append(jnp.minimum(curs[k] + cnt, _SLOTS - 16))
                return tuple(out)

            lax.fori_loop(0, PC // 16, per_chunk,
                          (jnp.int32(0),) * 4)
            return c

        lax.fori_loop(0, NQT // 4, per_qgroup, 0)
        pltpu.sync_copy(buf, out_h.at[pl.ds(qbase * _SLOTS, NQT * _SLOTS)])

    return nk(pxf, pyf, pzf, qxf, qyf, qzf, thrf)



_EB = 8192
_QB = 128


def _bn_from_partials(s1_ref, s2_ref, cn_ref):
    cnt = jnp.maximum(jnp.sum(cn_ref[...]), 1.0)
    mean = jnp.sum(s1_ref[...], axis=0) / cnt
    var = jnp.sum(s2_ref[...], axis=0) / cnt - mean * mean
    return mean, var


def _msg_h1(G_ref, Qe_ref, w1_ref, b1_ref):
    G = G_ref[...]
    qe = jnp.broadcast_to(Qe_ref[...][:, None, :], (_QB, _K, G.shape[1]))
    msg = G - qe.reshape(G.shape)
    return jnp.dot(msg, w1_ref[...], preferred_element_type=jnp.float32) + b1_ref[...]


def _bn_act(h, mean, var, g_ref, be_ref):
    h = (h - mean) / jnp.sqrt(var + 1e-5) * g_ref[...] + be_ref[...]
    return jnp.where(h >= 0, h, 0.01 * h)


def _eA_body(G_ref, Qe_ref, emk_ref, w1_ref, b1_ref, s1_ref, s2_ref, cn_ref):
    h1 = _msg_h1(G_ref, Qe_ref, w1_ref, b1_ref)
    m = emk_ref[...]
    hm = h1 * m
    s1_ref[...] = jnp.sum(hm, axis=0, keepdims=True)[None]
    s2_ref[...] = jnp.sum(hm * h1, axis=0, keepdims=True)[None]
    cn_ref[...] = jnp.sum(m, axis=0, keepdims=True)[None]


def _eB_body(G_ref, Qe_ref, emk_ref, w1_ref, b1_ref, g1_ref, be1_ref,
             s1a_ref, s2a_ref, cna_ref, w2_ref, b2_ref, s1_ref, s2_ref):
    mean1, var1 = _bn_from_partials(s1a_ref, s2a_ref, cna_ref)
    h1 = _msg_h1(G_ref, Qe_ref, w1_ref, b1_ref)
    a1 = _bn_act(h1, mean1, var1, g1_ref, be1_ref)
    h2 = jnp.dot(a1, w2_ref[...], preferred_element_type=jnp.float32) + b2_ref[...]
    m = emk_ref[...]
    hm = h2 * m
    s1_ref[...] = jnp.sum(hm, axis=0, keepdims=True)[None]
    s2_ref[...] = jnp.sum(hm * h2, axis=0, keepdims=True)[None]


def _eC_body(G_ref, Qe_ref, emk_ref, w1_ref, b1_ref, g1_ref, be1_ref,
             s1a_ref, s2a_ref, cna_ref, w2_ref, b2_ref, g2_ref, be2_ref,
             s1b_ref, s2b_ref, w3_ref, b3_ref, out_ref):
    mean1, var1 = _bn_from_partials(s1a_ref, s2a_ref, cna_ref)
    mean2, var2 = _bn_from_partials(s1b_ref, s2b_ref, cna_ref)
    h1 = _msg_h1(G_ref, Qe_ref, w1_ref, b1_ref)
    a1 = _bn_act(h1, mean1, var1, g1_ref, be1_ref)
    h2 = jnp.dot(a1, w2_ref[...], preferred_element_type=jnp.float32) + b2_ref[...]
    a2 = _bn_act(h2, mean2, var2, g2_ref, be2_ref)
    h3 = jnp.dot(a2, w3_ref[...], preferred_element_type=jnp.float32) + b3_ref[...]
    m = emk_ref[...]
    neg = jnp.where(m > 0, h3, -_INF)
    out_ref[...] = jnp.max(neg.reshape(_QB, _K, h3.shape[1]), axis=1)


def _edge_mlp_pallas(G, Qe, emk, params, H, Dout):
    (w1, b1, g1, be1), (w2, b2, g2, be2), (w3, b3) = params
    Epad, Dinp = G.shape
    Qpad = Qe.shape[0]
    nblk = Epad // _EB
    f32 = jnp.float32

    def row(v):
        return v.reshape(1, -1)

    w1p = jnp.zeros((Dinp, H), f32).at[:w1.shape[0]].set(w1)
    full = lambda a: pl.BlockSpec(a.shape, lambda i: tuple(0 for _ in a.shape))
    gspec = pl.BlockSpec((_EB, Dinp), lambda i: (i, 0))
    qspec = pl.BlockSpec((_QB, Dinp), lambda i: (i, 0))
    mspec = pl.BlockSpec((_EB, 1), lambda i: (i, 0))
    pspec = lambda w: pl.BlockSpec((1, 1, w), lambda i: (i, 0, 0))

    b1r, g1r, be1r = row(b1), row(g1), row(be1)
    b2r, g2r, be2r = row(b2), row(g2), row(be2)
    b3r = row(b3)

    s1a, s2a, cna = pl.pallas_call(
        _eA_body, grid=(nblk,),
        in_specs=[gspec, qspec, mspec, full(w1p), full(b1r)],
        out_specs=(pspec(H), pspec(H), pspec(1)),
        out_shape=(jax.ShapeDtypeStruct((nblk, 1, H), f32),
                   jax.ShapeDtypeStruct((nblk, 1, H), f32),
                   jax.ShapeDtypeStruct((nblk, 1, 1), f32)),
    )(G, Qe, emk, w1p, b1r)

    s1b, s2b = pl.pallas_call(
        _eB_body, grid=(nblk,),
        in_specs=[gspec, qspec, mspec, full(w1p), full(b1r), full(g1r),
                  full(be1r), full(s1a), full(s2a), full(cna), full(w2),
                  full(b2r)],
        out_specs=(pspec(H), pspec(H)),
        out_shape=(jax.ShapeDtypeStruct((nblk, 1, H), f32),
                   jax.ShapeDtypeStruct((nblk, 1, H), f32)),
    )(G, Qe, emk, w1p, b1r, g1r, be1r, s1a, s2a, cna, w2, b2r)

    out = pl.pallas_call(
        _eC_body, grid=(nblk,),
        in_specs=[gspec, qspec, mspec, full(w1p), full(b1r), full(g1r),
                  full(be1r), full(s1a), full(s2a), full(cna), full(w2),
                  full(b2r), full(g2r), full(be2r), full(s1b), full(s2b),
                  full(w3), full(b3r)],
        out_specs=pl.BlockSpec((_QB, Dout), lambda i: (i, 0)),
        out_shape=jax.ShapeDtypeStruct((Qpad, Dout), f32),
    )(G, Qe, emk, w1p, b1r, g1r, be1r, s1a, s2a, cna, w2, b2r, g2r, be2r,
      s1b, s2b, w3, b3r)
    return out



def _head_body(h0_ref, w1_ref, b1_ref, g1_ref, be1_ref, w2_ref, b2_ref,
               g2_ref, be2_ref, w3_ref, b3_ref, w4_ref, b4_ref, g4_ref,
               be4_ref, w5_ref, b5_ref, g5_ref, be5_ref, w6_ref, b6_ref,
               out_ref):
    def bn_act(h, gamma, beta):
        mean = jnp.mean(h, axis=0)
        var = jnp.mean((h - mean) ** 2, axis=0)
        h = (h - mean) / jnp.sqrt(var + 1e-5) * gamma + beta
        return jnp.where(h >= 0, h, 0.01 * h)

    h = h0_ref[...]
    h = jnp.dot(h, w1_ref[...], preferred_element_type=jnp.float32) + b1_ref[...]
    h = bn_act(h, g1_ref[...], be1_ref[...])
    h = jnp.dot(h, w2_ref[...], preferred_element_type=jnp.float32) + b2_ref[...]
    h = bn_act(h, g2_ref[...], be2_ref[...])
    h = jnp.dot(h, w3_ref[...], preferred_element_type=jnp.float32) + b3_ref[...]
    g = jnp.max(h.reshape(_B, _S2, 1024), axis=1)
    g = jnp.dot(g, w4_ref[...], preferred_element_type=jnp.float32) + b4_ref[...]
    g = bn_act(g, g4_ref[...], be4_ref[...])
    g = jnp.dot(g, w5_ref[...], preferred_element_type=jnp.float32) + b5_ref[...]
    g = bn_act(g, g5_ref[...], be5_ref[...])
    g = jnp.dot(g, w6_ref[...], preferred_element_type=jnp.float32) + b6_ref[...]
    out_ref[...] = g


def _head(x2, pos2, p_sa3, p_mlp):
    h0 = jnp.concatenate([x2, pos2], axis=-1).reshape(_B * _S2, 256 + 3)
    (w1, b1, g1, be1), (w2, b2, g2, be2), (w3, b3) = p_sa3
    (w4, b4, g4, be4), (w5, b5, g5, be5), (w6, b6) = p_mlp
    return pl.pallas_call(
        _head_body,
        out_shape=jax.ShapeDtypeStruct((_B, 1), jnp.float32),
    )(h0, w1, b1, g1, be1, w2, b2, g2, be2, w3, b3,
      w4, b4, g4, be4, w5, b5, g5, be5, w6, b6)


_SENT1 = _B * _P
_SENT2 = _B * _L1
_Q1 = 13312
_Q2 = 3328


def _scatter_sent(gidxf, sent):
    Q, K = gidxf.shape
    eiota = jax.lax.broadcasted_iota(jnp.int32, (Q, K), 1) + \
        jax.lax.broadcasted_iota(jnp.int32, (Q, K), 0) * K
    return jnp.where(gidxf < sent, gidxf, sent + (eiota & 2047))


def kernel(x, pos, batch, params):
    f32, i32 = jnp.float32, jnp.int32
    xr = x.reshape(_B, _P, _NF)
    pr = pos.reshape(_B, _P, 3)
    px, py, pz = pr[..., 0], pr[..., 1], pr[..., 2]

    (_ix1, ax1, ay1, az1, _ix2, ax2, ay2, az2) = _fps_call(px, py, pz)
    pos1 = jnp.stack([ax1[:, :_S1], ay1[:, :_S1], az1[:, :_S1]], axis=-1)
    pos2 = jnp.stack([ax2[:, :_S2], ay2[:, :_S2], az2[:, :_S2]], axis=-1)

    thr1 = jnp.full((_B * _L1,), np.float32(0.1 * 0.1), f32)
    sel = _sc_select(px.reshape(-1), py.reshape(-1), pz.reshape(-1),
                     ax1.reshape(-1), ay1.reshape(-1), az1.reshape(-1),
                     thr1, _P, _L1, _SENT1)
    gidx1 = sel.reshape(_B, _L1, _SLOTS)[:, :_S1, :_K]
    gidx1f = jnp.concatenate(
        [gidx1.reshape(_B * _S1, _K),
         jnp.full((_Q1 - _B * _S1, _K), _SENT1, i32)], axis=0)
    emk1 = (gidx1f < _SENT1).astype(f32).reshape(-1, 1)
    gidx1f = _scatter_sent(gidx1f, _SENT1)
    table1 = jnp.concatenate(
        [xr.reshape(_B * _P, 3), pr.reshape(_B * _P, 3),
         jnp.zeros((_B * _P, 10), f32)], axis=1)
    table1 = jnp.concatenate([table1, jnp.zeros((2048, 16), f32)], axis=0)
    G1 = _sc_gather(table1, gidx1f.reshape(-1), 2048)
    Qe1 = jnp.zeros((_Q1, 16), f32).at[:_B * _S1, 3:6].set(
        pos1.reshape(_B * _S1, 3))
    x1f = _edge_mlp_pallas(G1, Qe1, emk1, params['sa1'], 64, 128)
    x1 = x1f[:_B * _S1].reshape(_B, _S1, 128)

    thr2 = _n2t_call(ax1, ay1, az1, ax2, ay2, az2)
    lanev = (jnp.arange(_L1) < _S1)[None, :]
    p2x = jnp.where(lanev, ax1, np.float32(1e9))
    p2y = jnp.where(lanev, ay1, np.float32(1e9))
    p2z = jnp.where(lanev, az1, np.float32(1e9))
    sel2 = _sc_select(p2x.reshape(-1), p2y.reshape(-1), p2z.reshape(-1),
                      ax2[:, :208].reshape(-1), ay2[:, :208].reshape(-1),
                      az2[:, :208].reshape(-1), thr2.reshape(-1),
                      _L1, 208, _SENT2)
    gidx2 = sel2.reshape(_B, 208, _SLOTS)[:, :_S2, :_K]
    gidx2f = jnp.concatenate(
        [gidx2.reshape(_B * _S2, _K),
         jnp.full((_Q2 - _B * _S2, _K), _SENT2, i32)], axis=0)
    emk2 = (gidx2f < _SENT2).astype(f32).reshape(-1, 1)
    gidx2f = _scatter_sent(gidx2f, _SENT2)
    x1p = jnp.pad(x1, ((0, 0), (0, _L1 - _S1), (0, 0)))
    table2 = jnp.concatenate(
        [x1p.reshape(_B * _L1, 128),
         jnp.stack([ax1, ay1, az1], axis=-1).reshape(_B * _L1, 3),
         jnp.zeros((_B * _L1, 13), f32)], axis=1)
    table2 = jnp.concatenate([table2, jnp.zeros((2048, 144), f32)], axis=0)
    G2 = _sc_gather(table2, gidx2f.reshape(-1), 512)
    Qe2 = jnp.zeros((_Q2, 144), f32).at[:_B * _S2, 128:131].set(
        pos2.reshape(_B * _S2, 3))
    x2f = _edge_mlp_pallas(G2, Qe2, emk2, params['sa2'], 128, 256)
    x2 = x2f[:_B * _S2].reshape(_B, _S2, 256)

    return _head(x2, pos2, params['sa3'], params['mlp'])

# --- scband reference (transcript-rebuilt; emitter-appended) ---
"""Pipeline reference for scband-net-48902497632926 (READ-ONLY COPY).

The authoritative reference and input builder live on the scoring server;
editing this copy changes nothing except your own understanding.
"""

import jax, jax.numpy as jnp
import numpy as np
import math

B, P = 16, 4096
NUM_FEATURES = 3
K = 64


def make_mlp_params(key, dims):
    params = []
    for i in range(len(dims) - 1):
        key, k1 = jax.random.split(key)
        W = jax.random.normal(k1, (dims[i], dims[i + 1]), jnp.float32) / np.sqrt(dims[i])
        b = jnp.zeros((dims[i + 1],), jnp.float32)
        if i < len(dims) - 2:
            params.append((W, b, jnp.ones((dims[i + 1],), jnp.float32), jnp.zeros((dims[i + 1],), jnp.float32)))
        else:
            params.append((W, b))
    return params


def mlp_forward(h, params, mask=None):
    # PyG MLP: Linear -> BatchNorm -> LeakyReLU for hidden layers, plain last Linear.
    for p in params:
        if len(p) == 4:
            W, b, gamma, beta = p
            h = h @ W + b
            if mask is None:
                mean = jnp.mean(h, axis=0)
                var = jnp.mean((h - mean) ** 2, axis=0)
            else:
                m = mask.astype(h.dtype)[:, None]
                cnt = jnp.maximum(jnp.sum(m), 1.0)
                mean = jnp.sum(h * m, axis=0) / cnt
                var = jnp.sum(((h - mean) ** 2) * m, axis=0) / cnt
            h = (h - mean) / jnp.sqrt(var + 1e-5) * gamma + beta
            h = jnp.where(h >= 0, h, 0.01 * h)
        else:
            W, b = p
            h = h @ W + b
    return h


def fps_batch(pos, S):
    # farthest point sampling per cloud, deterministic start at index 0
    def fps_one(p):
        d = jnp.sum((p - p[0]) ** 2, axis=1)
        idx0 = jnp.zeros((S,), jnp.int32)
        def body(i, carry):
            idx, d = carry
            nxt = jnp.argmax(d).astype(jnp.int32)
            idx = idx.at[i].set(nxt)
            d = jnp.minimum(d, jnp.sum((p - p[nxt]) ** 2, axis=1))
            return (idx, d)
        idx, _ = jax.lax.fori_loop(1, S, body, (idx0, d))
        return idx
    return jax.vmap(fps_one)(pos)


def radius_neighbors(pos_all, pos_q, r, k):
    d2 = (jnp.sum(pos_q ** 2, -1)[:, :, None] + jnp.sum(pos_all ** 2, -1)[:, None, :]
          - 2.0 * jnp.einsum('bsd,bpd->bsp', pos_q, pos_all))
    d2 = jnp.maximum(d2, 0.0)
    neg, idx = jax.lax.top_k(-d2, k)
    mask = (-neg) <= r * r
    return idx, mask


_gather = jax.vmap(lambda a, i: a[i])


def sa_module(x, pos, ratio, r, params):
    b, p, _ = pos.shape
    S = math.ceil(ratio * p)
    idx = fps_batch(jax.lax.stop_gradient(pos), S)
    pos_q = _gather(pos, idx)  # [B,S,3]
    nidx, mask = radius_neighbors(jax.lax.stop_gradient(pos), jax.lax.stop_gradient(pos_q), r, K)
    pos_j = _gather(pos, nidx)  # [B,S,K,3]
    x_j = _gather(x, nidx)     # [B,S,K,C]
    rel = pos_j - pos_q[:, :, None, :]
    msg = jnp.concatenate([x_j, rel], axis=-1)
    h = mlp_forward(msg.reshape(b * S * K, -1), params, mask=mask.reshape(-1))
    h = h.reshape(b, S, K, -1)
    h = jnp.where(mask[..., None], h, -jnp.inf)
    out = jnp.max(h, axis=2)  # max aggregation over neighbors
    return out, pos_q


def net_forward(x, pos, params):
    x1, pos1 = sa_module(x, pos, 0.2, 0.1, params['sa1'])
    x2, pos2 = sa_module(x1, pos1, 0.25, 0.5, params['sa2'])
    b = x2.shape[0]
    h = jnp.concatenate([x2, pos2], axis=-1)
    h = mlp_forward(h.reshape(b * h.shape[1], -1), params['sa3'])
    g = jnp.max(h.reshape(b, -1, 1024), axis=1)  # global_max_pool
    return mlp_forward(g, params['mlp'])


def setup_inputs(seed: int = 0):
    key = jax.random.key(seed)
    k1, k2, k3, k4, k5, k6 = jax.random.split(key, 6)
    x = jax.random.normal(k1, (B * P, NUM_FEATURES), jnp.float32)
    pos = jax.random.uniform(k2, (B * P, 3), dtype=jnp.float32)
    batch = jnp.repeat(jnp.arange(B, dtype=jnp.int32), P)
    params = {
        'sa1': make_mlp_params(k3, [3 + NUM_FEATURES, 64, 64, 128]),
        'sa2': make_mlp_params(k4, [128 + 3, 128, 128, 256]),
        'sa3': make_mlp_params(k5, [256 + 3, 256, 512, 1024]),
        'mlp': make_mlp_params(k6, [1024, 256, 256, 1]),
    }
    return {'x': x, 'pos': pos, 'batch': batch, 'params': params}


def reference(x, pos, batch, params):
    # batch is implicit: equal-size clouds, sorted ids (B clouds x P points)
    xr = x.reshape(B, P, NUM_FEATURES)
    pr = pos.reshape(B, P, 3)
    return net_forward(xr, pr, params)

if __name__ == "__main__":
    import jax
    _d = setup_inputs()
    print(jax.jit(kernel)(*tuple(_d.values())))

</pallas_src>

<mosaic_0001>
#map = affine_map<(d0, d1) -> (0, 0)>
#map1 = affine_map<(d0, d1) -> (0)>
module attributes {stable_mosaic.version = 14 : i64} {
  func.func @gk(%arg0: i32, %arg1: i32, %arg2: memref<67584x16xf32, #tpu.memory_space<hbm>>, %arg3: memref<851968xi32, #tpu.memory_space<hbm>>, %arg4: memref<851968x16xf32, #tpu.memory_space<hbm>>, %arg5: memref<2048xi32, #tpu.memory_space<vmem>>, %arg6: memref<2048x16xf32, #tpu.memory_space<vmem>>, %arg7: memref<!tpu.dma_semaphore, #tpu.memory_space<semaphore_mem>>) attributes {dimension_semantics = [#tpu.dimension_semantics<core_parallel>, #tpu.dimension_semantics<subcore_parallel>], iteration_bounds = array<i64: 2, 16>, scalar_prefetch = 0 : i64, scratch_operands = 3 : i64, tpu.core_type = #tpu.core_type<sc_vector_subcore>, window_params = [{transform_indices = #map}, {transform_indices = #map1}, {transform_indices = #map}]} {
    %mul3A = arith.constant 2 : i32
    %mul3A_0 = arith.muli %arg1, %mul3A : i32
    %add3A = arith.addi %mul3A_0, %arg0 : i32
    %mul3A_1 = arith.constant 26624 : i32
    %mul3A_2 = arith.muli %add3A, %mul3A_1 : i32
    %scan3A = arith.constant 0 : i32
    %scan3A_3 = arith.constant 0 : i32
    %scan3A_4 = arith.constant 13 : i32
    %scan3A_5 = arith.addi %scan3A_3, %scan3A_4 : i32
    %scan3A_6 = arith.constant 1 : i32
    scf.for %scan3A_8 = %scan3A_3 to %scan3A_5 step %scan3A_6  : i32 {
      %mul3A_9 = arith.constant 2048 : i32
      %mul3A_10 = arith.muli %scan3A_8, %mul3A_9 : i32
      %add3A_11 = arith.addi %mul3A_2, %mul3A_10 : i32
      "tpu.region"() ({
        %run_scoped3A = tpu.sem_alloc : memref<!tpu.dma_semaphore, #tpu.memory_space<semaphore_mem>>
        %dma_start3A_16 = tpu.memref_slice %arg3[%add3A_11] : memref<851968xi32, #tpu.memory_space<hbm>> -> memref<2048xi32, #tpu.memory_space<hbm>>
        %dma_start3A_17 = tpu.memref_slice %arg3[%add3A_11] : memref<851968xi32, #tpu.memory_space<hbm>> -> memref<2048xi32, #tpu.memory_space<hbm>>
        tpu.enqueue_dma source(%dma_start3A_17 : memref<2048xi32, #tpu.memory_space<hbm>>) target(%arg5 : memref<2048xi32, #tpu.memory_space<vmem>>) target_semaphore(%run_scoped3A : memref<!tpu.dma_semaphore, #tpu.memory_space<semaphore_mem>>)
        %dma_wait3A_18 = tpu.memref_slice %arg3[%add3A_11] : memref<851968xi32, #tpu.memory_space<hbm>> -> memref<2048xi32, #tpu.memory_space<hbm>>
        %dma_wait3A_19 = tpu.memref_slice %arg3[%add3A_11] : memref<851968xi32, #tpu.memory_space<hbm>> -> memref<2048xi32, #tpu.memory_space<hbm>>
        tpu.wait_dma2 semaphore(%run_scoped3A : memref<!tpu.dma_semaphore, #tpu.memory_space<semaphore_mem>>) src(%dma_wait3A_19 : memref<2048xi32, #tpu.memory_space<hbm>>) dst(%arg5 : memref<2048xi32, #tpu.memory_space<vmem>>)
        tpu.yield
      }) : () -> ()
      %dma_start3A = arith.constant 0 : i32
      %dma_start3A_12 = arith.constant 0 : i32
      %dma_start3A_13 = tpu.memref_slice %arg2[%dma_start3A, %dma_start3A_12] : memref<67584x16xf32, #tpu.memory_space<hbm>> -> memref<67584x16xf32, #tpu.memory_space<hbm>>
      tpu.enqueue_indirect_dma source(%dma_start3A_13 : memref<67584x16xf32, #tpu.memory_space<hbm>>) target(%arg6 : memref<2048x16xf32, #tpu.memory_space<vmem>>) offsets(%arg5 : memref<2048xi32, #tpu.memory_space<vmem>>) semaphore(%arg7 : memref<!tpu.dma_semaphore, #tpu.memory_space<semaphore_mem>>)
      %dma_wait3A = arith.constant 0 : i32
      %dma_wait3A_14 = arith.constant 0 : i32
      %dma_wait3A_15 = tpu.memref_slice %arg2[%dma_wait3A, %dma_wait3A_14] : memref<67584x16xf32, #tpu.memory_space<hbm>> -> memref<67584x16xf32, #tpu.memory_space<hbm>>
      tpu.wait_indirect_dma semaphore(%arg7 : memref<!tpu.dma_semaphore, #tpu.memory_space<semaphore_mem>>) src(%dma_wait3A_15 : memref<67584x16xf32, #tpu.memory_space<hbm>>) dst(%arg6 : memref<2048x16xf32, #tpu.memory_space<vmem>>)
      "tpu.region"() ({
        %run_scoped3A = tpu.sem_alloc : memref<!tpu.dma_semaphore, #tpu.memory_space<semaphore_mem>>
        %dma_start3A_16 = arith.constant 0 : i32
        %dma_start3A_17 = tpu.memref_slice %arg4[%add3A_11, %dma_start3A_16] : memref<851968x16xf32, #tpu.memory_space<hbm>> -> memref<2048x16xf32, #tpu.memory_space<hbm>>
        %dma_start3A_18 = arith.constant 0 : i32
        %dma_start3A_19 = tpu.memref_slice %arg4[%add3A_11, %dma_start3A_18] : memref<851968x16xf32, #tpu.memory_space<hbm>> -> memref<2048x16xf32, #tpu.memory_space<hbm>>
        tpu.enqueue_dma source(%arg6 : memref<2048x16xf32, #tpu.memory_space<vmem>>) target(%dma_start3A_19 : memref<2048x16xf32, #tpu.memory_space<hbm>>) target_semaphore(%run_scoped3A : memref<!tpu.dma_semaphore, #tpu.memory_space<semaphore_mem>>)
        %dma_wait3A_20 = arith.constant 0 : i32
        %dma_wait3A_21 = tpu.memref_slice %arg4[%add3A_11, %dma_wait3A_20] : memref<851968x16xf32, #tpu.memory_space<hbm>> -> memref<2048x16xf32, #tpu.memory_space<hbm>>
        %dma_wait3A_22 = arith.constant 0 : i32
        %dma_wait3A_23 = tpu.memref_slice %arg4[%add3A_11, %dma_wait3A_22] : memref<851968x16xf32, #tpu.memory_space<hbm>> -> memref<2048x16xf32, #tpu.memory_space<hbm>>
        tpu.wait_dma2 semaphore(%run_scoped3A : memref<!tpu.dma_semaphore, #tpu.memory_space<semaphore_mem>>) src(%arg6 : memref<2048x16xf32, #tpu.memory_space<vmem>>) dst(%dma_wait3A_23 : memref<2048x16xf32, #tpu.memory_space<hbm>>)
        tpu.yield
      }) : () -> ()
    }
    %scan3A_7 = arith.constant 13 : i32
    return
  }
}

#map = affine_map<(d0, d1) -> (0)>
module attributes {stable_mosaic.version = 14 : i64} {
  func.func @nk(%arg0: i32, %arg1: i32, %arg2: memref<65536xf32, #tpu.memory_space<hbm>>, %arg3: memref<65536xf32, #tpu.memory_space<hbm>>, %arg4: memref<65536xf32, #tpu.memory_space<hbm>>, %arg5: memref<13312xf32, #tpu.memory_space<hbm>>, %arg6: memref<13312xf32, #tpu.memory_space<hbm>>, %arg7: memref<13312xf32, #tpu.memory_space<hbm>>, %arg8: memref<13312xf32, #tpu.memory_space<hbm>>, %arg9: memref<1277952xi32, #tpu.memory_space<hbm>>, %arg10: memref<4096xf32, #tpu.memory_space<vmem>>, %arg11: memref<4096xf32, #tpu.memory_space<vmem>>, %arg12: memref<4096xf32, #tpu.memory_space<vmem>>, %arg13: memref<416xf32, #tpu.memory_space<vmem>>, %arg14: memref<416xf32, #tpu.memory_space<vmem>>, %arg15: memref<416xf32, #tpu.memory_space<vmem>>, %arg16: memref<416xf32, #tpu.memory_space<vmem>>, %arg17: memref<39936xi32, #tpu.memory_space<vmem>>) attributes {dimension_semantics = [#tpu.dimension_semantics<core_parallel>, #tpu.dimension_semantics<subcore_parallel>], iteration_bounds = array<i64: 2, 16>, scalar_prefetch = 0 : i64, scratch_operands = 8 : i64, tpu.core_type = #tpu.core_type<sc_vector_subcore>, window_params = [{transform_indices = #map}, {transform_indices = #map}, {transform_indices = #map}, {transform_indices = #map}, {transform_indices = #map}, {transform_indices = #map}, {transform_indices = #map}, {transform_indices = #map}]} {
    %mul3A = arith.constant 2 : i32
    %mul3A_0 = arith.muli %arg1, %mul3A : i32
    %add3A = arith.addi %mul3A_0, %arg0 : i32
    %jit3A = arith.constant 2 : i32
    %div3A = arith.divsi %add3A, %jit3A : i32
    %sign3A = arith.constant 0 : i32
    %sign3A_1 = arith.cmpi sgt, %add3A, %sign3A : i32
    %sign3A_2 = arith.extui %sign3A_1 : i1 to i32
    %sign3A_3 = arith.constant 0 : i32
    %sign3A_4 = arith.cmpi slt, %add3A, %sign3A_3 : i32
    %sign3A_5 = arith.extui %sign3A_4 : i1 to i32
    %sign3A_6 = arith.subi %sign3A_2, %sign3A_5 : i32
    %sign3A_7 = arith.constant 0 : i32
    %sign3A_8 = arith.cmpi sgt, %jit3A, %sign3A_7 : i32
    %sign3A_9 = arith.extui %sign3A_8 : i1 to i32
    %sign3A_10 = arith.constant 0 : i32
    %sign3A_11 = arith.cmpi slt, %jit3A, %sign3A_10 : i32
    %sign3A_12 = arith.extui %sign3A_11 : i1 to i32
    %sign3A_13 = arith.subi %sign3A_9, %sign3A_12 : i32
    %ne3A = arith.cmpi ne, %sign3A_6, %sign3A_13 : i32
    %rem3A = arith.remsi %add3A, %jit3A : i32
    %ne3A_14 = arith.constant 0 : i32
    %ne3A_15 = arith.cmpi ne, %rem3A, %ne3A_14 : i32
    %and3A = arith.andi %ne3A, %ne3A_15 : i1
    %sub3A = arith.constant 1 : i32
    %sub3A_16 = arith.subi %div3A, %sub3A : i32
    %select_n3A = arith.select %and3A, %sub3A_16, %div3A : i32
    %jit3A_17 = arith.constant 2 : i32
    %eq3A = arith.constant 0 : i32
    %eq3A_18 = arith.cmpi eq, %jit3A_17, %eq3A : i32
    %jit3A_19 = arith.constant 1 : i32
    %select_n3A_20 = arith.select %eq3A_18, %jit3A_19, %jit3A_17 : i32
    %rem3A_21 = arith.remsi %add3A, %select_n3A_20 : i32
    %ne3A_22 = arith.constant 0 : i32
    %ne3A_23 = arith.cmpi ne, %rem3A_21, %ne3A_22 : i32
    %lt3A = arith.constant 0 : i32
    %lt3A_24 = arith.cmpi slt, %rem3A_21, %lt3A : i32
    %lt3A_25 = arith.constant 0 : i32
    %lt3A_26 = arith.cmpi slt, %select_n3A_20, %lt3A_25 : i32
    %ne3A_27 = arith.xori %lt3A_24, %lt3A_26 : i1
    %and3A_28 = arith.andi %ne3A_27, %ne3A_23 : i1
    %add3A_29 = arith.addi %rem3A_21, %select_n3A_20 : i32
    %select_n3A_30 = arith.select %and3A_28, %add3A_29, %rem3A_21 : i32
    %mul3A_31 = arith.constant 416 : i32
    %mul3A_32 = arith.muli %select_n3A_30, %mul3A_31 : i32
    %mul3A_33 = arith.constant 4096 : i32
    %mul3A_34 = arith.muli %select_n3A, %mul3A_33 : i32
    "tpu.region"() ({
      %run_scoped3A = tpu.sem_alloc : memref<!tpu.dma_semaphore, #tpu.memory_space<semaphore_mem>>
      %dma_start3A = tpu.memref_slice %arg2[%mul3A_34] : memref<65536xf32, #tpu.memory_space<hbm>> -> memref<4096xf32, #tpu.memory_space<hbm>>
      %dma_start3A_58 = tpu.memref_slice %arg2[%mul3A_34] : memref<65536xf32, #tpu.memory_space<hbm>> -> memref<4096xf32, #tpu.memory_space<hbm>>
      tpu.enqueue_dma source(%dma_start3A_58 : memref<4096xf32, #tpu.memory_space<hbm>>) target(%arg10 : memref<4096xf32, #tpu.memory_space<vmem>>) target_semaphore(%run_scoped3A : memref<!tpu.dma_semaphore, #tpu.memory_space<semaphore_mem>>)
      %dma_wait3A = tpu.memref_slice %arg2[%mul3A_34] : memref<65536xf32, #tpu.memory_space<hbm>> -> memref<4096xf32, #tpu.memory_space<hbm>>
      %dma_wait3A_59 = tpu.memref_slice %arg2[%mul3A_34] : memref<65536xf32, #tpu.memory_space<hbm>> -> memref<4096xf32, #tpu.memory_space<hbm>>
      tpu.wait_dma2 semaphore(%run_scoped3A : memref<!tpu.dma_semaphore, #tpu.memory_space<semaphore_mem>>) src(%dma_wait3A_59 : memref<4096xf32, #tpu.memory_space<hbm>>) dst(%arg10 : memref<4096xf32, #tpu.memory_space<vmem>>)
      tpu.yield
    }) : () -> ()
    %mul3A_35 = arith.constant 4096 : i32
    %mul3A_36 = arith.muli %select_n3A, %mul3A_35 : i32
    "tpu.region"() ({
      %run_scoped3A = tpu.sem_alloc : memref<!tpu.dma_semaphore, #tpu.memory_space<semaphore_mem>>
      %dma_start3A = tpu.memref_slice %arg3[%mul3A_36] : memref<65536xf32, #tpu.memory_space<hbm>> -> memref<4096xf32, #tpu.memory_space<hbm>>
      %dma_start3A_58 = tpu.memref_slice %arg3[%mul3A_36] : memref<65536xf32, #tpu.memory_space<hbm>> -> memref<4096xf32, #tpu.memory_space<hbm>>
      tpu.enqueue_dma source(%dma_start3A_58 : memref<4096xf32, #tpu.memory_space<hbm>>) target(%arg11 : memref<4096xf32, #tpu.memory_space<vmem>>) target_semaphore(%run_scoped3A : memref<!tpu.dma_semaphore, #tpu.memory_space<semaphore_mem>>)
      %dma_wait3A = tpu.memref_slice %arg3[%mul3A_36] : memref<65536xf32, #tpu.memory_space<hbm>> -> memref<4096xf32, #tpu.memory_space<hbm>>
      %dma_wait3A_59 = tpu.memref_slice %arg3[%mul3A_36] : memref<65536xf32, #tpu.memory_space<hbm>> -> memref<4096xf32, #tpu.memory_space<hbm>>
      tpu.wait_dma2 semaphore(%run_scoped3A : memref<!tpu.dma_semaphore, #tpu.memory_space<semaphore_mem>>) src(%dma_wait3A_59 : memref<4096xf32, #tpu.memory_space<hbm>>) dst(%arg11 : memref<4096xf32, #tpu.memory_space<vmem>>)
      tpu.yield
    }) : () -> ()
    %mul3A_37 = arith.constant 4096 : i32
    %mul3A_38 = arith.muli %select_n3A, %mul3A_37 : i32
    "tpu.region"() ({
      %run_scoped3A = tpu.sem_alloc : memref<!tpu.dma_semaphore, #tpu.memory_space<semaphore_mem>>
      %dma_start3A = tpu.memref_slice %arg4[%mul3A_38] : memref<65536xf32, #tpu.memory_space<hbm>> -> memref<4096xf32, #tpu.memory_space<hbm>>
      %dma_start3A_58 = tpu.memref_slice %arg4[%mul3A_38] : memref<65536xf32, #tpu.memory_space<hbm>> -> memref<4096xf32, #tpu.memory_space<hbm>>
      tpu.enqueue_dma source(%dma_start3A_58 : memref<4096xf32, #tpu.memory_space<hbm>>) target(%arg12 : memref<4096xf32, #tpu.memory_space<vmem>>) target_semaphore(%run_scoped3A : memref<!tpu.dma_semaphore, #tpu.memory_space<semaphore_mem>>)
      %dma_wait3A = tpu.memref_slice %arg4[%mul3A_38] : memref<65536xf32, #tpu.memory_space<hbm>> -> memref<4096xf32, #tpu.memory_space<hbm>>
      %dma_wait3A_59 = tpu.memref_slice %arg4[%mul3A_38] : memref<65536xf32, #tpu.memory_space<hbm>> -> memref<4096xf32, #tpu.memory_space<hbm>>
      tpu.wait_dma2 semaphore(%run_scoped3A : memref<!tpu.dma_semaphore, #tpu.memory_space<semaphore_mem>>) src(%dma_wait3A_59 : memref<4096xf32, #tpu.memory_space<hbm>>) dst(%arg12 : memref<4096xf32, #tpu.memory_space<vmem>>)
      tpu.yield
    }) : () -> ()
    %mul3A_39 = arith.constant 832 : i32
    %mul3A_40 = arith.muli %select_n3A, %mul3A_39 : i32
    %add3A_41 = arith.addi %mul3A_40, %mul3A_32 : i32
    "tpu.region"() ({
      %run_scoped3A = tpu.sem_alloc : memref<!tpu.dma_semaphore, #tpu.memory_space<semaphore_mem>>
      %dma_start3A = tpu.memref_slice %arg5[%add3A_41] : memref<13312xf32, #tpu.memory_space<hbm>> -> memref<416xf32, #tpu.memory_space<hbm>>
      %dma_start3A_58 = tpu.memref_slice %arg5[%add3A_41] : memref<13312xf32, #tpu.memory_space<hbm>> -> memref<416xf32, #tpu.memory_space<hbm>>
      tpu.enqueue_dma source(%dma_start3A_58 : memref<416xf32, #tpu.memory_space<hbm>>) target(%arg13 : memref<416xf32, #tpu.memory_space<vmem>>) target_semaphore(%run_scoped3A : memref<!tpu.dma_semaphore, #tpu.memory_space<semaphore_mem>>)
      %dma_wait3A = tpu.memref_slice %arg5[%add3A_41] : memref<13312xf32, #tpu.memory_space<hbm>> -> memref<416xf32, #tpu.memory_space<hbm>>
      %dma_wait3A_59 = tpu.memref_slice %arg5[%add3A_41] : memref<13312xf32, #tpu.memory_space<hbm>> -> memref<416xf32, #tpu.memory_space<hbm>>
      tpu.wait_dma2 semaphore(%run_scoped3A : memref<!tpu.dma_semaphore, #tpu.memory_space<semaphore_mem>>) src(%dma_wait3A_59 : memref<416xf32, #tpu.memory_space<hbm>>) dst(%arg13 : memref<416xf32, #tpu.memory_space<vmem>>)
      tpu.yield
    }) : () -> ()
    "tpu.region"() ({
      %run_scoped3A = tpu.sem_alloc : memref<!tpu.dma_semaphore, #tpu.memory_space<semaphore_mem>>
      %dma_start3A = tpu.memref_slice %arg6[%add3A_41] : memref<13312xf32, #tpu.memory_space<hbm>> -> memref<416xf32, #tpu.memory_space<hbm>>
      %dma_start3A_58 = tpu.memref_slice %arg6[%add3A_41] : memref<13312xf32, #tpu.memory_space<hbm>> -> memref<416xf32, #tpu.memory_space<hbm>>
      tpu.enqueue_dma source(%dma_start3A_58 : memref<416xf32, #tpu.memory_space<hbm>>) target(%arg14 : memref<416xf32, #tpu.memory_space<vmem>>) target_semaphore(%run_scoped3A : memref<!tpu.dma_semaphore, #tpu.memory_space<semaphore_mem>>)
      %dma_wait3A = tpu.memref_slice %arg6[%add3A_41] : memref<13312xf32, #tpu.memory_space<hbm>> -> memref<416xf32, #tpu.memory_space<hbm>>
      %dma_wait3A_59 = tpu.memref_slice %arg6[%add3A_41] : memref<13312xf32, #tpu.memory_space<hbm>> -> memref<416xf32, #tpu.memory_space<hbm>>
      tpu.wait_dma2 semaphore(%run_scoped3A : memref<!tpu.dma_semaphore, #tpu.memory_space<semaphore_mem>>) src(%dma_wait3A_59 : memref<416xf32, #tpu.memory_space<hbm>>) dst(%arg14 : memref<416xf32, #tpu.memory_space<vmem>>)
      tpu.yield
    }) : () -> ()
    "tpu.region"() ({
      %run_scoped3A = tpu.sem_alloc : memref<!tpu.dma_semaphore, #tpu.memory_space<semaphore_mem>>
      %dma_start3A = tpu.memref_slice %arg7[%add3A_41] : memref<13312xf32, #tpu.memory_space<hbm>> -> memref<416xf32, #tpu.memory_space<hbm>>
      %dma_start3A_58 = tpu.memref_slice %arg7[%add3A_41] : memref<13312xf32, #tpu.memory_space<hbm>> -> memref<416xf32, #tpu.memory_space<hbm>>
      tpu.enqueue_dma source(%dma_start3A_58 : memref<416xf32, #tpu.memory_space<hbm>>) target(%arg15 : memref<416xf32, #tpu.memory_space<vmem>>) target_semaphore(%run_scoped3A : memref<!tpu.dma_semaphore, #tpu.memory_space<semaphore_mem>>)
      %dma_wait3A = tpu.memref_slice %arg7[%add3A_41] : memref<13312xf32, #tpu.memory_space<hbm>> -> memref<416xf32, #tpu.memory_space<hbm>>
      %dma_wait3A_59 = tpu.memref_slice %arg7[%add3A_41] : memref<13312xf32, #tpu.memory_space<hbm>> -> memref<416xf32, #tpu.memory_space<hbm>>
      tpu.wait_dma2 semaphore(%run_scoped3A : memref<!tpu.dma_semaphore, #tpu.memory_space<semaphore_mem>>) src(%dma_wait3A_59 : memref<416xf32, #tpu.memory_space<hbm>>) dst(%arg15 : memref<416xf32, #tpu.memory_space<vmem>>)
      tpu.yield
    }) : () -> ()
    "tpu.region"() ({
      %run_scoped3A = tpu.sem_alloc : memref<!tpu.dma_semaphore, #tpu.memory_space<semaphore_mem>>
      %dma_start3A = tpu.memref_slice %arg8[%add3A_41] : memref<13312xf32, #tpu.memory_space<hbm>> -> memref<416xf32, #tpu.memory_space<hbm>>
      %dma_start3A_58 = tpu.memref_slice %arg8[%add3A_41] : memref<13312xf32, #tpu.memory_space<hbm>> -> memref<416xf32, #tpu.memory_space<hbm>>
      tpu.enqueue_dma source(%dma_start3A_58 : memref<416xf32, #tpu.memory_space<hbm>>) target(%arg16 : memref<416xf32, #tpu.memory_space<vmem>>) target_semaphore(%run_scoped3A : memref<!tpu.dma_semaphore, #tpu.memory_space<semaphore_mem>>)
      %dma_wait3A = tpu.memref_slice %arg8[%add3A_41] : memref<13312xf32, #tpu.memory_space<hbm>> -> memref<416xf32, #tpu.memory_space<hbm>>
      %dma_wait3A_59 = tpu.memref_slice %arg8[%add3A_41] : memref<13312xf32, #tpu.memory_space<hbm>> -> memref<416xf32, #tpu.memory_space<hbm>>
      tpu.wait_dma2 semaphore(%run_scoped3A : memref<!tpu.dma_semaphore, #tpu.memory_space<semaphore_mem>>) src(%dma_wait3A_59 : memref<416xf32, #tpu.memory_space<hbm>>) dst(%arg16 : memref<416xf32, #tpu.memory_space<vmem>>)
      tpu.yield
    }) : () -> ()
    %broadcast_in_dim3A = arith.constant 65536 : i32
    %broadcast_in_dim3A_42 = vector.broadcast %broadcast_in_dim3A : i32 to vector<16xi32>
    %scan3A = arith.constant 0 : i32
    %scan3A_43 = arith.constant 0 : i32
    %scan3A_44 = arith.constant 2496 : i32
    %scan3A_45 = arith.addi %scan3A_43, %scan3A_44 : i32
    %scan3A_46 = arith.constant 1 : i32
    scf.for %scan3A_58 = %scan3A_43 to %scan3A_45 step %scan3A_46  : i32 {
      %mul3A_59 = arith.constant 16 : i32
      %mul3A_60 = arith.muli %scan3A_58, %mul3A_59 : i32
      %swap3A = arith.index_cast %mul3A_60 : i32 to index
      %swap3A_61 = tpu.vector_load %arg17[%swap3A] {strides = array<i32>} : memref<39936xi32, #tpu.memory_space<vmem>>, vector<16xi32>,
      tpu.vector_store %arg17[%swap3A], %broadcast_in_dim3A_42 {strides = array<i32>} : memref<39936xi32, #tpu.memory_space<vmem>>, vector<16xi32>,
    }
    %scan3A_47 = arith.constant 2496 : i32
    %iota3A = tpu.iota {dimensions = array<i32: 0>} : vector<16xi32>
    %mul3A_48 = arith.constant 4096 : i32
    %mul3A_49 = arith.muli %select_n3A, %mul3A_48 : i32
    %scan3A_50 = arith.constant 0 : i32
    %scan3A_51 = arith.constant 0 : i32
    %scan3A_52 = arith.constant 104 : i32
    %scan3A_53 = arith.addi %scan3A_51, %scan3A_52 : i32
    %scan3A_54 = arith.constant 1 : i32
    scf.for %scan3A_58 = %scan3A_51 to %scan3A_53 step %scan3A_54  : i32 {
      %broadcast_in_dim3A_59 = arith.constant 0.000000e+00 : f32
      %broadcast_in_dim3A_60 = vector.broadcast %broadcast_in_dim3A_59 : f32 to vector<16xf32>
      %mul3A_61 = arith.constant 4 : i32
      %mul3A_62 = arith.muli %scan3A_58, %mul3A_61 : i32
      %add3A_63 = arith.constant 0 : i32
      %add3A_64 = arith.addi %mul3A_62, %add3A_63 : i32
      %jit3A_65 = arith.constant 16 : i32
      %eq3A_66 = arith.constant 0 : i32
      %eq3A_67 = arith.cmpi eq, %jit3A_65, %eq3A_66 : i32
      %jit3A_68 = arith.constant 1 : i32
      %select_n3A_69 = arith.select %eq3A_67, %jit3A_68, %jit3A_65 : i32
      %rem3A_70 = arith.remsi %add3A_64, %select_n3A_69 : i32
      %ne3A_71 = arith.constant 0 : i32
      %ne3A_72 = arith.cmpi ne, %rem3A_70, %ne3A_71 : i32
      %lt3A_73 = arith.constant 0 : i32
      %lt3A_74 = arith.cmpi slt, %rem3A_70, %lt3A_73 : i32
      %lt3A_75 = arith.constant 0 : i32
      %lt3A_76 = arith.cmpi slt, %select_n3A_69, %lt3A_75 : i32
      %ne3A_77 = arith.xori %lt3A_74, %lt3A_76 : i1
      %and3A_78 = arith.andi %ne3A_77, %ne3A_72 : i1
      %add3A_79 = arith.addi %rem3A_70, %select_n3A_69 : i32
      %select_n3A_80 = arith.select %and3A_78, %add3A_79, %rem3A_70 : i32
      %eq3A_81 = vector.broadcast %select_n3A_80 : i32 to vector<16xi32>
      %eq3A_82 = arith.cmpi eq, %iota3A, %eq3A_81 : vector<16xi32>
      %jit3A_83 = arith.constant 16 : i32
      %div3A_84 = arith.divsi %add3A_64, %jit3A_83 : i32
      %sign3A_85 = arith.constant 0 : i32
      %sign3A_86 = arith.cmpi sgt, %add3A_64, %sign3A_85 : i32
      %sign3A_87 = arith.extui %sign3A_86 : i1 to i32
      %sign3A_88 = arith.constant 0 : i32
      %sign3A_89 = arith.cmpi slt, %add3A_64, %sign3A_88 : i32
      %sign3A_90 = arith.extui %sign3A_89 : i1 to i32
      %sign3A_91 = arith.subi %sign3A_87, %sign3A_90 : i32
      %sign3A_92 = arith.constant 0 : i32
      %sign3A_93 = arith.cmpi sgt, %jit3A_83, %sign3A_92 : i32
      %sign3A_94 = arith.extui %sign3A_93 : i1 to i32
      %sign3A_95 = arith.constant 0 : i32
      %sign3A_96 = arith.cmpi slt, %jit3A_83, %sign3A_95 : i32
      %sign3A_97 = arith.extui %sign3A_96 : i1 to i32
      %sign3A_98 = arith.subi %sign3A_94, %sign3A_97 : i32
      %ne3A_99 = arith.cmpi ne, %sign3A_91, %sign3A_98 : i32
      %rem3A_100 = arith.remsi %add3A_64, %jit3A_83 : i32
      %ne3A_101 = arith.constant 0 : i32
      %ne3A_102 = arith.cmpi ne, %rem3A_100, %ne3A_101 : i32
      %and3A_103 = arith.andi %ne3A_99, %ne3A_102 : i1
      %sub3A_104 = arith.constant 1 : i32
      %sub3A_105 = arith.subi %div3A_84, %sub3A_104 : i32
      %select_n3A_106 = arith.select %and3A_103, %sub3A_105, %div3A_84 : i32
      %mul3A_107 = arith.constant 16 : i32
      %mul3A_108 = arith.muli %select_n3A_106, %mul3A_107 : i32
      %get3A = arith.index_cast %mul3A_108 : i32 to index
      %get3A_109 = tpu.vector_load %arg13[%get3A] {strides = array<i32>} : memref<416xf32, #tpu.memory_space<vmem>>, vector<16xf32>,
      %jit3A_110 = arith.constant 0.000000e+00 : f32
      %broadcast_in_dim3A_111 = vector.broadcast %jit3A_110 : f32 to vector<16xf32>
      %select_n3A_112 = arith.select %eq3A_82, %get3A_109, %broadcast_in_dim3A_111 : vector<16xi1>, vector<16xf32>
      %reduce_sum3A = arith.constant true
      %reduce_sum3A_113 = vector.broadcast %reduce_sum3A : i1 to vector<16xi1>
      %reduce_sum3A_114 = tpu.scan <sum>, %select_n3A_112 masked %reduce_sum3A_113 : vector<16xf32>, vector<16xi1> -> vector<16xf32>
      %reduce_sum3A_115 = vector.extract %reduce_sum3A_114[15] : f32 from vector<16xf32>
      %add3A_116 = vector.broadcast %reduce_sum3A_115 : f32 to vector<16xf32>
      %add3A_117 = arith.addf %broadcast_in_dim3A_60, %add3A_116 : vector<16xf32>
      %jit3A_118 = arith.constant 16 : i32
      %eq3A_119 = arith.constant 0 : i32
      %eq3A_120 = arith.cmpi eq, %jit3A_118, %eq3A_119 : i32
      %jit3A_121 = arith.constant 1 : i32
      %select_n3A_122 = arith.select %eq3A_120, %jit3A_121, %jit3A_118 : i32
      %rem3A_123 = arith.remsi %add3A_64, %select_n3A_122 : i32
      %ne3A_124 = arith.constant 0 : i32
      %ne3A_125 = arith.cmpi ne, %rem3A_123, %ne3A_124 : i32
      %lt3A_126 = arith.constant 0 : i32
      %lt3A_127 = arith.cmpi slt, %rem3A_123, %lt3A_126 : i32
      %lt3A_128 = arith.constant 0 : i32
      %lt3A_129 = arith.cmpi slt, %select_n3A_122, %lt3A_128 : i32
      %ne3A_130 = arith.xori %lt3A_127, %lt3A_129 : i1
      %and3A_131 = arith.andi %ne3A_130, %ne3A_125 : i1
      %add3A_132 = arith.addi %rem3A_123, %select_n3A_122 : i32
      %select_n3A_133 = arith.select %and3A_131, %add3A_132, %rem3A_123 : i32
      %eq3A_134 = vector.broadcast %select_n3A_133 : i32 to vector<16xi32>
      %eq3A_135 = arith.cmpi eq, %iota3A, %eq3A_134 : vector<16xi32>
      %jit3A_136 = arith.constant 16 : i32
      %div3A_137 = arith.divsi %add3A_64, %jit3A_136 : i32
      %sign3A_138 = arith.constant 0 : i32
      %sign3A_139 = arith.cmpi sgt, %add3A_64, %sign3A_138 : i32
      %sign3A_140 = arith.extui %sign3A_139 : i1 to i32
      %sign3A_141 = arith.constant 0 : i32
      %sign3A_142 = arith.cmpi slt, %add3A_64, %sign3A_141 : i32
      %sign3A_143 = arith.extui %sign3A_142 : i1 to i32
      %sign3A_144 = arith.subi %sign3A_140, %sign3A_143 : i32
      %sign3A_145 = arith.constant 0 : i32
      %sign3A_146 = arith.cmpi sgt, %jit3A_136, %sign3A_145 : i32
      %sign3A_147 = arith.extui %sign3A_146 : i1 to i32
      %sign3A_148 = arith.constant 0 : i32
      %sign3A_149 = arith.cmpi slt, %jit3A_136, %sign3A_148 : i32
      %sign3A_150 = arith.extui %sign3A_149 : i1 to i32
      %sign3A_151 = arith.subi %sign3A_147, %sign3A_150 : i32
      %ne3A_152 = arith.cmpi ne, %sign3A_144, %sign3A_151 : i32
      %rem3A_153 = arith.remsi %add3A_64, %jit3A_136 : i32
      %ne3A_154 = arith.constant 0 : i32
      %ne3A_155 = arith.cmpi ne, %rem3A_153, %ne3A_154 : i32
      %and3A_156 = arith.andi %ne3A_152, %ne3A_155 : i1
      %sub3A_157 = arith.constant 1 : i32
      %sub3A_158 = arith.subi %div3A_137, %sub3A_157 : i32
      %select_n3A_159 = arith.select %and3A_156, %sub3A_158, %div3A_137 : i32
      %mul3A_160 = arith.constant 16 : i32
      %mul3A_161 = arith.muli %select_n3A_159, %mul3A_160 : i32
      %get3A_162 = arith.index_cast %mul3A_161 : i32 to index
      %get3A_163 = tpu.vector_load %arg14[%get3A_162] {strides = array<i32>} : memref<416xf32, #tpu.memory_space<vmem>>, vector<16xf32>,
      %jit3A_164 = arith.constant 0.000000e+00 : f32
      %broadcast_in_dim3A_165 = vector.broadcast %jit3A_164 : f32 to vector<16xf32>
      %select_n3A_166 = arith.select %eq3A_135, %get3A_163, %broadcast_in_dim3A_165 : vector<16xi1>, vector<16xf32>
      %reduce_sum3A_167 = arith.constant true
      %reduce_sum3A_168 = vector.broadcast %reduce_sum3A_167 : i1 to vector<16xi1>
      %reduce_sum3A_169 = tpu.scan <sum>, %select_n3A_166 masked %reduce_sum3A_168 : vector<16xf32>, vector<16xi1> -> vector<16xf32>
      %reduce_sum3A_170 = vector.extract %reduce_sum3A_169[15] : f32 from vector<16xf32>
      %add3A_171 = vector.broadcast %reduce_sum3A_170 : f32 to vector<16xf32>
      %add3A_172 = arith.addf %broadcast_in_dim3A_60, %add3A_171 : vector<16xf32>
      %jit3A_173 = arith.constant 16 : i32
      %eq3A_174 = arith.constant 0 : i32
      %eq3A_175 = arith.cmpi eq, %jit3A_173, %eq3A_174 : i32
      %jit3A_176 = arith.constant 1 : i32
      %select_n3A_177 = arith.select %eq3A_175, %jit3A_176, %jit3A_173 : i32
      %rem3A_178 = arith.remsi %add3A_64, %select_n3A_177 : i32
      %ne3A_179 = arith.constant 0 : i32
      %ne3A_180 = arith.cmpi ne, %rem3A_178, %ne3A_179 : i32
      %lt3A_181 = arith.constant 0 : i32
      %lt3A_182 = arith.cmpi slt, %rem3A_178, %lt3A_181 : i32
      %lt3A_183 = arith.constant 0 : i32
      %lt3A_184 = arith.cmpi slt, %select_n3A_177, %lt3A_183 : i32
      %ne3A_185 = arith.xori %lt3A_182, %lt3A_184 : i1
      %and3A_186 = arith.andi %ne3A_185, %ne3A_180 : i1
      %add3A_187 = arith.addi %rem3A_178, %select_n3A_177 : i32
      %select_n3A_188 = arith.select %and3A_186, %add3A_187, %rem3A_178 : i32
      %eq3A_189 = vector.broadcast %select_n3A_188 : i32 to vector<16xi32>
      %eq3A_190 = arith.cmpi eq, %iota3A, %eq3A_189 : vector<16xi32>
      %jit3A_191 = arith.constant 16 : i32
      %div3A_192 = arith.divsi %add3A_64, %jit3A_191 : i32
      %sign3A_193 = arith.constant 0 : i32
      %sign3A_194 = arith.cmpi sgt, %add3A_64, %sign3A_193 : i32
      %sign3A_195 = arith.extui %sign3A_194 : i1 to i32
      %sign3A_196 = arith.constant 0 : i32
      %sign3A_197 = arith.cmpi slt, %add3A_64, %sign3A_196 : i32
      %sign3A_198 = arith.extui %sign3A_197 : i1 to i32
      %sign3A_199 = arith.subi %sign3A_195, %sign3A_198 : i32
      %sign3A_200 = arith.constant 0 : i32
      %sign3A_201 = arith.cmpi sgt, %jit3A_191, %sign3A_200 : i32
      %sign3A_202 = arith.extui %sign3A_201 : i1 to i32
      %sign3A_203 = arith.constant 0 : i32
      %sign3A_204 = arith.cmpi slt, %jit3A_191, %sign3A_203 : i32
      %sign3A_205 = arith.extui %sign3A_204 : i1 to i32
      %sign3A_206 = arith.subi %sign3A_202, %sign3A_205 : i32
      %ne3A_207 = arith.cmpi ne, %sign3A_199, %sign3A_206 : i32
      %rem3A_208 = arith.remsi %add3A_64, %jit3A_191 : i32
      %ne3A_209 = arith.constant 0 : i32
      %ne3A_210 = arith.cmpi ne, %rem3A_208, %ne3A_209 : i32
      %and3A_211 = arith.andi %ne3A_207, %ne3A_210 : i1
      %sub3A_212 = arith.constant 1 : i32
      %sub3A_213 = arith.subi %div3A_192, %sub3A_212 : i32
      %select_n3A_214 = arith.select %and3A_211, %sub3A_213, %div3A_192 : i32
      %mul3A_215 = arith.constant 16 : i32
      %mul3A_216 = arith.muli %select_n3A_214, %mul3A_215 : i32
      %get3A_217 = arith.index_cast %mul3A_216 : i32 to index
      %get3A_218 = tpu.vector_load %arg15[%get3A_217] {strides = array<i32>} : memref<416xf32, #tpu.memory_space<vmem>>, vector<16xf32>,
      %jit3A_219 = arith.constant 0.000000e+00 : f32
      %broadcast_in_dim3A_220 = vector.broadcast %jit3A_219 : f32 to vector<16xf32>
      %select_n3A_221 = arith.select %eq3A_190, %get3A_218, %broadcast_in_dim3A_220 : vector<16xi1>, vector<16xf32>
      %reduce_sum3A_222 = arith.constant true
      %reduce_sum3A_223 = vector.broadcast %reduce_sum3A_222 : i1 to vector<16xi1>
      %reduce_sum3A_224 = tpu.scan <sum>, %select_n3A_221 masked %reduce_sum3A_223 : vector<16xf32>, vector<16xi1> -> vector<16xf32>
      %reduce_sum3A_225 = vector.extract %reduce_sum3A_224[15] : f32 from vector<16xf32>
      %add3A_226 = vector.broadcast %reduce_sum3A_225 : f32 to vector<16xf32>
      %add3A_227 = arith.addf %broadcast_in_dim3A_60, %add3A_226 : vector<16xf32>
      %jit3A_228 = arith.constant 16 : i32
      %eq3A_229 = arith.constant 0 : i32
      %eq3A_230 = arith.cmpi eq, %jit3A_228, %eq3A_229 : i32
      %jit3A_231 = arith.constant 1 : i32
      %select_n3A_232 = arith.select %eq3A_230, %jit3A_231, %jit3A_228 : i32
      %rem3A_233 = arith.remsi %add3A_64, %select_n3A_232 : i32
      %ne3A_234 = arith.constant 0 : i32
      %ne3A_235 = arith.cmpi ne, %rem3A_233, %ne3A_234 : i32
      %lt3A_236 = arith.constant 0 : i32
      %lt3A_237 = arith.cmpi slt, %rem3A_233, %lt3A_236 : i32
      %lt3A_238 = arith.constant 0 : i32
      %lt3A_239 = arith.cmpi slt, %select_n3A_232, %lt3A_238 : i32
      %ne3A_240 = arith.xori %lt3A_237, %lt3A_239 : i1
      %and3A_241 = arith.andi %ne3A_240, %ne3A_235 : i1
      %add3A_242 = arith.addi %rem3A_233, %select_n3A_232 : i32
      %select_n3A_243 = arith.select %and3A_241, %add3A_242, %rem3A_233 : i32
      %eq3A_244 = vector.broadcast %select_n3A_243 : i32 to vector<16xi32>
      %eq3A_245 = arith.cmpi eq, %iota3A, %eq3A_244 : vector<16xi32>
      %jit3A_246 = arith.constant 16 : i32
      %div3A_247 = arith.divsi %add3A_64, %jit3A_246 : i32
      %sign3A_248 = arith.constant 0 : i32
      %sign3A_249 = arith.cmpi sgt, %add3A_64, %sign3A_248 : i32
      %sign3A_250 = arith.extui %sign3A_249 : i1 to i32
      %sign3A_251 = arith.constant 0 : i32
      %sign3A_252 = arith.cmpi slt, %add3A_64, %sign3A_251 : i32
      %sign3A_253 = arith.extui %sign3A_252 : i1 to i32
      %sign3A_254 = arith.subi %sign3A_250, %sign3A_253 : i32
      %sign3A_255 = arith.constant 0 : i32
      %sign3A_256 = arith.cmpi sgt, %jit3A_246, %sign3A_255 : i32
      %sign3A_257 = arith.extui %sign3A_256 : i1 to i32
      %sign3A_258 = arith.constant 0 : i32
      %sign3A_259 = arith.cmpi slt, %jit3A_246, %sign3A_258 : i32
      %sign3A_260 = arith.extui %sign3A_259 : i1 to i32
      %sign3A_261 = arith.subi %sign3A_257, %sign3A_260 : i32
      %ne3A_262 = arith.cmpi ne, %sign3A_254, %sign3A_261 : i32
      %rem3A_263 = arith.remsi %add3A_64, %jit3A_246 : i32
      %ne3A_264 = arith.constant 0 : i32
      %ne3A_265 = arith.cmpi ne, %rem3A_263, %ne3A_264 : i32
      %and3A_266 = arith.andi %ne3A_262, %ne3A_265 : i1
      %sub3A_267 = arith.constant 1 : i32
      %sub3A_268 = arith.subi %div3A_247, %sub3A_267 : i32
      %select_n3A_269 = arith.select %and3A_266, %sub3A_268, %div3A_247 : i32
      %mul3A_270 = arith.constant 16 : i32
      %mul3A_271 = arith.muli %select_n3A_269, %mul3A_270 : i32
      %get3A_272 = arith.index_cast %mul3A_271 : i32 to index
      %get3A_273 = tpu.vector_load %arg16[%get3A_272] {strides = array<i32>} : memref<416xf32, #tpu.memory_space<vmem>>, vector<16xf32>,
      %jit3A_274 = arith.constant 0.000000e+00 : f32
      %broadcast_in_dim3A_275 = vector.broadcast %jit3A_274 : f32 to vector<16xf32>
      %select_n3A_276 = arith.select %eq3A_245, %get3A_273, %broadcast_in_dim3A_275 : vector<16xi1>, vector<16xf32>
      %reduce_sum3A_277 = arith.constant true
      %reduce_sum3A_278 = vector.broadcast %reduce_sum3A_277 : i1 to vector<16xi1>
      %reduce_sum3A_279 = tpu.scan <sum>, %select_n3A_276 masked %reduce_sum3A_278 : vector<16xf32>, vector<16xi1> -> vector<16xf32>
      %reduce_sum3A_280 = vector.extract %reduce_sum3A_279[15] : f32 from vector<16xf32>
      %add3A_281 = vector.broadcast %reduce_sum3A_280 : f32 to vector<16xf32>
      %add3A_282 = arith.addf %broadcast_in_dim3A_60, %add3A_281 : vector<16xf32>
      %mul3A_283 = arith.constant 4 : i32
      %mul3A_284 = arith.muli %scan3A_58, %mul3A_283 : i32
      %add3A_285 = arith.constant 1 : i32
      %add3A_286 = arith.addi %mul3A_284, %add3A_285 : i32
      %jit3A_287 = arith.constant 16 : i32
      %eq3A_288 = arith.constant 0 : i32
      %eq3A_289 = arith.cmpi eq, %jit3A_287, %eq3A_288 : i32
      %jit3A_290 = arith.constant 1 : i32
      %select_n3A_291 = arith.select %eq3A_289, %jit3A_290, %jit3A_287 : i32
      %rem3A_292 = arith.remsi %add3A_286, %select_n3A_291 : i32
      %ne3A_293 = arith.constant 0 : i32
      %ne3A_294 = arith.cmpi ne, %rem3A_292, %ne3A_293 : i32
      %lt3A_295 = arith.constant 0 : i32
      %lt3A_296 = arith.cmpi slt, %rem3A_292, %lt3A_295 : i32
      %lt3A_297 = arith.constant 0 : i32
      %lt3A_298 = arith.cmpi slt, %select_n3A_291, %lt3A_297 : i32
      %ne3A_299 = arith.xori %lt3A_296, %lt3A_298 : i1
      %and3A_300 = arith.andi %ne3A_299, %ne3A_294 : i1
      %add3A_301 = arith.addi %rem3A_292, %select_n3A_291 : i32
      %select_n3A_302 = arith.select %and3A_300, %add3A_301, %rem3A_292 : i32
      %eq3A_303 = vector.broadcast %select_n3A_302 : i32 to vector<16xi32>
      %eq3A_304 = arith.cmpi eq, %iota3A, %eq3A_303 : vector<16xi32>
      %jit3A_305 = arith.constant 16 : i32
      %div3A_306 = arith.divsi %add3A_286, %jit3A_305 : i32
      %sign3A_307 = arith.constant 0 : i32
      %sign3A_308 = arith.cmpi sgt, %add3A_286, %sign3A_307 : i32
      %sign3A_309 = arith.extui %sign3A_308 : i1 to i32
      %sign3A_310 = arith.constant 0 : i32
      %sign3A_311 = arith.cmpi slt, %add3A_286, %sign3A_310 : i32
      %sign3A_312 = arith.extui %sign3A_311 : i1 to i32
      %sign3A_313 = arith.subi %sign3A_309, %sign3A_312 : i32
      %sign3A_314 = arith.constant 0 : i32
      %sign3A_315 = arith.cmpi sgt, %jit3A_305, %sign3A_314 : i32
      %sign3A_316 = arith.extui %sign3A_315 : i1 to i32
      %sign3A_317 = arith.constant 0 : i32
      %sign3A_318 = arith.cmpi slt, %jit3A_305, %sign3A_317 : i32
      %sign3A_319 = arith.extui %sign3A_318 : i1 to i32
      %sign3A_320 = arith.subi %sign3A_316, %sign3A_319 : i32
      %ne3A_321 = arith.cmpi ne, %sign3A_313, %sign3A_320 : i32
      %rem3A_322 = arith.remsi %add3A_286, %jit3A_305 : i32
      %ne3A_323 = arith.constant 0 : i32
      %ne3A_324 = arith.cmpi ne, %rem3A_322, %ne3A_323 : i32
      %and3A_325 = arith.andi %ne3A_321, %ne3A_324 : i1
      %sub3A_326 = arith.constant 1 : i32
      %sub3A_327 = arith.subi %div3A_306, %sub3A_326 : i32
      %select_n3A_328 = arith.select %and3A_325, %sub3A_327, %div3A_306 : i32
      %mul3A_329 = arith.constant 16 : i32
      %mul3A_330 = arith.muli %select_n3A_328, %mul3A_329 : i32
      %get3A_331 = arith.index_cast %mul3A_330 : i32 to index
      %get3A_332 = tpu.vector_load %arg13[%get3A_331] {strides = array<i32>} : memref<416xf32, #tpu.memory_space<vmem>>, vector<16xf32>,
      %jit3A_333 = arith.constant 0.000000e+00 : f32
      %broadcast_in_dim3A_334 = vector.broadcast %jit3A_333 : f32 to vector<16xf32>
      %select_n3A_335 = arith.select %eq3A_304, %get3A_332, %broadcast_in_dim3A_334 : vector<16xi1>, vector<16xf32>
      %reduce_sum3A_336 = arith.constant true
      %reduce_sum3A_337 = vector.broadcast %reduce_sum3A_336 : i1 to vector<16xi1>
      %reduce_sum3A_338 = tpu.scan <sum>, %select_n3A_335 masked %reduce_sum3A_337 : vector<16xf32>, vector<16xi1> -> vector<16xf32>
      %reduce_sum3A_339 = vector.extract %reduce_sum3A_338[15] : f32 from vector<16xf32>
      %add3A_340 = vector.broadcast %reduce_sum3A_339 : f32 to vector<16xf32>
      %add3A_341 = arith.addf %broadcast_in_dim3A_60, %add3A_340 : vector<16xf32>
      %jit3A_342 = arith.constant 16 : i32
      %eq3A_343 = arith.constant 0 : i32
      %eq3A_344 = arith.cmpi eq, %jit3A_342, %eq3A_343 : i32
      %jit3A_345 = arith.constant 1 : i32
      %select_n3A_346 = arith.select %eq3A_344, %jit3A_345, %jit3A_342 : i32
      %rem3A_347 = arith.remsi %add3A_286, %select_n3A_346 : i32
      %ne3A_348 = arith.constant 0 : i32
      %ne3A_349 = arith.cmpi ne, %rem3A_347, %ne3A_348 : i32
      %lt3A_350 = arith.constant 0 : i32
      %lt3A_351 = arith.cmpi slt, %rem3A_347, %lt3A_350 : i32
      %lt3A_352 = arith.constant 0 : i32
      %lt3A_353 = arith.cmpi slt, %select_n3A_346, %lt3A_352 : i32
      %ne3A_354 = arith.xori %lt3A_351, %lt3A_353 : i1
      %and3A_355 = arith.andi %ne3A_354, %ne3A_349 : i1
      %add3A_356 = arith.addi %rem3A_347, %select_n3A_346 : i32
      %select_n3A_357 = arith.select %and3A_355, %add3A_356, %rem3A_347 : i32
      %eq3A_358 = vector.broadcast %select_n3A_357 : i32 to vector<16xi32>
      %eq3A_359 = arith.cmpi eq, %iota3A, %eq3A_358 : vector<16xi32>
      %jit3A_360 = arith.constant 16 : i32
      %div3A_361 = arith.divsi %add3A_286, %jit3A_360 : i32
      %sign3A_362 = arith.constant 0 : i32
      %sign3A_363 = arith.cmpi sgt, %add3A_286, %sign3A_362 : i32
      %sign3A_364 = arith.extui %sign3A_363 : i1 to i32
      %sign3A_365 = arith.constant 0 : i32
      %sign3A_366 = arith.cmpi slt, %add3A_286, %sign3A_365 : i32
      %sign3A_367 = arith.extui %sign3A_366 : i1 to i32
      %sign3A_368 = arith.subi %sign3A_364, %sign3A_367 : i32
      %sign3A_369 = arith.constant 0 : i32
      %sign3A_370 = arith.cmpi sgt, %jit3A_360, %sign3A_369 : i32
      %sign3A_371 = arith.extui %sign3A_370 : i1 to i32
      %sign3A_372 = arith.constant 0 : i32
      %sign3A_373 = arith.cmpi slt, %jit3A_360, %sign3A_372 : i32
      %sign3A_374 = arith.extui %sign3A_373 : i1 to i32
      %sign3A_375 = arith.subi %sign3A_371, %sign3A_374 : i32
      %ne3A_376 = arith.cmpi ne, %sign3A_368, %sign3A_375 : i32
      %rem3A_377 = arith.remsi %add3A_286, %jit3A_360 : i32
      %ne3A_378 = arith.constant 0 : i32
      %ne3A_379 = arith.cmpi ne, %rem3A_377, %ne3A_378 : i32
      %and3A_380 = arith.andi %ne3A_376, %ne3A_379 : i1
      %sub3A_381 = arith.constant 1 : i32
      %sub3A_382 = arith.subi %div3A_361, %sub3A_381 : i32
      %select_n3A_383 = arith.select %and3A_380, %sub3A_382, %div3A_361 : i32
      %mul3A_384 = arith.constant 16 : i32
      %mul3A_385 = arith.muli %select_n3A_383, %mul3A_384 : i32
      %get3A_386 = arith.index_cast %mul3A_385 : i32 to index
      %get3A_387 = tpu.vector_load %arg14[%get3A_386] {strides = array<i32>} : memref<416xf32, #tpu.memory_space<vmem>>, vector<16xf32>,
      %jit3A_388 = arith.constant 0.000000e+00 : f32
      %broadcast_in_dim3A_389 = vector.broadcast %jit3A_388 : f32 to vector<16xf32>
      %select_n3A_390 = arith.select %eq3A_359, %get3A_387, %broadcast_in_dim3A_389 : vector<16xi1>, vector<16xf32>
      %reduce_sum3A_391 = arith.constant true
      %reduce_sum3A_392 = vector.broadcast %reduce_sum3A_391 : i1 to vector<16xi1>
      %reduce_sum3A_393 = tpu.scan <sum>, %select_n3A_390 masked %reduce_sum3A_392 : vector<16xf32>, vector<16xi1> -> vector<16xf32>
      %reduce_sum3A_394 = vector.extract %reduce_sum3A_393[15] : f32 from vector<16xf32>
      %add3A_395 = vector.broadcast %reduce_sum3A_394 : f32 to vector<16xf32>
      %add3A_396 = arith.addf %broadcast_in_dim3A_60, %add3A_395 : vector<16xf32>
      %jit3A_397 = arith.constant 16 : i32
      %eq3A_398 = arith.constant 0 : i32
      %eq3A_399 = arith.cmpi eq, %jit3A_397, %eq3A_398 : i32
      %jit3A_400 = arith.constant 1 : i32
      %select_n3A_401 = arith.select %eq3A_399, %jit3A_400, %jit3A_397 : i32
      %rem3A_402 = arith.remsi %add3A_286, %select_n3A_401 : i32
      %ne3A_403 = arith.constant 0 : i32
      %ne3A_404 = arith.cmpi ne, %rem3A_402, %ne3A_403 : i32
      %lt3A_405 = arith.constant 0 : i32
      %lt3A_406 = arith.cmpi slt, %rem3A_402, %lt3A_405 : i32
      %lt3A_407 = arith.constant 0 : i32
      %lt3A_408 = arith.cmpi slt, %select_n3A_401, %lt3A_407 : i32
      %ne3A_409 = arith.xori %lt3A_406, %lt3A_408 : i1
      %and3A_410 = arith.andi %ne3A_409, %ne3A_404 : i1
      %add3A_411 = arith.addi %rem3A_402, %select_n3A_401 : i32
      %select_n3A_412 = arith.select %and3A_410, %add3A_411, %rem3A_402 : i32
      %eq3A_413 = vector.broadcast %select_n3A_412 : i32 to vector<16xi32>
      %eq3A_414 = arith.cmpi eq, %iota3A, %eq3A_413 : vector<16xi32>
      %jit3A_415 = arith.constant 16 : i32
      %div3A_416 = arith.divsi %add3A_286, %jit3A_415 : i32
      %sign3A_417 = arith.constant 0 : i32
      %sign3A_418 = arith.cmpi sgt, %add3A_286, %sign3A_417 : i32
      %sign3A_419 = arith.extui %sign3A_418 : i1 to i32
      %sign3A_420 = arith.constant 0 : i32
      %sign3A_421 = arith.cmpi slt, %add3A_286, %sign3A_420 : i32
      %sign3A_422 = arith.extui %sign3A_421 : i1 to i32
      %sign3A_423 = arith.subi %sign3A_419, %sign3A_422 : i32
      %sign3A_424 = arith.constant 0 : i32
      %sign3A_425 = arith.cmpi sgt, %jit3A_415, %sign3A_424 : i32
      %sign3A_426 = arith.extui %sign3A_425 : i1 to i32
      %sign3A_427 = arith.constant 0 : i32
      %sign3A_428 = arith.cmpi slt, %jit3A_415, %sign3A_427 : i32
      %sign3A_429 = arith.extui %sign3A_428 : i1 to i32
      %sign3A_430 = arith.subi %sign3A_426, %sign3A_429 : i32
      %ne3A_431 = arith.cmpi ne, %sign3A_423, %sign3A_430 : i32
      %rem3A_432 = arith.remsi %add3A_286, %jit3A_415 : i32
      %ne3A_433 = arith.constant 0 : i32
      %ne3A_434 = arith.cmpi ne, %rem3A_432, %ne3A_433 : i32
      %and3A_435 = arith.andi %ne3A_431, %ne3A_434 : i1
      %sub3A_436 = arith.constant 1 : i32
      %sub3A_437 = arith.subi %div3A_416, %sub3A_436 : i32
      %select_n3A_438 = arith.select %and3A_435, %sub3A_437, %div3A_416 : i32
      %mul3A_439 = arith.constant 16 : i32
      %mul3A_440 = arith.muli %select_n3A_438, %mul3A_439 : i32
      %get3A_441 = arith.index_cast %mul3A_440 : i32 to index
      %get3A_442 = tpu.vector_load %arg15[%get3A_441] {strides = array<i32>} : memref<416xf32, #tpu.memory_space<vmem>>, vector<16xf32>,
      %jit3A_443 = arith.constant 0.000000e+00 : f32
      %broadcast_in_dim3A_444 = vector.broadcast %jit3A_443 : f32 to vector<16xf32>
      %select_n3A_445 = arith.select %eq3A_414, %get3A_442, %broadcast_in_dim3A_444 : vector<16xi1>, vector<16xf32>
      %reduce_sum3A_446 = arith.constant true
      %reduce_sum3A_447 = vector.broadcast %reduce_sum3A_446 : i1 to vector<16xi1>
      %reduce_sum3A_448 = tpu.scan <sum>, %select_n3A_445 masked %reduce_sum3A_447 : vector<16xf32>, vector<16xi1> -> vector<16xf32>
      %reduce_sum3A_449 = vector.extract %reduce_sum3A_448[15] : f32 from vector<16xf32>
      %add3A_450 = vector.broadcast %reduce_sum3A_449 : f32 to vector<16xf32>
      %add3A_451 = arith.addf %broadcast_in_dim3A_60, %add3A_450 : vector<16xf32>
      %jit3A_452 = arith.constant 16 : i32
      %eq3A_453 = arith.constant 0 : i32
      %eq3A_454 = arith.cmpi eq, %jit3A_452, %eq3A_453 : i32
      %jit3A_455 = arith.constant 1 : i32
      %select_n3A_456 = arith.select %eq3A_454, %jit3A_455, %jit3A_452 : i32
      %rem3A_457 = arith.remsi %add3A_286, %select_n3A_456 : i32
      %ne3A_458 = arith.constant 0 : i32
      %ne3A_459 = arith.cmpi ne, %rem3A_457, %ne3A_458 : i32
      %lt3A_460 = arith.constant 0 : i32
      %lt3A_461 = arith.cmpi slt, %rem3A_457, %lt3A_460 : i32
      %lt3A_462 = arith.constant 0 : i32
      %lt3A_463 = arith.cmpi slt, %select_n3A_456, %lt3A_462 : i32
      %ne3A_464 = arith.xori %lt3A_461, %lt3A_463 : i1
      %and3A_465 = arith.andi %ne3A_464, %ne3A_459 : i1
      %add3A_466 = arith.addi %rem3A_457, %select_n3A_456 : i32
      %select_n3A_467 = arith.select %and3A_465, %add3A_466, %rem3A_457 : i32
      %eq3A_468 = vector.broadcast %select_n3A_467 : i32 to vector<16xi32>
      %eq3A_469 = arith.cmpi eq, %iota3A, %eq3A_468 : vector<16xi32>
      %jit3A_470 = arith.constant 16 : i32
      %div3A_471 = arith.divsi %add3A_286, %jit3A_470 : i32
      %sign3A_472 = arith.constant 0 : i32
      %sign3A_473 = arith.cmpi sgt, %add3A_286, %sign3A_472 : i32
      %sign3A_474 = arith.extui %sign3A_473 : i1 to i32
      %sign3A_475 = arith.constant 0 : i32
      %sign3A_476 = arith.cmpi slt, %add3A_286, %sign3A_475 : i32
      %sign3A_477 = arith.extui %sign3A_476 : i1 to i32
      %sign3A_478 = arith.subi %sign3A_474, %sign3A_477 : i32
      %sign3A_479 = arith.constant 0 : i32
      %sign3A_480 = arith.cmpi sgt, %jit3A_470, %sign3A_479 : i32
      %sign3A_481 = arith.extui %sign3A_480 : i1 to i32
      %sign3A_482 = arith.constant 0 : i32
      %sign3A_483 = arith.cmpi slt, %jit3A_470, %sign3A_482 : i32
      %sign3A_484 = arith.extui %sign3A_483 : i1 to i32
      %sign3A_485 = arith.subi %sign3A_481, %sign3A_484 : i32
      %ne3A_486 = arith.cmpi ne, %sign3A_478, %sign3A_485 : i32
      %rem3A_487 = arith.remsi %add3A_286, %jit3A_470 : i32
      %ne3A_488 = arith.constant 0 : i32
      %ne3A_489 = arith.cmpi ne, %rem3A_487, %ne3A_488 : i32
      %and3A_490 = arith.andi %ne3A_486, %ne3A_489 : i1
      %sub3A_491 = arith.constant 1 : i32
      %sub3A_492 = arith.subi %div3A_471, %sub3A_491 : i32
      %select_n3A_493 = arith.select %and3A_490, %sub3A_492, %div3A_471 : i32
      %mul3A_494 = arith.constant 16 : i32
      %mul3A_495 = arith.muli %select_n3A_493, %mul3A_494 : i32
      %get3A_496 = arith.index_cast %mul3A_495 : i32 to index
      %get3A_497 = tpu.vector_load %arg16[%get3A_496] {strides = array<i32>} : memref<416xf32, #tpu.memory_space<vmem>>, vector<16xf32>,
      %jit3A_498 = arith.constant 0.000000e+00 : f32
      %broadcast_in_dim3A_499 = vector.broadcast %jit3A_498 : f32 to vector<16xf32>
      %select_n3A_500 = arith.select %eq3A_469, %get3A_497, %broadcast_in_dim3A_499 : vector<16xi1>, vector<16xf32>
      %reduce_sum3A_501 = arith.constant true
      %reduce_sum3A_502 = vector.broadcast %reduce_sum3A_501 : i1 to vector<16xi1>
      %reduce_sum3A_503 = tpu.scan <sum>, %select_n3A_500 masked %reduce_sum3A_502 : vector<16xf32>, vector<16xi1> -> vector<16xf32>
      %reduce_sum3A_504 = vector.extract %reduce_sum3A_503[15] : f32 from vector<16xf32>
      %add3A_505 = vector.broadcast %reduce_sum3A_504 : f32 to vector<16xf32>
      %add3A_506 = arith.addf %broadcast_in_dim3A_60, %add3A_505 : vector<16xf32>
      %mul3A_507 = arith.constant 4 : i32
      %mul3A_508 = arith.muli %scan3A_58, %mul3A_507 : i32
      %add3A_509 = arith.constant 2 : i32
      %add3A_510 = arith.addi %mul3A_508, %add3A_509 : i32
      %jit3A_511 = arith.constant 16 : i32
      %eq3A_512 = arith.constant 0 : i32
      %eq3A_513 = arith.cmpi eq, %jit3A_511, %eq3A_512 : i32
      %jit3A_514 = arith.constant 1 : i32
      %select_n3A_515 = arith.select %eq3A_513, %jit3A_514, %jit3A_511 : i32
      %rem3A_516 = arith.remsi %add3A_510, %select_n3A_515 : i32
      %ne3A_517 = arith.constant 0 : i32
      %ne3A_518 = arith.cmpi ne, %rem3A_516, %ne3A_517 : i32
      %lt3A_519 = arith.constant 0 : i32
      %lt3A_520 = arith.cmpi slt, %rem3A_516, %lt3A_519 : i32
      %lt3A_521 = arith.constant 0 : i32
      %lt3A_522 = arith.cmpi slt, %select_n3A_515, %lt3A_521 : i32
      %ne3A_523 = arith.xori %lt3A_520, %lt3A_522 : i1
      %and3A_524 = arith.andi %ne3A_523, %ne3A_518 : i1
      %add3A_525 = arith.addi %rem3A_516, %select_n3A_515 : i32
      %select_n3A_526 = arith.select %and3A_524, %add3A_525, %rem3A_516 : i32
      %eq3A_527 = vector.broadcast %select_n3A_526 : i32 to vector<16xi32>
      %eq3A_528 = arith.cmpi eq, %iota3A, %eq3A_527 : vector<16xi32>
      %jit3A_529 = arith.constant 16 : i32
      %div3A_530 = arith.divsi %add3A_510, %jit3A_529 : i32
      %sign3A_531 = arith.constant 0 : i32
      %sign3A_532 = arith.cmpi sgt, %add3A_510, %sign3A_531 : i32
      %sign3A_533 = arith.extui %sign3A_532 : i1 to i32
      %sign3A_534 = arith.constant 0 : i32
      %sign3A_535 = arith.cmpi slt, %add3A_510, %sign3A_534 : i32
      %sign3A_536 = arith.extui %sign3A_535 : i1 to i32
      %sign3A_537 = arith.subi %sign3A_533, %sign3A_536 : i32
      %sign3A_538 = arith.constant 0 : i32
      %sign3A_539 = arith.cmpi sgt, %jit3A_529, %sign3A_538 : i32
      %sign3A_540 = arith.extui %sign3A_539 : i1 to i32
      %sign3A_541 = arith.constant 0 : i32
      %sign3A_542 = arith.cmpi slt, %jit3A_529, %sign3A_541 : i32
      %sign3A_543 = arith.extui %sign3A_542 : i1 to i32
      %sign3A_544 = arith.subi %sign3A_540, %sign3A_543 : i32
      %ne3A_545 = arith.cmpi ne, %sign3A_537, %sign3A_544 : i32
      %rem3A_546 = arith.remsi %add3A_510, %jit3A_529 : i32
      %ne3A_547 = arith.constant 0 : i32
      %ne3A_548 = arith.cmpi ne, %rem3A_546, %ne3A_547 : i32
      %and3A_549 = arith.andi %ne3A_545, %ne3A_548 : i1
      %sub3A_550 = arith.constant 1 : i32
      %sub3A_551 = arith.subi %div3A_530, %sub3A_550 : i32
      %select_n3A_552 = arith.select %and3A_549, %sub3A_551, %div3A_530 : i32
      %mul3A_553 = arith.constant 16 : i32
      %mul3A_554 = arith.muli %select_n3A_552, %mul3A_553 : i32
      %get3A_555 = arith.index_cast %mul3A_554 : i32 to index
      %get3A_556 = tpu.vector_load %arg13[%get3A_555] {strides = array<i32>} : memref<416xf32, #tpu.memory_space<vmem>>, vector<16xf32>,
      %jit3A_557 = arith.constant 0.000000e+00 : f32
      %broadcast_in_dim3A_558 = vector.broadcast %jit3A_557 : f32 to vector<16xf32>
      %select_n3A_559 = arith.select %eq3A_528, %get3A_556, %broadcast_in_dim3A_558 : vector<16xi1>, vector<16xf32>
      %reduce_sum3A_560 = arith.constant true
      %reduce_sum3A_561 = vector.broadcast %reduce_sum3A_560 : i1 to vector<16xi1>
      %reduce_sum3A_562 = tpu.scan <sum>, %select_n3A_559 masked %reduce_sum3A_561 : vector<16xf32>, vector<16xi1> -> vector<16xf32>
      %reduce_sum3A_563 = vector.extract %reduce_sum3A_562[15] : f32 from vector<16xf32>
      %add3A_564 = vector.broadcast %reduce_sum3A_563 : f32 to vector<16xf32>
      %add3A_565 = arith.addf %broadcast_in_dim3A_60, %add3A_564 : vector<16xf32>
      %jit3A_566 = arith.constant 16 : i32
      %eq3A_567 = arith.constant 0 : i32
      %eq3A_568 = arith.cmpi eq, %jit3A_566, %eq3A_567 : i32
      %jit3A_569 = arith.constant 1 : i32
      %select_n3A_570 = arith.select %eq3A_568, %jit3A_569, %jit3A_566 : i32
      %rem3A_571 = arith.remsi %add3A_510, %select_n3A_570 : i32
      %ne3A_572 = arith.constant 0 : i32
      %ne3A_573 = arith.cmpi ne, %rem3A_571, %ne3A_572 : i32
      %lt3A_574 = arith.constant 0 : i32
      %lt3A_575 = arith.cmpi slt, %rem3A_571, %lt3A_574 : i32
      %lt3A_576 = arith.constant 0 : i32
      %lt3A_577 = arith.cmpi slt, %select_n3A_570, %lt3A_576 : i32
      %ne3A_578 = arith.xori %lt3A_575, %lt3A_577 : i1
      %and3A_579 = arith.andi %ne3A_578, %ne3A_573 : i1
      %add3A_580 = arith.addi %rem3A_571, %select_n3A_570 : i32
      %select_n3A_581 = arith.select %and3A_579, %add3A_580, %rem3A_571 : i32
      %eq3A_582 = vector.broadcast %select_n3A_581 : i32 to vector<16xi32>
      %eq3A_583 = arith.cmpi eq, %iota3A, %eq3A_582 : vector<16xi32>
      %jit3A_584 = arith.constant 16 : i32
      %div3A_585 = arith.divsi %add3A_510, %jit3A_584 : i32
      %sign3A_586 = arith.constant 0 : i32
      %sign3A_587 = arith.cmpi sgt, %add3A_510, %sign3A_586 : i32
      %sign3A_588 = arith.extui %sign3A_587 : i1 to i32
      %sign3A_589 = arith.constant 0 : i32
      %sign3A_590 = arith.cmpi slt, %add3A_510, %sign3A_589 : i32
      %sign3A_591 = arith.extui %sign3A_590 : i1 to i32
      %sign3A_592 = arith.subi %sign3A_588, %sign3A_591 : i32
      %sign3A_593 = arith.constant 0 : i32
      %sign3A_594 = arith.cmpi sgt, %jit3A_584, %sign3A_593 : i32
      %sign3A_595 = arith.extui %sign3A_594 : i1 to i32
      %sign3A_596 = arith.constant 0 : i32
      %sign3A_597 = arith.cmpi slt, %jit3A_584, %sign3A_596 : i32
      %sign3A_598 = arith.extui %sign3A_597 : i1 to i32
      %sign3A_599 = arith.subi %sign3A_595, %sign3A_598 : i32
      %ne3A_600 = arith.cmpi ne, %sign3A_592, %sign3A_599 : i32
      %rem3A_601 = arith.remsi %add3A_510, %jit3A_584 : i32
      %ne3A_602 = arith.constant 0 : i32
      %ne3A_603 = arith.cmpi ne, %rem3A_601, %ne3A_602 : i32
      %and3A_604 = arith.andi %ne3A_600, %ne3A_603 : i1
      %sub3A_605 = arith.constant 1 : i32
      %sub3A_606 = arith.subi %div3A_585, %sub3A_605 : i32
      %select_n3A_607 = arith.select %and3A_604, %sub3A_606, %div3A_585 : i32
      %mul3A_608 = arith.constant 16 : i32
      %mul3A_609 = arith.muli %select_n3A_607, %mul3A_608 : i32
      %get3A_610 = arith.index_cast %mul3A_609 : i32 to index
      %get3A_611 = tpu.vector_load %arg14[%get3A_610] {strides = array<i32>} : memref<416xf32, #tpu.memory_space<vmem>>, vector<16xf32>,
      %jit3A_612 = arith.constant 0.000000e+00 : f32
      %broadcast_in_dim3A_613 = vector.broadcast %jit3A_612 : f32 to vector<16xf32>
      %select_n3A_614 = arith.select %eq3A_583, %get3A_611, %broadcast_in_dim3A_613 : vector<16xi1>, vector<16xf32>
      %reduce_sum3A_615 = arith.constant true
      %reduce_sum3A_616 = vector.broadcast %reduce_sum3A_615 : i1 to vector<16xi1>
      %reduce_sum3A_617 = tpu.scan <sum>, %select_n3A_614 masked %reduce_sum3A_616 : vector<16xf32>, vector<16xi1> -> vector<16xf32>
      %reduce_sum3A_618 = vector.extract %reduce_sum3A_617[15] : f32 from vector<16xf32>
      %add3A_619 = vector.broadcast %reduce_sum3A_618 : f32 to vector<16xf32>
      %add3A_620 = arith.addf %broadcast_in_dim3A_60, %add3A_619 : vector<16xf32>
      %jit3A_621 = arith.constant 16 : i32
      %eq3A_622 = arith.constant 0 : i32
      %eq3A_623 = arith.cmpi eq, %jit3A_621, %eq3A_622 : i32
      %jit3A_624 = arith.constant 1 : i32
      %select_n3A_625 = arith.select %eq3A_623, %jit3A_624, %jit3A_621 : i32
      %rem3A_626 = arith.remsi %add3A_510, %select_n3A_625 : i32
      %ne3A_627 = arith.constant 0 : i32
      %ne3A_628 = arith.cmpi ne, %rem3A_626, %ne3A_627 : i32
      %lt3A_629 = arith.constant 0 : i32
      %lt3A_630 = arith.cmpi slt, %rem3A_626, %lt3A_629 : i32
      %lt3A_631 = arith.constant 0 : i32
      %lt3A_632 = arith.cmpi slt, %select_n3A_625, %lt3A_631 : i32
      %ne3A_633 = arith.xori %lt3A_630, %lt3A_632 : i1
      %and3A_634 = arith.andi %ne3A_633, %ne3A_628 : i1
      %add3A_635 = arith.addi %rem3A_626, %select_n3A_625 : i32
      %select_n3A_636 = arith.select %and3A_634, %add3A_635, %rem3A_626 : i32
      %eq3A_637 = vector.broadcast %select_n3A_636 : i32 to vector<16xi32>
      %eq3A_638 = arith.cmpi eq, %iota3A, %eq3A_637 : vector<16xi32>
      %jit3A_639 = arith.constant 16 : i32
      %div3A_640 = arith.divsi %add3A_510, %jit3A_639 : i32
      %sign3A_641 = arith.constant 0 : i32
      %sign3A_642 = arith.cmpi sgt, %add3A_510, %sign3A_641 : i32
      %sign3A_643 = arith.extui %sign3A_642 : i1 to i32
      %sign3A_644 = arith.constant 0 : i32
      %sign3A_645 = arith.cmpi slt, %add3A_510, %sign3A_644 : i32
      %sign3A_646 = arith.extui %sign3A_645 : i1 to i32
      %sign3A_647 = arith.subi %sign3A_643, %sign3A_646 : i32
      %sign3A_648 = arith.constant 0 : i32
      %sign3A_649 = arith.cmpi sgt, %jit3A_639, %sign3A_648 : i32
      %sign3A_650 = arith.extui %sign3A_649 : i1 to i32
      %sign3A_651 = arith.constant 0 : i32
      %sign3A_652 = arith.cmpi slt, %jit3A_639, %sign3A_651 : i32
      %sign3A_653 = arith.extui %sign3A_652 : i1 to i32
      %sign3A_654 = arith.subi %sign3A_650, %sign3A_653 : i32
      %ne3A_655 = arith.cmpi ne, %sign3A_647, %sign3A_654 : i32
      %rem3A_656 = arith.remsi %add3A_510, %jit3A_639 : i32
      %ne3A_657 = arith.constant 0 : i32
      %ne3A_658 = arith.cmpi ne, %rem3A_656, %ne3A_657 : i32
      %and3A_659 = arith.andi %ne3A_655, %ne3A_658 : i1
      %sub3A_660 = arith.constant 1 : i32
      %sub3A_661 = arith.subi %div3A_640, %sub3A_660 : i32
      %select_n3A_662 = arith.select %and3A_659, %sub3A_661, %div3A_640 : i32
      %mul3A_663 = arith.constant 16 : i32
      %mul3A_664 = arith.muli %select_n3A_662, %mul3A_663 : i32
      %get3A_665 = arith.index_cast %mul3A_664 : i32 to index
      %get3A_666 = tpu.vector_load %arg15[%get3A_665] {strides = array<i32>} : memref<416xf32, #tpu.memory_space<vmem>>, vector<16xf32>,
      %jit3A_667 = arith.constant 0.000000e+00 : f32
      %broadcast_in_dim3A_668 = vector.broadcast %jit3A_667 : f32 to vector<16xf32>
      %select_n3A_669 = arith.select %eq3A_638, %get3A_666, %broadcast_in_dim3A_668 : vector<16xi1>, vector<16xf32>
      %reduce_sum3A_670 = arith.constant true
      %reduce_sum3A_671 = vector.broadcast %reduce_sum3A_670 : i1 to vector<16xi1>
      %reduce_sum3A_672 = tpu.scan <sum>, %select_n3A_669 masked %reduce_sum3A_671 : vector<16xf32>, vector<16xi1> -> vector<16xf32>
      %reduce_sum3A_673 = vector.extract %reduce_sum3A_672[15] : f32 from vector<16xf32>
      %add3A_674 = vector.broadcast %reduce_sum3A_673 : f32 to vector<16xf32>
      %add3A_675 = arith.addf %broadcast_in_dim3A_60, %add3A_674 : vector<16xf32>
      %jit3A_676 = arith.constant 16 : i32
      %eq3A_677 = arith.constant 0 : i32
      %eq3A_678 = arith.cmpi eq, %jit3A_676, %eq3A_677 : i32
      %jit3A_679 = arith.constant 1 : i32
      %select_n3A_680 = arith.select %eq3A_678, %jit3A_679, %jit3A_676 : i32
      %rem3A_681 = arith.remsi %add3A_510, %select_n3A_680 : i32
      %ne3A_682 = arith.constant 0 : i32
      %ne3A_683 = arith.cmpi ne, %rem3A_681, %ne3A_682 : i32
      %lt3A_684 = arith.constant 0 : i32
      %lt3A_685 = arith.cmpi slt, %rem3A_681, %lt3A_684 : i32
      %lt3A_686 = arith.constant 0 : i32
      %lt3A_687 = arith.cmpi slt, %select_n3A_680, %lt3A_686 : i32
      %ne3A_688 = arith.xori %lt3A_685, %lt3A_687 : i1
      %and3A_689 = arith.andi %ne3A_688, %ne3A_683 : i1
      %add3A_690 = arith.addi %rem3A_681, %select_n3A_680 : i32
      %select_n3A_691 = arith.select %and3A_689, %add3A_690, %rem3A_681 : i32
      %eq3A_692 = vector.broadcast %select_n3A_691 : i32 to vector<16xi32>
      %eq3A_693 = arith.cmpi eq, %iota3A, %eq3A_692 : vector<16xi32>
      %jit3A_694 = arith.constant 16 : i32
      %div3A_695 = arith.divsi %add3A_510, %jit3A_694 : i32
      %sign3A_696 = arith.constant 0 : i32
      %sign3A_697 = arith.cmpi sgt, %add3A_510, %sign3A_696 : i32
      %sign3A_698 = arith.extui %sign3A_697 : i1 to i32
      %sign3A_699 = arith.constant 0 : i32
      %sign3A_700 = arith.cmpi slt, %add3A_510, %sign3A_699 : i32
      %sign3A_701 = arith.extui %sign3A_700 : i1 to i32
      %sign3A_702 = arith.subi %sign3A_698, %sign3A_701 : i32
      %sign3A_703 = arith.constant 0 : i32
      %sign3A_704 = arith.cmpi sgt, %jit3A_694, %sign3A_703 : i32
      %sign3A_705 = arith.extui %sign3A_704 : i1 to i32
      %sign3A_706 = arith.constant 0 : i32
      %sign3A_707 = arith.cmpi slt, %jit3A_694, %sign3A_706 : i32
      %sign3A_708 = arith.extui %sign3A_707 : i1 to i32
      %sign3A_709 = arith.subi %sign3A_705, %sign3A_708 : i32
      %ne3A_710 = arith.cmpi ne, %sign3A_702, %sign3A_709 : i32
      %rem3A_711 = arith.remsi %add3A_510, %jit3A_694 : i32
      %ne3A_712 = arith.constant 0 : i32
      %ne3A_713 = arith.cmpi ne, %rem3A_711, %ne3A_712 : i32
      %and3A_714 = arith.andi %ne3A_710, %ne3A_713 : i1
      %sub3A_715 = arith.constant 1 : i32
      %sub3A_716 = arith.subi %div3A_695, %sub3A_715 : i32
      %select_n3A_717 = arith.select %and3A_714, %sub3A_716, %div3A_695 : i32
      %mul3A_718 = arith.constant 16 : i32
      %mul3A_719 = arith.muli %select_n3A_717, %mul3A_718 : i32
      %get3A_720 = arith.index_cast %mul3A_719 : i32 to index
      %get3A_721 = tpu.vector_load %arg16[%get3A_720] {strides = array<i32>} : memref<416xf32, #tpu.memory_space<vmem>>, vector<16xf32>,
      %jit3A_722 = arith.constant 0.000000e+00 : f32
      %broadcast_in_dim3A_723 = vector.broadcast %jit3A_722 : f32 to vector<16xf32>
      %select_n3A_724 = arith.select %eq3A_693, %get3A_721, %broadcast_in_dim3A_723 : vector<16xi1>, vector<16xf32>
      %reduce_sum3A_725 = arith.constant true
      %reduce_sum3A_726 = vector.broadcast %reduce_sum3A_725 : i1 to vector<16xi1>
      %reduce_sum3A_727 = tpu.scan <sum>, %select_n3A_724 masked %reduce_sum3A_726 : vector<16xf32>, vector<16xi1> -> vector<16xf32>
      %reduce_sum3A_728 = vector.extract %reduce_sum3A_727[15] : f32 from vector<16xf32>
      %add3A_729 = vector.broadcast %reduce_sum3A_728 : f32 to vector<16xf32>
      %add3A_730 = arith.addf %broadcast_in_dim3A_60, %add3A_729 : vector<16xf32>
      %mul3A_731 = arith.constant 4 : i32
      %mul3A_732 = arith.muli %scan3A_58, %mul3A_731 : i32
      %add3A_733 = arith.constant 3 : i32
      %add3A_734 = arith.addi %mul3A_732, %add3A_733 : i32
      %jit3A_735 = arith.constant 16 : i32
      %eq3A_736 = arith.constant 0 : i32
      %eq3A_737 = arith.cmpi eq, %jit3A_735, %eq3A_736 : i32
      %jit3A_738 = arith.constant 1 : i32
      %select_n3A_739 = arith.select %eq3A_737, %jit3A_738, %jit3A_735 : i32
      %rem3A_740 = arith.remsi %add3A_734, %select_n3A_739 : i32
      %ne3A_741 = arith.constant 0 : i32
      %ne3A_742 = arith.cmpi ne, %rem3A_740, %ne3A_741 : i32
      %lt3A_743 = arith.constant 0 : i32
      %lt3A_744 = arith.cmpi slt, %rem3A_740, %lt3A_743 : i32
      %lt3A_745 = arith.constant 0 : i32
      %lt3A_746 = arith.cmpi slt, %select_n3A_739, %lt3A_745 : i32
      %ne3A_747 = arith.xori %lt3A_744, %lt3A_746 : i1
      %and3A_748 = arith.andi %ne3A_747, %ne3A_742 : i1
      %add3A_749 = arith.addi %rem3A_740, %select_n3A_739 : i32
      %select_n3A_750 = arith.select %and3A_748, %add3A_749, %rem3A_740 : i32
      %eq3A_751 = vector.broadcast %select_n3A_750 : i32 to vector<16xi32>
      %eq3A_752 = arith.cmpi eq, %iota3A, %eq3A_751 : vector<16xi32>
      %jit3A_753 = arith.constant 16 : i32
      %div3A_754 = arith.divsi %add3A_734, %jit3A_753 : i32
      %sign3A_755 = arith.constant 0 : i32
      %sign3A_756 = arith.cmpi sgt, %add3A_734, %sign3A_755 : i32
      %sign3A_757 = arith.extui %sign3A_756 : i1 to i32
      %sign3A_758 = arith.constant 0 : i32
      %sign3A_759 = arith.cmpi slt, %add3A_734, %sign3A_758 : i32
      %sign3A_760 = arith.extui %sign3A_759 : i1 to i32
      %sign3A_761 = arith.subi %sign3A_757, %sign3A_760 : i32
      %sign3A_762 = arith.constant 0 : i32
      %sign3A_763 = arith.cmpi sgt, %jit3A_753, %sign3A_762 : i32
      %sign3A_764 = arith.extui %sign3A_763 : i1 to i32
      %sign3A_765 = arith.constant 0 : i32
      %sign3A_766 = arith.cmpi slt, %jit3A_753, %sign3A_765 : i32
      %sign3A_767 = arith.extui %sign3A_766 : i1 to i32
      %sign3A_768 = arith.subi %sign3A_764, %sign3A_767 : i32
      %ne3A_769 = arith.cmpi ne, %sign3A_761, %sign3A_768 : i32
      %rem3A_770 = arith.remsi %add3A_734, %jit3A_753 : i32
      %ne3A_771 = arith.constant 0 : i32
      %ne3A_772 = arith.cmpi ne, %rem3A_770, %ne3A_771 : i32
      %and3A_773 = arith.andi %ne3A_769, %ne3A_772 : i1
      %sub3A_774 = arith.constant 1 : i32
      %sub3A_775 = arith.subi %div3A_754, %sub3A_774 : i32
      %select_n3A_776 = arith.select %and3A_773, %sub3A_775, %div3A_754 : i32
      %mul3A_777 = arith.constant 16 : i32
      %mul3A_778 = arith.muli %select_n3A_776, %mul3A_777 : i32
      %get3A_779 = arith.index_cast %mul3A_778 : i32 to index
      %get3A_780 = tpu.vector_load %arg13[%get3A_779] {strides = array<i32>} : memref<416xf32, #tpu.memory_space<vmem>>, vector<16xf32>,
      %jit3A_781 = arith.constant 0.000000e+00 : f32
      %broadcast_in_dim3A_782 = vector.broadcast %jit3A_781 : f32 to vector<16xf32>
      %select_n3A_783 = arith.select %eq3A_752, %get3A_780, %broadcast_in_dim3A_782 : vector<16xi1>, vector<16xf32>
      %reduce_sum3A_784 = arith.constant true
      %reduce_sum3A_785 = vector.broadcast %reduce_sum3A_784 : i1 to vector<16xi1>
      %reduce_sum3A_786 = tpu.scan <sum>, %select_n3A_783 masked %reduce_sum3A_785 : vector<16xf32>, vector<16xi1> -> vector<16xf32>
      %reduce_sum3A_787 = vector.extract %reduce_sum3A_786[15] : f32 from vector<16xf32>
      %add3A_788 = vector.broadcast %reduce_sum3A_787 : f32 to vector<16xf32>
      %add3A_789 = arith.addf %broadcast_in_dim3A_60, %add3A_788 : vector<16xf32>
      %jit3A_790 = arith.constant 16 : i32
      %eq3A_791 = arith.constant 0 : i32
      %eq3A_792 = arith.cmpi eq, %jit3A_790, %eq3A_791 : i32
      %jit3A_793 = arith.constant 1 : i32
      %select_n3A_794 = arith.select %eq3A_792, %jit3A_793, %jit3A_790 : i32
      %rem3A_795 = arith.remsi %add3A_734, %select_n3A_794 : i32
      %ne3A_796 = arith.constant 0 : i32
      %ne3A_797 = arith.cmpi ne, %rem3A_795, %ne3A_796 : i32
      %lt3A_798 = arith.constant 0 : i32
      %lt3A_799 = arith.cmpi slt, %rem3A_795, %lt3A_798 : i32
      %lt3A_800 = arith.constant 0 : i32
      %lt3A_801 = arith.cmpi slt, %select_n3A_794, %lt3A_800 : i32
      %ne3A_802 = arith.xori %lt3A_799, %lt3A_801 : i1
      %and3A_803 = arith.andi %ne3A_802, %ne3A_797 : i1
      %add3A_804 = arith.addi %rem3A_795, %select_n3A_794 : i32
      %select_n3A_805 = arith.select %and3A_803, %add3A_804, %rem3A_795 : i32
      %eq3A_806 = vector.broadcast %select_n3A_805 : i32 to vector<16xi32>
      %eq3A_807 = arith.cmpi eq, %iota3A, %eq3A_806 : vector<16xi32>
      %jit3A_808 = arith.constant 16 : i32
      %div3A_809 = arith.divsi %add3A_734, %jit3A_808 : i32
      %sign3A_810 = arith.constant 0 : i32
      %sign3A_811 = arith.cmpi sgt, %add3A_734, %sign3A_810 : i32
      %sign3A_812 = arith.extui %sign3A_811 : i1 to i32
      %sign3A_813 = arith.constant 0 : i32
      %sign3A_814 = arith.cmpi slt, %add3A_734, %sign3A_813 : i32
      %sign3A_815 = arith.extui %sign3A_814 : i1 to i32
      %sign3A_816 = arith.subi %sign3A_812, %sign3A_815 : i32
      %sign3A_817 = arith.constant 0 : i32
      %sign3A_818 = arith.cmpi sgt, %jit3A_808, %sign3A_817 : i32
      %sign3A_819 = arith.extui %sign3A_818 : i1 to i32
      %sign3A_820 = arith.constant 0 : i32
      %sign3A_821 = arith.cmpi slt, %jit3A_808, %sign3A_820 : i32
      %sign3A_822 = arith.extui %sign3A_821 : i1 to i32
      %sign3A_823 = arith.subi %sign3A_819, %sign3A_822 : i32
      %ne3A_824 = arith.cmpi ne, %sign3A_816, %sign3A_823 : i32
      %rem3A_825 = arith.remsi %add3A_734, %jit3A_808 : i32
      %ne3A_826 = arith.constant 0 : i32
      %ne3A_827 = arith.cmpi ne, %rem3A_825, %ne3A_826 : i32
      %and3A_828 = arith.andi %ne3A_824, %ne3A_827 : i1
      %sub3A_829 = arith.constant 1 : i32
      %sub3A_830 = arith.subi %div3A_809, %sub3A_829 : i32
      %select_n3A_831 = arith.select %and3A_828, %sub3A_830, %div3A_809 : i32
      %mul3A_832 = arith.constant 16 : i32
      %mul3A_833 = arith.muli %select_n3A_831, %mul3A_832 : i32
      %get3A_834 = arith.index_cast %mul3A_833 : i32 to index
      %get3A_835 = tpu.vector_load %arg14[%get3A_834] {strides = array<i32>} : memref<416xf32, #tpu.memory_space<vmem>>, vector<16xf32>,
      %jit3A_836 = arith.constant 0.000000e+00 : f32
      %broadcast_in_dim3A_837 = vector.broadcast %jit3A_836 : f32 to vector<16xf32>
      %select_n3A_838 = arith.select %eq3A_807, %get3A_835, %broadcast_in_dim3A_837 : vector<16xi1>, vector<16xf32>
      %reduce_sum3A_839 = arith.constant true
      %reduce_sum3A_840 = vector.broadcast %reduce_sum3A_839 : i1 to vector<16xi1>
      %reduce_sum3A_841 = tpu.scan <sum>, %select_n3A_838 masked %reduce_sum3A_840 : vector<16xf32>, vector<16xi1> -> vector<16xf32>
      %reduce_sum3A_842 = vector.extract %reduce_sum3A_841[15] : f32 from vector<16xf32>
      %add3A_843 = vector.broadcast %reduce_sum3A_842 : f32 to vector<16xf32>
      %add3A_844 = arith.addf %broadcast_in_dim3A_60, %add3A_843 : vector<16xf32>
      %jit3A_845 = arith.constant 16 : i32
      %eq3A_846 = arith.constant 0 : i32
      %eq3A_847 = arith.cmpi eq, %jit3A_845, %eq3A_846 : i32
      %jit3A_848 = arith.constant 1 : i32
      %select_n3A_849 = arith.select %eq3A_847, %jit3A_848, %jit3A_845 : i32
      %rem3A_850 = arith.remsi %add3A_734, %select_n3A_849 : i32
      %ne3A_851 = arith.constant 0 : i32
      %ne3A_852 = arith.cmpi ne, %rem3A_850, %ne3A_851 : i32
      %lt3A_853 = arith.constant 0 : i32
      %lt3A_854 = arith.cmpi slt, %rem3A_850, %lt3A_853 : i32
      %lt3A_855 = arith.constant 0 : i32
      %lt3A_856 = arith.cmpi slt, %select_n3A_849, %lt3A_855 : i32
      %ne3A_857 = arith.xori %lt3A_854, %lt3A_856 : i1
      %and3A_858 = arith.andi %ne3A_857, %ne3A_852 : i1
      %add3A_859 = arith.addi %rem3A_850, %select_n3A_849 : i32
      %select_n3A_860 = arith.select %and3A_858, %add3A_859, %rem3A_850 : i32
      %eq3A_861 = vector.broadcast %select_n3A_860 : i32 to vector<16xi32>
      %eq3A_862 = arith.cmpi eq, %iota3A, %eq3A_861 : vector<16xi32>
      %jit3A_863 = arith.constant 16 : i32
      %div3A_864 = arith.divsi %add3A_734, %jit3A_863 : i32
      %sign3A_865 = arith.constant 0 : i32
      %sign3A_866 = arith.cmpi sgt, %add3A_734, %sign3A_865 : i32
      %sign3A_867 = arith.extui %sign3A_866 : i1 to i32
      %sign3A_868 = arith.constant 0 : i32
      %sign3A_869 = arith.cmpi slt, %add3A_734, %sign3A_868 : i32
      %sign3A_870 = arith.extui %sign3A_869 : i1 to i32
      %sign3A_871 = arith.subi %sign3A_867, %sign3A_870 : i32
      %sign3A_872 = arith.constant 0 : i32
      %sign3A_873 = arith.cmpi sgt, %jit3A_863, %sign3A_872 : i32
      %sign3A_874 = arith.extui %sign3A_873 : i1 to i32
      %sign3A_875 = arith.constant 0 : i32
      %sign3A_876 = arith.cmpi slt, %jit3A_863, %sign3A_875 : i32
      %sign3A_877 = arith.extui %sign3A_876 : i1 to i32
      %sign3A_878 = arith.subi %sign3A_874, %sign3A_877 : i32
      %ne3A_879 = arith.cmpi ne, %sign3A_871, %sign3A_878 : i32
      %rem3A_880 = arith.remsi %add3A_734, %jit3A_863 : i32
      %ne3A_881 = arith.constant 0 : i32
      %ne3A_882 = arith.cmpi ne, %rem3A_880, %ne3A_881 : i32
      %and3A_883 = arith.andi %ne3A_879, %ne3A_882 : i1
      %sub3A_884 = arith.constant 1 : i32
      %sub3A_885 = arith.subi %div3A_864, %sub3A_884 : i32
      %select_n3A_886 = arith.select %and3A_883, %sub3A_885, %div3A_864 : i32
      %mul3A_887 = arith.constant 16 : i32
      %mul3A_888 = arith.muli %select_n3A_886, %mul3A_887 : i32
      %get3A_889 = arith.index_cast %mul3A_888 : i32 to index
      %get3A_890 = tpu.vector_load %arg15[%get3A_889] {strides = array<i32>} : memref<416xf32, #tpu.memory_space<vmem>>, vector<16xf32>,
      %jit3A_891 = arith.constant 0.000000e+00 : f32
      %broadcast_in_dim3A_892 = vector.broadcast %jit3A_891 : f32 to vector<16xf32>
      %select_n3A_893 = arith.select %eq3A_862, %get3A_890, %broadcast_in_dim3A_892 : vector<16xi1>, vector<16xf32>
      %reduce_sum3A_894 = arith.constant true
      %reduce_sum3A_895 = vector.broadcast %reduce_sum3A_894 : i1 to vector<16xi1>
      %reduce_sum3A_896 = tpu.scan <sum>, %select_n3A_893 masked %reduce_sum3A_895 : vector<16xf32>, vector<16xi1> -> vector<16xf32>
      %reduce_sum3A_897 = vector.extract %reduce_sum3A_896[15] : f32 from vector<16xf32>
      %add3A_898 = vector.broadcast %reduce_sum3A_897 : f32 to vector<16xf32>
      %add3A_899 = arith.addf %broadcast_in_dim3A_60, %add3A_898 : vector<16xf32>
      %jit3A_900 = arith.constant 16 : i32
      %eq3A_901 = arith.constant 0 : i32
      %eq3A_902 = arith.cmpi eq, %jit3A_900, %eq3A_901 : i32
      %jit3A_903 = arith.constant 1 : i32
      %select_n3A_904 = arith.select %eq3A_902, %jit3A_903, %jit3A_900 : i32
      %rem3A_905 = arith.remsi %add3A_734, %select_n3A_904 : i32
      %ne3A_906 = arith.constant 0 : i32
      %ne3A_907 = arith.cmpi ne, %rem3A_905, %ne3A_906 : i32
      %lt3A_908 = arith.constant 0 : i32
      %lt3A_909 = arith.cmpi slt, %rem3A_905, %lt3A_908 : i32
      %lt3A_910 = arith.constant 0 : i32
      %lt3A_911 = arith.cmpi slt, %select_n3A_904, %lt3A_910 : i32
      %ne3A_912 = arith.xori %lt3A_909, %lt3A_911 : i1
      %and3A_913 = arith.andi %ne3A_912, %ne3A_907 : i1
      %add3A_914 = arith.addi %rem3A_905, %select_n3A_904 : i32
      %select_n3A_915 = arith.select %and3A_913, %add3A_914, %rem3A_905 : i32
      %eq3A_916 = vector.broadcast %select_n3A_915 : i32 to vector<16xi32>
      %eq3A_917 = arith.cmpi eq, %iota3A, %eq3A_916 : vector<16xi32>
      %jit3A_918 = arith.constant 16 : i32
      %div3A_919 = arith.divsi %add3A_734, %jit3A_918 : i32
      %sign3A_920 = arith.constant 0 : i32
      %sign3A_921 = arith.cmpi sgt, %add3A_734, %sign3A_920 : i32
      %sign3A_922 = arith.extui %sign3A_921 : i1 to i32
      %sign3A_923 = arith.constant 0 : i32
      %sign3A_924 = arith.cmpi slt, %add3A_734, %sign3A_923 : i32
      %sign3A_925 = arith.extui %sign3A_924 : i1 to i32
      %sign3A_926 = arith.subi %sign3A_922, %sign3A_925 : i32
      %sign3A_927 = arith.constant 0 : i32
      %sign3A_928 = arith.cmpi sgt, %jit3A_918, %sign3A_927 : i32
      %sign3A_929 = arith.extui %sign3A_928 : i1 to i32
      %sign3A_930 = arith.constant 0 : i32
      %sign3A_931 = arith.cmpi slt, %jit3A_918, %sign3A_930 : i32
      %sign3A_932 = arith.extui %sign3A_931 : i1 to i32
      %sign3A_933 = arith.subi %sign3A_929, %sign3A_932 : i32
      %ne3A_934 = arith.cmpi ne, %sign3A_926, %sign3A_933 : i32
      %rem3A_935 = arith.remsi %add3A_734, %jit3A_918 : i32
      %ne3A_936 = arith.constant 0 : i32
      %ne3A_937 = arith.cmpi ne, %rem3A_935, %ne3A_936 : i32
      %and3A_938 = arith.andi %ne3A_934, %ne3A_937 : i1
      %sub3A_939 = arith.constant 1 : i32
      %sub3A_940 = arith.subi %div3A_919, %sub3A_939 : i32
      %select_n3A_941 = arith.select %and3A_938, %sub3A_940, %div3A_919 : i32
      %mul3A_942 = arith.constant 16 : i32
      %mul3A_943 = arith.muli %select_n3A_941, %mul3A_942 : i32
      %get3A_944 = arith.index_cast %mul3A_943 : i32 to index
      %get3A_945 = tpu.vector_load %arg16[%get3A_944] {strides = array<i32>} : memref<416xf32, #tpu.memory_space<vmem>>, vector<16xf32>,
      %jit3A_946 = arith.constant 0.000000e+00 : f32
      %broadcast_in_dim3A_947 = vector.broadcast %jit3A_946 : f32 to vector<16xf32>
      %select_n3A_948 = arith.select %eq3A_917, %get3A_945, %broadcast_in_dim3A_947 : vector<16xi1>, vector<16xf32>
      %reduce_sum3A_949 = arith.constant true
      %reduce_sum3A_950 = vector.broadcast %reduce_sum3A_949 : i1 to vector<16xi1>
      %reduce_sum3A_951 = tpu.scan <sum>, %select_n3A_948 masked %reduce_sum3A_950 : vector<16xf32>, vector<16xi1> -> vector<16xf32>
      %reduce_sum3A_952 = vector.extract %reduce_sum3A_951[15] : f32 from vector<16xf32>
      %add3A_953 = vector.broadcast %reduce_sum3A_952 : f32 to vector<16xf32>
      %add3A_954 = arith.addf %broadcast_in_dim3A_60, %add3A_953 : vector<16xf32>
      %scan3A_955 = arith.constant 0 : i32
      %scan3A_956 = arith.constant 0 : i32
      %scan3A_957 = arith.constant 0 : i32
      %scan3A_958 = arith.constant 0 : i32
      %scan3A_959 = arith.constant 0 : i32
      %scan3A_960 = arith.constant 256 : i32
      %scan3A_961 = arith.addi %scan3A_959, %scan3A_960 : i32
      %scan3A_962 = arith.constant 1 : i32
      %scan3A_963:4 = scf.for %scan3A_965 = %scan3A_959 to %scan3A_961 step %scan3A_962 iter_args(%scan3A_966 = %scan3A_955, %scan3A_967 = %scan3A_956, %scan3A_968 = %scan3A_957, %scan3A_969 = %scan3A_958) -> (i32, i32, i32, i32)  : i32 {
        %mul3A_970 = arith.constant 16 : i32
        %mul3A_971 = arith.muli %scan3A_965, %mul3A_970 : i32
        %get3A_972 = arith.index_cast %mul3A_971 : i32 to index
        %get3A_973 = tpu.vector_load %arg10[%get3A_972] {strides = array<i32>} : memref<4096xf32, #tpu.memory_space<vmem>>, vector<16xf32>,
        %mul3A_974 = arith.constant 16 : i32
        %mul3A_975 = arith.muli %scan3A_965, %mul3A_974 : i32
        %get3A_976 = arith.index_cast %mul3A_975 : i32 to index
        %get3A_977 = tpu.vector_load %arg11[%get3A_976] {strides = array<i32>} : memref<4096xf32, #tpu.memory_space<vmem>>, vector<16xf32>,
        %mul3A_978 = arith.constant 16 : i32
        %mul3A_979 = arith.muli %scan3A_965, %mul3A_978 : i32
        %get3A_980 = arith.index_cast %mul3A_979 : i32 to index
        %get3A_981 = tpu.vector_load %arg12[%get3A_980] {strides = array<i32>} : memref<4096xf32, #tpu.memory_space<vmem>>, vector<16xf32>,
        %mul3A_982 = arith.constant 16 : i32
        %mul3A_983 = arith.muli %scan3A_965, %mul3A_982 : i32
        %add3A_984 = arith.addi %mul3A_49, %mul3A_983 : i32
        %add3A_985 = vector.broadcast %add3A_984 : i32 to vector<16xi32>
        %add3A_986 = arith.addi %add3A_985, %iota3A : vector<16xi32>
        %sub3A_987 = arith.subf %get3A_973, %add3A_117 : vector<16xf32>
        %sub3A_988 = arith.subf %get3A_977, %add3A_172 : vector<16xf32>
        %sub3A_989 = arith.subf %get3A_981, %add3A_227 : vector<16xf32>
        %mul3A_990 = arith.mulf %sub3A_987, %sub3A_987 : vector<16xf32>
        %mul3A_991 = arith.mulf %sub3A_988, %sub3A_988 : vector<16xf32>
        %add3A_992 = arith.addf %mul3A_990, %mul3A_991 : vector<16xf32>
        %mul3A_993 = arith.mulf %sub3A_989, %sub3A_989 : vector<16xf32>
        %add3A_994 = arith.addf %add3A_992, %mul3A_993 : vector<16xf32>
        %le3A = arith.cmpf ole, %add3A_994, %add3A_282 : vector<16xf32>
        %mul3A_995 = arith.constant 96 : i32
        %mul3A_996 = arith.muli %add3A_64, %mul3A_995 : i32
        %add3A_997 = arith.addi %mul3A_996, %scan3A_966 : i32
        %swap3A = arith.index_cast %add3A_997 : i32 to index
        %swap3A_998 = tpu.vector_load %arg17[%swap3A] masked %le3A {strides = array<i32>} : memref<39936xi32, #tpu.memory_space<vmem>>, vector<16xi32>, vector<16xi1>
        tpu.vector_store %arg17[%swap3A], %add3A_986 masked %le3A {strides = array<i32>} : memref<39936xi32, #tpu.memory_space<vmem>>, vector<16xi32>, vector<16xi1>
        %convert_element_type3A = arith.extui %le3A : vector<16xi1> to vector<16xi32>
        %reduce_sum3A_999 = arith.constant true
        %reduce_sum3A_1000 = vector.broadcast %reduce_sum3A_999 : i1 to vector<16xi1>
        %reduce_sum3A_1001 = tpu.scan <sum>, %convert_element_type3A masked %reduce_sum3A_1000 : vector<16xi32>, vector<16xi1> -> vector<16xi32>
        %reduce_sum3A_1002 = vector.extract %reduce_sum3A_1001[15] : i32 from vector<16xi32>
        %add3A_1003 = arith.addi %scan3A_966, %reduce_sum3A_1002 : i32
        %min3A = arith.constant 80 : i32
        %min3A_1004 = arith.minsi %add3A_1003, %min3A : i32
        %sub3A_1005 = arith.subf %get3A_973, %add3A_341 : vector<16xf32>
        %sub3A_1006 = arith.subf %get3A_977, %add3A_396 : vector<16xf32>
        %sub3A_1007 = arith.subf %get3A_981, %add3A_451 : vector<16xf32>
        %mul3A_1008 = arith.mulf %sub3A_1005, %sub3A_1005 : vector<16xf32>
        %mul3A_1009 = arith.mulf %sub3A_1006, %sub3A_1006 : vector<16xf32>
        %add3A_1010 = arith.addf %mul3A_1008, %mul3A_1009 : vector<16xf32>
        %mul3A_1011 = arith.mulf %sub3A_1007, %sub3A_1007 : vector<16xf32>
        %add3A_1012 = arith.addf %add3A_1010, %mul3A_1011 : vector<16xf32>
        %le3A_1013 = arith.cmpf ole, %add3A_1012, %add3A_506 : vector<16xf32>
        %mul3A_1014 = arith.constant 96 : i32
        %mul3A_1015 = arith.muli %add3A_286, %mul3A_1014 : i32
        %add3A_1016 = arith.addi %mul3A_1015, %scan3A_967 : i32
        %swap3A_1017 = arith.index_cast %add3A_1016 : i32 to index
        %swap3A_1018 = tpu.vector_load %arg17[%swap3A_1017] masked %le3A_1013 {strides = array<i32>} : memref<39936xi32, #tpu.memory_space<vmem>>, vector<16xi32>, vector<16xi1>
        tpu.vector_store %arg17[%swap3A_1017], %add3A_986 masked %le3A_1013 {strides = array<i32>} : memref<39936xi32, #tpu.memory_space<vmem>>, vector<16xi32>, vector<16xi1>
        %convert_element_type3A_1019 = arith.extui %le3A_1013 : vector<16xi1> to vector<16xi32>
        %reduce_sum3A_1020 = arith.constant true
        %reduce_sum3A_1021 = vector.broadcast %reduce_sum3A_1020 : i1 to vector<16xi1>
        %reduce_sum3A_1022 = tpu.scan <sum>, %convert_element_type3A_1019 masked %reduce_sum3A_1021 : vector<16xi32>, vector<16xi1> -> vector<16xi32>
        %reduce_sum3A_1023 = vector.extract %reduce_sum3A_1022[15] : i32 from vector<16xi32>
        %add3A_1024 = arith.addi %scan3A_967, %reduce_sum3A_1023 : i32
        %min3A_1025 = arith.constant 80 : i32
        %min3A_1026 = arith.minsi %add3A_1024, %min3A_1025 : i32
        %sub3A_1027 = arith.subf %get3A_973, %add3A_565 : vector<16xf32>
        %sub3A_1028 = arith.subf %get3A_977, %add3A_620 : vector<16xf32>
        %sub3A_1029 = arith.subf %get3A_981, %add3A_675 : vector<16xf32>
        %mul3A_1030 = arith.mulf %sub3A_1027, %sub3A_1027 : vector<16xf32>
        %mul3A_1031 = arith.mulf %sub3A_1028, %sub3A_1028 : vector<16xf32>
        %add3A_1032 = arith.addf %mul3A_1030, %mul3A_1031 : vector<16xf32>
        %mul3A_1033 = arith.mulf %sub3A_1029, %sub3A_1029 : vector<16xf32>
        %add3A_1034 = arith.addf %add3A_1032, %mul3A_1033 : vector<16xf32>
        %le3A_1035 = arith.cmpf ole, %add3A_1034, %add3A_730 : vector<16xf32>
        %mul3A_1036 = arith.constant 96 : i32
        %mul3A_1037 = arith.muli %add3A_510, %mul3A_1036 : i32
        %add3A_1038 = arith.addi %mul3A_1037, %scan3A_968 : i32
        %swap3A_1039 = arith.index_cast %add3A_1038 : i32 to index
        %swap3A_1040 = tpu.vector_load %arg17[%swap3A_1039] masked %le3A_1035 {strides = array<i32>} : memref<39936xi32, #tpu.memory_space<vmem>>, vector<16xi32>, vector<16xi1>
        tpu.vector_store %arg17[%swap3A_1039], %add3A_986 masked %le3A_1035 {strides = array<i32>} : memref<39936xi32, #tpu.memory_space<vmem>>, vector<16xi32>, vector<16xi1>
        %convert_element_type3A_1041 = arith.extui %le3A_1035 : vector<16xi1> to vector<16xi32>
        %reduce_sum3A_1042 = arith.constant true
        %reduce_sum3A_1043 = vector.broadcast %reduce_sum3A_1042 : i1 to vector<16xi1>
        %reduce_sum3A_1044 = tpu.scan <sum>, %convert_element_type3A_1041 masked %reduce_sum3A_1043 : vector<16xi32>, vector<16xi1> -> vector<16xi32>
        %reduce_sum3A_1045 = vector.extract %reduce_sum3A_1044[15] : i32 from vector<16xi32>
        %add3A_1046 = arith.addi %scan3A_968, %reduce_sum3A_1045 : i32
        %min3A_1047 = arith.constant 80 : i32
        %min3A_1048 = arith.minsi %add3A_1046, %min3A_1047 : i32
        %sub3A_1049 = arith.subf %get3A_973, %add3A_789 : vector<16xf32>
        %sub3A_1050 = arith.subf %get3A_977, %add3A_844 : vector<16xf32>
        %sub3A_1051 = arith.subf %get3A_981, %add3A_899 : vector<16xf32>
        %mul3A_1052 = arith.mulf %sub3A_1049, %sub3A_1049 : vector<16xf32>
        %mul3A_1053 = arith.mulf %sub3A_1050, %sub3A_1050 : vector<16xf32>
        %add3A_1054 = arith.addf %mul3A_1052, %mul3A_1053 : vector<16xf32>
        %mul3A_1055 = arith.mulf %sub3A_1051, %sub3A_1051 : vector<16xf32>
        %add3A_1056 = arith.addf %add3A_1054, %mul3A_1055 : vector<16xf32>
        %le3A_1057 = arith.cmpf ole, %add3A_1056, %add3A_954 : vector<16xf32>
        %mul3A_1058 = arith.constant 96 : i32
        %mul3A_1059 = arith.muli %add3A_734, %mul3A_1058 : i32
        %add3A_1060 = arith.addi %mul3A_1059, %scan3A_969 : i32
        %swap3A_1061 = arith.index_cast %add3A_1060 : i32 to index
        %swap3A_1062 = tpu.vector_load %arg17[%swap3A_1061] masked %le3A_1057 {strides = array<i32>} : memref<39936xi32, #tpu.memory_space<vmem>>, vector<16xi32>, vector<16xi1>
        tpu.vector_store %arg17[%swap3A_1061], %add3A_986 masked %le3A_1057 {strides = array<i32>} : memref<39936xi32, #tpu.memory_space<vmem>>, vector<16xi32>, vector<16xi1>
        %convert_element_type3A_1063 = arith.extui %le3A_1057 : vector<16xi1> to vector<16xi32>
        %reduce_sum3A_1064 = arith.constant true
        %reduce_sum3A_1065 = vector.broadcast %reduce_sum3A_1064 : i1 to vector<16xi1>
        %reduce_sum3A_1066 = tpu.scan <sum>, %convert_element_type3A_1063 masked %reduce_sum3A_1065 : vector<16xi32>, vector<16xi1> -> vector<16xi32>
        %reduce_sum3A_1067 = vector.extract %reduce_sum3A_1066[15] : i32 from vector<16xi32>
        %add3A_1068 = arith.addi %scan3A_969, %reduce_sum3A_1067 : i32
        %min3A_1069 = arith.constant 80 : i32
        %min3A_1070 = arith.minsi %add3A_1068, %min3A_1069 : i32
        scf.yield %min3A_1004, %min3A_1026, %min3A_1048, %min3A_1070 : i32, i32, i32, i32
      }
      %scan3A_964 = arith.constant 256 : i32
    }
    %scan3A_55 = arith.constant 104 : i32
    %mul3A_56 = arith.constant 96 : i32
    %mul3A_57 = arith.muli %add3A_41, %mul3A_56 : i32
    "tpu.region"() ({
      %run_scoped3A = tpu.sem_alloc : memref<!tpu.dma_semaphore, #tpu.memory_space<semaphore_mem>>
      %dma_start3A = tpu.memref_slice %arg9[%mul3A_57] : memref<1277952xi32, #tpu.memory_space<hbm>> -> memref<39936xi32, #tpu.memory_space<hbm>>
      %dma_start3A_58 = tpu.memref_slice %arg9[%mul3A_57] : memref<1277952xi32, #tpu.memory_space<hbm>> -> memref<39936xi32, #tpu.memory_space<hbm>>
      tpu.enqueue_dma source(%arg17 : memref<39936xi32, #tpu.memory_space<vmem>>) target(%dma_start3A_58 : memref<39936xi32, #tpu.memory_space<hbm>>) target_semaphore(%run_scoped3A : memref<!tpu.dma_semaphore, #tpu.memory_space<semaphore_mem>>)
      %dma_wait3A = tpu.memref_slice %arg9[%mul3A_57] : memref<1277952xi32, #tpu.memory_space<hbm>> -> memref<39936xi32, #tpu.memory_space<hbm>>
      %dma_wait3A_59 = tpu.memref_slice %arg9[%mul3A_57] : memref<1277952xi32, #tpu.memory_space<hbm>> -> memref<39936xi32, #tpu.memory_space<hbm>>
      tpu.wait_dma2 semaphore(%run_scoped3A : memref<!tpu.dma_semaphore, #tpu.memory_space<semaphore_mem>>) src(%arg17 : memref<39936xi32, #tpu.memory_space<vmem>>) dst(%dma_wait3A_59 : memref<39936xi32, #tpu.memory_space<hbm>>)
      tpu.yield
    }) : () -> ()
    return
  }
}

#map = affine_map<(d0, d1) -> (0, 0)>
#map1 = affine_map<(d0, d1) -> (0)>
module attributes {stable_mosaic.version = 14 : i64} {
  func.func @gk(%arg0: i32, %arg1: i32, %arg2: memref<15360x144xf32, #tpu.memory_space<hbm>>, %arg3: memref<212992xi32, #tpu.memory_space<hbm>>, %arg4: memref<212992x144xf32, #tpu.memory_space<hbm>>, %arg5: memref<512xi32, #tpu.memory_space<vmem>>, %arg6: memref<512x144xf32, #tpu.memory_space<vmem>>, %arg7: memref<!tpu.dma_semaphore, #tpu.memory_space<semaphore_mem>>) attributes {dimension_semantics = [#tpu.dimension_semantics<core_parallel>, #tpu.dimension_semantics<subcore_parallel>], iteration_bounds = array<i64: 2, 16>, scalar_prefetch = 0 : i64, scratch_operands = 3 : i64, tpu.core_type = #tpu.core_type<sc_vector_subcore>, window_params = [{transform_indices = #map}, {transform_indices = #map1}, {transform_indices = #map}]} {
    %mul3A = arith.constant 2 : i32
    %mul3A_0 = arith.muli %arg1, %mul3A : i32
    %add3A = arith.addi %mul3A_0, %arg0 : i32
    %mul3A_1 = arith.constant 6656 : i32
    %mul3A_2 = arith.muli %add3A, %mul3A_1 : i32
    %scan3A = arith.constant 0 : i32
    %scan3A_3 = arith.constant 0 : i32
    %scan3A_4 = arith.constant 13 : i32
    %scan3A_5 = arith.addi %scan3A_3, %scan3A_4 : i32
    %scan3A_6 = arith.constant 1 : i32
    scf.for %scan3A_8 = %scan3A_3 to %scan3A_5 step %scan3A_6  : i32 {
      %mul3A_9 = arith.constant 512 : i32
      %mul3A_10 = arith.muli %scan3A_8, %mul3A_9 : i32
      %add3A_11 = arith.addi %mul3A_2, %mul3A_10 : i32
      "tpu.region"() ({
        %run_scoped3A = tpu.sem_alloc : memref<!tpu.dma_semaphore, #tpu.memory_space<semaphore_mem>>
        %dma_start3A_16 = tpu.memref_slice %arg3[%add3A_11] : memref<212992xi32, #tpu.memory_space<hbm>> -> memref<512xi32, #tpu.memory_space<hbm>>
        %dma_start3A_17 = tpu.memref_slice %arg3[%add3A_11] : memref<212992xi32, #tpu.memory_space<hbm>> -> memref<512xi32, #tpu.memory_space<hbm>>
        tpu.enqueue_dma source(%dma_start3A_17 : memref<512xi32, #tpu.memory_space<hbm>>) target(%arg5 : memref<512xi32, #tpu.memory_space<vmem>>) target_semaphore(%run_scoped3A : memref<!tpu.dma_semaphore, #tpu.memory_space<semaphore_mem>>)
        %dma_wait3A_18 = tpu.memref_slice %arg3[%add3A_11] : memref<212992xi32, #tpu.memory_space<hbm>> -> memref<512xi32, #tpu.memory_space<hbm>>
        %dma_wait3A_19 = tpu.memref_slice %arg3[%add3A_11] : memref<212992xi32, #tpu.memory_space<hbm>> -> memref<512xi32, #tpu.memory_space<hbm>>
        tpu.wait_dma2 semaphore(%run_scoped3A : memref<!tpu.dma_semaphore, #tpu.memory_space<semaphore_mem>>) src(%dma_wait3A_19 : memref<512xi32, #tpu.memory_space<hbm>>) dst(%arg5 : memref<512xi32, #tpu.memory_space<vmem>>)
        tpu.yield
      }) : () -> ()
      %dma_start3A = arith.constant 0 : i32
      %dma_start3A_12 = arith.constant 0 : i32
      %dma_start3A_13 = tpu.memref_slice %arg2[%dma_start3A, %dma_start3A_12] : memref<15360x144xf32, #tpu.memory_space<hbm>> -> memref<15360x144xf32, #tpu.memory_space<hbm>>
      tpu.enqueue_indirect_dma source(%dma_start3A_13 : memref<15360x144xf32, #tpu.memory_space<hbm>>) target(%arg6 : memref<512x144xf32, #tpu.memory_space<vmem>>) offsets(%arg5 : memref<512xi32, #tpu.memory_space<vmem>>) semaphore(%arg7 : memref<!tpu.dma_semaphore, #tpu.memory_space<semaphore_mem>>)
      %dma_wait3A = arith.constant 0 : i32
      %dma_wait3A_14 = arith.constant 0 : i32
      %dma_wait3A_15 = tpu.memref_slice %arg2[%dma_wait3A, %dma_wait3A_14] : memref<15360x144xf32, #tpu.memory_space<hbm>> -> memref<15360x144xf32, #tpu.memory_space<hbm>>
      tpu.wait_indirect_dma semaphore(%arg7 : memref<!tpu.dma_semaphore, #tpu.memory_space<semaphore_mem>>) src(%dma_wait3A_15 : memref<15360x144xf32, #tpu.memory_space<hbm>>) dst(%arg6 : memref<512x144xf32, #tpu.memory_space<vmem>>)
      "tpu.region"() ({
        %run_scoped3A = tpu.sem_alloc : memref<!tpu.dma_semaphore, #tpu.memory_space<semaphore_mem>>
        %dma_start3A_16 = arith.constant 0 : i32
        %dma_start3A_17 = tpu.memref_slice %arg4[%add3A_11, %dma_start3A_16] : memref<212992x144xf32, #tpu.memory_space<hbm>> -> memref<512x144xf32, #tpu.memory_space<hbm>>
        %dma_start3A_18 = arith.constant 0 : i32
        %dma_start3A_19 = tpu.memref_slice %arg4[%add3A_11, %dma_start3A_18] : memref<212992x144xf32, #tpu.memory_space<hbm>> -> memref<512x144xf32, #tpu.memory_space<hbm>>
        tpu.enqueue_dma source(%arg6 : memref<512x144xf32, #tpu.memory_space<vmem>>) target(%dma_start3A_19 : memref<512x144xf32, #tpu.memory_space<hbm>>) target_semaphore(%run_scoped3A : memref<!tpu.dma_semaphore, #tpu.memory_space<semaphore_mem>>)
        %dma_wait3A_20 = arith.constant 0 : i32
        %dma_wait3A_21 = tpu.memref_slice %arg4[%add3A_11, %dma_wait3A_20] : memref<212992x144xf32, #tpu.memory_space<hbm>> -> memref<512x144xf32, #tpu.memory_space<hbm>>
        %dma_wait3A_22 = arith.constant 0 : i32
        %dma_wait3A_23 = tpu.memref_slice %arg4[%add3A_11, %dma_wait3A_22] : memref<212992x144xf32, #tpu.memory_space<hbm>> -> memref<512x144xf32, #tpu.memory_space<hbm>>
        tpu.wait_dma2 semaphore(%run_scoped3A : memref<!tpu.dma_semaphore, #tpu.memory_space<semaphore_mem>>) src(%arg6 : memref<512x144xf32, #tpu.memory_space<vmem>>) dst(%dma_wait3A_23 : memref<512x144xf32, #tpu.memory_space<hbm>>)
        tpu.yield
      }) : () -> ()
    }
    %scan3A_7 = arith.constant 13 : i32
    return
  }
}

#map = affine_map<(d0, d1) -> (0)>
module attributes {stable_mosaic.version = 14 : i64} {
  func.func @nk(%arg0: i32, %arg1: i32, %arg2: memref<13312xf32, #tpu.memory_space<hbm>>, %arg3: memref<13312xf32, #tpu.memory_space<hbm>>, %arg4: memref<13312xf32, #tpu.memory_space<hbm>>, %arg5: memref<3328xf32, #tpu.memory_space<hbm>>, %arg6: memref<3328xf32, #tpu.memory_space<hbm>>, %arg7: memref<3328xf32, #tpu.memory_space<hbm>>, %arg8: memref<3328xf32, #tpu.memory_space<hbm>>, %arg9: memref<319488xi32, #tpu.memory_space<hbm>>, %arg10: memref<832xf32, #tpu.memory_space<vmem>>, %arg11: memref<832xf32, #tpu.memory_space<vmem>>, %arg12: memref<832xf32, #tpu.memory_space<vmem>>, %arg13: memref<104xf32, #tpu.memory_space<vmem>>, %arg14: memref<104xf32, #tpu.memory_space<vmem>>, %arg15: memref<104xf32, #tpu.memory_space<vmem>>, %arg16: memref<104xf32, #tpu.memory_space<vmem>>, %arg17: memref<9984xi32, #tpu.memory_space<vmem>>) attributes {dimension_semantics = [#tpu.dimension_semantics<core_parallel>, #tpu.dimension_semantics<subcore_parallel>], iteration_bounds = array<i64: 2, 16>, scalar_prefetch = 0 : i64, scratch_operands = 8 : i64, tpu.core_type = #tpu.core_type<sc_vector_subcore>, window_params = [{transform_indices = #map}, {transform_indices = #map}, {transform_indices = #map}, {transform_indices = #map}, {transform_indices = #map}, {transform_indices = #map}, {transform_indices = #map}, {transform_indices = #map}]} {
    %mul3A = arith.constant 2 : i32
    %mul3A_0 = arith.muli %arg1, %mul3A : i32
    %add3A = arith.addi %mul3A_0, %arg0 : i32
    %jit3A = arith.constant 2 : i32
    %div3A = arith.divsi %add3A, %jit3A : i32
    %sign3A = arith.constant 0 : i32
    %sign3A_1 = arith.cmpi sgt, %add3A, %sign3A : i32
    %sign3A_2 = arith.extui %sign3A_1 : i1 to i32
    %sign3A_3 = arith.constant 0 : i32
    %sign3A_4 = arith.cmpi slt, %add3A, %sign3A_3 : i32
    %sign3A_5 = arith.extui %sign3A_4 : i1 to i32
    %sign3A_6 = arith.subi %sign3A_2, %sign3A_5 : i32
    %sign3A_7 = arith.constant 0 : i32
    %sign3A_8 = arith.cmpi sgt, %jit3A, %sign3A_7 : i32
    %sign3A_9 = arith.extui %sign3A_8 : i1 to i32
    %sign3A_10 = arith.constant 0 : i32
    %sign3A_11 = arith.cmpi slt, %jit3A, %sign3A_10 : i32
    %sign3A_12 = arith.extui %sign3A_11 : i1 to i32
    %sign3A_13 = arith.subi %sign3A_9, %sign3A_12 : i32
    %ne3A = arith.cmpi ne, %sign3A_6, %sign3A_13 : i32
    %rem3A = arith.remsi %add3A, %jit3A : i32
    %ne3A_14 = arith.constant 0 : i32
    %ne3A_15 = arith.cmpi ne, %rem3A, %ne3A_14 : i32
    %and3A = arith.andi %ne3A, %ne3A_15 : i1
    %sub3A = arith.constant 1 : i32
    %sub3A_16 = arith.subi %div3A, %sub3A : i32
    %select_n3A = arith.select %and3A, %sub3A_16, %div3A : i32
    %jit3A_17 = arith.constant 2 : i32
    %eq3A = arith.constant 0 : i32
    %eq3A_18 = arith.cmpi eq, %jit3A_17, %eq3A : i32
    %jit3A_19 = arith.constant 1 : i32
    %select_n3A_20 = arith.select %eq3A_18, %jit3A_19, %jit3A_17 : i32
    %rem3A_21 = arith.remsi %add3A, %select_n3A_20 : i32
    %ne3A_22 = arith.constant 0 : i32
    %ne3A_23 = arith.cmpi ne, %rem3A_21, %ne3A_22 : i32
    %lt3A = arith.constant 0 : i32
    %lt3A_24 = arith.cmpi slt, %rem3A_21, %lt3A : i32
    %lt3A_25 = arith.constant 0 : i32
    %lt3A_26 = arith.cmpi slt, %select_n3A_20, %lt3A_25 : i32
    %ne3A_27 = arith.xori %lt3A_24, %lt3A_26 : i1
    %and3A_28 = arith.andi %ne3A_27, %ne3A_23 : i1
    %add3A_29 = arith.addi %rem3A_21, %select_n3A_20 : i32
    %select_n3A_30 = arith.select %and3A_28, %add3A_29, %rem3A_21 : i32
    %mul3A_31 = arith.constant 104 : i32
    %mul3A_32 = arith.muli %select_n3A_30, %mul3A_31 : i32
    %mul3A_33 = arith.constant 832 : i32
    %mul3A_34 = arith.muli %select_n3A, %mul3A_33 : i32
    "tpu.region"() ({
      %run_scoped3A = tpu.sem_alloc : memref<!tpu.dma_semaphore, #tpu.memory_space<semaphore_mem>>
      %dma_start3A = tpu.memref_slice %arg2[%mul3A_34] : memref<13312xf32, #tpu.memory_space<hbm>> -> memref<832xf32, #tpu.memory_space<hbm>>
      %dma_start3A_58 = tpu.memref_slice %arg2[%mul3A_34] : memref<13312xf32, #tpu.memory_space<hbm>> -> memref<832xf32, #tpu.memory_space<hbm>>
      tpu.enqueue_dma source(%dma_start3A_58 : memref<832xf32, #tpu.memory_space<hbm>>) target(%arg10 : memref<832xf32, #tpu.memory_space<vmem>>) target_semaphore(%run_scoped3A : memref<!tpu.dma_semaphore, #tpu.memory_space<semaphore_mem>>)
      %dma_wait3A = tpu.memref_slice %arg2[%mul3A_34] : memref<13312xf32, #tpu.memory_space<hbm>> -> memref<832xf32, #tpu.memory_space<hbm>>
      %dma_wait3A_59 = tpu.memref_slice %arg2[%mul3A_34] : memref<13312xf32, #tpu.memory_space<hbm>> -> memref<832xf32, #tpu.memory_space<hbm>>
      tpu.wait_dma2 semaphore(%run_scoped3A : memref<!tpu.dma_semaphore, #tpu.memory_space<semaphore_mem>>) src(%dma_wait3A_59 : memref<832xf32, #tpu.memory_space<hbm>>) dst(%arg10 : memref<832xf32, #tpu.memory_space<vmem>>)
      tpu.yield
    }) : () -> ()
    %mul3A_35 = arith.constant 832 : i32
    %mul3A_36 = arith.muli %select_n3A, %mul3A_35 : i32
    "tpu.region"() ({
      %run_scoped3A = tpu.sem_alloc : memref<!tpu.dma_semaphore, #tpu.memory_space<semaphore_mem>>
      %dma_start3A = tpu.memref_slice %arg3[%mul3A_36] : memref<13312xf32, #tpu.memory_space<hbm>> -> memref<832xf32, #tpu.memory_space<hbm>>
      %dma_start3A_58 = tpu.memref_slice %arg3[%mul3A_36] : memref<13312xf32, #tpu.memory_space<hbm>> -> memref<832xf32, #tpu.memory_space<hbm>>
      tpu.enqueue_dma source(%dma_start3A_58 : memref<832xf32, #tpu.memory_space<hbm>>) target(%arg11 : memref<832xf32, #tpu.memory_space<vmem>>) target_semaphore(%run_scoped3A : memref<!tpu.dma_semaphore, #tpu.memory_space<semaphore_mem>>)
      %dma_wait3A = tpu.memref_slice %arg3[%mul3A_36] : memref<13312xf32, #tpu.memory_space<hbm>> -> memref<832xf32, #tpu.memory_space<hbm>>
      %dma_wait3A_59 = tpu.memref_slice %arg3[%mul3A_36] : memref<13312xf32, #tpu.memory_space<hbm>> -> memref<832xf32, #tpu.memory_space<hbm>>
      tpu.wait_dma2 semaphore(%run_scoped3A : memref<!tpu.dma_semaphore, #tpu.memory_space<semaphore_mem>>) src(%dma_wait3A_59 : memref<832xf32, #tpu.memory_space<hbm>>) dst(%arg11 : memref<832xf32, #tpu.memory_space<vmem>>)
      tpu.yield
    }) : () -> ()
    %mul3A_37 = arith.constant 832 : i32
    %mul3A_38 = arith.muli %select_n3A, %mul3A_37 : i32
    "tpu.region"() ({
      %run_scoped3A = tpu.sem_alloc : memref<!tpu.dma_semaphore, #tpu.memory_space<semaphore_mem>>
      %dma_start3A = tpu.memref_slice %arg4[%mul3A_38] : memref<13312xf32, #tpu.memory_space<hbm>> -> memref<832xf32, #tpu.memory_space<hbm>>
      %dma_start3A_58 = tpu.memref_slice %arg4[%mul3A_38] : memref<13312xf32, #tpu.memory_space<hbm>> -> memref<832xf32, #tpu.memory_space<hbm>>
      tpu.enqueue_dma source(%dma_start3A_58 : memref<832xf32, #tpu.memory_space<hbm>>) target(%arg12 : memref<832xf32, #tpu.memory_space<vmem>>) target_semaphore(%run_scoped3A : memref<!tpu.dma_semaphore, #tpu.memory_space<semaphore_mem>>)
      %dma_wait3A = tpu.memref_slice %arg4[%mul3A_38] : memref<13312xf32, #tpu.memory_space<hbm>> -> memref<832xf32, #tpu.memory_space<hbm>>
      %dma_wait3A_59 = tpu.memref_slice %arg4[%mul3A_38] : memref<13312xf32, #tpu.memory_space<hbm>> -> memref<832xf32, #tpu.memory_space<hbm>>
      tpu.wait_dma2 semaphore(%run_scoped3A : memref<!tpu.dma_semaphore, #tpu.memory_space<semaphore_mem>>) src(%dma_wait3A_59 : memref<832xf32, #tpu.memory_space<hbm>>) dst(%arg12 : memref<832xf32, #tpu.memory_space<vmem>>)
      tpu.yield
    }) : () -> ()
    %mul3A_39 = arith.constant 208 : i32
    %mul3A_40 = arith.muli %select_n3A, %mul3A_39 : i32
    %add3A_41 = arith.addi %mul3A_40, %mul3A_32 : i32
    "tpu.region"() ({
      %run_scoped3A = tpu.sem_alloc : memref<!tpu.dma_semaphore, #tpu.memory_space<semaphore_mem>>
      %dma_start3A = tpu.memref_slice %arg5[%add3A_41] : memref<3328xf32, #tpu.memory_space<hbm>> -> memref<104xf32, #tpu.memory_space<hbm>>
      %dma_start3A_58 = tpu.memref_slice %arg5[%add3A_41] : memref<3328xf32, #tpu.memory_space<hbm>> -> memref<104xf32, #tpu.memory_space<hbm>>
      tpu.enqueue_dma source(%dma_start3A_58 : memref<104xf32, #tpu.memory_space<hbm>>) target(%arg13 : memref<104xf32, #tpu.memory_space<vmem>>) target_semaphore(%run_scoped3A : memref<!tpu.dma_semaphore, #tpu.memory_space<semaphore_mem>>)
      %dma_wait3A = tpu.memref_slice %arg5[%add3A_41] : memref<3328xf32, #tpu.memory_space<hbm>> -> memref<104xf32, #tpu.memory_space<hbm>>
      %dma_wait3A_59 = tpu.memref_slice %arg5[%add3A_41] : memref<3328xf32, #tpu.memory_space<hbm>> -> memref<104xf32, #tpu.memory_space<hbm>>
      tpu.wait_dma2 semaphore(%run_scoped3A : memref<!tpu.dma_semaphore, #tpu.memory_space<semaphore_mem>>) src(%dma_wait3A_59 : memref<104xf32, #tpu.memory_space<hbm>>) dst(%arg13 : memref<104xf32, #tpu.memory_space<vmem>>)
      tpu.yield
    }) : () -> ()
    "tpu.region"() ({
      %run_scoped3A = tpu.sem_alloc : memref<!tpu.dma_semaphore, #tpu.memory_space<semaphore_mem>>
      %dma_start3A = tpu.memref_slice %arg6[%add3A_41] : memref<3328xf32, #tpu.memory_space<hbm>> -> memref<104xf32, #tpu.memory_space<hbm>>
      %dma_start3A_58 = tpu.memref_slice %arg6[%add3A_41] : memref<3328xf32, #tpu.memory_space<hbm>> -> memref<104xf32, #tpu.memory_space<hbm>>
      tpu.enqueue_dma source(%dma_start3A_58 : memref<104xf32, #tpu.memory_space<hbm>>) target(%arg14 : memref<104xf32, #tpu.memory_space<vmem>>) target_semaphore(%run_scoped3A : memref<!tpu.dma_semaphore, #tpu.memory_space<semaphore_mem>>)
      %dma_wait3A = tpu.memref_slice %arg6[%add3A_41] : memref<3328xf32, #tpu.memory_space<hbm>> -> memref<104xf32, #tpu.memory_space<hbm>>
      %dma_wait3A_59 = tpu.memref_slice %arg6[%add3A_41] : memref<3328xf32, #tpu.memory_space<hbm>> -> memref<104xf32, #tpu.memory_space<hbm>>
      tpu.wait_dma2 semaphore(%run_scoped3A : memref<!tpu.dma_semaphore, #tpu.memory_space<semaphore_mem>>) src(%dma_wait3A_59 : memref<104xf32, #tpu.memory_space<hbm>>) dst(%arg14 : memref<104xf32, #tpu.memory_space<vmem>>)
      tpu.yield
    }) : () -> ()
    "tpu.region"() ({
      %run_scoped3A = tpu.sem_alloc : memref<!tpu.dma_semaphore, #tpu.memory_space<semaphore_mem>>
      %dma_start3A = tpu.memref_slice %arg7[%add3A_41] : memref<3328xf32, #tpu.memory_space<hbm>> -> memref<104xf32, #tpu.memory_space<hbm>>
      %dma_start3A_58 = tpu.memref_slice %arg7[%add3A_41] : memref<3328xf32, #tpu.memory_space<hbm>> -> memref<104xf32, #tpu.memory_space<hbm>>
      tpu.enqueue_dma source(%dma_start3A_58 : memref<104xf32, #tpu.memory_space<hbm>>) target(%arg15 : memref<104xf32, #tpu.memory_space<vmem>>) target_semaphore(%run_scoped3A : memref<!tpu.dma_semaphore, #tpu.memory_space<semaphore_mem>>)
      %dma_wait3A = tpu.memref_slice %arg7[%add3A_41] : memref<3328xf32, #tpu.memory_space<hbm>> -> memref<104xf32, #tpu.memory_space<hbm>>
      %dma_wait3A_59 = tpu.memref_slice %arg7[%add3A_41] : memref<3328xf32, #tpu.memory_space<hbm>> -> memref<104xf32, #tpu.memory_space<hbm>>
      tpu.wait_dma2 semaphore(%run_scoped3A : memref<!tpu.dma_semaphore, #tpu.memory_space<semaphore_mem>>) src(%dma_wait3A_59 : memref<104xf32, #tpu.memory_space<hbm>>) dst(%arg15 : memref<104xf32, #tpu.memory_space<vmem>>)
      tpu.yield
    }) : () -> ()
    "tpu.region"() ({
      %run_scoped3A = tpu.sem_alloc : memref<!tpu.dma_semaphore, #tpu.memory_space<semaphore_mem>>
      %dma_start3A = tpu.memref_slice %arg8[%add3A_41] : memref<3328xf32, #tpu.memory_space<hbm>> -> memref<104xf32, #tpu.memory_space<hbm>>
      %dma_start3A_58 = tpu.memref_slice %arg8[%add3A_41] : memref<3328xf32, #tpu.memory_space<hbm>> -> memref<104xf32, #tpu.memory_space<hbm>>
      tpu.enqueue_dma source(%dma_start3A_58 : memref<104xf32, #tpu.memory_space<hbm>>) target(%arg16 : memref<104xf32, #tpu.memory_space<vmem>>) target_semaphore(%run_scoped3A : memref<!tpu.dma_semaphore, #tpu.memory_space<semaphore_mem>>)
      %dma_wait3A = tpu.memref_slice %arg8[%add3A_41] : memref<3328xf32, #tpu.memory_space<hbm>> -> memref<104xf32, #tpu.memory_space<hbm>>
      %dma_wait3A_59 = tpu.memref_slice %arg8[%add3A_41] : memref<3328xf32, #tpu.memory_space<hbm>> -> memref<104xf32, #tpu.memory_space<hbm>>
      tpu.wait_dma2 semaphore(%run_scoped3A : memref<!tpu.dma_semaphore, #tpu.memory_space<semaphore_mem>>) src(%dma_wait3A_59 : memref<104xf32, #tpu.memory_space<hbm>>) dst(%arg16 : memref<104xf32, #tpu.memory_space<vmem>>)
      tpu.yield
    }) : () -> ()
    %broadcast_in_dim3A = arith.constant 13312 : i32
    %broadcast_in_dim3A_42 = vector.broadcast %broadcast_in_dim3A : i32 to vector<16xi32>
    %scan3A = arith.constant 0 : i32
    %scan3A_43 = arith.constant 0 : i32
    %scan3A_44 = arith.constant 624 : i32
    %scan3A_45 = arith.addi %scan3A_43, %scan3A_44 : i32
    %scan3A_46 = arith.constant 1 : i32
    scf.for %scan3A_58 = %scan3A_43 to %scan3A_45 step %scan3A_46  : i32 {
      %mul3A_59 = arith.constant 16 : i32
      %mul3A_60 = arith.muli %scan3A_58, %mul3A_59 : i32
      %swap3A = arith.index_cast %mul3A_60 : i32 to index
      %swap3A_61 = tpu.vector_load %arg17[%swap3A] {strides = array<i32>} : memref<9984xi32, #tpu.memory_space<vmem>>, vector<16xi32>,
      tpu.vector_store %arg17[%swap3A], %broadcast_in_dim3A_42 {strides = array<i32>} : memref<9984xi32, #tpu.memory_space<vmem>>, vector<16xi32>,
    }
    %scan3A_47 = arith.constant 624 : i32
    %iota3A = tpu.iota {dimensions = array<i32: 0>} : vector<16xi32>
    %mul3A_48 = arith.constant 832 : i32
    %mul3A_49 = arith.muli %select_n3A, %mul3A_48 : i32
    %scan3A_50 = arith.constant 0 : i32
    %scan3A_51 = arith.constant 0 : i32
    %scan3A_52 = arith.constant 26 : i32
    %scan3A_53 = arith.addi %scan3A_51, %scan3A_52 : i32
    %scan3A_54 = arith.constant 1 : i32
    scf.for %scan3A_58 = %scan3A_51 to %scan3A_53 step %scan3A_54  : i32 {
      %broadcast_in_dim3A_59 = arith.constant 0.000000e+00 : f32
      %broadcast_in_dim3A_60 = vector.broadcast %broadcast_in_dim3A_59 : f32 to vector<16xf32>
      %mul3A_61 = arith.constant 4 : i32
      %mul3A_62 = arith.muli %scan3A_58, %mul3A_61 : i32
      %add3A_63 = arith.constant 0 : i32
      %add3A_64 = arith.addi %mul3A_62, %add3A_63 : i32
      %jit3A_65 = arith.constant 16 : i32
      %eq3A_66 = arith.constant 0 : i32
      %eq3A_67 = arith.cmpi eq, %jit3A_65, %eq3A_66 : i32
      %jit3A_68 = arith.constant 1 : i32
      %select_n3A_69 = arith.select %eq3A_67, %jit3A_68, %jit3A_65 : i32
      %rem3A_70 = arith.remsi %add3A_64, %select_n3A_69 : i32
      %ne3A_71 = arith.constant 0 : i32
      %ne3A_72 = arith.cmpi ne, %rem3A_70, %ne3A_71 : i32
      %lt3A_73 = arith.constant 0 : i32
      %lt3A_74 = arith.cmpi slt, %rem3A_70, %lt3A_73 : i32
      %lt3A_75 = arith.constant 0 : i32
      %lt3A_76 = arith.cmpi slt, %select_n3A_69, %lt3A_75 : i32
      %ne3A_77 = arith.xori %lt3A_74, %lt3A_76 : i1
      %and3A_78 = arith.andi %ne3A_77, %ne3A_72 : i1
      %add3A_79 = arith.addi %rem3A_70, %select_n3A_69 : i32
      %select_n3A_80 = arith.select %and3A_78, %add3A_79, %rem3A_70 : i32
      %eq3A_81 = vector.broadcast %select_n3A_80 : i32 to vector<16xi32>
      %eq3A_82 = arith.cmpi eq, %iota3A, %eq3A_81 : vector<16xi32>
      %jit3A_83 = arith.constant 16 : i32
      %div3A_84 = arith.divsi %add3A_64, %jit3A_83 : i32
      %sign3A_85 = arith.constant 0 : i32
      %sign3A_86 = arith.cmpi sgt, %add3A_64, %sign3A_85 : i32
      %sign3A_87 = arith.extui %sign3A_86 : i1 to i32
      %sign3A_88 = arith.constant 0 : i32
      %sign3A_89 = arith.cmpi slt, %add3A_64, %sign3A_88 : i32
      %sign3A_90 = arith.extui %sign3A_89 : i1 to i32
      %sign3A_91 = arith.subi %sign3A_87, %sign3A_90 : i32
      %sign3A_92 = arith.constant 0 : i32
      %sign3A_93 = arith.cmpi sgt, %jit3A_83, %sign3A_92 : i32
      %sign3A_94 = arith.extui %sign3A_93 : i1 to i32
      %sign3A_95 = arith.constant 0 : i32
      %sign3A_96 = arith.cmpi slt, %jit3A_83, %sign3A_95 : i32
      %sign3A_97 = arith.extui %sign3A_96 : i1 to i32
      %sign3A_98 = arith.subi %sign3A_94, %sign3A_97 : i32
      %ne3A_99 = arith.cmpi ne, %sign3A_91, %sign3A_98 : i32
      %rem3A_100 = arith.remsi %add3A_64, %jit3A_83 : i32
      %ne3A_101 = arith.constant 0 : i32
      %ne3A_102 = arith.cmpi ne, %rem3A_100, %ne3A_101 : i32
      %and3A_103 = arith.andi %ne3A_99, %ne3A_102 : i1
      %sub3A_104 = arith.constant 1 : i32
      %sub3A_105 = arith.subi %div3A_84, %sub3A_104 : i32
      %select_n3A_106 = arith.select %and3A_103, %sub3A_105, %div3A_84 : i32
      %mul3A_107 = arith.constant 16 : i32
      %mul3A_108 = arith.muli %select_n3A_106, %mul3A_107 : i32
      %get3A = arith.index_cast %mul3A_108 : i32 to index
      %get3A_109 = tpu.vector_load %arg13[%get3A] {strides = array<i32>} : memref<104xf32, #tpu.memory_space<vmem>>, vector<16xf32>,
      %jit3A_110 = arith.constant 0.000000e+00 : f32
      %broadcast_in_dim3A_111 = vector.broadcast %jit3A_110 : f32 to vector<16xf32>
      %select_n3A_112 = arith.select %eq3A_82, %get3A_109, %broadcast_in_dim3A_111 : vector<16xi1>, vector<16xf32>
      %reduce_sum3A = arith.constant true
      %reduce_sum3A_113 = vector.broadcast %reduce_sum3A : i1 to vector<16xi1>
      %reduce_sum3A_114 = tpu.scan <sum>, %select_n3A_112 masked %reduce_sum3A_113 : vector<16xf32>, vector<16xi1> -> vector<16xf32>
      %reduce_sum3A_115 = vector.extract %reduce_sum3A_114[15] : f32 from vector<16xf32>
      %add3A_116 = vector.broadcast %reduce_sum3A_115 : f32 to vector<16xf32>
      %add3A_117 = arith.addf %broadcast_in_dim3A_60, %add3A_116 : vector<16xf32>
      %jit3A_118 = arith.constant 16 : i32
      %eq3A_119 = arith.constant 0 : i32
      %eq3A_120 = arith.cmpi eq, %jit3A_118, %eq3A_119 : i32
      %jit3A_121 = arith.constant 1 : i32
      %select_n3A_122 = arith.select %eq3A_120, %jit3A_121, %jit3A_118 : i32
      %rem3A_123 = arith.remsi %add3A_64, %select_n3A_122 : i32
      %ne3A_124 = arith.constant 0 : i32
      %ne3A_125 = arith.cmpi ne, %rem3A_123, %ne3A_124 : i32
      %lt3A_126 = arith.constant 0 : i32
      %lt3A_127 = arith.cmpi slt, %rem3A_123, %lt3A_126 : i32
      %lt3A_128 = arith.constant 0 : i32
      %lt3A_129 = arith.cmpi slt, %select_n3A_122, %lt3A_128 : i32
      %ne3A_130 = arith.xori %lt3A_127, %lt3A_129 : i1
      %and3A_131 = arith.andi %ne3A_130, %ne3A_125 : i1
      %add3A_132 = arith.addi %rem3A_123, %select_n3A_122 : i32
      %select_n3A_133 = arith.select %and3A_131, %add3A_132, %rem3A_123 : i32
      %eq3A_134 = vector.broadcast %select_n3A_133 : i32 to vector<16xi32>
      %eq3A_135 = arith.cmpi eq, %iota3A, %eq3A_134 : vector<16xi32>
      %jit3A_136 = arith.constant 16 : i32
      %div3A_137 = arith.divsi %add3A_64, %jit3A_136 : i32
      %sign3A_138 = arith.constant 0 : i32
      %sign3A_139 = arith.cmpi sgt, %add3A_64, %sign3A_138 : i32
      %sign3A_140 = arith.extui %sign3A_139 : i1 to i32
      %sign3A_141 = arith.constant 0 : i32
      %sign3A_142 = arith.cmpi slt, %add3A_64, %sign3A_141 : i32
      %sign3A_143 = arith.extui %sign3A_142 : i1 to i32
      %sign3A_144 = arith.subi %sign3A_140, %sign3A_143 : i32
      %sign3A_145 = arith.constant 0 : i32
      %sign3A_146 = arith.cmpi sgt, %jit3A_136, %sign3A_145 : i32
      %sign3A_147 = arith.extui %sign3A_146 : i1 to i32
      %sign3A_148 = arith.constant 0 : i32
      %sign3A_149 = arith.cmpi slt, %jit3A_136, %sign3A_148 : i32
      %sign3A_150 = arith.extui %sign3A_149 : i1 to i32
      %sign3A_151 = arith.subi %sign3A_147, %sign3A_150 : i32
      %ne3A_152 = arith.cmpi ne, %sign3A_144, %sign3A_151 : i32
      %rem3A_153 = arith.remsi %add3A_64, %jit3A_136 : i32
      %ne3A_154 = arith.constant 0 : i32
      %ne3A_155 = arith.cmpi ne, %rem3A_153, %ne3A_154 : i32
      %and3A_156 = arith.andi %ne3A_152, %ne3A_155 : i1
      %sub3A_157 = arith.constant 1 : i32
      %sub3A_158 = arith.subi %div3A_137, %sub3A_157 : i32
      %select_n3A_159 = arith.select %and3A_156, %sub3A_158, %div3A_137 : i32
      %mul3A_160 = arith.constant 16 : i32
      %mul3A_161 = arith.muli %select_n3A_159, %mul3A_160 : i32
      %get3A_162 = arith.index_cast %mul3A_161 : i32 to index
      %get3A_163 = tpu.vector_load %arg14[%get3A_162] {strides = array<i32>} : memref<104xf32, #tpu.memory_space<vmem>>, vector<16xf32>,
      %jit3A_164 = arith.constant 0.000000e+00 : f32
      %broadcast_in_dim3A_165 = vector.broadcast %jit3A_164 : f32 to vector<16xf32>
      %select_n3A_166 = arith.select %eq3A_135, %get3A_163, %broadcast_in_dim3A_165 : vector<16xi1>, vector<16xf32>
      %reduce_sum3A_167 = arith.constant true
      %reduce_sum3A_168 = vector.broadcast %reduce_sum3A_167 : i1 to vector<16xi1>
      %reduce_sum3A_169 = tpu.scan <sum>, %select_n3A_166 masked %reduce_sum3A_168 : vector<16xf32>, vector<16xi1> -> vector<16xf32>
      %reduce_sum3A_170 = vector.extract %reduce_sum3A_169[15] : f32 from vector<16xf32>
      %add3A_171 = vector.broadcast %reduce_sum3A_170 : f32 to vector<16xf32>
      %add3A_172 = arith.addf %broadcast_in_dim3A_60, %add3A_171 : vector<16xf32>
      %jit3A_173 = arith.constant 16 : i32
      %eq3A_174 = arith.constant 0 : i32
      %eq3A_175 = arith.cmpi eq, %jit3A_173, %eq3A_174 : i32
      %jit3A_176 = arith.constant 1 : i32
      %select_n3A_177 = arith.select %eq3A_175, %jit3A_176, %jit3A_173 : i32
      %rem3A_178 = arith.remsi %add3A_64, %select_n3A_177 : i32
      %ne3A_179 = arith.constant 0 : i32
      %ne3A_180 = arith.cmpi ne, %rem3A_178, %ne3A_179 : i32
      %lt3A_181 = arith.constant 0 : i32
      %lt3A_182 = arith.cmpi slt, %rem3A_178, %lt3A_181 : i32
      %lt3A_183 = arith.constant 0 : i32
      %lt3A_184 = arith.cmpi slt, %select_n3A_177, %lt3A_183 : i32
      %ne3A_185 = arith.xori %lt3A_182, %lt3A_184 : i1
      %and3A_186 = arith.andi %ne3A_185, %ne3A_180 : i1
      %add3A_187 = arith.addi %rem3A_178, %select_n3A_177 : i32
      %select_n3A_188 = arith.select %and3A_186, %add3A_187, %rem3A_178 : i32
      %eq3A_189 = vector.broadcast %select_n3A_188 : i32 to vector<16xi32>
      %eq3A_190 = arith.cmpi eq, %iota3A, %eq3A_189 : vector<16xi32>
      %jit3A_191 = arith.constant 16 : i32
      %div3A_192 = arith.divsi %add3A_64, %jit3A_191 : i32
      %sign3A_193 = arith.constant 0 : i32
      %sign3A_194 = arith.cmpi sgt, %add3A_64, %sign3A_193 : i32
      %sign3A_195 = arith.extui %sign3A_194 : i1 to i32
      %sign3A_196 = arith.constant 0 : i32
      %sign3A_197 = arith.cmpi slt, %add3A_64, %sign3A_196 : i32
      %sign3A_198 = arith.extui %sign3A_197 : i1 to i32
      %sign3A_199 = arith.subi %sign3A_195, %sign3A_198 : i32
      %sign3A_200 = arith.constant 0 : i32
      %sign3A_201 = arith.cmpi sgt, %jit3A_191, %sign3A_200 : i32
      %sign3A_202 = arith.extui %sign3A_201 : i1 to i32
      %sign3A_203 = arith.constant 0 : i32
      %sign3A_204 = arith.cmpi slt, %jit3A_191, %sign3A_203 : i32
      %sign3A_205 = arith.extui %sign3A_204 : i1 to i32
      %sign3A_206 = arith.subi %sign3A_202, %sign3A_205 : i32
      %ne3A_207 = arith.cmpi ne, %sign3A_199, %sign3A_206 : i32
      %rem3A_208 = arith.remsi %add3A_64, %jit3A_191 : i32
      %ne3A_209 = arith.constant 0 : i32
      %ne3A_210 = arith.cmpi ne, %rem3A_208, %ne3A_209 : i32
      %and3A_211 = arith.andi %ne3A_207, %ne3A_210 : i1
      %sub3A_212 = arith.constant 1 : i32
      %sub3A_213 = arith.subi %div3A_192, %sub3A_212 : i32
      %select_n3A_214 = arith.select %and3A_211, %sub3A_213, %div3A_192 : i32
      %mul3A_215 = arith.constant 16 : i32
      %mul3A_216 = arith.muli %select_n3A_214, %mul3A_215 : i32
      %get3A_217 = arith.index_cast %mul3A_216 : i32 to index
      %get3A_218 = tpu.vector_load %arg15[%get3A_217] {strides = array<i32>} : memref<104xf32, #tpu.memory_space<vmem>>, vector<16xf32>,
      %jit3A_219 = arith.constant 0.000000e+00 : f32
      %broadcast_in_dim3A_220 = vector.broadcast %jit3A_219 : f32 to vector<16xf32>
      %select_n3A_221 = arith.select %eq3A_190, %get3A_218, %broadcast_in_dim3A_220 : vector<16xi1>, vector<16xf32>
      %reduce_sum3A_222 = arith.constant true
      %reduce_sum3A_223 = vector.broadcast %reduce_sum3A_222 : i1 to vector<16xi1>
      %reduce_sum3A_224 = tpu.scan <sum>, %select_n3A_221 masked %reduce_sum3A_223 : vector<16xf32>, vector<16xi1> -> vector<16xf32>
      %reduce_sum3A_225 = vector.extract %reduce_sum3A_224[15] : f32 from vector<16xf32>
      %add3A_226 = vector.broadcast %reduce_sum3A_225 : f32 to vector<16xf32>
      %add3A_227 = arith.addf %broadcast_in_dim3A_60, %add3A_226 : vector<16xf32>
      %jit3A_228 = arith.constant 16 : i32
      %eq3A_229 = arith.constant 0 : i32
      %eq3A_230 = arith.cmpi eq, %jit3A_228, %eq3A_229 : i32
      %jit3A_231 = arith.constant 1 : i32
      %select_n3A_232 = arith.select %eq3A_230, %jit3A_231, %jit3A_228 : i32
      %rem3A_233 = arith.remsi %add3A_64, %select_n3A_232 : i32
      %ne3A_234 = arith.constant 0 : i32
      %ne3A_235 = arith.cmpi ne, %rem3A_233, %ne3A_234 : i32
      %lt3A_236 = arith.constant 0 : i32
      %lt3A_237 = arith.cmpi slt, %rem3A_233, %lt3A_236 : i32
      %lt3A_238 = arith.constant 0 : i32
      %lt3A_239 = arith.cmpi slt, %select_n3A_232, %lt3A_238 : i32
      %ne3A_240 = arith.xori %lt3A_237, %lt3A_239 : i1
      %and3A_241 = arith.andi %ne3A_240, %ne3A_235 : i1
      %add3A_242 = arith.addi %rem3A_233, %select_n3A_232 : i32
      %select_n3A_243 = arith.select %and3A_241, %add3A_242, %rem3A_233 : i32
      %eq3A_244 = vector.broadcast %select_n3A_243 : i32 to vector<16xi32>
      %eq3A_245 = arith.cmpi eq, %iota3A, %eq3A_244 : vector<16xi32>
      %jit3A_246 = arith.constant 16 : i32
      %div3A_247 = arith.divsi %add3A_64, %jit3A_246 : i32
      %sign3A_248 = arith.constant 0 : i32
      %sign3A_249 = arith.cmpi sgt, %add3A_64, %sign3A_248 : i32
      %sign3A_250 = arith.extui %sign3A_249 : i1 to i32
      %sign3A_251 = arith.constant 0 : i32
      %sign3A_252 = arith.cmpi slt, %add3A_64, %sign3A_251 : i32
      %sign3A_253 = arith.extui %sign3A_252 : i1 to i32
      %sign3A_254 = arith.subi %sign3A_250, %sign3A_253 : i32
      %sign3A_255 = arith.constant 0 : i32
      %sign3A_256 = arith.cmpi sgt, %jit3A_246, %sign3A_255 : i32
      %sign3A_257 = arith.extui %sign3A_256 : i1 to i32
      %sign3A_258 = arith.constant 0 : i32
      %sign3A_259 = arith.cmpi slt, %jit3A_246, %sign3A_258 : i32
      %sign3A_260 = arith.extui %sign3A_259 : i1 to i32
      %sign3A_261 = arith.subi %sign3A_257, %sign3A_260 : i32
      %ne3A_262 = arith.cmpi ne, %sign3A_254, %sign3A_261 : i32
      %rem3A_263 = arith.remsi %add3A_64, %jit3A_246 : i32
      %ne3A_264 = arith.constant 0 : i32
      %ne3A_265 = arith.cmpi ne, %rem3A_263, %ne3A_264 : i32
      %and3A_266 = arith.andi %ne3A_262, %ne3A_265 : i1
      %sub3A_267 = arith.constant 1 : i32
      %sub3A_268 = arith.subi %div3A_247, %sub3A_267 : i32
      %select_n3A_269 = arith.select %and3A_266, %sub3A_268, %div3A_247 : i32
      %mul3A_270 = arith.constant 16 : i32
      %mul3A_271 = arith.muli %select_n3A_269, %mul3A_270 : i32
      %get3A_272 = arith.index_cast %mul3A_271 : i32 to index
      %get3A_273 = tpu.vector_load %arg16[%get3A_272] {strides = array<i32>} : memref<104xf32, #tpu.memory_space<vmem>>, vector<16xf32>,
      %jit3A_274 = arith.constant 0.000000e+00 : f32
      %broadcast_in_dim3A_275 = vector.broadcast %jit3A_274 : f32 to vector<16xf32>
      %select_n3A_276 = arith.select %eq3A_245, %get3A_273, %broadcast_in_dim3A_275 : vector<16xi1>, vector<16xf32>
      %reduce_sum3A_277 = arith.constant true
      %reduce_sum3A_278 = vector.broadcast %reduce_sum3A_277 : i1 to vector<16xi1>
      %reduce_sum3A_279 = tpu.scan <sum>, %select_n3A_276 masked %reduce_sum3A_278 : vector<16xf32>, vector<16xi1> -> vector<16xf32>
      %reduce_sum3A_280 = vector.extract %reduce_sum3A_279[15] : f32 from vector<16xf32>
      %add3A_281 = vector.broadcast %reduce_sum3A_280 : f32 to vector<16xf32>
      %add3A_282 = arith.addf %broadcast_in_dim3A_60, %add3A_281 : vector<16xf32>
      %mul3A_283 = arith.constant 4 : i32
      %mul3A_284 = arith.muli %scan3A_58, %mul3A_283 : i32
      %add3A_285 = arith.constant 1 : i32
      %add3A_286 = arith.addi %mul3A_284, %add3A_285 : i32
      %jit3A_287 = arith.constant 16 : i32
      %eq3A_288 = arith.constant 0 : i32
      %eq3A_289 = arith.cmpi eq, %jit3A_287, %eq3A_288 : i32
      %jit3A_290 = arith.constant 1 : i32
      %select_n3A_291 = arith.select %eq3A_289, %jit3A_290, %jit3A_287 : i32
      %rem3A_292 = arith.remsi %add3A_286, %select_n3A_291 : i32
      %ne3A_293 = arith.constant 0 : i32
      %ne3A_294 = arith.cmpi ne, %rem3A_292, %ne3A_293 : i32
      %lt3A_295 = arith.constant 0 : i32
      %lt3A_296 = arith.cmpi slt, %rem3A_292, %lt3A_295 : i32
      %lt3A_297 = arith.constant 0 : i32
      %lt3A_298 = arith.cmpi slt, %select_n3A_291, %lt3A_297 : i32
      %ne3A_299 = arith.xori %lt3A_296, %lt3A_298 : i1
      %and3A_300 = arith.andi %ne3A_299, %ne3A_294 : i1
      %add3A_301 = arith.addi %rem3A_292, %select_n3A_291 : i32
      %select_n3A_302 = arith.select %and3A_300, %add3A_301, %rem3A_292 : i32
      %eq3A_303 = vector.broadcast %select_n3A_302 : i32 to vector<16xi32>
      %eq3A_304 = arith.cmpi eq, %iota3A, %eq3A_303 : vector<16xi32>
      %jit3A_305 = arith.constant 16 : i32
      %div3A_306 = arith.divsi %add3A_286, %jit3A_305 : i32
      %sign3A_307 = arith.constant 0 : i32
      %sign3A_308 = arith.cmpi sgt, %add3A_286, %sign3A_307 : i32
      %sign3A_309 = arith.extui %sign3A_308 : i1 to i32
      %sign3A_310 = arith.constant 0 : i32
      %sign3A_311 = arith.cmpi slt, %add3A_286, %sign3A_310 : i32
      %sign3A_312 = arith.extui %sign3A_311 : i1 to i32
      %sign3A_313 = arith.subi %sign3A_309, %sign3A_312 : i32
      %sign3A_314 = arith.constant 0 : i32
      %sign3A_315 = arith.cmpi sgt, %jit3A_305, %sign3A_314 : i32
      %sign3A_316 = arith.extui %sign3A_315 : i1 to i32
      %sign3A_317 = arith.constant 0 : i32
      %sign3A_318 = arith.cmpi slt, %jit3A_305, %sign3A_317 : i32
      %sign3A_319 = arith.extui %sign3A_318 : i1 to i32
      %sign3A_320 = arith.subi %sign3A_316, %sign3A_319 : i32
      %ne3A_321 = arith.cmpi ne, %sign3A_313, %sign3A_320 : i32
      %rem3A_322 = arith.remsi %add3A_286, %jit3A_305 : i32
      %ne3A_323 = arith.constant 0 : i32
      %ne3A_324 = arith.cmpi ne, %rem3A_322, %ne3A_323 : i32
      %and3A_325 = arith.andi %ne3A_321, %ne3A_324 : i1
      %sub3A_326 = arith.constant 1 : i32
      %sub3A_327 = arith.subi %div3A_306, %sub3A_326 : i32
      %select_n3A_328 = arith.select %and3A_325, %sub3A_327, %div3A_306 : i32
      %mul3A_329 = arith.constant 16 : i32
      %mul3A_330 = arith.muli %select_n3A_328, %mul3A_329 : i32
      %get3A_331 = arith.index_cast %mul3A_330 : i32 to index
      %get3A_332 = tpu.vector_load %arg13[%get3A_331] {strides = array<i32>} : memref<104xf32, #tpu.memory_space<vmem>>, vector<16xf32>,
      %jit3A_333 = arith.constant 0.000000e+00 : f32
      %broadcast_in_dim3A_334 = vector.broadcast %jit3A_333 : f32 to vector<16xf32>
      %select_n3A_335 = arith.select %eq3A_304, %get3A_332, %broadcast_in_dim3A_334 : vector<16xi1>, vector<16xf32>
      %reduce_sum3A_336 = arith.constant true
      %reduce_sum3A_337 = vector.broadcast %reduce_sum3A_336 : i1 to vector<16xi1>
      %reduce_sum3A_338 = tpu.scan <sum>, %select_n3A_335 masked %reduce_sum3A_337 : vector<16xf32>, vector<16xi1> -> vector<16xf32>
      %reduce_sum3A_339 = vector.extract %reduce_sum3A_338[15] : f32 from vector<16xf32>
      %add3A_340 = vector.broadcast %reduce_sum3A_339 : f32 to vector<16xf32>
      %add3A_341 = arith.addf %broadcast_in_dim3A_60, %add3A_340 : vector<16xf32>
      %jit3A_342 = arith.constant 16 : i32
      %eq3A_343 = arith.constant 0 : i32
      %eq3A_344 = arith.cmpi eq, %jit3A_342, %eq3A_343 : i32
      %jit3A_345 = arith.constant 1 : i32
      %select_n3A_346 = arith.select %eq3A_344, %jit3A_345, %jit3A_342 : i32
      %rem3A_347 = arith.remsi %add3A_286, %select_n3A_346 : i32
      %ne3A_348 = arith.constant 0 : i32
      %ne3A_349 = arith.cmpi ne, %rem3A_347, %ne3A_348 : i32
      %lt3A_350 = arith.constant 0 : i32
      %lt3A_351 = arith.cmpi slt, %rem3A_347, %lt3A_350 : i32
      %lt3A_352 = arith.constant 0 : i32
      %lt3A_353 = arith.cmpi slt, %select_n3A_346, %lt3A_352 : i32
      %ne3A_354 = arith.xori %lt3A_351, %lt3A_353 : i1
      %and3A_355 = arith.andi %ne3A_354, %ne3A_349 : i1
      %add3A_356 = arith.addi %rem3A_347, %select_n3A_346 : i32
      %select_n3A_357 = arith.select %and3A_355, %add3A_356, %rem3A_347 : i32
      %eq3A_358 = vector.broadcast %select_n3A_357 : i32 to vector<16xi32>
      %eq3A_359 = arith.cmpi eq, %iota3A, %eq3A_358 : vector<16xi32>
      %jit3A_360 = arith.constant 16 : i32
      %div3A_361 = arith.divsi %add3A_286, %jit3A_360 : i32
      %sign3A_362 = arith.constant 0 : i32
      %sign3A_363 = arith.cmpi sgt, %add3A_286, %sign3A_362 : i32
      %sign3A_364 = arith.extui %sign3A_363 : i1 to i32
      %sign3A_365 = arith.constant 0 : i32
      %sign3A_366 = arith.cmpi slt, %add3A_286, %sign3A_365 : i32
      %sign3A_367 = arith.extui %sign3A_366 : i1 to i32
      %sign3A_368 = arith.subi %sign3A_364, %sign3A_367 : i32
      %sign3A_369 = arith.constant 0 : i32
      %sign3A_370 = arith.cmpi sgt, %jit3A_360, %sign3A_369 : i32
      %sign3A_371 = arith.extui %sign3A_370 : i1 to i32
      %sign3A_372 = arith.constant 0 : i32
      %sign3A_373 = arith.cmpi slt, %jit3A_360, %sign3A_372 : i32
      %sign3A_374 = arith.extui %sign3A_373 : i1 to i32
      %sign3A_375 = arith.subi %sign3A_371, %sign3A_374 : i32
      %ne3A_376 = arith.cmpi ne, %sign3A_368, %sign3A_375 : i32
      %rem3A_377 = arith.remsi %add3A_286, %jit3A_360 : i32
      %ne3A_378 = arith.constant 0 : i32
      %ne3A_379 = arith.cmpi ne, %rem3A_377, %ne3A_378 : i32
      %and3A_380 = arith.andi %ne3A_376, %ne3A_379 : i1
      %sub3A_381 = arith.constant 1 : i32
      %sub3A_382 = arith.subi %div3A_361, %sub3A_381 : i32
      %select_n3A_383 = arith.select %and3A_380, %sub3A_382, %div3A_361 : i32
      %mul3A_384 = arith.constant 16 : i32
      %mul3A_385 = arith.muli %select_n3A_383, %mul3A_384 : i32
      %get3A_386 = arith.index_cast %mul3A_385 : i32 to index
      %get3A_387 = tpu.vector_load %arg14[%get3A_386] {strides = array<i32>} : memref<104xf32, #tpu.memory_space<vmem>>, vector<16xf32>,
      %jit3A_388 = arith.constant 0.000000e+00 : f32
      %broadcast_in_dim3A_389 = vector.broadcast %jit3A_388 : f32 to vector<16xf32>
      %select_n3A_390 = arith.select %eq3A_359, %get3A_387, %broadcast_in_dim3A_389 : vector<16xi1>, vector<16xf32>
      %reduce_sum3A_391 = arith.constant true
      %reduce_sum3A_392 = vector.broadcast %reduce_sum3A_391 : i1 to vector<16xi1>
      %reduce_sum3A_393 = tpu.scan <sum>, %select_n3A_390 masked %reduce_sum3A_392 : vector<16xf32>, vector<16xi1> -> vector<16xf32>
      %reduce_sum3A_394 = vector.extract %reduce_sum3A_393[15] : f32 from vector<16xf32>
      %add3A_395 = vector.broadcast %reduce_sum3A_394 : f32 to vector<16xf32>
      %add3A_396 = arith.addf %broadcast_in_dim3A_60, %add3A_395 : vector<16xf32>
      %jit3A_397 = arith.constant 16 : i32
      %eq3A_398 = arith.constant 0 : i32
      %eq3A_399 = arith.cmpi eq, %jit3A_397, %eq3A_398 : i32
      %jit3A_400 = arith.constant 1 : i32
      %select_n3A_401 = arith.select %eq3A_399, %jit3A_400, %jit3A_397 : i32
      %rem3A_402 = arith.remsi %add3A_286, %select_n3A_401 : i32
      %ne3A_403 = arith.constant 0 : i32
      %ne3A_404 = arith.cmpi ne, %rem3A_402, %ne3A_403 : i32
      %lt3A_405 = arith.constant 0 : i32
      %lt3A_406 = arith.cmpi slt, %rem3A_402, %lt3A_405 : i32
      %lt3A_407 = arith.constant 0 : i32
      %lt3A_408 = arith.cmpi slt, %select_n3A_401, %lt3A_407 : i32
      %ne3A_409 = arith.xori %lt3A_406, %lt3A_408 : i1
      %and3A_410 = arith.andi %ne3A_409, %ne3A_404 : i1
      %add3A_411 = arith.addi %rem3A_402, %select_n3A_401 : i32
      %select_n3A_412 = arith.select %and3A_410, %add3A_411, %rem3A_402 : i32
      %eq3A_413 = vector.broadcast %select_n3A_412 : i32 to vector<16xi32>
      %eq3A_414 = arith.cmpi eq, %iota3A, %eq3A_413 : vector<16xi32>
      %jit3A_415 = arith.constant 16 : i32
      %div3A_416 = arith.divsi %add3A_286, %jit3A_415 : i32
      %sign3A_417 = arith.constant 0 : i32
      %sign3A_418 = arith.cmpi sgt, %add3A_286, %sign3A_417 : i32
      %sign3A_419 = arith.extui %sign3A_418 : i1 to i32
      %sign3A_420 = arith.constant 0 : i32
      %sign3A_421 = arith.cmpi slt, %add3A_286, %sign3A_420 : i32
      %sign3A_422 = arith.extui %sign3A_421 : i1 to i32
      %sign3A_423 = arith.subi %sign3A_419, %sign3A_422 : i32
      %sign3A_424 = arith.constant 0 : i32
      %sign3A_425 = arith.cmpi sgt, %jit3A_415, %sign3A_424 : i32
      %sign3A_426 = arith.extui %sign3A_425 : i1 to i32
      %sign3A_427 = arith.constant 0 : i32
      %sign3A_428 = arith.cmpi slt, %jit3A_415, %sign3A_427 : i32
      %sign3A_429 = arith.extui %sign3A_428 : i1 to i32
      %sign3A_430 = arith.subi %sign3A_426, %sign3A_429 : i32
      %ne3A_431 = arith.cmpi ne, %sign3A_423, %sign3A_430 : i32
      %rem3A_432 = arith.remsi %add3A_286, %jit3A_415 : i32
      %ne3A_433 = arith.constant 0 : i32
      %ne3A_434 = arith.cmpi ne, %rem3A_432, %ne3A_433 : i32
      %and3A_435 = arith.andi %ne3A_431, %ne3A_434 : i1
      %sub3A_436 = arith.constant 1 : i32
      %sub3A_437 = arith.subi %div3A_416, %sub3A_436 : i32
      %select_n3A_438 = arith.select %and3A_435, %sub3A_437, %div3A_416 : i32
      %mul3A_439 = arith.constant 16 : i32
      %mul3A_440 = arith.muli %select_n3A_438, %mul3A_439 : i32
      %get3A_441 = arith.index_cast %mul3A_440 : i32 to index
      %get3A_442 = tpu.vector_load %arg15[%get3A_441] {strides = array<i32>} : memref<104xf32, #tpu.memory_space<vmem>>, vector<16xf32>,
      %jit3A_443 = arith.constant 0.000000e+00 : f32
      %broadcast_in_dim3A_444 = vector.broadcast %jit3A_443 : f32 to vector<16xf32>
      %select_n3A_445 = arith.select %eq3A_414, %get3A_442, %broadcast_in_dim3A_444 : vector<16xi1>, vector<16xf32>
      %reduce_sum3A_446 = arith.constant true
      %reduce_sum3A_447 = vector.broadcast %reduce_sum3A_446 : i1 to vector<16xi1>
      %reduce_sum3A_448 = tpu.scan <sum>, %select_n3A_445 masked %reduce_sum3A_447 : vector<16xf32>, vector<16xi1> -> vector<16xf32>
      %reduce_sum3A_449 = vector.extract %reduce_sum3A_448[15] : f32 from vector<16xf32>
      %add3A_450 = vector.broadcast %reduce_sum3A_449 : f32 to vector<16xf32>
      %add3A_451 = arith.addf %broadcast_in_dim3A_60, %add3A_450 : vector<16xf32>
      %jit3A_452 = arith.constant 16 : i32
      %eq3A_453 = arith.constant 0 : i32
      %eq3A_454 = arith.cmpi eq, %jit3A_452, %eq3A_453 : i32
      %jit3A_455 = arith.constant 1 : i32
      %select_n3A_456 = arith.select %eq3A_454, %jit3A_455, %jit3A_452 : i32
      %rem3A_457 = arith.remsi %add3A_286, %select_n3A_456 : i32
      %ne3A_458 = arith.constant 0 : i32
      %ne3A_459 = arith.cmpi ne, %rem3A_457, %ne3A_458 : i32
      %lt3A_460 = arith.constant 0 : i32
      %lt3A_461 = arith.cmpi slt, %rem3A_457, %lt3A_460 : i32
      %lt3A_462 = arith.constant 0 : i32
      %lt3A_463 = arith.cmpi slt, %select_n3A_456, %lt3A_462 : i32
      %ne3A_464 = arith.xori %lt3A_461, %lt3A_463 : i1
      %and3A_465 = arith.andi %ne3A_464, %ne3A_459 : i1
      %add3A_466 = arith.addi %rem3A_457, %select_n3A_456 : i32
      %select_n3A_467 = arith.select %and3A_465, %add3A_466, %rem3A_457 : i32
      %eq3A_468 = vector.broadcast %select_n3A_467 : i32 to vector<16xi32>
      %eq3A_469 = arith.cmpi eq, %iota3A, %eq3A_468 : vector<16xi32>
      %jit3A_470 = arith.constant 16 : i32
      %div3A_471 = arith.divsi %add3A_286, %jit3A_470 : i32
      %sign3A_472 = arith.constant 0 : i32
      %sign3A_473 = arith.cmpi sgt, %add3A_286, %sign3A_472 : i32
      %sign3A_474 = arith.extui %sign3A_473 : i1 to i32
      %sign3A_475 = arith.constant 0 : i32
      %sign3A_476 = arith.cmpi slt, %add3A_286, %sign3A_475 : i32
      %sign3A_477 = arith.extui %sign3A_476 : i1 to i32
      %sign3A_478 = arith.subi %sign3A_474, %sign3A_477 : i32
      %sign3A_479 = arith.constant 0 : i32
      %sign3A_480 = arith.cmpi sgt, %jit3A_470, %sign3A_479 : i32
      %sign3A_481 = arith.extui %sign3A_480 : i1 to i32
      %sign3A_482 = arith.constant 0 : i32
      %sign3A_483 = arith.cmpi slt, %jit3A_470, %sign3A_482 : i32
      %sign3A_484 = arith.extui %sign3A_483 : i1 to i32
      %sign3A_485 = arith.subi %sign3A_481, %sign3A_484 : i32
      %ne3A_486 = arith.cmpi ne, %sign3A_478, %sign3A_485 : i32
      %rem3A_487 = arith.remsi %add3A_286, %jit3A_470 : i32
      %ne3A_488 = arith.constant 0 : i32
      %ne3A_489 = arith.cmpi ne, %rem3A_487, %ne3A_488 : i32
      %and3A_490 = arith.andi %ne3A_486, %ne3A_489 : i1
      %sub3A_491 = arith.constant 1 : i32
      %sub3A_492 = arith.subi %div3A_471, %sub3A_491 : i32
      %select_n3A_493 = arith.select %and3A_490, %sub3A_492, %div3A_471 : i32
      %mul3A_494 = arith.constant 16 : i32
      %mul3A_495 = arith.muli %select_n3A_493, %mul3A_494 : i32
      %get3A_496 = arith.index_cast %mul3A_495 : i32 to index
      %get3A_497 = tpu.vector_load %arg16[%get3A_496] {strides = array<i32>} : memref<104xf32, #tpu.memory_space<vmem>>, vector<16xf32>,
      %jit3A_498 = arith.constant 0.000000e+00 : f32
      %broadcast_in_dim3A_499 = vector.broadcast %jit3A_498 : f32 to vector<16xf32>
      %select_n3A_500 = arith.select %eq3A_469, %get3A_497, %broadcast_in_dim3A_499 : vector<16xi1>, vector<16xf32>
      %reduce_sum3A_501 = arith.constant true
      %reduce_sum3A_502 = vector.broadcast %reduce_sum3A_501 : i1 to vector<16xi1>
      %reduce_sum3A_503 = tpu.scan <sum>, %select_n3A_500 masked %reduce_sum3A_502 : vector<16xf32>, vector<16xi1> -> vector<16xf32>
      %reduce_sum3A_504 = vector.extract %reduce_sum3A_503[15] : f32 from vector<16xf32>
      %add3A_505 = vector.broadcast %reduce_sum3A_504 : f32 to vector<16xf32>
      %add3A_506 = arith.addf %broadcast_in_dim3A_60, %add3A_505 : vector<16xf32>
      %mul3A_507 = arith.constant 4 : i32
      %mul3A_508 = arith.muli %scan3A_58, %mul3A_507 : i32
      %add3A_509 = arith.constant 2 : i32
      %add3A_510 = arith.addi %mul3A_508, %add3A_509 : i32
      %jit3A_511 = arith.constant 16 : i32
      %eq3A_512 = arith.constant 0 : i32
      %eq3A_513 = arith.cmpi eq, %jit3A_511, %eq3A_512 : i32
      %jit3A_514 = arith.constant 1 : i32
      %select_n3A_515 = arith.select %eq3A_513, %jit3A_514, %jit3A_511 : i32
      %rem3A_516 = arith.remsi %add3A_510, %select_n3A_515 : i32
      %ne3A_517 = arith.constant 0 : i32
      %ne3A_518 = arith.cmpi ne, %rem3A_516, %ne3A_517 : i32
      %lt3A_519 = arith.constant 0 : i32
      %lt3A_520 = arith.cmpi slt, %rem3A_516, %lt3A_519 : i32
      %lt3A_521 = arith.constant 0 : i32
      %lt3A_522 = arith.cmpi slt, %select_n3A_515, %lt3A_521 : i32
      %ne3A_523 = arith.xori %lt3A_520, %lt3A_522 : i1
      %and3A_524 = arith.andi %ne3A_523, %ne3A_518 : i1
      %add3A_525 = arith.addi %rem3A_516, %select_n3A_515 : i32
      %select_n3A_526 = arith.select %and3A_524, %add3A_525, %rem3A_516 : i32
      %eq3A_527 = vector.broadcast %select_n3A_526 : i32 to vector<16xi32>
      %eq3A_528 = arith.cmpi eq, %iota3A, %eq3A_527 : vector<16xi32>
      %jit3A_529 = arith.constant 16 : i32
      %div3A_530 = arith.divsi %add3A_510, %jit3A_529 : i32
      %sign3A_531 = arith.constant 0 : i32
      %sign3A_532 = arith.cmpi sgt, %add3A_510, %sign3A_531 : i32
      %sign3A_533 = arith.extui %sign3A_532 : i1 to i32
      %sign3A_534 = arith.constant 0 : i32
      %sign3A_535 = arith.cmpi slt, %add3A_510, %sign3A_534 : i32
      %sign3A_536 = arith.extui %sign3A_535 : i1 to i32
      %sign3A_537 = arith.subi %sign3A_533, %sign3A_536 : i32
      %sign3A_538 = arith.constant 0 : i32
      %sign3A_539 = arith.cmpi sgt, %jit3A_529, %sign3A_538 : i32
      %sign3A_540 = arith.extui %sign3A_539 : i1 to i32
      %sign3A_541 = arith.constant 0 : i32
      %sign3A_542 = arith.cmpi slt, %jit3A_529, %sign3A_541 : i32
      %sign3A_543 = arith.extui %sign3A_542 : i1 to i32
      %sign3A_544 = arith.subi %sign3A_540, %sign3A_543 : i32
      %ne3A_545 = arith.cmpi ne, %sign3A_537, %sign3A_544 : i32
      %rem3A_546 = arith.remsi %add3A_510, %jit3A_529 : i32
      %ne3A_547 = arith.constant 0 : i32
      %ne3A_548 = arith.cmpi ne, %rem3A_546, %ne3A_547 : i32
      %and3A_549 = arith.andi %ne3A_545, %ne3A_548 : i1
      %sub3A_550 = arith.constant 1 : i32
      %sub3A_551 = arith.subi %div3A_530, %sub3A_550 : i32
      %select_n3A_552 = arith.select %and3A_549, %sub3A_551, %div3A_530 : i32
      %mul3A_553 = arith.constant 16 : i32
      %mul3A_554 = arith.muli %select_n3A_552, %mul3A_553 : i32
      %get3A_555 = arith.index_cast %mul3A_554 : i32 to index
      %get3A_556 = tpu.vector_load %arg13[%get3A_555] {strides = array<i32>} : memref<104xf32, #tpu.memory_space<vmem>>, vector<16xf32>,
      %jit3A_557 = arith.constant 0.000000e+00 : f32
      %broadcast_in_dim3A_558 = vector.broadcast %jit3A_557 : f32 to vector<16xf32>
      %select_n3A_559 = arith.select %eq3A_528, %get3A_556, %broadcast_in_dim3A_558 : vector<16xi1>, vector<16xf32>
      %reduce_sum3A_560 = arith.constant true
      %reduce_sum3A_561 = vector.broadcast %reduce_sum3A_560 : i1 to vector<16xi1>
      %reduce_sum3A_562 = tpu.scan <sum>, %select_n3A_559 masked %reduce_sum3A_561 : vector<16xf32>, vector<16xi1> -> vector<16xf32>
      %reduce_sum3A_563 = vector.extract %reduce_sum3A_562[15] : f32 from vector<16xf32>
      %add3A_564 = vector.broadcast %reduce_sum3A_563 : f32 to vector<16xf32>
      %add3A_565 = arith.addf %broadcast_in_dim3A_60, %add3A_564 : vector<16xf32>
      %jit3A_566 = arith.constant 16 : i32
      %eq3A_567 = arith.constant 0 : i32
      %eq3A_568 = arith.cmpi eq, %jit3A_566, %eq3A_567 : i32
      %jit3A_569 = arith.constant 1 : i32
      %select_n3A_570 = arith.select %eq3A_568, %jit3A_569, %jit3A_566 : i32
      %rem3A_571 = arith.remsi %add3A_510, %select_n3A_570 : i32
      %ne3A_572 = arith.constant 0 : i32
      %ne3A_573 = arith.cmpi ne, %rem3A_571, %ne3A_572 : i32
      %lt3A_574 = arith.constant 0 : i32
      %lt3A_575 = arith.cmpi slt, %rem3A_571, %lt3A_574 : i32
      %lt3A_576 = arith.constant 0 : i32
      %lt3A_577 = arith.cmpi slt, %select_n3A_570, %lt3A_576 : i32
      %ne3A_578 = arith.xori %lt3A_575, %lt3A_577 : i1
      %and3A_579 = arith.andi %ne3A_578, %ne3A_573 : i1
      %add3A_580 = arith.addi %rem3A_571, %select_n3A_570 : i32
      %select_n3A_581 = arith.select %and3A_579, %add3A_580, %rem3A_571 : i32
      %eq3A_582 = vector.broadcast %select_n3A_581 : i32 to vector<16xi32>
      %eq3A_583 = arith.cmpi eq, %iota3A, %eq3A_582 : vector<16xi32>
      %jit3A_584 = arith.constant 16 : i32
      %div3A_585 = arith.divsi %add3A_510, %jit3A_584 : i32
      %sign3A_586 = arith.constant 0 : i32
      %sign3A_587 = arith.cmpi sgt, %add3A_510, %sign3A_586 : i32
      %sign3A_588 = arith.extui %sign3A_587 : i1 to i32
      %sign3A_589 = arith.constant 0 : i32
      %sign3A_590 = arith.cmpi slt, %add3A_510, %sign3A_589 : i32
      %sign3A_591 = arith.extui %sign3A_590 : i1 to i32
      %sign3A_592 = arith.subi %sign3A_588, %sign3A_591 : i32
      %sign3A_593 = arith.constant 0 : i32
      %sign3A_594 = arith.cmpi sgt, %jit3A_584, %sign3A_593 : i32
      %sign3A_595 = arith.extui %sign3A_594 : i1 to i32
      %sign3A_596 = arith.constant 0 : i32
      %sign3A_597 = arith.cmpi slt, %jit3A_584, %sign3A_596 : i32
      %sign3A_598 = arith.extui %sign3A_597 : i1 to i32
      %sign3A_599 = arith.subi %sign3A_595, %sign3A_598 : i32
      %ne3A_600 = arith.cmpi ne, %sign3A_592, %sign3A_599 : i32
      %rem3A_601 = arith.remsi %add3A_510, %jit3A_584 : i32
      %ne3A_602 = arith.constant 0 : i32
      %ne3A_603 = arith.cmpi ne, %rem3A_601, %ne3A_602 : i32
      %and3A_604 = arith.andi %ne3A_600, %ne3A_603 : i1
      %sub3A_605 = arith.constant 1 : i32
      %sub3A_606 = arith.subi %div3A_585, %sub3A_605 : i32
      %select_n3A_607 = arith.select %and3A_604, %sub3A_606, %div3A_585 : i32
      %mul3A_608 = arith.constant 16 : i32
      %mul3A_609 = arith.muli %select_n3A_607, %mul3A_608 : i32
      %get3A_610 = arith.index_cast %mul3A_609 : i32 to index
      %get3A_611 = tpu.vector_load %arg14[%get3A_610] {strides = array<i32>} : memref<104xf32, #tpu.memory_space<vmem>>, vector<16xf32>,
      %jit3A_612 = arith.constant 0.000000e+00 : f32
      %broadcast_in_dim3A_613 = vector.broadcast %jit3A_612 : f32 to vector<16xf32>
      %select_n3A_614 = arith.select %eq3A_583, %get3A_611, %broadcast_in_dim3A_613 : vector<16xi1>, vector<16xf32>
      %reduce_sum3A_615 = arith.constant true
      %reduce_sum3A_616 = vector.broadcast %reduce_sum3A_615 : i1 to vector<16xi1>
      %reduce_sum3A_617 = tpu.scan <sum>, %select_n3A_614 masked %reduce_sum3A_616 : vector<16xf32>, vector<16xi1> -> vector<16xf32>
      %reduce_sum3A_618 = vector.extract %reduce_sum3A_617[15] : f32 from vector<16xf32>
      %add3A_619 = vector.broadcast %reduce_sum3A_618 : f32 to vector<16xf32>
      %add3A_620 = arith.addf %broadcast_in_dim3A_60, %add3A_619 : vector<16xf32>
      %jit3A_621 = arith.constant 16 : i32
      %eq3A_622 = arith.constant 0 : i32
      %eq3A_623 = arith.cmpi eq, %jit3A_621, %eq3A_622 : i32
      %jit3A_624 = arith.constant 1 : i32
      %select_n3A_625 = arith.select %eq3A_623, %jit3A_624, %jit3A_621 : i32
      %rem3A_626 = arith.remsi %add3A_510, %select_n3A_625 : i32
      %ne3A_627 = arith.constant 0 : i32
      %ne3A_628 = arith.cmpi ne, %rem3A_626, %ne3A_627 : i32
      %lt3A_629 = arith.constant 0 : i32
      %lt3A_630 = arith.cmpi slt, %rem3A_626, %lt3A_629 : i32
      %lt3A_631 = arith.constant 0 : i32
      %lt3A_632 = arith.cmpi slt, %select_n3A_625, %lt3A_631 : i32
      %ne3A_633 = arith.xori %lt3A_630, %lt3A_632 : i1
      %and3A_634 = arith.andi %ne3A_633, %ne3A_628 : i1
      %add3A_635 = arith.addi %rem3A_626, %select_n3A_625 : i32
      %select_n3A_636 = arith.select %and3A_634, %add3A_635, %rem3A_626 : i32
      %eq3A_637 = vector.broadcast %select_n3A_636 : i32 to vector<16xi32>
      %eq3A_638 = arith.cmpi eq, %iota3A, %eq3A_637 : vector<16xi32>
      %jit3A_639 = arith.constant 16 : i32
      %div3A_640 = arith.divsi %add3A_510, %jit3A_639 : i32
      %sign3A_641 = arith.constant 0 : i32
      %sign3A_642 = arith.cmpi sgt, %add3A_510, %sign3A_641 : i32
      %sign3A_643 = arith.extui %sign3A_642 : i1 to i32
      %sign3A_644 = arith.constant 0 : i32
      %sign3A_645 = arith.cmpi slt, %add3A_510, %sign3A_644 : i32
      %sign3A_646 = arith.extui %sign3A_645 : i1 to i32
      %sign3A_647 = arith.subi %sign3A_643, %sign3A_646 : i32
      %sign3A_648 = arith.constant 0 : i32
      %sign3A_649 = arith.cmpi sgt, %jit3A_639, %sign3A_648 : i32
      %sign3A_650 = arith.extui %sign3A_649 : i1 to i32
      %sign3A_651 = arith.constant 0 : i32
      %sign3A_652 = arith.cmpi slt, %jit3A_639, %sign3A_651 : i32
      %sign3A_653 = arith.extui %sign3A_652 : i1 to i32
      %sign3A_654 = arith.subi %sign3A_650, %sign3A_653 : i32
      %ne3A_655 = arith.cmpi ne, %sign3A_647, %sign3A_654 : i32
      %rem3A_656 = arith.remsi %add3A_510, %jit3A_639 : i32
      %ne3A_657 = arith.constant 0 : i32
      %ne3A_658 = arith.cmpi ne, %rem3A_656, %ne3A_657 : i32
      %and3A_659 = arith.andi %ne3A_655, %ne3A_658 : i1
      %sub3A_660 = arith.constant 1 : i32
      %sub3A_661 = arith.subi %div3A_640, %sub3A_660 : i32
      %select_n3A_662 = arith.select %and3A_659, %sub3A_661, %div3A_640 : i32
      %mul3A_663 = arith.constant 16 : i32
      %mul3A_664 = arith.muli %select_n3A_662, %mul3A_663 : i32
      %get3A_665 = arith.index_cast %mul3A_664 : i32 to index
      %get3A_666 = tpu.vector_load %arg15[%get3A_665] {strides = array<i32>} : memref<104xf32, #tpu.memory_space<vmem>>, vector<16xf32>,
      %jit3A_667 = arith.constant 0.000000e+00 : f32
      %broadcast_in_dim3A_668 = vector.broadcast %jit3A_667 : f32 to vector<16xf32>
      %select_n3A_669 = arith.select %eq3A_638, %get3A_666, %broadcast_in_dim3A_668 : vector<16xi1>, vector<16xf32>
      %reduce_sum3A_670 = arith.constant true
      %reduce_sum3A_671 = vector.broadcast %reduce_sum3A_670 : i1 to vector<16xi1>
      %reduce_sum3A_672 = tpu.scan <sum>, %select_n3A_669 masked %reduce_sum3A_671 : vector<16xf32>, vector<16xi1> -> vector<16xf32>
      %reduce_sum3A_673 = vector.extract %reduce_sum3A_672[15] : f32 from vector<16xf32>
      %add3A_674 = vector.broadcast %reduce_sum3A_673 : f32 to vector<16xf32>
      %add3A_675 = arith.addf %broadcast_in_dim3A_60, %add3A_674 : vector<16xf32>
      %jit3A_676 = arith.constant 16 : i32
      %eq3A_677 = arith.constant 0 : i32
      %eq3A_678 = arith.cmpi eq, %jit3A_676, %eq3A_677 : i32
      %jit3A_679 = arith.constant 1 : i32
      %select_n3A_680 = arith.select %eq3A_678, %jit3A_679, %jit3A_676 : i32
      %rem3A_681 = arith.remsi %add3A_510, %select_n3A_680 : i32
      %ne3A_682 = arith.constant 0 : i32
      %ne3A_683 = arith.cmpi ne, %rem3A_681, %ne3A_682 : i32
      %lt3A_684 = arith.constant 0 : i32
      %lt3A_685 = arith.cmpi slt, %rem3A_681, %lt3A_684 : i32
      %lt3A_686 = arith.constant 0 : i32
      %lt3A_687 = arith.cmpi slt, %select_n3A_680, %lt3A_686 : i32
      %ne3A_688 = arith.xori %lt3A_685, %lt3A_687 : i1
      %and3A_689 = arith.andi %ne3A_688, %ne3A_683 : i1
      %add3A_690 = arith.addi %rem3A_681, %select_n3A_680 : i32
      %select_n3A_691 = arith.select %and3A_689, %add3A_690, %rem3A_681 : i32
      %eq3A_692 = vector.broadcast %select_n3A_691 : i32 to vector<16xi32>
      %eq3A_693 = arith.cmpi eq, %iota3A, %eq3A_692 : vector<16xi32>
      %jit3A_694 = arith.constant 16 : i32
      %div3A_695 = arith.divsi %add3A_510, %jit3A_694 : i32
      %sign3A_696 = arith.constant 0 : i32
      %sign3A_697 = arith.cmpi sgt, %add3A_510, %sign3A_696 : i32
      %sign3A_698 = arith.extui %sign3A_697 : i1 to i32
      %sign3A_699 = arith.constant 0 : i32
      %sign3A_700 = arith.cmpi slt, %add3A_510, %sign3A_699 : i32
      %sign3A_701 = arith.extui %sign3A_700 : i1 to i32
      %sign3A_702 = arith.subi %sign3A_698, %sign3A_701 : i32
      %sign3A_703 = arith.constant 0 : i32
      %sign3A_704 = arith.cmpi sgt, %jit3A_694, %sign3A_703 : i32
      %sign3A_705 = arith.extui %sign3A_704 : i1 to i32
      %sign3A_706 = arith.constant 0 : i32
      %sign3A_707 = arith.cmpi slt, %jit3A_694, %sign3A_706 : i32
      %sign3A_708 = arith.extui %sign3A_707 : i1 to i32
      %sign3A_709 = arith.subi %sign3A_705, %sign3A_708 : i32
      %ne3A_710 = arith.cmpi ne, %sign3A_702, %sign3A_709 : i32
      %rem3A_711 = arith.remsi %add3A_510, %jit3A_694 : i32
      %ne3A_712 = arith.constant 0 : i32
      %ne3A_713 = arith.cmpi ne, %rem3A_711, %ne3A_712 : i32
      %and3A_714 = arith.andi %ne3A_710, %ne3A_713 : i1
      %sub3A_715 = arith.constant 1 : i32
      %sub3A_716 = arith.subi %div3A_695, %sub3A_715 : i32
      %select_n3A_717 = arith.select %and3A_714, %sub3A_716, %div3A_695 : i32
      %mul3A_718 = arith.constant 16 : i32
      %mul3A_719 = arith.muli %select_n3A_717, %mul3A_718 : i32
      %get3A_720 = arith.index_cast %mul3A_719 : i32 to index
      %get3A_721 = tpu.vector_load %arg16[%get3A_720] {strides = array<i32>} : memref<104xf32, #tpu.memory_space<vmem>>, vector<16xf32>,
      %jit3A_722 = arith.constant 0.000000e+00 : f32
      %broadcast_in_dim3A_723 = vector.broadcast %jit3A_722 : f32 to vector<16xf32>
      %select_n3A_724 = arith.select %eq3A_693, %get3A_721, %broadcast_in_dim3A_723 : vector<16xi1>, vector<16xf32>
      %reduce_sum3A_725 = arith.constant true
      %reduce_sum3A_726 = vector.broadcast %reduce_sum3A_725 : i1 to vector<16xi1>
      %reduce_sum3A_727 = tpu.scan <sum>, %select_n3A_724 masked %reduce_sum3A_726 : vector<16xf32>, vector<16xi1> -> vector<16xf32>
      %reduce_sum3A_728 = vector.extract %reduce_sum3A_727[15] : f32 from vector<16xf32>
      %add3A_729 = vector.broadcast %reduce_sum3A_728 : f32 to vector<16xf32>
      %add3A_730 = arith.addf %broadcast_in_dim3A_60, %add3A_729 : vector<16xf32>
      %mul3A_731 = arith.constant 4 : i32
      %mul3A_732 = arith.muli %scan3A_58, %mul3A_731 : i32
      %add3A_733 = arith.constant 3 : i32
      %add3A_734 = arith.addi %mul3A_732, %add3A_733 : i32
      %jit3A_735 = arith.constant 16 : i32
      %eq3A_736 = arith.constant 0 : i32
      %eq3A_737 = arith.cmpi eq, %jit3A_735, %eq3A_736 : i32
      %jit3A_738 = arith.constant 1 : i32
      %select_n3A_739 = arith.select %eq3A_737, %jit3A_738, %jit3A_735 : i32
      %rem3A_740 = arith.remsi %add3A_734, %select_n3A_739 : i32
      %ne3A_741 = arith.constant 0 : i32
      %ne3A_742 = arith.cmpi ne, %rem3A_740, %ne3A_741 : i32
      %lt3A_743 = arith.constant 0 : i32
      %lt3A_744 = arith.cmpi slt, %rem3A_740, %lt3A_743 : i32
      %lt3A_745 = arith.constant 0 : i32
      %lt3A_746 = arith.cmpi slt, %select_n3A_739, %lt3A_745 : i32
      %ne3A_747 = arith.xori %lt3A_744, %lt3A_746 : i1
      %and3A_748 = arith.andi %ne3A_747, %ne3A_742 : i1
      %add3A_749 = arith.addi %rem3A_740, %select_n3A_739 : i32
      %select_n3A_750 = arith.select %and3A_748, %add3A_749, %rem3A_740 : i32
      %eq3A_751 = vector.broadcast %select_n3A_750 : i32 to vector<16xi32>
      %eq3A_752 = arith.cmpi eq, %iota3A, %eq3A_751 : vector<16xi32>
      %jit3A_753 = arith.constant 16 : i32
      %div3A_754 = arith.divsi %add3A_734, %jit3A_753 : i32
      %sign3A_755 = arith.constant 0 : i32
      %sign3A_756 = arith.cmpi sgt, %add3A_734, %sign3A_755 : i32
      %sign3A_757 = arith.extui %sign3A_756 : i1 to i32
      %sign3A_758 = arith.constant 0 : i32
      %sign3A_759 = arith.cmpi slt, %add3A_734, %sign3A_758 : i32
      %sign3A_760 = arith.extui %sign3A_759 : i1 to i32
      %sign3A_761 = arith.subi %sign3A_757, %sign3A_760 : i32
      %sign3A_762 = arith.constant 0 : i32
      %sign3A_763 = arith.cmpi sgt, %jit3A_753, %sign3A_762 : i32
      %sign3A_764 = arith.extui %sign3A_763 : i1 to i32
      %sign3A_765 = arith.constant 0 : i32
      %sign3A_766 = arith.cmpi slt, %jit3A_753, %sign3A_765 : i32
      %sign3A_767 = arith.extui %sign3A_766 : i1 to i32
      %sign3A_768 = arith.subi %sign3A_764, %sign3A_767 : i32
      %ne3A_769 = arith.cmpi ne, %sign3A_761, %sign3A_768 : i32
      %rem3A_770 = arith.remsi %add3A_734, %jit3A_753 : i32
      %ne3A_771 = arith.constant 0 : i32
      %ne3A_772 = arith.cmpi ne, %rem3A_770, %ne3A_771 : i32
      %and3A_773 = arith.andi %ne3A_769, %ne3A_772 : i1
      %sub3A_774 = arith.constant 1 : i32
      %sub3A_775 = arith.subi %div3A_754, %sub3A_774 : i32
      %select_n3A_776 = arith.select %and3A_773, %sub3A_775, %div3A_754 : i32
      %mul3A_777 = arith.constant 16 : i32
      %mul3A_778 = arith.muli %select_n3A_776, %mul3A_777 : i32
      %get3A_779 = arith.index_cast %mul3A_778 : i32 to index
      %get3A_780 = tpu.vector_load %arg13[%get3A_779] {strides = array<i32>} : memref<104xf32, #tpu.memory_space<vmem>>, vector<16xf32>,
      %jit3A_781 = arith.constant 0.000000e+00 : f32
      %broadcast_in_dim3A_782 = vector.broadcast %jit3A_781 : f32 to vector<16xf32>
      %select_n3A_783 = arith.select %eq3A_752, %get3A_780, %broadcast_in_dim3A_782 : vector<16xi1>, vector<16xf32>
      %reduce_sum3A_784 = arith.constant true
      %reduce_sum3A_785 = vector.broadcast %reduce_sum3A_784 : i1 to vector<16xi1>
      %reduce_sum3A_786 = tpu.scan <sum>, %select_n3A_783 masked %reduce_sum3A_785 : vector<16xf32>, vector<16xi1> -> vector<16xf32>
      %reduce_sum3A_787 = vector.extract %reduce_sum3A_786[15] : f32 from vector<16xf32>
      %add3A_788 = vector.broadcast %reduce_sum3A_787 : f32 to vector<16xf32>
      %add3A_789 = arith.addf %broadcast_in_dim3A_60, %add3A_788 : vector<16xf32>
      %jit3A_790 = arith.constant 16 : i32
      %eq3A_791 = arith.constant 0 : i32
      %eq3A_792 = arith.cmpi eq, %jit3A_790, %eq3A_791 : i32
      %jit3A_793 = arith.constant 1 : i32
      %select_n3A_794 = arith.select %eq3A_792, %jit3A_793, %jit3A_790 : i32
      %rem3A_795 = arith.remsi %add3A_734, %select_n3A_794 : i32
      %ne3A_796 = arith.constant 0 : i32
      %ne3A_797 = arith.cmpi ne, %rem3A_795, %ne3A_796 : i32
      %lt3A_798 = arith.constant 0 : i32
      %lt3A_799 = arith.cmpi slt, %rem3A_795, %lt3A_798 : i32
      %lt3A_800 = arith.constant 0 : i32
      %lt3A_801 = arith.cmpi slt, %select_n3A_794, %lt3A_800 : i32
      %ne3A_802 = arith.xori %lt3A_799, %lt3A_801 : i1
      %and3A_803 = arith.andi %ne3A_802, %ne3A_797 : i1
      %add3A_804 = arith.addi %rem3A_795, %select_n3A_794 : i32
      %select_n3A_805 = arith.select %and3A_803, %add3A_804, %rem3A_795 : i32
      %eq3A_806 = vector.broadcast %select_n3A_805 : i32 to vector<16xi32>
      %eq3A_807 = arith.cmpi eq, %iota3A, %eq3A_806 : vector<16xi32>
      %jit3A_808 = arith.constant 16 : i32
      %div3A_809 = arith.divsi %add3A_734, %jit3A_808 : i32
      %sign3A_810 = arith.constant 0 : i32
      %sign3A_811 = arith.cmpi sgt, %add3A_734, %sign3A_810 : i32
      %sign3A_812 = arith.extui %sign3A_811 : i1 to i32
      %sign3A_813 = arith.constant 0 : i32
      %sign3A_814 = arith.cmpi slt, %add3A_734, %sign3A_813 : i32
      %sign3A_815 = arith.extui %sign3A_814 : i1 to i32
      %sign3A_816 = arith.subi %sign3A_812, %sign3A_815 : i32
      %sign3A_817 = arith.constant 0 : i32
      %sign3A_818 = arith.cmpi sgt, %jit3A_808, %sign3A_817 : i32
      %sign3A_819 = arith.extui %sign3A_818 : i1 to i32
      %sign3A_820 = arith.constant 0 : i32
      %sign3A_821 = arith.cmpi slt, %jit3A_808, %sign3A_820 : i32
      %sign3A_822 = arith.extui %sign3A_821 : i1 to i32
      %sign3A_823 = arith.subi %sign3A_819, %sign3A_822 : i32
      %ne3A_824 = arith.cmpi ne, %sign3A_816, %sign3A_823 : i32
      %rem3A_825 = arith.remsi %add3A_734, %jit3A_808 : i32
      %ne3A_826 = arith.constant 0 : i32
      %ne3A_827 = arith.cmpi ne, %rem3A_825, %ne3A_826 : i32
      %and3A_828 = arith.andi %ne3A_824, %ne3A_827 : i1
      %sub3A_829 = arith.constant 1 : i32
      %sub3A_830 = arith.subi %div3A_809, %sub3A_829 : i32
      %select_n3A_831 = arith.select %and3A_828, %sub3A_830, %div3A_809 : i32
      %mul3A_832 = arith.constant 16 : i32
      %mul3A_833 = arith.muli %select_n3A_831, %mul3A_832 : i32
      %get3A_834 = arith.index_cast %mul3A_833 : i32 to index
      %get3A_835 = tpu.vector_load %arg14[%get3A_834] {strides = array<i32>} : memref<104xf32, #tpu.memory_space<vmem>>, vector<16xf32>,
      %jit3A_836 = arith.constant 0.000000e+00 : f32
      %broadcast_in_dim3A_837 = vector.broadcast %jit3A_836 : f32 to vector<16xf32>
      %select_n3A_838 = arith.select %eq3A_807, %get3A_835, %broadcast_in_dim3A_837 : vector<16xi1>, vector<16xf32>
      %reduce_sum3A_839 = arith.constant true
      %reduce_sum3A_840 = vector.broadcast %reduce_sum3A_839 : i1 to vector<16xi1>
      %reduce_sum3A_841 = tpu.scan <sum>, %select_n3A_838 masked %reduce_sum3A_840 : vector<16xf32>, vector<16xi1> -> vector<16xf32>
      %reduce_sum3A_842 = vector.extract %reduce_sum3A_841[15] : f32 from vector<16xf32>
      %add3A_843 = vector.broadcast %reduce_sum3A_842 : f32 to vector<16xf32>
      %add3A_844 = arith.addf %broadcast_in_dim3A_60, %add3A_843 : vector<16xf32>
      %jit3A_845 = arith.constant 16 : i32
      %eq3A_846 = arith.constant 0 : i32
      %eq3A_847 = arith.cmpi eq, %jit3A_845, %eq3A_846 : i32
      %jit3A_848 = arith.constant 1 : i32
      %select_n3A_849 = arith.select %eq3A_847, %jit3A_848, %jit3A_845 : i32
      %rem3A_850 = arith.remsi %add3A_734, %select_n3A_849 : i32
      %ne3A_851 = arith.constant 0 : i32
      %ne3A_852 = arith.cmpi ne, %rem3A_850, %ne3A_851 : i32
      %lt3A_853 = arith.constant 0 : i32
      %lt3A_854 = arith.cmpi slt, %rem3A_850, %lt3A_853 : i32
      %lt3A_855 = arith.constant 0 : i32
      %lt3A_856 = arith.cmpi slt, %select_n3A_849, %lt3A_855 : i32
      %ne3A_857 = arith.xori %lt3A_854, %lt3A_856 : i1
      %and3A_858 = arith.andi %ne3A_857, %ne3A_852 : i1
      %add3A_859 = arith.addi %rem3A_850, %select_n3A_849 : i32
      %select_n3A_860 = arith.select %and3A_858, %add3A_859, %rem3A_850 : i32
      %eq3A_861 = vector.broadcast %select_n3A_860 : i32 to vector<16xi32>
      %eq3A_862 = arith.cmpi eq, %iota3A, %eq3A_861 : vector<16xi32>
      %jit3A_863 = arith.constant 16 : i32
      %div3A_864 = arith.divsi %add3A_734, %jit3A_863 : i32
      %sign3A_865 = arith.constant 0 : i32
      %sign3A_866 = arith.cmpi sgt, %add3A_734, %sign3A_865 : i32
      %sign3A_867 = arith.extui %sign3A_866 : i1 to i32
      %sign3A_868 = arith.constant 0 : i32
      %sign3A_869 = arith.cmpi slt, %add3A_734, %sign3A_868 : i32
      %sign3A_870 = arith.extui %sign3A_869 : i1 to i32
      %sign3A_871 = arith.subi %sign3A_867, %sign3A_870 : i32
      %sign3A_872 = arith.constant 0 : i32
      %sign3A_873 = arith.cmpi sgt, %jit3A_863, %sign3A_872 : i32
      %sign3A_874 = arith.extui %sign3A_873 : i1 to i32
      %sign3A_875 = arith.constant 0 : i32
      %sign3A_876 = arith.cmpi slt, %jit3A_863, %sign3A_875 : i32
      %sign3A_877 = arith.extui %sign3A_876 : i1 to i32
      %sign3A_878 = arith.subi %sign3A_874, %sign3A_877 : i32
      %ne3A_879 = arith.cmpi ne, %sign3A_871, %sign3A_878 : i32
      %rem3A_880 = arith.remsi %add3A_734, %jit3A_863 : i32
      %ne3A_881 = arith.constant 0 : i32
      %ne3A_882 = arith.cmpi ne, %rem3A_880, %ne3A_881 : i32
      %and3A_883 = arith.andi %ne3A_879, %ne3A_882 : i1
      %sub3A_884 = arith.constant 1 : i32
      %sub3A_885 = arith.subi %div3A_864, %sub3A_884 : i32
      %select_n3A_886 = arith.select %and3A_883, %sub3A_885, %div3A_864 : i32
      %mul3A_887 = arith.constant 16 : i32
      %mul3A_888 = arith.muli %select_n3A_886, %mul3A_887 : i32
      %get3A_889 = arith.index_cast %mul3A_888 : i32 to index
      %get3A_890 = tpu.vector_load %arg15[%get3A_889] {strides = array<i32>} : memref<104xf32, #tpu.memory_space<vmem>>, vector<16xf32>,
      %jit3A_891 = arith.constant 0.000000e+00 : f32
      %broadcast_in_dim3A_892 = vector.broadcast %jit3A_891 : f32 to vector<16xf32>
      %select_n3A_893 = arith.select %eq3A_862, %get3A_890, %broadcast_in_dim3A_892 : vector<16xi1>, vector<16xf32>
      %reduce_sum3A_894 = arith.constant true
      %reduce_sum3A_895 = vector.broadcast %reduce_sum3A_894 : i1 to vector<16xi1>
      %reduce_sum3A_896 = tpu.scan <sum>, %select_n3A_893 masked %reduce_sum3A_895 : vector<16xf32>, vector<16xi1> -> vector<16xf32>
      %reduce_sum3A_897 = vector.extract %reduce_sum3A_896[15] : f32 from vector<16xf32>
      %add3A_898 = vector.broadcast %reduce_sum3A_897 : f32 to vector<16xf32>
      %add3A_899 = arith.addf %broadcast_in_dim3A_60, %add3A_898 : vector<16xf32>
      %jit3A_900 = arith.constant 16 : i32
      %eq3A_901 = arith.constant 0 : i32
      %eq3A_902 = arith.cmpi eq, %jit3A_900, %eq3A_901 : i32
      %jit3A_903 = arith.constant 1 : i32
      %select_n3A_904 = arith.select %eq3A_902, %jit3A_903, %jit3A_900 : i32
      %rem3A_905 = arith.remsi %add3A_734, %select_n3A_904 : i32
      %ne3A_906 = arith.constant 0 : i32
      %ne3A_907 = arith.cmpi ne, %rem3A_905, %ne3A_906 : i32
      %lt3A_908 = arith.constant 0 : i32
      %lt3A_909 = arith.cmpi slt, %rem3A_905, %lt3A_908 : i32
      %lt3A_910 = arith.constant 0 : i32
      %lt3A_911 = arith.cmpi slt, %select_n3A_904, %lt3A_910 : i32
      %ne3A_912 = arith.xori %lt3A_909, %lt3A_911 : i1
      %and3A_913 = arith.andi %ne3A_912, %ne3A_907 : i1
      %add3A_914 = arith.addi %rem3A_905, %select_n3A_904 : i32
      %select_n3A_915 = arith.select %and3A_913, %add3A_914, %rem3A_905 : i32
      %eq3A_916 = vector.broadcast %select_n3A_915 : i32 to vector<16xi32>
      %eq3A_917 = arith.cmpi eq, %iota3A, %eq3A_916 : vector<16xi32>
      %jit3A_918 = arith.constant 16 : i32
      %div3A_919 = arith.divsi %add3A_734, %jit3A_918 : i32
      %sign3A_920 = arith.constant 0 : i32
      %sign3A_921 = arith.cmpi sgt, %add3A_734, %sign3A_920 : i32
      %sign3A_922 = arith.extui %sign3A_921 : i1 to i32
      %sign3A_923 = arith.constant 0 : i32
      %sign3A_924 = arith.cmpi slt, %add3A_734, %sign3A_923 : i32
      %sign3A_925 = arith.extui %sign3A_924 : i1 to i32
      %sign3A_926 = arith.subi %sign3A_922, %sign3A_925 : i32
      %sign3A_927 = arith.constant 0 : i32
      %sign3A_928 = arith.cmpi sgt, %jit3A_918, %sign3A_927 : i32
      %sign3A_929 = arith.extui %sign3A_928 : i1 to i32
      %sign3A_930 = arith.constant 0 : i32
      %sign3A_931 = arith.cmpi slt, %jit3A_918, %sign3A_930 : i32
      %sign3A_932 = arith.extui %sign3A_931 : i1 to i32
      %sign3A_933 = arith.subi %sign3A_929, %sign3A_932 : i32
      %ne3A_934 = arith.cmpi ne, %sign3A_926, %sign3A_933 : i32
      %rem3A_935 = arith.remsi %add3A_734, %jit3A_918 : i32
      %ne3A_936 = arith.constant 0 : i32
      %ne3A_937 = arith.cmpi ne, %rem3A_935, %ne3A_936 : i32
      %and3A_938 = arith.andi %ne3A_934, %ne3A_937 : i1
      %sub3A_939 = arith.constant 1 : i32
      %sub3A_940 = arith.subi %div3A_919, %sub3A_939 : i32
      %select_n3A_941 = arith.select %and3A_938, %sub3A_940, %div3A_919 : i32
      %mul3A_942 = arith.constant 16 : i32
      %mul3A_943 = arith.muli %select_n3A_941, %mul3A_942 : i32
      %get3A_944 = arith.index_cast %mul3A_943 : i32 to index
      %get3A_945 = tpu.vector_load %arg16[%get3A_944] {strides = array<i32>} : memref<104xf32, #tpu.memory_space<vmem>>, vector<16xf32>,
      %jit3A_946 = arith.constant 0.000000e+00 : f32
      %broadcast_in_dim3A_947 = vector.broadcast %jit3A_946 : f32 to vector<16xf32>
      %select_n3A_948 = arith.select %eq3A_917, %get3A_945, %broadcast_in_dim3A_947 : vector<16xi1>, vector<16xf32>
      %reduce_sum3A_949 = arith.constant true
      %reduce_sum3A_950 = vector.broadcast %reduce_sum3A_949 : i1 to vector<16xi1>
      %reduce_sum3A_951 = tpu.scan <sum>, %select_n3A_948 masked %reduce_sum3A_950 : vector<16xf32>, vector<16xi1> -> vector<16xf32>
      %reduce_sum3A_952 = vector.extract %reduce_sum3A_951[15] : f32 from vector<16xf32>
      %add3A_953 = vector.broadcast %reduce_sum3A_952 : f32 to vector<16xf32>
      %add3A_954 = arith.addf %broadcast_in_dim3A_60, %add3A_953 : vector<16xf32>
      %scan3A_955 = arith.constant 0 : i32
      %scan3A_956 = arith.constant 0 : i32
      %scan3A_957 = arith.constant 0 : i32
      %scan3A_958 = arith.constant 0 : i32
      %scan3A_959 = arith.constant 0 : i32
      %scan3A_960 = arith.constant 52 : i32
      %scan3A_961 = arith.addi %scan3A_959, %scan3A_960 : i32
      %scan3A_962 = arith.constant 1 : i32
      %scan3A_963:4 = scf.for %scan3A_965 = %scan3A_959 to %scan3A_961 step %scan3A_962 iter_args(%scan3A_966 = %scan3A_955, %scan3A_967 = %scan3A_956, %scan3A_968 = %scan3A_957, %scan3A_969 = %scan3A_958) -> (i32, i32, i32, i32)  : i32 {
        %mul3A_970 = arith.constant 16 : i32
        %mul3A_971 = arith.muli %scan3A_965, %mul3A_970 : i32
        %get3A_972 = arith.index_cast %mul3A_971 : i32 to index
        %get3A_973 = tpu.vector_load %arg10[%get3A_972] {strides = array<i32>} : memref<832xf32, #tpu.memory_space<vmem>>, vector<16xf32>,
        %mul3A_974 = arith.constant 16 : i32
        %mul3A_975 = arith.muli %scan3A_965, %mul3A_974 : i32
        %get3A_976 = arith.index_cast %mul3A_975 : i32 to index
        %get3A_977 = tpu.vector_load %arg11[%get3A_976] {strides = array<i32>} : memref<832xf32, #tpu.memory_space<vmem>>, vector<16xf32>,
        %mul3A_978 = arith.constant 16 : i32
        %mul3A_979 = arith.muli %scan3A_965, %mul3A_978 : i32
        %get3A_980 = arith.index_cast %mul3A_979 : i32 to index
        %get3A_981 = tpu.vector_load %arg12[%get3A_980] {strides = array<i32>} : memref<832xf32, #tpu.memory_space<vmem>>, vector<16xf32>,
        %mul3A_982 = arith.constant 16 : i32
        %mul3A_983 = arith.muli %scan3A_965, %mul3A_982 : i32
        %add3A_984 = arith.addi %mul3A_49, %mul3A_983 : i32
        %add3A_985 = vector.broadcast %add3A_984 : i32 to vector<16xi32>
        %add3A_986 = arith.addi %add3A_985, %iota3A : vector<16xi32>
        %sub3A_987 = arith.subf %get3A_973, %add3A_117 : vector<16xf32>
        %sub3A_988 = arith.subf %get3A_977, %add3A_172 : vector<16xf32>
        %sub3A_989 = arith.subf %get3A_981, %add3A_227 : vector<16xf32>
        %mul3A_990 = arith.mulf %sub3A_987, %sub3A_987 : vector<16xf32>
        %mul3A_991 = arith.mulf %sub3A_988, %sub3A_988 : vector<16xf32>
        %add3A_992 = arith.addf %mul3A_990, %mul3A_991 : vector<16xf32>
        %mul3A_993 = arith.mulf %sub3A_989, %sub3A_989 : vector<16xf32>
        %add3A_994 = arith.addf %add3A_992, %mul3A_993 : vector<16xf32>
        %le3A = arith.cmpf ole, %add3A_994, %add3A_282 : vector<16xf32>
        %mul3A_995 = arith.constant 96 : i32
        %mul3A_996 = arith.muli %add3A_64, %mul3A_995 : i32
        %add3A_997 = arith.addi %mul3A_996, %scan3A_966 : i32
        %swap3A = arith.index_cast %add3A_997 : i32 to index
        %swap3A_998 = tpu.vector_load %arg17[%swap3A] masked %le3A {strides = array<i32>} : memref<9984xi32, #tpu.memory_space<vmem>>, vector<16xi32>, vector<16xi1>
        tpu.vector_store %arg17[%swap3A], %add3A_986 masked %le3A {strides = array<i32>} : memref<9984xi32, #tpu.memory_space<vmem>>, vector<16xi32>, vector<16xi1>
        %convert_element_type3A = arith.extui %le3A : vector<16xi1> to vector<16xi32>
        %reduce_sum3A_999 = arith.constant true
        %reduce_sum3A_1000 = vector.broadcast %reduce_sum3A_999 : i1 to vector<16xi1>
        %reduce_sum3A_1001 = tpu.scan <sum>, %convert_element_type3A masked %reduce_sum3A_1000 : vector<16xi32>, vector<16xi1> -> vector<16xi32>
        %reduce_sum3A_1002 = vector.extract %reduce_sum3A_1001[15] : i32 from vector<16xi32>
        %add3A_1003 = arith.addi %scan3A_966, %reduce_sum3A_1002 : i32
        %min3A = arith.constant 80 : i32
        %min3A_1004 = arith.minsi %add3A_1003, %min3A : i32
        %sub3A_1005 = arith.subf %get3A_973, %add3A_341 : vector<16xf32>
        %sub3A_1006 = arith.subf %get3A_977, %add3A_396 : vector<16xf32>
        %sub3A_1007 = arith.subf %get3A_981, %add3A_451 : vector<16xf32>
        %mul3A_1008 = arith.mulf %sub3A_1005, %sub3A_1005 : vector<16xf32>
        %mul3A_1009 = arith.mulf %sub3A_1006, %sub3A_1006 : vector<16xf32>
        %add3A_1010 = arith.addf %mul3A_1008, %mul3A_1009 : vector<16xf32>
        %mul3A_1011 = arith.mulf %sub3A_1007, %sub3A_1007 : vector<16xf32>
        %add3A_1012 = arith.addf %add3A_1010, %mul3A_1011 : vector<16xf32>
        %le3A_1013 = arith.cmpf ole, %add3A_1012, %add3A_506 : vector<16xf32>
        %mul3A_1014 = arith.constant 96 : i32
        %mul3A_1015 = arith.muli %add3A_286, %mul3A_1014 : i32
        %add3A_1016 = arith.addi %mul3A_1015, %scan3A_967 : i32
        %swap3A_1017 = arith.index_cast %add3A_1016 : i32 to index
        %swap3A_1018 = tpu.vector_load %arg17[%swap3A_1017] masked %le3A_1013 {strides = array<i32>} : memref<9984xi32, #tpu.memory_space<vmem>>, vector<16xi32>, vector<16xi1>
        tpu.vector_store %arg17[%swap3A_1017], %add3A_986 masked %le3A_1013 {strides = array<i32>} : memref<9984xi32, #tpu.memory_space<vmem>>, vector<16xi32>, vector<16xi1>
        %convert_element_type3A_1019 = arith.extui %le3A_1013 : vector<16xi1> to vector<16xi32>
        %reduce_sum3A_1020 = arith.constant true
        %reduce_sum3A_1021 = vector.broadcast %reduce_sum3A_1020 : i1 to vector<16xi1>
        %reduce_sum3A_1022 = tpu.scan <sum>, %convert_element_type3A_1019 masked %reduce_sum3A_1021 : vector<16xi32>, vector<16xi1> -> vector<16xi32>
        %reduce_sum3A_1023 = vector.extract %reduce_sum3A_1022[15] : i32 from vector<16xi32>
        %add3A_1024 = arith.addi %scan3A_967, %reduce_sum3A_1023 : i32
        %min3A_1025 = arith.constant 80 : i32
        %min3A_1026 = arith.minsi %add3A_1024, %min3A_1025 : i32
        %sub3A_1027 = arith.subf %get3A_973, %add3A_565 : vector<16xf32>
        %sub3A_1028 = arith.subf %get3A_977, %add3A_620 : vector<16xf32>
        %sub3A_1029 = arith.subf %get3A_981, %add3A_675 : vector<16xf32>
        %mul3A_1030 = arith.mulf %sub3A_1027, %sub3A_1027 : vector<16xf32>
        %mul3A_1031 = arith.mulf %sub3A_1028, %sub3A_1028 : vector<16xf32>
        %add3A_1032 = arith.addf %mul3A_1030, %mul3A_1031 : vector<16xf32>
        %mul3A_1033 = arith.mulf %sub3A_1029, %sub3A_1029 : vector<16xf32>
        %add3A_1034 = arith.addf %add3A_1032, %mul3A_1033 : vector<16xf32>
        %le3A_1035 = arith.cmpf ole, %add3A_1034, %add3A_730 : vector<16xf32>
        %mul3A_1036 = arith.constant 96 : i32
        %mul3A_1037 = arith.muli %add3A_510, %mul3A_1036 : i32
        %add3A_1038 = arith.addi %mul3A_1037, %scan3A_968 : i32
        %swap3A_1039 = arith.index_cast %add3A_1038 : i32 to index
        %swap3A_1040 = tpu.vector_load %arg17[%swap3A_1039] masked %le3A_1035 {strides = array<i32>} : memref<9984xi32, #tpu.memory_space<vmem>>, vector<16xi32>, vector<16xi1>
        tpu.vector_store %arg17[%swap3A_1039], %add3A_986 masked %le3A_1035 {strides = array<i32>} : memref<9984xi32, #tpu.memory_space<vmem>>, vector<16xi32>, vector<16xi1>
        %convert_element_type3A_1041 = arith.extui %le3A_1035 : vector<16xi1> to vector<16xi32>
        %reduce_sum3A_1042 = arith.constant true
        %reduce_sum3A_1043 = vector.broadcast %reduce_sum3A_1042 : i1 to vector<16xi1>
        %reduce_sum3A_1044 = tpu.scan <sum>, %convert_element_type3A_1041 masked %reduce_sum3A_1043 : vector<16xi32>, vector<16xi1> -> vector<16xi32>
        %reduce_sum3A_1045 = vector.extract %reduce_sum3A_1044[15] : i32 from vector<16xi32>
        %add3A_1046 = arith.addi %scan3A_968, %reduce_sum3A_1045 : i32
        %min3A_1047 = arith.constant 80 : i32
        %min3A_1048 = arith.minsi %add3A_1046, %min3A_1047 : i32
        %sub3A_1049 = arith.subf %get3A_973, %add3A_789 : vector<16xf32>
        %sub3A_1050 = arith.subf %get3A_977, %add3A_844 : vector<16xf32>
        %sub3A_1051 = arith.subf %get3A_981, %add3A_899 : vector<16xf32>
        %mul3A_1052 = arith.mulf %sub3A_1049, %sub3A_1049 : vector<16xf32>
        %mul3A_1053 = arith.mulf %sub3A_1050, %sub3A_1050 : vector<16xf32>
        %add3A_1054 = arith.addf %mul3A_1052, %mul3A_1053 : vector<16xf32>
        %mul3A_1055 = arith.mulf %sub3A_1051, %sub3A_1051 : vector<16xf32>
        %add3A_1056 = arith.addf %add3A_1054, %mul3A_1055 : vector<16xf32>
        %le3A_1057 = arith.cmpf ole, %add3A_1056, %add3A_954 : vector<16xf32>
        %mul3A_1058 = arith.constant 96 : i32
        %mul3A_1059 = arith.muli %add3A_734, %mul3A_1058 : i32
        %add3A_1060 = arith.addi %mul3A_1059, %scan3A_969 : i32
        %swap3A_1061 = arith.index_cast %add3A_1060 : i32 to index
        %swap3A_1062 = tpu.vector_load %arg17[%swap3A_1061] masked %le3A_1057 {strides = array<i32>} : memref<9984xi32, #tpu.memory_space<vmem>>, vector<16xi32>, vector<16xi1>
        tpu.vector_store %arg17[%swap3A_1061], %add3A_986 masked %le3A_1057 {strides = array<i32>} : memref<9984xi32, #tpu.memory_space<vmem>>, vector<16xi32>, vector<16xi1>
        %convert_element_type3A_1063 = arith.extui %le3A_1057 : vector<16xi1> to vector<16xi32>
        %reduce_sum3A_1064 = arith.constant true
        %reduce_sum3A_1065 = vector.broadcast %reduce_sum3A_1064 : i1 to vector<16xi1>
        %reduce_sum3A_1066 = tpu.scan <sum>, %convert_element_type3A_1063 masked %reduce_sum3A_1065 : vector<16xi32>, vector<16xi1> -> vector<16xi32>
        %reduce_sum3A_1067 = vector.extract %reduce_sum3A_1066[15] : i32 from vector<16xi32>
        %add3A_1068 = arith.addi %scan3A_969, %reduce_sum3A_1067 : i32
        %min3A_1069 = arith.constant 80 : i32
        %min3A_1070 = arith.minsi %add3A_1068, %min3A_1069 : i32
        scf.yield %min3A_1004, %min3A_1026, %min3A_1048, %min3A_1070 : i32, i32, i32, i32
      }
      %scan3A_964 = arith.constant 52 : i32
    }
    %scan3A_55 = arith.constant 26 : i32
    %mul3A_56 = arith.constant 96 : i32
    %mul3A_57 = arith.muli %add3A_41, %mul3A_56 : i32
    "tpu.region"() ({
      %run_scoped3A = tpu.sem_alloc : memref<!tpu.dma_semaphore, #tpu.memory_space<semaphore_mem>>
      %dma_start3A = tpu.memref_slice %arg9[%mul3A_57] : memref<319488xi32, #tpu.memory_space<hbm>> -> memref<9984xi32, #tpu.memory_space<hbm>>
      %dma_start3A_58 = tpu.memref_slice %arg9[%mul3A_57] : memref<319488xi32, #tpu.memory_space<hbm>> -> memref<9984xi32, #tpu.memory_space<hbm>>
      tpu.enqueue_dma source(%arg17 : memref<9984xi32, #tpu.memory_space<vmem>>) target(%dma_start3A_58 : memref<9984xi32, #tpu.memory_space<hbm>>) target_semaphore(%run_scoped3A : memref<!tpu.dma_semaphore, #tpu.memory_space<semaphore_mem>>)
      %dma_wait3A = tpu.memref_slice %arg9[%mul3A_57] : memref<319488xi32, #tpu.memory_space<hbm>> -> memref<9984xi32, #tpu.memory_space<hbm>>
      %dma_wait3A_59 = tpu.memref_slice %arg9[%mul3A_57] : memref<319488xi32, #tpu.memory_space<hbm>> -> memref<9984xi32, #tpu.memory_space<hbm>>
      tpu.wait_dma2 semaphore(%run_scoped3A : memref<!tpu.dma_semaphore, #tpu.memory_space<semaphore_mem>>) src(%arg17 : memref<9984xi32, #tpu.memory_space<vmem>>) dst(%dma_wait3A_59 : memref<9984xi32, #tpu.memory_space<hbm>>)
      tpu.yield
    }) : () -> ()
    return
  }
}

module attributes {stable_mosaic.version = 14 : i64} {
  func.func @_fps_body(%arg0: memref<16x4096xf32, #tpu.memory_space<vmem>>, %arg1: memref<16x4096xf32, #tpu.memory_space<vmem>>, %arg2: memref<16x4096xf32, #tpu.memory_space<vmem>>, %arg3: memref<16x832xi32, #tpu.memory_space<vmem>>, %arg4: memref<16x832xf32, #tpu.memory_space<vmem>>, %arg5: memref<16x832xf32, #tpu.memory_space<vmem>>, %arg6: memref<16x832xf32, #tpu.memory_space<vmem>>, %arg7: memref<16x256xi32, #tpu.memory_space<vmem>>, %arg8: memref<16x256xf32, #tpu.memory_space<vmem>>, %arg9: memref<16x256xf32, #tpu.memory_space<vmem>>, %arg10: memref<16x256xf32, #tpu.memory_space<vmem>>) attributes {dimension_semantics = [], scalar_prefetch = 0 : i64, scratch_operands = 0 : i64, tpu.core_type = #tpu.core_type<tc>} {
    %get3A = arith.constant 0 : index
    %get3A_0 = arith.constant 0 : index
    %get3A_1 = vector.load %arg0[%get3A, %get3A_0] : memref<16x4096xf32, #tpu.memory_space<vmem>>, vector<16x4096xf32>
    %get3A_2 = arith.constant 0 : index
    %get3A_3 = arith.constant 0 : index
    %get3A_4 = vector.load %arg1[%get3A_2, %get3A_3] : memref<16x4096xf32, #tpu.memory_space<vmem>>, vector<16x4096xf32>
    %get3A_5 = arith.constant 0 : index
    %get3A_6 = arith.constant 0 : index
    %get3A_7 = vector.load %arg2[%get3A_5, %get3A_6] : memref<16x4096xf32, #tpu.memory_space<vmem>>, vector<16x4096xf32>
    %iota3A = tpu.iota {dimensions = array<i32: 1>} : vector<16x4096xi32>
    %iota3A_8 = tpu.iota {dimensions = array<i32: 1>} : vector<16x832xi32>
    %lt3A = arith.constant 4096 : i32
    %lt3A_9 = vector.broadcast %lt3A : i32 to vector<16x4096xi32>
    %lt3A_10 = arith.cmpi slt, %iota3A, %lt3A_9 : vector<16x4096xi32>
    %slice3A = vector.extract_strided_slice %get3A_1 {offsets = [0, 0], sizes = [16, 1], strides = [1, 1]} : vector<16x4096xf32> to vector<16x1xf32>
    %slice3A_11 = vector.extract_strided_slice %get3A_4 {offsets = [0, 0], sizes = [16, 1], strides = [1, 1]} : vector<16x4096xf32> to vector<16x1xf32>
    %slice3A_12 = vector.extract_strided_slice %get3A_7 {offsets = [0, 0], sizes = [16, 1], strides = [1, 1]} : vector<16x4096xf32> to vector<16x1xf32>
    %sub3A = vector.broadcast %slice3A : vector<16x1xf32> to vector<16x4096xf32>
    %sub3A_13 = arith.subf %get3A_1, %sub3A : vector<16x4096xf32>
    %sub3A_14 = vector.broadcast %slice3A_11 : vector<16x1xf32> to vector<16x4096xf32>
    %sub3A_15 = arith.subf %get3A_4, %sub3A_14 : vector<16x4096xf32>
    %sub3A_16 = vector.broadcast %slice3A_12 : vector<16x1xf32> to vector<16x4096xf32>
    %sub3A_17 = arith.subf %get3A_7, %sub3A_16 : vector<16x4096xf32>
    %mul3A = arith.mulf %sub3A_13, %sub3A_13 : vector<16x4096xf32>
    %mul3A_18 = arith.mulf %sub3A_15, %sub3A_15 : vector<16x4096xf32>
    %add3A = arith.addf %mul3A, %mul3A_18 : vector<16x4096xf32>
    %mul3A_19 = arith.mulf %sub3A_17, %sub3A_17 : vector<16x4096xf32>
    %add3A_20 = arith.addf %add3A, %mul3A_19 : vector<16x4096xf32>
    %jit3A = arith.constant -1.000000e+00 : f32
    %broadcast_in_dim3A = vector.broadcast %jit3A : f32 to vector<16x4096xf32>
    %select_n3A = arith.select %lt3A_10, %add3A_20, %broadcast_in_dim3A : vector<16x4096xi1>, vector<16x4096xf32>
    %broadcast_in_dim3A_21 = arith.constant 0 : i32
    %broadcast_in_dim3A_22 = vector.broadcast %broadcast_in_dim3A_21 : i32 to vector<16x832xi32>
    %eq3A = arith.constant 0 : i32
    %eq3A_23 = vector.broadcast %eq3A : i32 to vector<16x832xi32>
    %eq3A_24 = arith.cmpi eq, %iota3A_8, %eq3A_23 : vector<16x832xi32>
    %jit3A_25 = arith.constant 0.000000e+00 : f32
    %broadcast_in_dim3A_26 = vector.shape_cast %slice3A : vector<16x1xf32> to vector<16x1xf32>
    %broadcast_in_dim3A_27 = vector.broadcast %broadcast_in_dim3A_26 : vector<16x1xf32> to vector<16x832xf32>
    %broadcast_in_dim3A_28 = vector.broadcast %jit3A_25 : f32 to vector<16x832xf32>
    %select_n3A_29 = arith.select %eq3A_24, %broadcast_in_dim3A_27, %broadcast_in_dim3A_28 : vector<16x832xi1>, vector<16x832xf32>
    %eq3A_30 = arith.constant 0 : i32
    %eq3A_31 = vector.broadcast %eq3A_30 : i32 to vector<16x832xi32>
    %eq3A_32 = arith.cmpi eq, %iota3A_8, %eq3A_31 : vector<16x832xi32>
    %jit3A_33 = arith.constant 0.000000e+00 : f32
    %broadcast_in_dim3A_34 = vector.shape_cast %slice3A_11 : vector<16x1xf32> to vector<16x1xf32>
    %broadcast_in_dim3A_35 = vector.broadcast %broadcast_in_dim3A_34 : vector<16x1xf32> to vector<16x832xf32>
    %broadcast_in_dim3A_36 = vector.broadcast %jit3A_33 : f32 to vector<16x832xf32>
    %select_n3A_37 = arith.select %eq3A_32, %broadcast_in_dim3A_35, %broadcast_in_dim3A_36 : vector<16x832xi1>, vector<16x832xf32>
    %eq3A_38 = arith.constant 0 : i32
    %eq3A_39 = vector.broadcast %eq3A_38 : i32 to vector<16x832xi32>
    %eq3A_40 = arith.cmpi eq, %iota3A_8, %eq3A_39 : vector<16x832xi32>
    %jit3A_41 = arith.constant 0.000000e+00 : f32
    %broadcast_in_dim3A_42 = vector.shape_cast %slice3A_12 : vector<16x1xf32> to vector<16x1xf32>
    %broadcast_in_dim3A_43 = vector.broadcast %broadcast_in_dim3A_42 : vector<16x1xf32> to vector<16x832xf32>
    %broadcast_in_dim3A_44 = vector.broadcast %jit3A_41 : f32 to vector<16x832xf32>
    %select_n3A_45 = arith.select %eq3A_40, %broadcast_in_dim3A_43, %broadcast_in_dim3A_44 : vector<16x832xi1>, vector<16x832xf32>
    %scan3A = arith.constant 1 : i32
    %scan3A_46 = arith.constant 819 : i32
    %scan3A_47 = arith.addi %scan3A, %scan3A_46 : i32
    %scan3A_48 = arith.constant 1 : i32
    %scan3A_49:5 = scf.for %scan3A_128 = %scan3A to %scan3A_47 step %scan3A_48 iter_args(%scan3A_129 = %select_n3A, %scan3A_130 = %broadcast_in_dim3A_22, %scan3A_131 = %select_n3A_29, %scan3A_132 = %select_n3A_37, %scan3A_133 = %select_n3A_45) -> (vector<16x4096xf32>, vector<16x832xi32>, vector<16x832xf32>, vector<16x832xf32>, vector<16x832xf32>)  : i32 {
      %reduce_max3A = arith.constant dense<0xFF800000> : vector<16xf32>
      %reduce_max3A_134 = vector.multi_reduction <maximumf>, %scan3A_129, %reduce_max3A [1] : vector<16x4096xf32> to vector<16xf32>
      %broadcast_in_dim3A_135 = vector.shape_cast %reduce_max3A_134 : vector<16xf32> to vector<16x1xf32>
      %eq3A_136 = vector.broadcast %broadcast_in_dim3A_135 : vector<16x1xf32> to vector<16x4096xf32>
      %eq3A_137 = arith.cmpf oeq, %scan3A_129, %eq3A_136 : vector<16x4096xf32>
      %jit3A_138 = arith.constant 4096 : i32
      %broadcast_in_dim3A_139 = vector.broadcast %jit3A_138 : i32 to vector<16x4096xi32>
      %select_n3A_140 = arith.select %eq3A_137, %iota3A, %broadcast_in_dim3A_139 : vector<16x4096xi1>, vector<16x4096xi32>
      %reduce_min3A = arith.constant dense<2147483647> : vector<16xi32>
      %reduce_min3A_141 = vector.multi_reduction <minsi>, %select_n3A_140, %reduce_min3A [1] : vector<16x4096xi32> to vector<16xi32>
      %broadcast_in_dim3A_142 = vector.shape_cast %reduce_min3A_141 : vector<16xi32> to vector<16x1xi32>
      %eq3A_143 = vector.broadcast %broadcast_in_dim3A_142 : vector<16x1xi32> to vector<16x4096xi32>
      %eq3A_144 = arith.cmpi eq, %iota3A, %eq3A_143 : vector<16x4096xi32>
      %jit3A_145 = arith.constant 0xFF800000 : f32
      %broadcast_in_dim3A_146 = vector.broadcast %jit3A_145 : f32 to vector<16x4096xf32>
      %select_n3A_147 = arith.select %eq3A_144, %get3A_1, %broadcast_in_dim3A_146 : vector<16x4096xi1>, vector<16x4096xf32>
      %reduce_max3A_148 = arith.constant dense<0xFF800000> : vector<16xf32>
      %reduce_max3A_149 = vector.multi_reduction <maximumf>, %select_n3A_147, %reduce_max3A_148 [1] : vector<16x4096xf32> to vector<16xf32>
      %broadcast_in_dim3A_150 = vector.shape_cast %reduce_max3A_149 : vector<16xf32> to vector<16x1xf32>
      %jit3A_151 = arith.constant 0xFF800000 : f32
      %broadcast_in_dim3A_152 = vector.broadcast %jit3A_151 : f32 to vector<16x4096xf32>
      %select_n3A_153 = arith.select %eq3A_144, %get3A_4, %broadcast_in_dim3A_152 : vector<16x4096xi1>, vector<16x4096xf32>
      %reduce_max3A_154 = arith.constant dense<0xFF800000> : vector<16xf32>
      %reduce_max3A_155 = vector.multi_reduction <maximumf>, %select_n3A_153, %reduce_max3A_154 [1] : vector<16x4096xf32> to vector<16xf32>
      %broadcast_in_dim3A_156 = vector.shape_cast %reduce_max3A_155 : vector<16xf32> to vector<16x1xf32>
      %jit3A_157 = arith.constant 0xFF800000 : f32
      %broadcast_in_dim3A_158 = vector.broadcast %jit3A_157 : f32 to vector<16x4096xf32>
      %select_n3A_159 = arith.select %eq3A_144, %get3A_7, %broadcast_in_dim3A_158 : vector<16x4096xi1>, vector<16x4096xf32>
      %reduce_max3A_160 = arith.constant dense<0xFF800000> : vector<16xf32>
      %reduce_max3A_161 = vector.multi_reduction <maximumf>, %select_n3A_159, %reduce_max3A_160 [1] : vector<16x4096xf32> to vector<16xf32>
      %broadcast_in_dim3A_162 = vector.shape_cast %reduce_max3A_161 : vector<16xf32> to vector<16x1xf32>
      %eq3A_163 = vector.broadcast %scan3A_128 : i32 to vector<16x832xi32>
      %eq3A_164 = arith.cmpi eq, %iota3A_8, %eq3A_163 : vector<16x832xi32>
      %broadcast_in_dim3A_165 = vector.shape_cast %broadcast_in_dim3A_142 : vector<16x1xi32> to vector<16x1xi32>
      %broadcast_in_dim3A_166 = vector.broadcast %broadcast_in_dim3A_165 : vector<16x1xi32> to vector<16x832xi32>
      %select_n3A_167 = arith.select %eq3A_164, %broadcast_in_dim3A_166, %scan3A_130 : vector<16x832xi1>, vector<16x832xi32>
      %broadcast_in_dim3A_168 = vector.shape_cast %broadcast_in_dim3A_150 : vector<16x1xf32> to vector<16x1xf32>
      %broadcast_in_dim3A_169 = vector.broadcast %broadcast_in_dim3A_168 : vector<16x1xf32> to vector<16x832xf32>
      %select_n3A_170 = arith.select %eq3A_164, %broadcast_in_dim3A_169, %scan3A_131 : vector<16x832xi1>, vector<16x832xf32>
      %broadcast_in_dim3A_171 = vector.shape_cast %broadcast_in_dim3A_156 : vector<16x1xf32> to vector<16x1xf32>
      %broadcast_in_dim3A_172 = vector.broadcast %broadcast_in_dim3A_171 : vector<16x1xf32> to vector<16x832xf32>
      %select_n3A_173 = arith.select %eq3A_164, %broadcast_in_dim3A_172, %scan3A_132 : vector<16x832xi1>, vector<16x832xf32>
      %broadcast_in_dim3A_174 = vector.shape_cast %broadcast_in_dim3A_162 : vector<16x1xf32> to vector<16x1xf32>
      %broadcast_in_dim3A_175 = vector.broadcast %broadcast_in_dim3A_174 : vector<16x1xf32> to vector<16x832xf32>
      %select_n3A_176 = arith.select %eq3A_164, %broadcast_in_dim3A_175, %scan3A_133 : vector<16x832xi1>, vector<16x832xf32>
      %sub3A_177 = vector.broadcast %broadcast_in_dim3A_150 : vector<16x1xf32> to vector<16x4096xf32>
      %sub3A_178 = arith.subf %get3A_1, %sub3A_177 : vector<16x4096xf32>
      %sub3A_179 = vector.broadcast %broadcast_in_dim3A_156 : vector<16x1xf32> to vector<16x4096xf32>
      %sub3A_180 = arith.subf %get3A_4, %sub3A_179 : vector<16x4096xf32>
      %sub3A_181 = vector.broadcast %broadcast_in_dim3A_162 : vector<16x1xf32> to vector<16x4096xf32>
      %sub3A_182 = arith.subf %get3A_7, %sub3A_181 : vector<16x4096xf32>
      %mul3A_183 = arith.mulf %sub3A_178, %sub3A_178 : vector<16x4096xf32>
      %mul3A_184 = arith.mulf %sub3A_180, %sub3A_180 : vector<16x4096xf32>
      %add3A_185 = arith.addf %mul3A_183, %mul3A_184 : vector<16x4096xf32>
      %mul3A_186 = arith.mulf %sub3A_182, %sub3A_182 : vector<16x4096xf32>
      %add3A_187 = arith.addf %add3A_185, %mul3A_186 : vector<16x4096xf32>
      %jit3A_188 = arith.constant -1.000000e+00 : f32
      %broadcast_in_dim3A_189 = vector.broadcast %jit3A_188 : f32 to vector<16x4096xf32>
      %select_n3A_190 = arith.select %lt3A_10, %add3A_187, %broadcast_in_dim3A_189 : vector<16x4096xi1>, vector<16x4096xf32>
      %min3A = arith.minimumf %scan3A_129, %select_n3A_190 : vector<16x4096xf32>
      scf.yield %min3A, %select_n3A_167, %select_n3A_170, %select_n3A_173, %select_n3A_176 : vector<16x4096xf32>, vector<16x832xi32>, vector<16x832xf32>, vector<16x832xf32>, vector<16x832xf32>
    }
    %scan3A_50 = arith.constant 819 : i32
    %swap3A = arith.constant 0 : index
    %swap3A_51 = arith.constant 0 : index
    %swap3A_52 = vector.load %arg3[%swap3A, %swap3A_51] : memref<16x832xi32, #tpu.memory_space<vmem>>, vector<16x832xi32>
    tpu.vector_store %arg3[%swap3A, %swap3A_51], %scan3A_49#1 {strides = array<i32>} : memref<16x832xi32, #tpu.memory_space<vmem>>, vector<16x832xi32>,
    %swap3A_53 = arith.constant 0 : index
    %swap3A_54 = arith.constant 0 : index
    %swap3A_55 = vector.load %arg4[%swap3A_53, %swap3A_54] : memref<16x832xf32, #tpu.memory_space<vmem>>, vector<16x832xf32>
    tpu.vector_store %arg4[%swap3A_53, %swap3A_54], %scan3A_49#2 {strides = array<i32>} : memref<16x832xf32, #tpu.memory_space<vmem>>, vector<16x832xf32>,
    %swap3A_56 = arith.constant 0 : index
    %swap3A_57 = arith.constant 0 : index
    %swap3A_58 = vector.load %arg5[%swap3A_56, %swap3A_57] : memref<16x832xf32, #tpu.memory_space<vmem>>, vector<16x832xf32>
    tpu.vector_store %arg5[%swap3A_56, %swap3A_57], %scan3A_49#3 {strides = array<i32>} : memref<16x832xf32, #tpu.memory_space<vmem>>, vector<16x832xf32>,
    %swap3A_59 = arith.constant 0 : index
    %swap3A_60 = arith.constant 0 : index
    %swap3A_61 = vector.load %arg6[%swap3A_59, %swap3A_60] : memref<16x832xf32, #tpu.memory_space<vmem>>, vector<16x832xf32>
    tpu.vector_store %arg6[%swap3A_59, %swap3A_60], %scan3A_49#4 {strides = array<i32>} : memref<16x832xf32, #tpu.memory_space<vmem>>, vector<16x832xf32>,
    %iota3A_62 = tpu.iota {dimensions = array<i32: 1>} : vector<16x832xi32>
    %iota3A_63 = tpu.iota {dimensions = array<i32: 1>} : vector<16x256xi32>
    %lt3A_64 = arith.constant 820 : i32
    %lt3A_65 = vector.broadcast %lt3A_64 : i32 to vector<16x832xi32>
    %lt3A_66 = arith.cmpi slt, %iota3A_62, %lt3A_65 : vector<16x832xi32>
    %slice3A_67 = vector.extract_strided_slice %scan3A_49#2 {offsets = [0, 0], sizes = [16, 1], strides = [1, 1]} : vector<16x832xf32> to vector<16x1xf32>
    %slice3A_68 = vector.extract_strided_slice %scan3A_49#3 {offsets = [0, 0], sizes = [16, 1], strides = [1, 1]} : vector<16x832xf32> to vector<16x1xf32>
    %slice3A_69 = vector.extract_strided_slice %scan3A_49#4 {offsets = [0, 0], sizes = [16, 1], strides = [1, 1]} : vector<16x832xf32> to vector<16x1xf32>
    %sub3A_70 = vector.broadcast %slice3A_67 : vector<16x1xf32> to vector<16x832xf32>
    %sub3A_71 = arith.subf %scan3A_49#2, %sub3A_70 : vector<16x832xf32>
    %sub3A_72 = vector.broadcast %slice3A_68 : vector<16x1xf32> to vector<16x832xf32>
    %sub3A_73 = arith.subf %scan3A_49#3, %sub3A_72 : vector<16x832xf32>
    %sub3A_74 = vector.broadcast %slice3A_69 : vector<16x1xf32> to vector<16x832xf32>
    %sub3A_75 = arith.subf %scan3A_49#4, %sub3A_74 : vector<16x832xf32>
    %mul3A_76 = arith.mulf %sub3A_71, %sub3A_71 : vector<16x832xf32>
    %mul3A_77 = arith.mulf %sub3A_73, %sub3A_73 : vector<16x832xf32>
    %add3A_78 = arith.addf %mul3A_76, %mul3A_77 : vector<16x832xf32>
    %mul3A_79 = arith.mulf %sub3A_75, %sub3A_75 : vector<16x832xf32>
    %add3A_80 = arith.addf %add3A_78, %mul3A_79 : vector<16x832xf32>
    %jit3A_81 = arith.constant -1.000000e+00 : f32
    %broadcast_in_dim3A_82 = vector.broadcast %jit3A_81 : f32 to vector<16x832xf32>
    %select_n3A_83 = arith.select %lt3A_66, %add3A_80, %broadcast_in_dim3A_82 : vector<16x832xi1>, vector<16x832xf32>
    %broadcast_in_dim3A_84 = arith.constant 0 : i32
    %broadcast_in_dim3A_85 = vector.broadcast %broadcast_in_dim3A_84 : i32 to vector<16x256xi32>
    %eq3A_86 = arith.constant 0 : i32
    %eq3A_87 = vector.broadcast %eq3A_86 : i32 to vector<16x256xi32>
    %eq3A_88 = arith.cmpi eq, %iota3A_63, %eq3A_87 : vector<16x256xi32>
    %jit3A_89 = arith.constant 0.000000e+00 : f32
    %broadcast_in_dim3A_90 = vector.shape_cast %slice3A_67 : vector<16x1xf32> to vector<16x1xf32>
    %broadcast_in_dim3A_91 = vector.broadcast %broadcast_in_dim3A_90 : vector<16x1xf32> to vector<16x256xf32>
    %broadcast_in_dim3A_92 = vector.broadcast %jit3A_89 : f32 to vector<16x256xf32>
    %select_n3A_93 = arith.select %eq3A_88, %broadcast_in_dim3A_91, %broadcast_in_dim3A_92 : vector<16x256xi1>, vector<16x256xf32>
    %eq3A_94 = arith.constant 0 : i32
    %eq3A_95 = vector.broadcast %eq3A_94 : i32 to vector<16x256xi32>
    %eq3A_96 = arith.cmpi eq, %iota3A_63, %eq3A_95 : vector<16x256xi32>
    %jit3A_97 = arith.constant 0.000000e+00 : f32
    %broadcast_in_dim3A_98 = vector.shape_cast %slice3A_68 : vector<16x1xf32> to vector<16x1xf32>
    %broadcast_in_dim3A_99 = vector.broadcast %broadcast_in_dim3A_98 : vector<16x1xf32> to vector<16x256xf32>
    %broadcast_in_dim3A_100 = vector.broadcast %jit3A_97 : f32 to vector<16x256xf32>
    %select_n3A_101 = arith.select %eq3A_96, %broadcast_in_dim3A_99, %broadcast_in_dim3A_100 : vector<16x256xi1>, vector<16x256xf32>
    %eq3A_102 = arith.constant 0 : i32
    %eq3A_103 = vector.broadcast %eq3A_102 : i32 to vector<16x256xi32>
    %eq3A_104 = arith.cmpi eq, %iota3A_63, %eq3A_103 : vector<16x256xi32>
    %jit3A_105 = arith.constant 0.000000e+00 : f32
    %broadcast_in_dim3A_106 = vector.shape_cast %slice3A_69 : vector<16x1xf32> to vector<16x1xf32>
    %broadcast_in_dim3A_107 = vector.broadcast %broadcast_in_dim3A_106 : vector<16x1xf32> to vector<16x256xf32>
    %broadcast_in_dim3A_108 = vector.broadcast %jit3A_105 : f32 to vector<16x256xf32>
    %select_n3A_109 = arith.select %eq3A_104, %broadcast_in_dim3A_107, %broadcast_in_dim3A_108 : vector<16x256xi1>, vector<16x256xf32>
    %scan3A_110 = arith.constant 1 : i32
    %scan3A_111 = arith.constant 204 : i32
    %scan3A_112 = arith.addi %scan3A_110, %scan3A_111 : i32
    %scan3A_113 = arith.constant 1 : i32
    %scan3A_114:5 = scf.for %scan3A_128 = %scan3A_110 to %scan3A_112 step %scan3A_113 iter_args(%scan3A_129 = %select_n3A_83, %scan3A_130 = %broadcast_in_dim3A_85, %scan3A_131 = %select_n3A_93, %scan3A_132 = %select_n3A_101, %scan3A_133 = %select_n3A_109) -> (vector<16x832xf32>, vector<16x256xi32>, vector<16x256xf32>, vector<16x256xf32>, vector<16x256xf32>)  : i32 {
      %reduce_max3A = arith.constant dense<0xFF800000> : vector<16xf32>
      %reduce_max3A_134 = vector.multi_reduction <maximumf>, %scan3A_129, %reduce_max3A [1] : vector<16x832xf32> to vector<16xf32>
      %broadcast_in_dim3A_135 = vector.shape_cast %reduce_max3A_134 : vector<16xf32> to vector<16x1xf32>
      %eq3A_136 = vector.broadcast %broadcast_in_dim3A_135 : vector<16x1xf32> to vector<16x832xf32>
      %eq3A_137 = arith.cmpf oeq, %scan3A_129, %eq3A_136 : vector<16x832xf32>
      %jit3A_138 = arith.constant 832 : i32
      %broadcast_in_dim3A_139 = vector.broadcast %jit3A_138 : i32 to vector<16x832xi32>
      %select_n3A_140 = arith.select %eq3A_137, %iota3A_62, %broadcast_in_dim3A_139 : vector<16x832xi1>, vector<16x832xi32>
      %reduce_min3A = arith.constant dense<2147483647> : vector<16xi32>
      %reduce_min3A_141 = vector.multi_reduction <minsi>, %select_n3A_140, %reduce_min3A [1] : vector<16x832xi32> to vector<16xi32>
      %broadcast_in_dim3A_142 = vector.shape_cast %reduce_min3A_141 : vector<16xi32> to vector<16x1xi32>
      %eq3A_143 = vector.broadcast %broadcast_in_dim3A_142 : vector<16x1xi32> to vector<16x832xi32>
      %eq3A_144 = arith.cmpi eq, %iota3A_62, %eq3A_143 : vector<16x832xi32>
      %jit3A_145 = arith.constant 0xFF800000 : f32
      %broadcast_in_dim3A_146 = vector.broadcast %jit3A_145 : f32 to vector<16x832xf32>
      %select_n3A_147 = arith.select %eq3A_144, %scan3A_49#2, %broadcast_in_dim3A_146 : vector<16x832xi1>, vector<16x832xf32>
      %reduce_max3A_148 = arith.constant dense<0xFF800000> : vector<16xf32>
      %reduce_max3A_149 = vector.multi_reduction <maximumf>, %select_n3A_147, %reduce_max3A_148 [1] : vector<16x832xf32> to vector<16xf32>
      %broadcast_in_dim3A_150 = vector.shape_cast %reduce_max3A_149 : vector<16xf32> to vector<16x1xf32>
      %jit3A_151 = arith.constant 0xFF800000 : f32
      %broadcast_in_dim3A_152 = vector.broadcast %jit3A_151 : f32 to vector<16x832xf32>
      %select_n3A_153 = arith.select %eq3A_144, %scan3A_49#3, %broadcast_in_dim3A_152 : vector<16x832xi1>, vector<16x832xf32>
      %reduce_max3A_154 = arith.constant dense<0xFF800000> : vector<16xf32>
      %reduce_max3A_155 = vector.multi_reduction <maximumf>, %select_n3A_153, %reduce_max3A_154 [1] : vector<16x832xf32> to vector<16xf32>
      %broadcast_in_dim3A_156 = vector.shape_cast %reduce_max3A_155 : vector<16xf32> to vector<16x1xf32>
      %jit3A_157 = arith.constant 0xFF800000 : f32
      %broadcast_in_dim3A_158 = vector.broadcast %jit3A_157 : f32 to vector<16x832xf32>
      %select_n3A_159 = arith.select %eq3A_144, %scan3A_49#4, %broadcast_in_dim3A_158 : vector<16x832xi1>, vector<16x832xf32>
      %reduce_max3A_160 = arith.constant dense<0xFF800000> : vector<16xf32>
      %reduce_max3A_161 = vector.multi_reduction <maximumf>, %select_n3A_159, %reduce_max3A_160 [1] : vector<16x832xf32> to vector<16xf32>
      %broadcast_in_dim3A_162 = vector.shape_cast %reduce_max3A_161 : vector<16xf32> to vector<16x1xf32>
      %eq3A_163 = vector.broadcast %scan3A_128 : i32 to vector<16x256xi32>
      %eq3A_164 = arith.cmpi eq, %iota3A_63, %eq3A_163 : vector<16x256xi32>
      %broadcast_in_dim3A_165 = vector.shape_cast %broadcast_in_dim3A_142 : vector<16x1xi32> to vector<16x1xi32>
      %broadcast_in_dim3A_166 = vector.broadcast %broadcast_in_dim3A_165 : vector<16x1xi32> to vector<16x256xi32>
      %select_n3A_167 = arith.select %eq3A_164, %broadcast_in_dim3A_166, %scan3A_130 : vector<16x256xi1>, vector<16x256xi32>
      %broadcast_in_dim3A_168 = vector.shape_cast %broadcast_in_dim3A_150 : vector<16x1xf32> to vector<16x1xf32>
      %broadcast_in_dim3A_169 = vector.broadcast %broadcast_in_dim3A_168 : vector<16x1xf32> to vector<16x256xf32>
      %select_n3A_170 = arith.select %eq3A_164, %broadcast_in_dim3A_169, %scan3A_131 : vector<16x256xi1>, vector<16x256xf32>
      %broadcast_in_dim3A_171 = vector.shape_cast %broadcast_in_dim3A_156 : vector<16x1xf32> to vector<16x1xf32>
      %broadcast_in_dim3A_172 = vector.broadcast %broadcast_in_dim3A_171 : vector<16x1xf32> to vector<16x256xf32>
      %select_n3A_173 = arith.select %eq3A_164, %broadcast_in_dim3A_172, %scan3A_132 : vector<16x256xi1>, vector<16x256xf32>
      %broadcast_in_dim3A_174 = vector.shape_cast %broadcast_in_dim3A_162 : vector<16x1xf32> to vector<16x1xf32>
      %broadcast_in_dim3A_175 = vector.broadcast %broadcast_in_dim3A_174 : vector<16x1xf32> to vector<16x256xf32>
      %select_n3A_176 = arith.select %eq3A_164, %broadcast_in_dim3A_175, %scan3A_133 : vector<16x256xi1>, vector<16x256xf32>
      %sub3A_177 = vector.broadcast %broadcast_in_dim3A_150 : vector<16x1xf32> to vector<16x832xf32>
      %sub3A_178 = arith.subf %scan3A_49#2, %sub3A_177 : vector<16x832xf32>
      %sub3A_179 = vector.broadcast %broadcast_in_dim3A_156 : vector<16x1xf32> to vector<16x832xf32>
      %sub3A_180 = arith.subf %scan3A_49#3, %sub3A_179 : vector<16x832xf32>
      %sub3A_181 = vector.broadcast %broadcast_in_dim3A_162 : vector<16x1xf32> to vector<16x832xf32>
      %sub3A_182 = arith.subf %scan3A_49#4, %sub3A_181 : vector<16x832xf32>
      %mul3A_183 = arith.mulf %sub3A_178, %sub3A_178 : vector<16x832xf32>
      %mul3A_184 = arith.mulf %sub3A_180, %sub3A_180 : vector<16x832xf32>
      %add3A_185 = arith.addf %mul3A_183, %mul3A_184 : vector<16x832xf32>
      %mul3A_186 = arith.mulf %sub3A_182, %sub3A_182 : vector<16x832xf32>
      %add3A_187 = arith.addf %add3A_185, %mul3A_186 : vector<16x832xf32>
      %jit3A_188 = arith.constant -1.000000e+00 : f32
      %broadcast_in_dim3A_189 = vector.broadcast %jit3A_188 : f32 to vector<16x832xf32>
      %select_n3A_190 = arith.select %lt3A_66, %add3A_187, %broadcast_in_dim3A_189 : vector<16x832xi1>, vector<16x832xf32>
      %min3A = arith.minimumf %scan3A_129, %select_n3A_190 : vector<16x832xf32>
      scf.yield %min3A, %select_n3A_167, %select_n3A_170, %select_n3A_173, %select_n3A_176 : vector<16x832xf32>, vector<16x256xi32>, vector<16x256xf32>, vector<16x256xf32>, vector<16x256xf32>
    }
    %scan3A_115 = arith.constant 204 : i32
    %swap3A_116 = arith.constant 0 : index
    %swap3A_117 = arith.constant 0 : index
    %swap3A_118 = vector.load %arg7[%swap3A_116, %swap3A_117] : memref<16x256xi32, #tpu.memory_space<vmem>>, vector<16x256xi32>
    tpu.vector_store %arg7[%swap3A_116, %swap3A_117], %scan3A_114#1 {strides = array<i32>} : memref<16x256xi32, #tpu.memory_space<vmem>>, vector<16x256xi32>,
    %swap3A_119 = arith.constant 0 : index
    %swap3A_120 = arith.constant 0 : index
    %swap3A_121 = vector.load %arg8[%swap3A_119, %swap3A_120] : memref<16x256xf32, #tpu.memory_space<vmem>>, vector<16x256xf32>
    tpu.vector_store %arg8[%swap3A_119, %swap3A_120], %scan3A_114#2 {strides = array<i32>} : memref<16x256xf32, #tpu.memory_space<vmem>>, vector<16x256xf32>,
    %swap3A_122 = arith.constant 0 : index
    %swap3A_123 = arith.constant 0 : index
    %swap3A_124 = vector.load %arg9[%swap3A_122, %swap3A_123] : memref<16x256xf32, #tpu.memory_space<vmem>>, vector<16x256xf32>
    tpu.vector_store %arg9[%swap3A_122, %swap3A_123], %scan3A_114#3 {strides = array<i32>} : memref<16x256xf32, #tpu.memory_space<vmem>>, vector<16x256xf32>,
    %swap3A_125 = arith.constant 0 : index
    %swap3A_126 = arith.constant 0 : index
    %swap3A_127 = vector.load %arg10[%swap3A_125, %swap3A_126] : memref<16x256xf32, #tpu.memory_space<vmem>>, vector<16x256xf32>
    tpu.vector_store %arg10[%swap3A_125, %swap3A_126], %scan3A_114#4 {strides = array<i32>} : memref<16x256xf32, #tpu.memory_space<vmem>>, vector<16x256xf32>,
    return
  }
}

module attributes {stable_mosaic.version = 14 : i64} {
  func.func @_n2t_body(%arg0: i32, %arg1: memref<1x1x832xf32, #tpu.memory_space<vmem>>, %arg2: memref<1x1x832xf32, #tpu.memory_space<vmem>>, %arg3: memref<1x1x832xf32, #tpu.memory_space<vmem>>, %arg4: memref<1x1x256xf32, #tpu.memory_space<vmem>>, %arg5: memref<1x1x256xf32, #tpu.memory_space<vmem>>, %arg6: memref<1x1x256xf32, #tpu.memory_space<vmem>>, %arg7: memref<1x1x208xf32, #tpu.memory_space<vmem>>) attributes {dimension_semantics = [#tpu.dimension_semantics<arbitrary>], iteration_bounds = array<i64: 16>, scalar_prefetch = 0 : i64, scratch_operands = 0 : i64, tpu.core_type = #tpu.core_type<tc>, window_params = [{transform_indices = @transform_0, window_bounds = array<i64: 1, 1, 832>}, {transform_indices = @transform_1, window_bounds = array<i64: 1, 1, 832>}, {transform_indices = @transform_2, window_bounds = array<i64: 1, 1, 832>}, {transform_indices = @transform_3, window_bounds = array<i64: 1, 1, 256>}, {transform_indices = @transform_4, window_bounds = array<i64: 1, 1, 256>}, {transform_indices = @transform_5, window_bounds = array<i64: 1, 1, 256>}, {transform_indices = @transform_6, window_bounds = array<i64: 1, 1, 208>}]} {
    %get3A = arith.constant 0 : index
    %get3A_0 = arith.constant 0 : index
    %get3A_1 = arith.constant 0 : index
    %get3A_2 = vector.load %arg1[%get3A, %get3A_0, %get3A_1] : memref<1x1x832xf32, #tpu.memory_space<vmem>>, vector<1x1x832xf32>
    %squeeze3A = vector.shape_cast %get3A_2 : vector<1x1x832xf32> to vector<1x832xf32>
    %get3A_3 = arith.constant 0 : index
    %get3A_4 = arith.constant 0 : index
    %get3A_5 = arith.constant 0 : index
    %get3A_6 = vector.load %arg2[%get3A_3, %get3A_4, %get3A_5] : memref<1x1x832xf32, #tpu.memory_space<vmem>>, vector<1x1x832xf32>
    %squeeze3A_7 = vector.shape_cast %get3A_6 : vector<1x1x832xf32> to vector<1x832xf32>
    %get3A_8 = arith.constant 0 : index
    %get3A_9 = arith.constant 0 : index
    %get3A_10 = arith.constant 0 : index
    %get3A_11 = vector.load %arg3[%get3A_8, %get3A_9, %get3A_10] : memref<1x1x832xf32, #tpu.memory_space<vmem>>, vector<1x1x832xf32>
    %squeeze3A_12 = vector.shape_cast %get3A_11 : vector<1x1x832xf32> to vector<1x832xf32>
    %get3A_13 = arith.constant 0 : index
    %get3A_14 = arith.constant 0 : index
    %get3A_15 = arith.constant 0 : index
    %get3A_16 = vector.load %arg4[%get3A_13, %get3A_14, %get3A_15] : memref<1x1x256xf32, #tpu.memory_space<vmem>>, vector<1x1x256xf32>
    %squeeze3A_17 = vector.shape_cast %get3A_16 : vector<1x1x256xf32> to vector<1x256xf32>
    %slice3A = vector.extract_strided_slice %squeeze3A_17 {offsets = [0, 0], sizes = [1, 208], strides = [1, 1]} : vector<1x256xf32> to vector<1x208xf32>
    %transpose3A = tpu.transpose %slice3A, [1, 0] : vector<1x208xf32> -> vector<208x1xf32>
    %get3A_18 = arith.constant 0 : index
    %get3A_19 = arith.constant 0 : index
    %get3A_20 = arith.constant 0 : index
    %get3A_21 = vector.load %arg5[%get3A_18, %get3A_19, %get3A_20] : memref<1x1x256xf32, #tpu.memory_space<vmem>>, vector<1x1x256xf32>
    %squeeze3A_22 = vector.shape_cast %get3A_21 : vector<1x1x256xf32> to vector<1x256xf32>
    %slice3A_23 = vector.extract_strided_slice %squeeze3A_22 {offsets = [0, 0], sizes = [1, 208], strides = [1, 1]} : vector<1x256xf32> to vector<1x208xf32>
    %transpose3A_24 = tpu.transpose %slice3A_23, [1, 0] : vector<1x208xf32> -> vector<208x1xf32>
    %get3A_25 = arith.constant 0 : index
    %get3A_26 = arith.constant 0 : index
    %get3A_27 = arith.constant 0 : index
    %get3A_28 = vector.load %arg6[%get3A_25, %get3A_26, %get3A_27] : memref<1x1x256xf32, #tpu.memory_space<vmem>>, vector<1x1x256xf32>
    %squeeze3A_29 = vector.shape_cast %get3A_28 : vector<1x1x256xf32> to vector<1x256xf32>
    %slice3A_30 = vector.extract_strided_slice %squeeze3A_29 {offsets = [0, 0], sizes = [1, 208], strides = [1, 1]} : vector<1x256xf32> to vector<1x208xf32>
    %transpose3A_31 = tpu.transpose %slice3A_30, [1, 0] : vector<1x208xf32> -> vector<208x1xf32>
    %concatenate3A = tpu.concatenate %transpose3A, %transpose3A_24, %transpose3A_31 in 1 : vector<208x1xf32>, vector<208x1xf32>, vector<208x1xf32> -> vector<208x3xf32>
    %concatenate3A_32 = tpu.concatenate %squeeze3A, %squeeze3A_7, %squeeze3A_12 in 0 : vector<1x832xf32>, vector<1x832xf32>, vector<1x832xf32> -> vector<3x832xf32>
    %dot_general3A = arith.constant dense<0.000000e+00> : vector<208x832xf32>
    %dot_general3A_33 = tpu.matmul %concatenate3A, %concatenate3A_32, %dot_general3A {dimension_numbers = #tpu.dot_dimension_numbers<[1], [0], [0], [1], [0, 0, 1, 1], [], []>, transpose_lhs_hint = false} : vector<208x3xf32>, vector<3x832xf32>, vector<208x832xf32> -> vector<208x832xf32>
    %mul3A = arith.mulf %transpose3A, %transpose3A : vector<208x1xf32>
    %mul3A_34 = arith.mulf %transpose3A_24, %transpose3A_24 : vector<208x1xf32>
    %add3A = arith.addf %mul3A, %mul3A_34 : vector<208x1xf32>
    %mul3A_35 = arith.mulf %transpose3A_31, %transpose3A_31 : vector<208x1xf32>
    %add3A_36 = arith.addf %add3A, %mul3A_35 : vector<208x1xf32>
    %mul3A_37 = arith.mulf %squeeze3A, %squeeze3A : vector<1x832xf32>
    %mul3A_38 = arith.mulf %squeeze3A_7, %squeeze3A_7 : vector<1x832xf32>
    %add3A_39 = arith.addf %mul3A_37, %mul3A_38 : vector<1x832xf32>
    %mul3A_40 = arith.mulf %squeeze3A_12, %squeeze3A_12 : vector<1x832xf32>
    %add3A_41 = arith.addf %add3A_39, %mul3A_40 : vector<1x832xf32>
    %add3A_42 = vector.broadcast %add3A_36 : vector<208x1xf32> to vector<208x832xf32>
    %add3A_43 = vector.broadcast %add3A_41 : vector<1x832xf32> to vector<208x832xf32>
    %add3A_44 = arith.addf %add3A_42, %add3A_43 : vector<208x832xf32>
    %mul3A_45 = arith.constant 2.000000e+00 : f32
    %mul3A_46 = vector.broadcast %mul3A_45 : f32 to vector<208x832xf32>
    %mul3A_47 = arith.mulf %mul3A_46, %dot_general3A_33 : vector<208x832xf32>
    %sub3A = arith.subf %add3A_44, %mul3A_47 : vector<208x832xf32>
    %max3A = arith.constant 0.000000e+00 : f32
    %max3A_48 = vector.broadcast %max3A : f32 to vector<208x832xf32>
    %max3A_49 = arith.maximumf %sub3A, %max3A_48 : vector<208x832xf32>
    %iota3A = tpu.iota {dimensions = array<i32: 1>} : vector<208x832xi32>
    %lt3A = arith.constant 820 : i32
    %lt3A_50 = vector.broadcast %lt3A : i32 to vector<208x832xi32>
    %lt3A_51 = arith.cmpi slt, %iota3A, %lt3A_50 : vector<208x832xi32>
    %jit3A = arith.constant 0x7F800000 : f32
    %broadcast_in_dim3A = vector.broadcast %jit3A : f32 to vector<208x832xf32>
    %select_n3A = arith.select %lt3A_51, %max3A_49, %broadcast_in_dim3A : vector<208x832xi1>, vector<208x832xf32>
    %broadcast_in_dim3A_52 = arith.constant 0.000000e+00 : f32
    %broadcast_in_dim3A_53 = vector.broadcast %broadcast_in_dim3A_52 : f32 to vector<208x1xf32>
    %broadcast_in_dim3A_54 = arith.constant 3.000000e+00 : f32
    %broadcast_in_dim3A_55 = vector.broadcast %broadcast_in_dim3A_54 : f32 to vector<208x1xf32>
    %scan3A = arith.constant 0 : i32
    %scan3A_56 = arith.constant 44 : i32
    %scan3A_57 = arith.addi %scan3A, %scan3A_56 : i32
    %scan3A_58 = arith.constant 1 : i32
    %scan3A_59:2 = scf.for %scan3A_67 = %scan3A to %scan3A_57 step %scan3A_58 iter_args(%scan3A_68 = %broadcast_in_dim3A_53, %scan3A_69 = %broadcast_in_dim3A_55) -> (vector<208x1xf32>, vector<208x1xf32>)  : i32 {
      %add3A_70 = arith.addf %scan3A_68, %scan3A_69 : vector<208x1xf32>
      %mul3A_71 = arith.constant 5.000000e-01 : f32
      %mul3A_72 = vector.broadcast %mul3A_71 : f32 to vector<208x1xf32>
      %mul3A_73 = arith.mulf %add3A_70, %mul3A_72 : vector<208x1xf32>
      %le3A = vector.broadcast %mul3A_73 : vector<208x1xf32> to vector<208x832xf32>
      %le3A_74 = arith.cmpf ole, %select_n3A, %le3A : vector<208x832xf32>
      %convert_element_type3A = arith.extui %le3A_74 : vector<208x832xi1> to vector<208x832xi32>
      %convert_element_type3A_75 = arith.sitofp %convert_element_type3A : vector<208x832xi32> to vector<208x832xf32>
      %reduce_sum3A = arith.constant dense<0.000000e+00> : vector<208xf32>
      %reduce_sum3A_76 = vector.multi_reduction <add>, %convert_element_type3A_75, %reduce_sum3A [1] : vector<208x832xf32> to vector<208xf32>
      %broadcast_in_dim3A_77 = vector.shape_cast %reduce_sum3A_76 : vector<208xf32> to vector<208x1xf32>
      %ge3A = arith.constant 6.400000e+01 : f32
      %ge3A_78 = vector.broadcast %ge3A : f32 to vector<208x1xf32>
      %ge3A_79 = arith.cmpf oge, %broadcast_in_dim3A_77, %ge3A_78 : vector<208x1xf32>
      %select_n3A_80 = arith.select %ge3A_79, %scan3A_68, %mul3A_73 : vector<208x1xi1>, vector<208x1xf32>
      %select_n3A_81 = arith.select %ge3A_79, %mul3A_73, %scan3A_69 : vector<208x1xi1>, vector<208x1xf32>
      scf.yield %select_n3A_80, %select_n3A_81 : vector<208x1xf32>, vector<208x1xf32>
    }
    %min3A = arith.constant 2.500000e-01 : f32
    %min3A_60 = vector.broadcast %min3A : f32 to vector<208x1xf32>
    %min3A_61 = arith.minimumf %scan3A_59#1, %min3A_60 : vector<208x1xf32>
    %transpose3A_62 = tpu.transpose %min3A_61, [1, 0] : vector<208x1xf32> -> vector<1x208xf32>
    %broadcast_in_dim3A_63 = vector.shape_cast %transpose3A_62 : vector<1x208xf32> to vector<1x1x208xf32>
    %swap3A = arith.constant 0 : index
    %swap3A_64 = arith.constant 0 : index
    %swap3A_65 = arith.constant 0 : index
    %swap3A_66 = vector.load %arg7[%swap3A, %swap3A_64, %swap3A_65] : memref<1x1x208xf32, #tpu.memory_space<vmem>>, vector<1x1x208xf32>
    tpu.vector_store %arg7[%swap3A, %swap3A_64, %swap3A_65], %broadcast_in_dim3A_63 {strides = array<i32>} : memref<1x1x208xf32, #tpu.memory_space<vmem>>, vector<1x1x208xf32>,
    return
  }
  func.func @transform_0(%arg0: i32) -> (i32, i32, i32) {
    %c0_i32 = arith.constant 0 : i32
    %c0_i32_0 = arith.constant 0 : i32
    %c0_i32_1 = arith.constant 0 : i32
    return %arg0, %c0_i32, %c0_i32_0 : i32, i32, i32
  }
  func.func @transform_1(%arg0: i32) -> (i32, i32, i32) {
    %c0_i32 = arith.constant 0 : i32
    %c0_i32_0 = arith.constant 0 : i32
    %c0_i32_1 = arith.constant 0 : i32
    return %arg0, %c0_i32, %c0_i32_0 : i32, i32, i32
  }
  func.func @transform_2(%arg0: i32) -> (i32, i32, i32) {
    %c0_i32 = arith.constant 0 : i32
    %c0_i32_0 = arith.constant 0 : i32
    %c0_i32_1 = arith.constant 0 : i32
    return %arg0, %c0_i32, %c0_i32_0 : i32, i32, i32
  }
  func.func @transform_3(%arg0: i32) -> (i32, i32, i32) {
    %c0_i32 = arith.constant 0 : i32
    %c0_i32_0 = arith.constant 0 : i32
    %c0_i32_1 = arith.constant 0 : i32
    return %arg0, %c0_i32, %c0_i32_0 : i32, i32, i32
  }
  func.func @transform_4(%arg0: i32) -> (i32, i32, i32) {
    %c0_i32 = arith.constant 0 : i32
    %c0_i32_0 = arith.constant 0 : i32
    %c0_i32_1 = arith.constant 0 : i32
    return %arg0, %c0_i32, %c0_i32_0 : i32, i32, i32
  }
  func.func @transform_5(%arg0: i32) -> (i32, i32, i32) {
    %c0_i32 = arith.constant 0 : i32
    %c0_i32_0 = arith.constant 0 : i32
    %c0_i32_1 = arith.constant 0 : i32
    return %arg0, %c0_i32, %c0_i32_0 : i32, i32, i32
  }
  func.func @transform_6(%arg0: i32) -> (i32, i32, i32) {
    %c0_i32 = arith.constant 0 : i32
    %c0_i32_0 = arith.constant 0 : i32
    %c0_i32_1 = arith.constant 0 : i32
    return %arg0, %c0_i32, %c0_i32_0 : i32, i32, i32
  }
}

module attributes {stable_mosaic.version = 14 : i64} {
  func.func @_eA_body(%arg0: i32, %arg1: memref<8192x16xf32, #tpu.memory_space<vmem>>, %arg2: memref<128x16xf32, #tpu.memory_space<vmem>>, %arg3: memref<8192x1xf32, #tpu.memory_space<vmem>>, %arg4: memref<16x64xf32, #tpu.memory_space<vmem>>, %arg5: memref<1x64xf32, #tpu.memory_space<vmem>>, %arg6: memref<1x1x64xf32, #tpu.memory_space<vmem>>, %arg7: memref<1x1x64xf32, #tpu.memory_space<vmem>>, %arg8: memref<1x1x1xf32, #tpu.memory_space<vmem>>) attributes {dimension_semantics = [#tpu.dimension_semantics<arbitrary>], iteration_bounds = array<i64: 104>, scalar_prefetch = 0 : i64, scratch_operands = 0 : i64, tpu.core_type = #tpu.core_type<tc>, window_params = [{transform_indices = @transform_0, window_bounds = array<i64: 8192, 16>}, {transform_indices = @transform_1, window_bounds = array<i64: 128, 16>}, {transform_indices = @transform_2, window_bounds = array<i64: 8192, 1>}, {pipeline_mode = #tpu.pipeline_mode<synchronous>, transform_indices = @transform_3, window_bounds = array<i64: 16, 64>}, {pipeline_mode = #tpu.pipeline_mode<synchronous>, transform_indices = @transform_4, window_bounds = array<i64: 1, 64>}, {transform_indices = @transform_5, window_bounds = array<i64: 1, 1, 64>}, {transform_indices = @transform_6, window_bounds = array<i64: 1, 1, 64>}, {transform_indices = @transform_7, window_bounds = array<i64: 1, 1, 1>}]} {
    %get3A = arith.constant 0 : index
    %get3A_0 = arith.constant 0 : index
    %get3A_1 = vector.load %arg1[%get3A, %get3A_0] : memref<8192x16xf32, #tpu.memory_space<vmem>>, vector<8192x16xf32>
    %get3A_2 = arith.constant 0 : index
    %get3A_3 = arith.constant 0 : index
    %get3A_4 = vector.load %arg2[%get3A_2, %get3A_3] : memref<128x16xf32, #tpu.memory_space<vmem>>, vector<128x16xf32>
    %broadcast_in_dim3A = vector.shape_cast %get3A_4 : vector<128x16xf32> to vector<128x1x16xf32>
    %broadcast_in_dim3A_5 = vector.shape_cast %broadcast_in_dim3A : vector<128x1x16xf32> to vector<128x1x16xf32>
    %broadcast_in_dim3A_6 = vector.broadcast %broadcast_in_dim3A_5 : vector<128x1x16xf32> to vector<128x64x16xf32>
    %reshape3A = vector.shape_cast %broadcast_in_dim3A_6 : vector<128x64x16xf32> to vector<8192x16xf32>
    %sub3A = arith.subf %get3A_1, %reshape3A : vector<8192x16xf32>
    %get3A_7 = arith.constant 0 : index
    %get3A_8 = arith.constant 0 : index
    %get3A_9 = vector.load %arg4[%get3A_7, %get3A_8] : memref<16x64xf32, #tpu.memory_space<vmem>>, vector<16x64xf32>
    %dot_general3A = arith.constant dense<0.000000e+00> : vector<8192x64xf32>
    %dot_general3A_10 = tpu.matmul %sub3A, %get3A_9, %dot_general3A {dimension_numbers = #tpu.dot_dimension_numbers<[1], [0], [0], [1], [0, 0, 1, 1], [], []>, transpose_lhs_hint = false} : vector<8192x16xf32>, vector<16x64xf32>, vector<8192x64xf32> -> vector<8192x64xf32>
    %get3A_11 = arith.constant 0 : index
    %get3A_12 = arith.constant 0 : index
    %get3A_13 = vector.load %arg5[%get3A_11, %get3A_12] : memref<1x64xf32, #tpu.memory_space<vmem>>, vector<1x64xf32>
    %add3A = vector.broadcast %get3A_13 : vector<1x64xf32> to vector<8192x64xf32>
    %add3A_14 = arith.addf %dot_general3A_10, %add3A : vector<8192x64xf32>
    %get3A_15 = arith.constant 0 : index
    %get3A_16 = arith.constant 0 : index
    %get3A_17 = vector.load %arg3[%get3A_15, %get3A_16] : memref<8192x1xf32, #tpu.memory_space<vmem>>, vector<8192x1xf32>
    %mul3A = vector.broadcast %get3A_17 : vector<8192x1xf32> to vector<8192x64xf32>
    %mul3A_18 = arith.mulf %add3A_14, %mul3A : vector<8192x64xf32>
    %reduce_sum3A = arith.constant dense<0.000000e+00> : vector<64xf32>
    %reduce_sum3A_19 = vector.multi_reduction <add>, %mul3A_18, %reduce_sum3A [0] : vector<8192x64xf32> to vector<64xf32>
    %broadcast_in_dim3A_20 = vector.shape_cast %reduce_sum3A_19 : vector<64xf32> to vector<1x64xf32>
    %broadcast_in_dim3A_21 = vector.shape_cast %broadcast_in_dim3A_20 : vector<1x64xf32> to vector<1x1x64xf32>
    %swap3A = arith.constant 0 : index
    %swap3A_22 = arith.constant 0 : index
    %swap3A_23 = arith.constant 0 : index
    %swap3A_24 = vector.load %arg6[%swap3A, %swap3A_22, %swap3A_23] : memref<1x1x64xf32, #tpu.memory_space<vmem>>, vector<1x1x64xf32>
    tpu.vector_store %arg6[%swap3A, %swap3A_22, %swap3A_23], %broadcast_in_dim3A_21 {strides = array<i32>} : memref<1x1x64xf32, #tpu.memory_space<vmem>>, vector<1x1x64xf32>,
    %mul3A_25 = arith.mulf %mul3A_18, %add3A_14 : vector<8192x64xf32>
    %reduce_sum3A_26 = arith.constant dense<0.000000e+00> : vector<64xf32>
    %reduce_sum3A_27 = vector.multi_reduction <add>, %mul3A_25, %reduce_sum3A_26 [0] : vector<8192x64xf32> to vector<64xf32>
    %broadcast_in_dim3A_28 = vector.shape_cast %reduce_sum3A_27 : vector<64xf32> to vector<1x64xf32>
    %broadcast_in_dim3A_29 = vector.shape_cast %broadcast_in_dim3A_28 : vector<1x64xf32> to vector<1x1x64xf32>
    %swap3A_30 = arith.constant 0 : index
    %swap3A_31 = arith.constant 0 : index
    %swap3A_32 = arith.constant 0 : index
    %swap3A_33 = vector.load %arg7[%swap3A_30, %swap3A_31, %swap3A_32] : memref<1x1x64xf32, #tpu.memory_space<vmem>>, vector<1x1x64xf32>
    tpu.vector_store %arg7[%swap3A_30, %swap3A_31, %swap3A_32], %broadcast_in_dim3A_29 {strides = array<i32>} : memref<1x1x64xf32, #tpu.memory_space<vmem>>, vector<1x1x64xf32>,
    %reduce_sum3A_34 = arith.constant dense<0.000000e+00> : vector<1xf32>
    %reduce_sum3A_35 = vector.multi_reduction <add>, %get3A_17, %reduce_sum3A_34 [0] : vector<8192x1xf32> to vector<1xf32>
    %broadcast_in_dim3A_36 = vector.shape_cast %reduce_sum3A_35 : vector<1xf32> to vector<1x1xf32>
    %broadcast_in_dim3A_37 = vector.shape_cast %broadcast_in_dim3A_36 : vector<1x1xf32> to vector<1x1x1xf32>
    %swap3A_38 = arith.constant 0 : index
    %swap3A_39 = arith.constant 0 : index
    %swap3A_40 = arith.constant 0 : index
    %swap3A_41 = vector.load %arg8[%swap3A_38, %swap3A_39, %swap3A_40] : memref<1x1x1xf32, #tpu.memory_space<vmem>>, vector<1x1x1xf32>
    tpu.vector_store %arg8[%swap3A_38, %swap3A_39, %swap3A_40], %broadcast_in_dim3A_37 {strides = array<i32>} : memref<1x1x1xf32, #tpu.memory_space<vmem>>, vector<1x1x1xf32>,
    return
  }
  func.func @transform_0(%arg0: i32) -> (i32, i32) {
    %c0_i32 = arith.constant 0 : i32
    %c0_i32_0 = arith.constant 0 : i32
    return %arg0, %c0_i32 : i32, i32
  }
  func.func @transform_1(%arg0: i32) -> (i32, i32) {
    %c0_i32 = arith.constant 0 : i32
    %c0_i32_0 = arith.constant 0 : i32
    return %arg0, %c0_i32 : i32, i32
  }
  func.func @transform_2(%arg0: i32) -> (i32, i32) {
    %c0_i32 = arith.constant 0 : i32
    %c0_i32_0 = arith.constant 0 : i32
    return %arg0, %c0_i32 : i32, i32
  }
  func.func @transform_3(%arg0: i32) -> (i32, i32) {
    %c0_i32 = arith.constant 0 : i32
    %c0_i32_0 = arith.constant 0 : i32
    %c0_i32_1 = arith.constant 0 : i32
    return %c0_i32, %c0_i32_0 : i32, i32
  }
  func.func @transform_4(%arg0: i32) -> (i32, i32) {
    %c0_i32 = arith.constant 0 : i32
    %c0_i32_0 = arith.constant 0 : i32
    %c0_i32_1 = arith.constant 0 : i32
    return %c0_i32, %c0_i32_0 : i32, i32
  }
  func.func @transform_5(%arg0: i32) -> (i32, i32, i32) {
    %c0_i32 = arith.constant 0 : i32
    %c0_i32_0 = arith.constant 0 : i32
    %c0_i32_1 = arith.constant 0 : i32
    return %arg0, %c0_i32, %c0_i32_0 : i32, i32, i32
  }
  func.func @transform_6(%arg0: i32) -> (i32, i32, i32) {
    %c0_i32 = arith.constant 0 : i32
    %c0_i32_0 = arith.constant 0 : i32
    %c0_i32_1 = arith.constant 0 : i32
    return %arg0, %c0_i32, %c0_i32_0 : i32, i32, i32
  }
  func.func @transform_7(%arg0: i32) -> (i32, i32, i32) {
    %c0_i32 = arith.constant 0 : i32
    %c0_i32_0 = arith.constant 0 : i32
    %c0_i32_1 = arith.constant 0 : i32
    return %arg0, %c0_i32, %c0_i32_0 : i32, i32, i32
  }
}

module attributes {stable_mosaic.version = 14 : i64} {
  func.func @_eB_body(%arg0: i32, %arg1: memref<8192x16xf32, #tpu.memory_space<vmem>>, %arg2: memref<128x16xf32, #tpu.memory_space<vmem>>, %arg3: memref<8192x1xf32, #tpu.memory_space<vmem>>, %arg4: memref<16x64xf32, #tpu.memory_space<vmem>>, %arg5: memref<1x64xf32, #tpu.memory_space<vmem>>, %arg6: memref<1x64xf32, #tpu.memory_space<vmem>>, %arg7: memref<1x64xf32, #tpu.memory_space<vmem>>, %arg8: memref<104x1x64xf32, #tpu.memory_space<vmem>>, %arg9: memref<104x1x64xf32, #tpu.memory_space<vmem>>, %arg10: memref<104x1x1xf32, #tpu.memory_space<vmem>>, %arg11: memref<64x64xf32, #tpu.memory_space<vmem>>, %arg12: memref<1x64xf32, #tpu.memory_space<vmem>>, %arg13: memref<1x1x64xf32, #tpu.memory_space<vmem>>, %arg14: memref<1x1x64xf32, #tpu.memory_space<vmem>>) attributes {dimension_semantics = [#tpu.dimension_semantics<arbitrary>], iteration_bounds = array<i64: 104>, scalar_prefetch = 0 : i64, scratch_operands = 0 : i64, tpu.core_type = #tpu.core_type<tc>, window_params = [{transform_indices = @transform_0, window_bounds = array<i64: 8192, 16>}, {transform_indices = @transform_1, window_bounds = array<i64: 128, 16>}, {transform_indices = @transform_2, window_bounds = array<i64: 8192, 1>}, {pipeline_mode = #tpu.pipeline_mode<synchronous>, transform_indices = @transform_3, window_bounds = array<i64: 16, 64>}, {pipeline_mode = #tpu.pipeline_mode<synchronous>, transform_indices = @transform_4, window_bounds = array<i64: 1, 64>}, {pipeline_mode = #tpu.pipeline_mode<synchronous>, transform_indices = @transform_5, window_bounds = array<i64: 1, 64>}, {pipeline_mode = #tpu.pipeline_mode<synchronous>, transform_indices = @transform_6, window_bounds = array<i64: 1, 64>}, {pipeline_mode = #tpu.pipeline_mode<synchronous>, transform_indices = @transform_7, window_bounds = array<i64: 104, 1, 64>}, {pipeline_mode = #tpu.pipeline_mode<synchronous>, transform_indices = @transform_8, window_bounds = array<i64: 104, 1, 64>}, {pipeline_mode = #tpu.pipeline_mode<synchronous>, transform_indices = @transform_9, window_bounds = array<i64: 104, 1, 1>}, {pipeline_mode = #tpu.pipeline_mode<synchronous>, transform_indices = @transform_10, window_bounds = array<i64: 64, 64>}, {pipeline_mode = #tpu.pipeline_mode<synchronous>, transform_indices = @transform_11, window_bounds = array<i64: 1, 64>}, {transform_indices = @transform_12, window_bounds = array<i64: 1, 1, 64>}, {transform_indices = @transform_13, window_bounds = array<i64: 1, 1, 64>}]} {
    %get3A = arith.constant 0 : index
    %get3A_0 = arith.constant 0 : index
    %get3A_1 = arith.constant 0 : index
    %get3A_2 = vector.load %arg10[%get3A, %get3A_0, %get3A_1] : memref<104x1x1xf32, #tpu.memory_space<vmem>>, vector<104x1x1xf32>
    %reduce_sum3A = vector.shape_cast %get3A_2 : vector<104x1x1xf32> to vector<1x104x1x1xf32>
    %reduce_sum3A_3 = arith.constant dense<0.000000e+00> : vector<1xf32>
    %reduce_sum3A_4 = vector.multi_reduction <add>, %reduce_sum3A, %reduce_sum3A_3 [1, 2, 3] : vector<1x104x1x1xf32> to vector<1xf32>
    %reduce_sum3A_5 = vector.shape_cast %reduce_sum3A_4 : vector<1xf32> to vector<1x1x1x1xf32>
    %reduce_sum3A_6 = vector.extract %reduce_sum3A_5[0, 0, 0, 0] : f32 from vector<1x1x1x1xf32>
    %max3A = arith.constant 1.000000e+00 : f32
    %max3A_7 = arith.maximumf %reduce_sum3A_6, %max3A : f32
    %get3A_8 = arith.constant 0 : index
    %get3A_9 = arith.constant 0 : index
    %get3A_10 = arith.constant 0 : index
    %get3A_11 = vector.load %arg8[%get3A_8, %get3A_9, %get3A_10] : memref<104x1x64xf32, #tpu.memory_space<vmem>>, vector<104x1x64xf32>
    %reduce_sum3A_12 = arith.constant dense<0.000000e+00> : vector<1x64xf32>
    %reduce_sum3A_13 = vector.multi_reduction <add>, %get3A_11, %reduce_sum3A_12 [0] : vector<104x1x64xf32> to vector<1x64xf32>
    %div3A = vector.broadcast %max3A_7 : f32 to vector<1x64xf32>
    %div3A_14 = arith.divf %reduce_sum3A_13, %div3A : vector<1x64xf32>
    %get3A_15 = arith.constant 0 : index
    %get3A_16 = arith.constant 0 : index
    %get3A_17 = arith.constant 0 : index
    %get3A_18 = vector.load %arg9[%get3A_15, %get3A_16, %get3A_17] : memref<104x1x64xf32, #tpu.memory_space<vmem>>, vector<104x1x64xf32>
    %reduce_sum3A_19 = arith.constant dense<0.000000e+00> : vector<1x64xf32>
    %reduce_sum3A_20 = vector.multi_reduction <add>, %get3A_18, %reduce_sum3A_19 [0] : vector<104x1x64xf32> to vector<1x64xf32>
    %div3A_21 = vector.broadcast %max3A_7 : f32 to vector<1x64xf32>
    %div3A_22 = arith.divf %reduce_sum3A_20, %div3A_21 : vector<1x64xf32>
    %mul3A = arith.mulf %div3A_14, %div3A_14 : vector<1x64xf32>
    %sub3A = arith.subf %div3A_22, %mul3A : vector<1x64xf32>
    %get3A_23 = arith.constant 0 : index
    %get3A_24 = arith.constant 0 : index
    %get3A_25 = vector.load %arg1[%get3A_23, %get3A_24] : memref<8192x16xf32, #tpu.memory_space<vmem>>, vector<8192x16xf32>
    %get3A_26 = arith.constant 0 : index
    %get3A_27 = arith.constant 0 : index
    %get3A_28 = vector.load %arg2[%get3A_26, %get3A_27] : memref<128x16xf32, #tpu.memory_space<vmem>>, vector<128x16xf32>
    %broadcast_in_dim3A = vector.shape_cast %get3A_28 : vector<128x16xf32> to vector<128x1x16xf32>
    %broadcast_in_dim3A_29 = vector.shape_cast %broadcast_in_dim3A : vector<128x1x16xf32> to vector<128x1x16xf32>
    %broadcast_in_dim3A_30 = vector.broadcast %broadcast_in_dim3A_29 : vector<128x1x16xf32> to vector<128x64x16xf32>
    %reshape3A = vector.shape_cast %broadcast_in_dim3A_30 : vector<128x64x16xf32> to vector<8192x16xf32>
    %sub3A_31 = arith.subf %get3A_25, %reshape3A : vector<8192x16xf32>
    %get3A_32 = arith.constant 0 : index
    %get3A_33 = arith.constant 0 : index
    %get3A_34 = vector.load %arg4[%get3A_32, %get3A_33] : memref<16x64xf32, #tpu.memory_space<vmem>>, vector<16x64xf32>
    %dot_general3A = arith.constant dense<0.000000e+00> : vector<8192x64xf32>
    %dot_general3A_35 = tpu.matmul %sub3A_31, %get3A_34, %dot_general3A {dimension_numbers = #tpu.dot_dimension_numbers<[1], [0], [0], [1], [0, 0, 1, 1], [], []>, transpose_lhs_hint = false} : vector<8192x16xf32>, vector<16x64xf32>, vector<8192x64xf32> -> vector<8192x64xf32>
    %get3A_36 = arith.constant 0 : index
    %get3A_37 = arith.constant 0 : index
    %get3A_38 = vector.load %arg5[%get3A_36, %get3A_37] : memref<1x64xf32, #tpu.memory_space<vmem>>, vector<1x64xf32>
    %add3A = vector.broadcast %get3A_38 : vector<1x64xf32> to vector<8192x64xf32>
    %add3A_39 = arith.addf %dot_general3A_35, %add3A : vector<8192x64xf32>
    %sub3A_40 = vector.broadcast %div3A_14 : vector<1x64xf32> to vector<8192x64xf32>
    %sub3A_41 = arith.subf %add3A_39, %sub3A_40 : vector<8192x64xf32>
    %add3A_42 = arith.constant 9.99999974E-6 : f32
    %add3A_43 = vector.broadcast %add3A_42 : f32 to vector<1x64xf32>
    %add3A_44 = arith.addf %sub3A, %add3A_43 : vector<1x64xf32>
    %sqrt3A = math.sqrt %add3A_44 : vector<1x64xf32>
    %div3A_45 = vector.broadcast %sqrt3A : vector<1x64xf32> to vector<8192x64xf32>
    %div3A_46 = arith.divf %sub3A_41, %div3A_45 : vector<8192x64xf32>
    %get3A_47 = arith.constant 0 : index
    %get3A_48 = arith.constant 0 : index
    %get3A_49 = vector.load %arg6[%get3A_47, %get3A_48] : memref<1x64xf32, #tpu.memory_space<vmem>>, vector<1x64xf32>
    %mul3A_50 = vector.broadcast %get3A_49 : vector<1x64xf32> to vector<8192x64xf32>
    %mul3A_51 = arith.mulf %div3A_46, %mul3A_50 : vector<8192x64xf32>
    %get3A_52 = arith.constant 0 : index
    %get3A_53 = arith.constant 0 : index
    %get3A_54 = vector.load %arg7[%get3A_52, %get3A_53] : memref<1x64xf32, #tpu.memory_space<vmem>>, vector<1x64xf32>
    %add3A_55 = vector.broadcast %get3A_54 : vector<1x64xf32> to vector<8192x64xf32>
    %add3A_56 = arith.addf %mul3A_51, %add3A_55 : vector<8192x64xf32>
    %ge3A = arith.constant 0.000000e+00 : f32
    %ge3A_57 = vector.broadcast %ge3A : f32 to vector<8192x64xf32>
    %ge3A_58 = arith.cmpf oge, %add3A_56, %ge3A_57 : vector<8192x64xf32>
    %mul3A_59 = arith.constant 0.00999999977 : f32
    %mul3A_60 = vector.broadcast %mul3A_59 : f32 to vector<8192x64xf32>
    %mul3A_61 = arith.mulf %mul3A_60, %add3A_56 : vector<8192x64xf32>
    %select_n3A = arith.select %ge3A_58, %add3A_56, %mul3A_61 : vector<8192x64xi1>, vector<8192x64xf32>
    %get3A_62 = arith.constant 0 : index
    %get3A_63 = arith.constant 0 : index
    %get3A_64 = vector.load %arg11[%get3A_62, %get3A_63] : memref<64x64xf32, #tpu.memory_space<vmem>>, vector<64x64xf32>
    %dot_general3A_65 = arith.constant dense<0.000000e+00> : vector<8192x64xf32>
    %dot_general3A_66 = tpu.matmul %select_n3A, %get3A_64, %dot_general3A_65 {dimension_numbers = #tpu.dot_dimension_numbers<[1], [0], [0], [1], [0, 0, 1, 1], [], []>, transpose_lhs_hint = false} : vector<8192x64xf32>, vector<64x64xf32>, vector<8192x64xf32> -> vector<8192x64xf32>
    %get3A_67 = arith.constant 0 : index
    %get3A_68 = arith.constant 0 : index
    %get3A_69 = vector.load %arg12[%get3A_67, %get3A_68] : memref<1x64xf32, #tpu.memory_space<vmem>>, vector<1x64xf32>
    %add3A_70 = vector.broadcast %get3A_69 : vector<1x64xf32> to vector<8192x64xf32>
    %add3A_71 = arith.addf %dot_general3A_66, %add3A_70 : vector<8192x64xf32>
    %get3A_72 = arith.constant 0 : index
    %get3A_73 = arith.constant 0 : index
    %get3A_74 = vector.load %arg3[%get3A_72, %get3A_73] : memref<8192x1xf32, #tpu.memory_space<vmem>>, vector<8192x1xf32>
    %mul3A_75 = vector.broadcast %get3A_74 : vector<8192x1xf32> to vector<8192x64xf32>
    %mul3A_76 = arith.mulf %add3A_71, %mul3A_75 : vector<8192x64xf32>
    %reduce_sum3A_77 = arith.constant dense<0.000000e+00> : vector<64xf32>
    %reduce_sum3A_78 = vector.multi_reduction <add>, %mul3A_76, %reduce_sum3A_77 [0] : vector<8192x64xf32> to vector<64xf32>
    %broadcast_in_dim3A_79 = vector.shape_cast %reduce_sum3A_78 : vector<64xf32> to vector<1x64xf32>
    %broadcast_in_dim3A_80 = vector.shape_cast %broadcast_in_dim3A_79 : vector<1x64xf32> to vector<1x1x64xf32>
    %swap3A = arith.constant 0 : index
    %swap3A_81 = arith.constant 0 : index
    %swap3A_82 = arith.constant 0 : index
    %swap3A_83 = vector.load %arg13[%swap3A, %swap3A_81, %swap3A_82] : memref<1x1x64xf32, #tpu.memory_space<vmem>>, vector<1x1x64xf32>
    tpu.vector_store %arg13[%swap3A, %swap3A_81, %swap3A_82], %broadcast_in_dim3A_80 {strides = array<i32>} : memref<1x1x64xf32, #tpu.memory_space<vmem>>, vector<1x1x64xf32>,
    %mul3A_84 = arith.mulf %mul3A_76, %add3A_71 : vector<8192x64xf32>
    %reduce_sum3A_85 = arith.constant dense<0.000000e+00> : vector<64xf32>
    %reduce_sum3A_86 = vector.multi_reduction <add>, %mul3A_84, %reduce_sum3A_85 [0] : vector<8192x64xf32> to vector<64xf32>
    %broadcast_in_dim3A_87 = vector.shape_cast %reduce_sum3A_86 : vector<64xf32> to vector<1x64xf32>
    %broadcast_in_dim3A_88 = vector.shape_cast %broadcast_in_dim3A_87 : vector<1x64xf32> to vector<1x1x64xf32>
    %swap3A_89 = arith.constant 0 : index
    %swap3A_90 = arith.constant 0 : index
    %swap3A_91 = arith.constant 0 : index
    %swap3A_92 = vector.load %arg14[%swap3A_89, %swap3A_90, %swap3A_91] : memref<1x1x64xf32, #tpu.memory_space<vmem>>, vector<1x1x64xf32>
    tpu.vector_store %arg14[%swap3A_89, %swap3A_90, %swap3A_91], %broadcast_in_dim3A_88 {strides = array<i32>} : memref<1x1x64xf32, #tpu.memory_space<vmem>>, vector<1x1x64xf32>,
    return
  }
  func.func @transform_0(%arg0: i32) -> (i32, i32) {
    %c0_i32 = arith.constant 0 : i32
    %c0_i32_0 = arith.constant 0 : i32
    return %arg0, %c0_i32 : i32, i32
  }
  func.func @transform_1(%arg0: i32) -> (i32, i32) {
    %c0_i32 = arith.constant 0 : i32
    %c0_i32_0 = arith.constant 0 : i32
    return %arg0, %c0_i32 : i32, i32
  }
  func.func @transform_2(%arg0: i32) -> (i32, i32) {
    %c0_i32 = arith.constant 0 : i32
    %c0_i32_0 = arith.constant 0 : i32
    return %arg0, %c0_i32 : i32, i32
  }
  func.func @transform_3(%arg0: i32) -> (i32, i32) {
    %c0_i32 = arith.constant 0 : i32
    %c0_i32_0 = arith.constant 0 : i32
    %c0_i32_1 = arith.constant 0 : i32
    return %c0_i32, %c0_i32_0 : i32, i32
  }
  func.func @transform_4(%arg0: i32) -> (i32, i32) {
    %c0_i32 = arith.constant 0 : i32
    %c0_i32_0 = arith.constant 0 : i32
    %c0_i32_1 = arith.constant 0 : i32
    return %c0_i32, %c0_i32_0 : i32, i32
  }
  func.func @transform_5(%arg0: i32) -> (i32, i32) {
    %c0_i32 = arith.constant 0 : i32
    %c0_i32_0 = arith.constant 0 : i32
    %c0_i32_1 = arith.constant 0 : i32
    return %c0_i32, %c0_i32_0 : i32, i32
  }
  func.func @transform_6(%arg0: i32) -> (i32, i32) {
    %c0_i32 = arith.constant 0 : i32
    %c0_i32_0 = arith.constant 0 : i32
    %c0_i32_1 = arith.constant 0 : i32
    return %c0_i32, %c0_i32_0 : i32, i32
  }
  func.func @transform_7(%arg0: i32) -> (i32, i32, i32) {
    %c0_i32 = arith.constant 0 : i32
    %c0_i32_0 = arith.constant 0 : i32
    %c0_i32_1 = arith.constant 0 : i32
    %c0_i32_2 = arith.constant 0 : i32
    return %c0_i32, %c0_i32_0, %c0_i32_1 : i32, i32, i32
  }
  func.func @transform_8(%arg0: i32) -> (i32, i32, i32) {
    %c0_i32 = arith.constant 0 : i32
    %c0_i32_0 = arith.constant 0 : i32
    %c0_i32_1 = arith.constant 0 : i32
    %c0_i32_2 = arith.constant 0 : i32
    return %c0_i32, %c0_i32_0, %c0_i32_1 : i32, i32, i32
  }
  func.func @transform_9(%arg0: i32) -> (i32, i32, i32) {
    %c0_i32 = arith.constant 0 : i32
    %c0_i32_0 = arith.constant 0 : i32
    %c0_i32_1 = arith.constant 0 : i32
    %c0_i32_2 = arith.constant 0 : i32
    return %c0_i32, %c0_i32_0, %c0_i32_1 : i32, i32, i32
  }
  func.func @transform_10(%arg0: i32) -> (i32, i32) {
    %c0_i32 = arith.constant 0 : i32
    %c0_i32_0 = arith.constant 0 : i32
    %c0_i32_1 = arith.constant 0 : i32
    return %c0_i32, %c0_i32_0 : i32, i32
  }
  func.func @transform_11(%arg0: i32) -> (i32, i32) {
    %c0_i32 = arith.constant 0 : i32
    %c0_i32_0 = arith.constant 0 : i32
    %c0_i32_1 = arith.constant 0 : i32
    return %c0_i32, %c0_i32_0 : i32, i32
  }
  func.func @transform_12(%arg0: i32) -> (i32, i32, i32) {
    %c0_i32 = arith.constant 0 : i32
    %c0_i32_0 = arith.constant 0 : i32
    %c0_i32_1 = arith.constant 0 : i32
    return %arg0, %c0_i32, %c0_i32_0 : i32, i32, i32
  }
  func.func @transform_13(%arg0: i32) -> (i32, i32, i32) {
    %c0_i32 = arith.constant 0 : i32
    %c0_i32_0 = arith.constant 0 : i32
    %c0_i32_1 = arith.constant 0 : i32
    return %arg0, %c0_i32, %c0_i32_0 : i32, i32, i32
  }
}

module attributes {stable_mosaic.version = 14 : i64} {
  func.func @_eC_body(%arg0: i32, %arg1: memref<8192x16xf32, #tpu.memory_space<vmem>>, %arg2: memref<128x16xf32, #tpu.memory_space<vmem>>, %arg3: memref<8192x1xf32, #tpu.memory_space<vmem>>, %arg4: memref<16x64xf32, #tpu.memory_space<vmem>>, %arg5: memref<1x64xf32, #tpu.memory_space<vmem>>, %arg6: memref<1x64xf32, #tpu.memory_space<vmem>>, %arg7: memref<1x64xf32, #tpu.memory_space<vmem>>, %arg8: memref<104x1x64xf32, #tpu.memory_space<vmem>>, %arg9: memref<104x1x64xf32, #tpu.memory_space<vmem>>, %arg10: memref<104x1x1xf32, #tpu.memory_space<vmem>>, %arg11: memref<64x64xf32, #tpu.memory_space<vmem>>, %arg12: memref<1x64xf32, #tpu.memory_space<vmem>>, %arg13: memref<1x64xf32, #tpu.memory_space<vmem>>, %arg14: memref<1x64xf32, #tpu.memory_space<vmem>>, %arg15: memref<104x1x64xf32, #tpu.memory_space<vmem>>, %arg16: memref<104x1x64xf32, #tpu.memory_space<vmem>>, %arg17: memref<64x128xf32, #tpu.memory_space<vmem>>, %arg18: memref<1x128xf32, #tpu.memory_space<vmem>>, %arg19: memref<128x128xf32, #tpu.memory_space<vmem>>) attributes {dimension_semantics = [#tpu.dimension_semantics<arbitrary>], iteration_bounds = array<i64: 104>, scalar_prefetch = 0 : i64, scratch_operands = 0 : i64, tpu.core_type = #tpu.core_type<tc>, window_params = [{transform_indices = @transform_0, window_bounds = array<i64: 8192, 16>}, {transform_indices = @transform_1, window_bounds = array<i64: 128, 16>}, {transform_indices = @transform_2, window_bounds = array<i64: 8192, 1>}, {pipeline_mode = #tpu.pipeline_mode<synchronous>, transform_indices = @transform_3, window_bounds = array<i64: 16, 64>}, {pipeline_mode = #tpu.pipeline_mode<synchronous>, transform_indices = @transform_4, window_bounds = array<i64: 1, 64>}, {pipeline_mode = #tpu.pipeline_mode<synchronous>, transform_indices = @transform_5, window_bounds = array<i64: 1, 64>}, {pipeline_mode = #tpu.pipeline_mode<synchronous>, transform_indices = @transform_6, window_bounds = array<i64: 1, 64>}, {pipeline_mode = #tpu.pipeline_mode<synchronous>, transform_indices = @transform_7, window_bounds = array<i64: 104, 1, 64>}, {pipeline_mode = #tpu.pipeline_mode<synchronous>, transform_indices = @transform_8, window_bounds = array<i64: 104, 1, 64>}, {pipeline_mode = #tpu.pipeline_mode<synchronous>, transform_indices = @transform_9, window_bounds = array<i64: 104, 1, 1>}, {pipeline_mode = #tpu.pipeline_mode<synchronous>, transform_indices = @transform_10, window_bounds = array<i64: 64, 64>}, {pipeline_mode = #tpu.pipeline_mode<synchronous>, transform_indices = @transform_11, window_bounds = array<i64: 1, 64>}, {pipeline_mode = #tpu.pipeline_mode<synchronous>, transform_indices = @transform_12, window_bounds = array<i64: 1, 64>}, {pipeline_mode = #tpu.pipeline_mode<synchronous>, transform_indices = @transform_13, window_bounds = array<i64: 1, 64>}, {pipeline_mode = #tpu.pipeline_mode<synchronous>, transform_indices = @transform_14, window_bounds = array<i64: 104, 1, 64>}, {pipeline_mode = #tpu.pipeline_mode<synchronous>, transform_indices = @transform_15, window_bounds = array<i64: 104, 1, 64>}, {pipeline_mode = #tpu.pipeline_mode<synchronous>, transform_indices = @transform_16, window_bounds = array<i64: 64, 128>}, {pipeline_mode = #tpu.pipeline_mode<synchronous>, transform_indices = @transform_17, window_bounds = array<i64: 1, 128>}, {transform_indices = @transform_18, window_bounds = array<i64: 128, 128>}]} {
    %get3A = arith.constant 0 : index
    %get3A_0 = arith.constant 0 : index
    %get3A_1 = arith.constant 0 : index
    %get3A_2 = vector.load %arg10[%get3A, %get3A_0, %get3A_1] : memref<104x1x1xf32, #tpu.memory_space<vmem>>, vector<104x1x1xf32>
    %reduce_sum3A = vector.shape_cast %get3A_2 : vector<104x1x1xf32> to vector<1x104x1x1xf32>
    %reduce_sum3A_3 = arith.constant dense<0.000000e+00> : vector<1xf32>
    %reduce_sum3A_4 = vector.multi_reduction <add>, %reduce_sum3A, %reduce_sum3A_3 [1, 2, 3] : vector<1x104x1x1xf32> to vector<1xf32>
    %reduce_sum3A_5 = vector.shape_cast %reduce_sum3A_4 : vector<1xf32> to vector<1x1x1x1xf32>
    %reduce_sum3A_6 = vector.extract %reduce_sum3A_5[0, 0, 0, 0] : f32 from vector<1x1x1x1xf32>
    %max3A = arith.constant 1.000000e+00 : f32
    %max3A_7 = arith.maximumf %reduce_sum3A_6, %max3A : f32
    %get3A_8 = arith.constant 0 : index
    %get3A_9 = arith.constant 0 : index
    %get3A_10 = arith.constant 0 : index
    %get3A_11 = vector.load %arg8[%get3A_8, %get3A_9, %get3A_10] : memref<104x1x64xf32, #tpu.memory_space<vmem>>, vector<104x1x64xf32>
    %reduce_sum3A_12 = arith.constant dense<0.000000e+00> : vector<1x64xf32>
    %reduce_sum3A_13 = vector.multi_reduction <add>, %get3A_11, %reduce_sum3A_12 [0] : vector<104x1x64xf32> to vector<1x64xf32>
    %div3A = vector.broadcast %max3A_7 : f32 to vector<1x64xf32>
    %div3A_14 = arith.divf %reduce_sum3A_13, %div3A : vector<1x64xf32>
    %get3A_15 = arith.constant 0 : index
    %get3A_16 = arith.constant 0 : index
    %get3A_17 = arith.constant 0 : index
    %get3A_18 = vector.load %arg9[%get3A_15, %get3A_16, %get3A_17] : memref<104x1x64xf32, #tpu.memory_space<vmem>>, vector<104x1x64xf32>
    %reduce_sum3A_19 = arith.constant dense<0.000000e+00> : vector<1x64xf32>
    %reduce_sum3A_20 = vector.multi_reduction <add>, %get3A_18, %reduce_sum3A_19 [0] : vector<104x1x64xf32> to vector<1x64xf32>
    %div3A_21 = vector.broadcast %max3A_7 : f32 to vector<1x64xf32>
    %div3A_22 = arith.divf %reduce_sum3A_20, %div3A_21 : vector<1x64xf32>
    %mul3A = arith.mulf %div3A_14, %div3A_14 : vector<1x64xf32>
    %sub3A = arith.subf %div3A_22, %mul3A : vector<1x64xf32>
    %get3A_23 = arith.constant 0 : index
    %get3A_24 = arith.constant 0 : index
    %get3A_25 = arith.constant 0 : index
    %get3A_26 = vector.load %arg10[%get3A_23, %get3A_24, %get3A_25] : memref<104x1x1xf32, #tpu.memory_space<vmem>>, vector<104x1x1xf32>
    %reduce_sum3A_27 = vector.shape_cast %get3A_26 : vector<104x1x1xf32> to vector<1x104x1x1xf32>
    %reduce_sum3A_28 = arith.constant dense<0.000000e+00> : vector<1xf32>
    %reduce_sum3A_29 = vector.multi_reduction <add>, %reduce_sum3A_27, %reduce_sum3A_28 [1, 2, 3] : vector<1x104x1x1xf32> to vector<1xf32>
    %reduce_sum3A_30 = vector.shape_cast %reduce_sum3A_29 : vector<1xf32> to vector<1x1x1x1xf32>
    %reduce_sum3A_31 = vector.extract %reduce_sum3A_30[0, 0, 0, 0] : f32 from vector<1x1x1x1xf32>
    %max3A_32 = arith.constant 1.000000e+00 : f32
    %max3A_33 = arith.maximumf %reduce_sum3A_31, %max3A_32 : f32
    %get3A_34 = arith.constant 0 : index
    %get3A_35 = arith.constant 0 : index
    %get3A_36 = arith.constant 0 : index
    %get3A_37 = vector.load %arg15[%get3A_34, %get3A_35, %get3A_36] : memref<104x1x64xf32, #tpu.memory_space<vmem>>, vector<104x1x64xf32>
    %reduce_sum3A_38 = arith.constant dense<0.000000e+00> : vector<1x64xf32>
    %reduce_sum3A_39 = vector.multi_reduction <add>, %get3A_37, %reduce_sum3A_38 [0] : vector<104x1x64xf32> to vector<1x64xf32>
    %div3A_40 = vector.broadcast %max3A_33 : f32 to vector<1x64xf32>
    %div3A_41 = arith.divf %reduce_sum3A_39, %div3A_40 : vector<1x64xf32>
    %get3A_42 = arith.constant 0 : index
    %get3A_43 = arith.constant 0 : index
    %get3A_44 = arith.constant 0 : index
    %get3A_45 = vector.load %arg16[%get3A_42, %get3A_43, %get3A_44] : memref<104x1x64xf32, #tpu.memory_space<vmem>>, vector<104x1x64xf32>
    %reduce_sum3A_46 = arith.constant dense<0.000000e+00> : vector<1x64xf32>
    %reduce_sum3A_47 = vector.multi_reduction <add>, %get3A_45, %reduce_sum3A_46 [0] : vector<104x1x64xf32> to vector<1x64xf32>
    %div3A_48 = vector.broadcast %max3A_33 : f32 to vector<1x64xf32>
    %div3A_49 = arith.divf %reduce_sum3A_47, %div3A_48 : vector<1x64xf32>
    %mul3A_50 = arith.mulf %div3A_41, %div3A_41 : vector<1x64xf32>
    %sub3A_51 = arith.subf %div3A_49, %mul3A_50 : vector<1x64xf32>
    %get3A_52 = arith.constant 0 : index
    %get3A_53 = arith.constant 0 : index
    %get3A_54 = vector.load %arg1[%get3A_52, %get3A_53] : memref<8192x16xf32, #tpu.memory_space<vmem>>, vector<8192x16xf32>
    %get3A_55 = arith.constant 0 : index
    %get3A_56 = arith.constant 0 : index
    %get3A_57 = vector.load %arg2[%get3A_55, %get3A_56] : memref<128x16xf32, #tpu.memory_space<vmem>>, vector<128x16xf32>
    %broadcast_in_dim3A = vector.shape_cast %get3A_57 : vector<128x16xf32> to vector<128x1x16xf32>
    %broadcast_in_dim3A_58 = vector.shape_cast %broadcast_in_dim3A : vector<128x1x16xf32> to vector<128x1x16xf32>
    %broadcast_in_dim3A_59 = vector.broadcast %broadcast_in_dim3A_58 : vector<128x1x16xf32> to vector<128x64x16xf32>
    %reshape3A = vector.shape_cast %broadcast_in_dim3A_59 : vector<128x64x16xf32> to vector<8192x16xf32>
    %sub3A_60 = arith.subf %get3A_54, %reshape3A : vector<8192x16xf32>
    %get3A_61 = arith.constant 0 : index
    %get3A_62 = arith.constant 0 : index
    %get3A_63 = vector.load %arg4[%get3A_61, %get3A_62] : memref<16x64xf32, #tpu.memory_space<vmem>>, vector<16x64xf32>
    %dot_general3A = arith.constant dense<0.000000e+00> : vector<8192x64xf32>
    %dot_general3A_64 = tpu.matmul %sub3A_60, %get3A_63, %dot_general3A {dimension_numbers = #tpu.dot_dimension_numbers<[1], [0], [0], [1], [0, 0, 1, 1], [], []>, transpose_lhs_hint = false} : vector<8192x16xf32>, vector<16x64xf32>, vector<8192x64xf32> -> vector<8192x64xf32>
    %get3A_65 = arith.constant 0 : index
    %get3A_66 = arith.constant 0 : index
    %get3A_67 = vector.load %arg5[%get3A_65, %get3A_66] : memref<1x64xf32, #tpu.memory_space<vmem>>, vector<1x64xf32>
    %add3A = vector.broadcast %get3A_67 : vector<1x64xf32> to vector<8192x64xf32>
    %add3A_68 = arith.addf %dot_general3A_64, %add3A : vector<8192x64xf32>
    %sub3A_69 = vector.broadcast %div3A_14 : vector<1x64xf32> to vector<8192x64xf32>
    %sub3A_70 = arith.subf %add3A_68, %sub3A_69 : vector<8192x64xf32>
    %add3A_71 = arith.constant 9.99999974E-6 : f32
    %add3A_72 = vector.broadcast %add3A_71 : f32 to vector<1x64xf32>
    %add3A_73 = arith.addf %sub3A, %add3A_72 : vector<1x64xf32>
    %sqrt3A = math.sqrt %add3A_73 : vector<1x64xf32>
    %div3A_74 = vector.broadcast %sqrt3A : vector<1x64xf32> to vector<8192x64xf32>
    %div3A_75 = arith.divf %sub3A_70, %div3A_74 : vector<8192x64xf32>
    %get3A_76 = arith.constant 0 : index
    %get3A_77 = arith.constant 0 : index
    %get3A_78 = vector.load %arg6[%get3A_76, %get3A_77] : memref<1x64xf32, #tpu.memory_space<vmem>>, vector<1x64xf32>
    %mul3A_79 = vector.broadcast %get3A_78 : vector<1x64xf32> to vector<8192x64xf32>
    %mul3A_80 = arith.mulf %div3A_75, %mul3A_79 : vector<8192x64xf32>
    %get3A_81 = arith.constant 0 : index
    %get3A_82 = arith.constant 0 : index
    %get3A_83 = vector.load %arg7[%get3A_81, %get3A_82] : memref<1x64xf32, #tpu.memory_space<vmem>>, vector<1x64xf32>
    %add3A_84 = vector.broadcast %get3A_83 : vector<1x64xf32> to vector<8192x64xf32>
    %add3A_85 = arith.addf %mul3A_80, %add3A_84 : vector<8192x64xf32>
    %ge3A = arith.constant 0.000000e+00 : f32
    %ge3A_86 = vector.broadcast %ge3A : f32 to vector<8192x64xf32>
    %ge3A_87 = arith.cmpf oge, %add3A_85, %ge3A_86 : vector<8192x64xf32>
    %mul3A_88 = arith.constant 0.00999999977 : f32
    %mul3A_89 = vector.broadcast %mul3A_88 : f32 to vector<8192x64xf32>
    %mul3A_90 = arith.mulf %mul3A_89, %add3A_85 : vector<8192x64xf32>
    %select_n3A = arith.select %ge3A_87, %add3A_85, %mul3A_90 : vector<8192x64xi1>, vector<8192x64xf32>
    %get3A_91 = arith.constant 0 : index
    %get3A_92 = arith.constant 0 : index
    %get3A_93 = vector.load %arg11[%get3A_91, %get3A_92] : memref<64x64xf32, #tpu.memory_space<vmem>>, vector<64x64xf32>
    %dot_general3A_94 = arith.constant dense<0.000000e+00> : vector<8192x64xf32>
    %dot_general3A_95 = tpu.matmul %select_n3A, %get3A_93, %dot_general3A_94 {dimension_numbers = #tpu.dot_dimension_numbers<[1], [0], [0], [1], [0, 0, 1, 1], [], []>, transpose_lhs_hint = false} : vector<8192x64xf32>, vector<64x64xf32>, vector<8192x64xf32> -> vector<8192x64xf32>
    %get3A_96 = arith.constant 0 : index
    %get3A_97 = arith.constant 0 : index
    %get3A_98 = vector.load %arg12[%get3A_96, %get3A_97] : memref<1x64xf32, #tpu.memory_space<vmem>>, vector<1x64xf32>
    %add3A_99 = vector.broadcast %get3A_98 : vector<1x64xf32> to vector<8192x64xf32>
    %add3A_100 = arith.addf %dot_general3A_95, %add3A_99 : vector<8192x64xf32>
    %sub3A_101 = vector.broadcast %div3A_41 : vector<1x64xf32> to vector<8192x64xf32>
    %sub3A_102 = arith.subf %add3A_100, %sub3A_101 : vector<8192x64xf32>
    %add3A_103 = arith.constant 9.99999974E-6 : f32
    %add3A_104 = vector.broadcast %add3A_103 : f32 to vector<1x64xf32>
    %add3A_105 = arith.addf %sub3A_51, %add3A_104 : vector<1x64xf32>
    %sqrt3A_106 = math.sqrt %add3A_105 : vector<1x64xf32>
    %div3A_107 = vector.broadcast %sqrt3A_106 : vector<1x64xf32> to vector<8192x64xf32>
    %div3A_108 = arith.divf %sub3A_102, %div3A_107 : vector<8192x64xf32>
    %get3A_109 = arith.constant 0 : index
    %get3A_110 = arith.constant 0 : index
    %get3A_111 = vector.load %arg13[%get3A_109, %get3A_110] : memref<1x64xf32, #tpu.memory_space<vmem>>, vector<1x64xf32>
    %mul3A_112 = vector.broadcast %get3A_111 : vector<1x64xf32> to vector<8192x64xf32>
    %mul3A_113 = arith.mulf %div3A_108, %mul3A_112 : vector<8192x64xf32>
    %get3A_114 = arith.constant 0 : index
    %get3A_115 = arith.constant 0 : index
    %get3A_116 = vector.load %arg14[%get3A_114, %get3A_115] : memref<1x64xf32, #tpu.memory_space<vmem>>, vector<1x64xf32>
    %add3A_117 = vector.broadcast %get3A_116 : vector<1x64xf32> to vector<8192x64xf32>
    %add3A_118 = arith.addf %mul3A_113, %add3A_117 : vector<8192x64xf32>
    %ge3A_119 = arith.constant 0.000000e+00 : f32
    %ge3A_120 = vector.broadcast %ge3A_119 : f32 to vector<8192x64xf32>
    %ge3A_121 = arith.cmpf oge, %add3A_118, %ge3A_120 : vector<8192x64xf32>
    %mul3A_122 = arith.constant 0.00999999977 : f32
    %mul3A_123 = vector.broadcast %mul3A_122 : f32 to vector<8192x64xf32>
    %mul3A_124 = arith.mulf %mul3A_123, %add3A_118 : vector<8192x64xf32>
    %select_n3A_125 = arith.select %ge3A_121, %add3A_118, %mul3A_124 : vector<8192x64xi1>, vector<8192x64xf32>
    %get3A_126 = arith.constant 0 : index
    %get3A_127 = arith.constant 0 : index
    %get3A_128 = vector.load %arg17[%get3A_126, %get3A_127] : memref<64x128xf32, #tpu.memory_space<vmem>>, vector<64x128xf32>
    %dot_general3A_129 = arith.constant dense<0.000000e+00> : vector<8192x128xf32>
    %dot_general3A_130 = tpu.matmul %select_n3A_125, %get3A_128, %dot_general3A_129 {dimension_numbers = #tpu.dot_dimension_numbers<[1], [0], [0], [1], [0, 0, 1, 1], [], []>, transpose_lhs_hint = false} : vector<8192x64xf32>, vector<64x128xf32>, vector<8192x128xf32> -> vector<8192x128xf32>
    %get3A_131 = arith.constant 0 : index
    %get3A_132 = arith.constant 0 : index
    %get3A_133 = vector.load %arg18[%get3A_131, %get3A_132] : memref<1x128xf32, #tpu.memory_space<vmem>>, vector<1x128xf32>
    %add3A_134 = vector.broadcast %get3A_133 : vector<1x128xf32> to vector<8192x128xf32>
    %add3A_135 = arith.addf %dot_general3A_130, %add3A_134 : vector<8192x128xf32>
    %get3A_136 = arith.constant 0 : index
    %get3A_137 = arith.constant 0 : index
    %get3A_138 = vector.load %arg3[%get3A_136, %get3A_137] : memref<8192x1xf32, #tpu.memory_space<vmem>>, vector<8192x1xf32>
    %gt3A = arith.constant 0.000000e+00 : f32
    %gt3A_139 = vector.broadcast %gt3A : f32 to vector<8192x1xf32>
    %gt3A_140 = arith.cmpf ogt, %get3A_138, %gt3A_139 : vector<8192x1xf32>
    %jit3A = arith.constant 0xFF800000 : f32
    %broadcast_in_dim3A_141 = vector.shape_cast %gt3A_140 : vector<8192x1xi1> to vector<8192x1xi1>
    %broadcast_in_dim3A_142 = vector.broadcast %broadcast_in_dim3A_141 : vector<8192x1xi1> to vector<8192x128xi1>
    %broadcast_in_dim3A_143 = vector.broadcast %jit3A : f32 to vector<8192x128xf32>
    %select_n3A_144 = arith.select %broadcast_in_dim3A_142, %add3A_135, %broadcast_in_dim3A_143 : vector<8192x128xi1>, vector<8192x128xf32>
    %reshape3A_145 = vector.shape_cast %select_n3A_144 : vector<8192x128xf32> to vector<128x64x128xf32>
    %reduce_max3A = arith.constant dense<0xFF800000> : vector<128x128xf32>
    %reduce_max3A_146 = vector.multi_reduction <maximumf>, %reshape3A_145, %reduce_max3A [1] : vector<128x64x128xf32> to vector<128x128xf32>
    %swap3A = arith.constant 0 : index
    %swap3A_147 = arith.constant 0 : index
    %swap3A_148 = vector.load %arg19[%swap3A, %swap3A_147] : memref<128x128xf32, #tpu.memory_space<vmem>>, vector<128x128xf32>
    tpu.vector_store %arg19[%swap3A, %swap3A_147], %reduce_max3A_146 {strides = array<i32>} : memref<128x128xf32, #tpu.memory_space<vmem>>, vector<128x128xf32>,
    return
  }
  func.func @transform_0(%arg0: i32) -> (i32, i32) {
    %c0_i32 = arith.constant 0 : i32
    %c0_i32_0 = arith.constant 0 : i32
    return %arg0, %c0_i32 : i32, i32
  }
  func.func @transform_1(%arg0: i32) -> (i32, i32) {
    %c0_i32 = arith.constant 0 : i32
    %c0_i32_0 = arith.constant 0 : i32
    return %arg0, %c0_i32 : i32, i32
  }
  func.func @transform_2(%arg0: i32) -> (i32, i32) {
    %c0_i32 = arith.constant 0 : i32
    %c0_i32_0 = arith.constant 0 : i32
    return %arg0, %c0_i32 : i32, i32
  }
  func.func @transform_3(%arg0: i32) -> (i32, i32) {
    %c0_i32 = arith.constant 0 : i32
    %c0_i32_0 = arith.constant 0 : i32
    %c0_i32_1 = arith.constant 0 : i32
    return %c0_i32, %c0_i32_0 : i32, i32
  }
  func.func @transform_4(%arg0: i32) -> (i32, i32) {
    %c0_i32 = arith.constant 0 : i32
    %c0_i32_0 = arith.constant 0 : i32
    %c0_i32_1 = arith.constant 0 : i32
    return %c0_i32, %c0_i32_0 : i32, i32
  }
  func.func @transform_5(%arg0: i32) -> (i32, i32) {
    %c0_i32 = arith.constant 0 : i32
    %c0_i32_0 = arith.constant 0 : i32
    %c0_i32_1 = arith.constant 0 : i32
    return %c0_i32, %c0_i32_0 : i32, i32
  }
  func.func @transform_6(%arg0: i32) -> (i32, i32) {
    %c0_i32 = arith.constant 0 : i32
    %c0_i32_0 = arith.constant 0 : i32
    %c0_i32_1 = arith.constant 0 : i32
    return %c0_i32, %c0_i32_0 : i32, i32
  }
  func.func @transform_7(%arg0: i32) -> (i32, i32, i32) {
    %c0_i32 = arith.constant 0 : i32
    %c0_i32_0 = arith.constant 0 : i32
    %c0_i32_1 = arith.constant 0 : i32
    %c0_i32_2 = arith.constant 0 : i32
    return %c0_i32, %c0_i32_0, %c0_i32_1 : i32, i32, i32
  }
  func.func @transform_8(%arg0: i32) -> (i32, i32, i32) {
    %c0_i32 = arith.constant 0 : i32
    %c0_i32_0 = arith.constant 0 : i32
    %c0_i32_1 = arith.constant 0 : i32
    %c0_i32_2 = arith.constant 0 : i32
    return %c0_i32, %c0_i32_0, %c0_i32_1 : i32, i32, i32
  }
  func.func @transform_9(%arg0: i32) -> (i32, i32, i32) {
    %c0_i32 = arith.constant 0 : i32
    %c0_i32_0 = arith.constant 0 : i32
    %c0_i32_1 = arith.constant 0 : i32
    %c0_i32_2 = arith.constant 0 : i32
    return %c0_i32, %c0_i32_0, %c0_i32_1 : i32, i32, i32
  }
  func.func @transform_10(%arg0: i32) -> (i32, i32) {
    %c0_i32 = arith.constant 0 : i32
    %c0_i32_0 = arith.constant 0 : i32
    %c0_i32_1 = arith.constant 0 : i32
    return %c0_i32, %c0_i32_0 : i32, i32
  }
  func.func @transform_11(%arg0: i32) -> (i32, i32) {
    %c0_i32 = arith.constant 0 : i32
    %c0_i32_0 = arith.constant 0 : i32
    %c0_i32_1 = arith.constant 0 : i32
    return %c0_i32, %c0_i32_0 : i32, i32
  }
  func.func @transform_12(%arg0: i32) -> (i32, i32) {
    %c0_i32 = arith.constant 0 : i32
    %c0_i32_0 = arith.constant 0 : i32
    %c0_i32_1 = arith.constant 0 : i32
    return %c0_i32, %c0_i32_0 : i32, i32
  }
  func.func @transform_13(%arg0: i32) -> (i32, i32) {
    %c0_i32 = arith.constant 0 : i32
    %c0_i32_0 = arith.constant 0 : i32
    %c0_i32_1 = arith.constant 0 : i32
    return %c0_i32, %c0_i32_0 : i32, i32
  }
  func.func @transform_14(%arg0: i32) -> (i32, i32, i32) {
    %c0_i32 = arith.constant 0 : i32
    %c0_i32_0 = arith.constant 0 : i32
    %c0_i32_1 = arith.constant 0 : i32
    %c0_i32_2 = arith.constant 0 : i32
    return %c0_i32, %c0_i32_0, %c0_i32_1 : i32, i32, i32
  }
  func.func @transform_15(%arg0: i32) -> (i32, i32, i32) {
    %c0_i32 = arith.constant 0 : i32
    %c0_i32_0 = arith.constant 0 : i32
    %c0_i32_1 = arith.constant 0 : i32
    %c0_i32_2 = arith.constant 0 : i32
    return %c0_i32, %c0_i32_0, %c0_i32_1 : i32, i32, i32
  }
  func.func @transform_16(%arg0: i32) -> (i32, i32) {
    %c0_i32 = arith.constant 0 : i32
    %c0_i32_0 = arith.constant 0 : i32
    %c0_i32_1 = arith.constant 0 : i32
    return %c0_i32, %c0_i32_0 : i32, i32
  }
  func.func @transform_17(%arg0: i32) -> (i32, i32) {
    %c0_i32 = arith.constant 0 : i32
    %c0_i32_0 = arith.constant 0 : i32
    %c0_i32_1 = arith.constant 0 : i32
    return %c0_i32, %c0_i32_0 : i32, i32
  }
  func.func @transform_18(%arg0: i32) -> (i32, i32) {
    %c0_i32 = arith.constant 0 : i32
    %c0_i32_0 = arith.constant 0 : i32
    return %arg0, %c0_i32 : i32, i32
  }
}

module attributes {stable_mosaic.version = 14 : i64} {
  func.func @_eA_body(%arg0: i32, %arg1: memref<8192x144xf32, #tpu.memory_space<vmem>>, %arg2: memref<128x144xf32, #tpu.memory_space<vmem>>, %arg3: memref<8192x1xf32, #tpu.memory_space<vmem>>, %arg4: memref<144x128xf32, #tpu.memory_space<vmem>>, %arg5: memref<1x128xf32, #tpu.memory_space<vmem>>, %arg6: memref<1x1x128xf32, #tpu.memory_space<vmem>>, %arg7: memref<1x1x128xf32, #tpu.memory_space<vmem>>, %arg8: memref<1x1x1xf32, #tpu.memory_space<vmem>>) attributes {dimension_semantics = [#tpu.dimension_semantics<arbitrary>], iteration_bounds = array<i64: 26>, scalar_prefetch = 0 : i64, scratch_operands = 0 : i64, tpu.core_type = #tpu.core_type<tc>, window_params = [{transform_indices = @transform_0, window_bounds = array<i64: 8192, 144>}, {transform_indices = @transform_1, window_bounds = array<i64: 128, 144>}, {transform_indices = @transform_2, window_bounds = array<i64: 8192, 1>}, {pipeline_mode = #tpu.pipeline_mode<synchronous>, transform_indices = @transform_3, window_bounds = array<i64: 144, 128>}, {pipeline_mode = #tpu.pipeline_mode<synchronous>, transform_indices = @transform_4, window_bounds = array<i64: 1, 128>}, {transform_indices = @transform_5, window_bounds = array<i64: 1, 1, 128>}, {transform_indices = @transform_6, window_bounds = array<i64: 1, 1, 128>}, {transform_indices = @transform_7, window_bounds = array<i64: 1, 1, 1>}]} {
    %get3A = arith.constant 0 : index
    %get3A_0 = arith.constant 0 : index
    %get3A_1 = vector.load %arg1[%get3A, %get3A_0] : memref<8192x144xf32, #tpu.memory_space<vmem>>, vector<8192x144xf32>
    %get3A_2 = arith.constant 0 : index
    %get3A_3 = arith.constant 0 : index
    %get3A_4 = vector.load %arg2[%get3A_2, %get3A_3] : memref<128x144xf32, #tpu.memory_space<vmem>>, vector<128x144xf32>
    %broadcast_in_dim3A = vector.shape_cast %get3A_4 : vector<128x144xf32> to vector<128x1x144xf32>
    %broadcast_in_dim3A_5 = vector.shape_cast %broadcast_in_dim3A : vector<128x1x144xf32> to vector<128x1x144xf32>
    %broadcast_in_dim3A_6 = vector.broadcast %broadcast_in_dim3A_5 : vector<128x1x144xf32> to vector<128x64x144xf32>
    %reshape3A = vector.shape_cast %broadcast_in_dim3A_6 : vector<128x64x144xf32> to vector<8192x144xf32>
    %sub3A = arith.subf %get3A_1, %reshape3A : vector<8192x144xf32>
    %get3A_7 = arith.constant 0 : index
    %get3A_8 = arith.constant 0 : index
    %get3A_9 = vector.load %arg4[%get3A_7, %get3A_8] : memref<144x128xf32, #tpu.memory_space<vmem>>, vector<144x128xf32>
    %dot_general3A = arith.constant dense<0.000000e+00> : vector<8192x128xf32>
    %dot_general3A_10 = tpu.matmul %sub3A, %get3A_9, %dot_general3A {dimension_numbers = #tpu.dot_dimension_numbers<[1], [0], [0], [1], [0, 0, 1, 1], [], []>, transpose_lhs_hint = false} : vector<8192x144xf32>, vector<144x128xf32>, vector<8192x128xf32> -> vector<8192x128xf32>
    %get3A_11 = arith.constant 0 : index
    %get3A_12 = arith.constant 0 : index
    %get3A_13 = vector.load %arg5[%get3A_11, %get3A_12] : memref<1x128xf32, #tpu.memory_space<vmem>>, vector<1x128xf32>
    %add3A = vector.broadcast %get3A_13 : vector<1x128xf32> to vector<8192x128xf32>
    %add3A_14 = arith.addf %dot_general3A_10, %add3A : vector<8192x128xf32>
    %get3A_15 = arith.constant 0 : index
    %get3A_16 = arith.constant 0 : index
    %get3A_17 = vector.load %arg3[%get3A_15, %get3A_16] : memref<8192x1xf32, #tpu.memory_space<vmem>>, vector<8192x1xf32>
    %mul3A = vector.broadcast %get3A_17 : vector<8192x1xf32> to vector<8192x128xf32>
    %mul3A_18 = arith.mulf %add3A_14, %mul3A : vector<8192x128xf32>
    %reduce_sum3A = arith.constant dense<0.000000e+00> : vector<128xf32>
    %reduce_sum3A_19 = vector.multi_reduction <add>, %mul3A_18, %reduce_sum3A [0] : vector<8192x128xf32> to vector<128xf32>
    %broadcast_in_dim3A_20 = vector.shape_cast %reduce_sum3A_19 : vector<128xf32> to vector<1x128xf32>
    %broadcast_in_dim3A_21 = vector.shape_cast %broadcast_in_dim3A_20 : vector<1x128xf32> to vector<1x1x128xf32>
    %swap3A = arith.constant 0 : index
    %swap3A_22 = arith.constant 0 : index
    %swap3A_23 = arith.constant 0 : index
    %swap3A_24 = vector.load %arg6[%swap3A, %swap3A_22, %swap3A_23] : memref<1x1x128xf32, #tpu.memory_space<vmem>>, vector<1x1x128xf32>
    tpu.vector_store %arg6[%swap3A, %swap3A_22, %swap3A_23], %broadcast_in_dim3A_21 {strides = array<i32>} : memref<1x1x128xf32, #tpu.memory_space<vmem>>, vector<1x1x128xf32>,
    %mul3A_25 = arith.mulf %mul3A_18, %add3A_14 : vector<8192x128xf32>
    %reduce_sum3A_26 = arith.constant dense<0.000000e+00> : vector<128xf32>
    %reduce_sum3A_27 = vector.multi_reduction <add>, %mul3A_25, %reduce_sum3A_26 [0] : vector<8192x128xf32> to vector<128xf32>
    %broadcast_in_dim3A_28 = vector.shape_cast %reduce_sum3A_27 : vector<128xf32> to vector<1x128xf32>
    %broadcast_in_dim3A_29 = vector.shape_cast %broadcast_in_dim3A_28 : vector<1x128xf32> to vector<1x1x128xf32>
    %swap3A_30 = arith.constant 0 : index
    %swap3A_31 = arith.constant 0 : index
    %swap3A_32 = arith.constant 0 : index
    %swap3A_33 = vector.load %arg7[%swap3A_30, %swap3A_31, %swap3A_32] : memref<1x1x128xf32, #tpu.memory_space<vmem>>, vector<1x1x128xf32>
    tpu.vector_store %arg7[%swap3A_30, %swap3A_31, %swap3A_32], %broadcast_in_dim3A_29 {strides = array<i32>} : memref<1x1x128xf32, #tpu.memory_space<vmem>>, vector<1x1x128xf32>,
    %reduce_sum3A_34 = arith.constant dense<0.000000e+00> : vector<1xf32>
    %reduce_sum3A_35 = vector.multi_reduction <add>, %get3A_17, %reduce_sum3A_34 [0] : vector<8192x1xf32> to vector<1xf32>
    %broadcast_in_dim3A_36 = vector.shape_cast %reduce_sum3A_35 : vector<1xf32> to vector<1x1xf32>
    %broadcast_in_dim3A_37 = vector.shape_cast %broadcast_in_dim3A_36 : vector<1x1xf32> to vector<1x1x1xf32>
    %swap3A_38 = arith.constant 0 : index
    %swap3A_39 = arith.constant 0 : index
    %swap3A_40 = arith.constant 0 : index
    %swap3A_41 = vector.load %arg8[%swap3A_38, %swap3A_39, %swap3A_40] : memref<1x1x1xf32, #tpu.memory_space<vmem>>, vector<1x1x1xf32>
    tpu.vector_store %arg8[%swap3A_38, %swap3A_39, %swap3A_40], %broadcast_in_dim3A_37 {strides = array<i32>} : memref<1x1x1xf32, #tpu.memory_space<vmem>>, vector<1x1x1xf32>,
    return
  }
  func.func @transform_0(%arg0: i32) -> (i32, i32) {
    %c0_i32 = arith.constant 0 : i32
    %c0_i32_0 = arith.constant 0 : i32
    return %arg0, %c0_i32 : i32, i32
  }
  func.func @transform_1(%arg0: i32) -> (i32, i32) {
    %c0_i32 = arith.constant 0 : i32
    %c0_i32_0 = arith.constant 0 : i32
    return %arg0, %c0_i32 : i32, i32
  }
  func.func @transform_2(%arg0: i32) -> (i32, i32) {
    %c0_i32 = arith.constant 0 : i32
    %c0_i32_0 = arith.constant 0 : i32
    return %arg0, %c0_i32 : i32, i32
  }
  func.func @transform_3(%arg0: i32) -> (i32, i32) {
    %c0_i32 = arith.constant 0 : i32
    %c0_i32_0 = arith.constant 0 : i32
    %c0_i32_1 = arith.constant 0 : i32
    return %c0_i32, %c0_i32_0 : i32, i32
  }
  func.func @transform_4(%arg0: i32) -> (i32, i32) {
    %c0_i32 = arith.constant 0 : i32
    %c0_i32_0 = arith.constant 0 : i32
    %c0_i32_1 = arith.constant 0 : i32
    return %c0_i32, %c0_i32_0 : i32, i32
  }
  func.func @transform_5(%arg0: i32) -> (i32, i32, i32) {
    %c0_i32 = arith.constant 0 : i32
    %c0_i32_0 = arith.constant 0 : i32
    %c0_i32_1 = arith.constant 0 : i32
    return %arg0, %c0_i32, %c0_i32_0 : i32, i32, i32
  }
  func.func @transform_6(%arg0: i32) -> (i32, i32, i32) {
    %c0_i32 = arith.constant 0 : i32
    %c0_i32_0 = arith.constant 0 : i32
    %c0_i32_1 = arith.constant 0 : i32
    return %arg0, %c0_i32, %c0_i32_0 : i32, i32, i32
  }
  func.func @transform_7(%arg0: i32) -> (i32, i32, i32) {
    %c0_i32 = arith.constant 0 : i32
    %c0_i32_0 = arith.constant 0 : i32
    %c0_i32_1 = arith.constant 0 : i32
    return %arg0, %c0_i32, %c0_i32_0 : i32, i32, i32
  }
}

module attributes {stable_mosaic.version = 14 : i64} {
  func.func @_eB_body(%arg0: i32, %arg1: memref<8192x144xf32, #tpu.memory_space<vmem>>, %arg2: memref<128x144xf32, #tpu.memory_space<vmem>>, %arg3: memref<8192x1xf32, #tpu.memory_space<vmem>>, %arg4: memref<144x128xf32, #tpu.memory_space<vmem>>, %arg5: memref<1x128xf32, #tpu.memory_space<vmem>>, %arg6: memref<1x128xf32, #tpu.memory_space<vmem>>, %arg7: memref<1x128xf32, #tpu.memory_space<vmem>>, %arg8: memref<26x1x128xf32, #tpu.memory_space<vmem>>, %arg9: memref<26x1x128xf32, #tpu.memory_space<vmem>>, %arg10: memref<26x1x1xf32, #tpu.memory_space<vmem>>, %arg11: memref<128x128xf32, #tpu.memory_space<vmem>>, %arg12: memref<1x128xf32, #tpu.memory_space<vmem>>, %arg13: memref<1x1x128xf32, #tpu.memory_space<vmem>>, %arg14: memref<1x1x128xf32, #tpu.memory_space<vmem>>) attributes {dimension_semantics = [#tpu.dimension_semantics<arbitrary>], iteration_bounds = array<i64: 26>, scalar_prefetch = 0 : i64, scratch_operands = 0 : i64, tpu.core_type = #tpu.core_type<tc>, window_params = [{transform_indices = @transform_0, window_bounds = array<i64: 8192, 144>}, {transform_indices = @transform_1, window_bounds = array<i64: 128, 144>}, {transform_indices = @transform_2, window_bounds = array<i64: 8192, 1>}, {pipeline_mode = #tpu.pipeline_mode<synchronous>, transform_indices = @transform_3, window_bounds = array<i64: 144, 128>}, {pipeline_mode = #tpu.pipeline_mode<synchronous>, transform_indices = @transform_4, window_bounds = array<i64: 1, 128>}, {pipeline_mode = #tpu.pipeline_mode<synchronous>, transform_indices = @transform_5, window_bounds = array<i64: 1, 128>}, {pipeline_mode = #tpu.pipeline_mode<synchronous>, transform_indices = @transform_6, window_bounds = array<i64: 1, 128>}, {pipeline_mode = #tpu.pipeline_mode<synchronous>, transform_indices = @transform_7, window_bounds = array<i64: 26, 1, 128>}, {pipeline_mode = #tpu.pipeline_mode<synchronous>, transform_indices = @transform_8, window_bounds = array<i64: 26, 1, 128>}, {pipeline_mode = #tpu.pipeline_mode<synchronous>, transform_indices = @transform_9, window_bounds = array<i64: 26, 1, 1>}, {pipeline_mode = #tpu.pipeline_mode<synchronous>, transform_indices = @transform_10, window_bounds = array<i64: 128, 128>}, {pipeline_mode = #tpu.pipeline_mode<synchronous>, transform_indices = @transform_11, window_bounds = array<i64: 1, 128>}, {transform_indices = @transform_12, window_bounds = array<i64: 1, 1, 128>}, {transform_indices = @transform_13, window_bounds = array<i64: 1, 1, 128>}]} {
    %get3A = arith.constant 0 : index
    %get3A_0 = arith.constant 0 : index
    %get3A_1 = arith.constant 0 : index
    %get3A_2 = vector.load %arg10[%get3A, %get3A_0, %get3A_1] : memref<26x1x1xf32, #tpu.memory_space<vmem>>, vector<26x1x1xf32>
    %reduce_sum3A = vector.shape_cast %get3A_2 : vector<26x1x1xf32> to vector<1x26x1x1xf32>
    %reduce_sum3A_3 = arith.constant dense<0.000000e+00> : vector<1xf32>
    %reduce_sum3A_4 = vector.multi_reduction <add>, %reduce_sum3A, %reduce_sum3A_3 [1, 2, 3] : vector<1x26x1x1xf32> to vector<1xf32>
    %reduce_sum3A_5 = vector.shape_cast %reduce_sum3A_4 : vector<1xf32> to vector<1x1x1x1xf32>
    %reduce_sum3A_6 = vector.extract %reduce_sum3A_5[0, 0, 0, 0] : f32 from vector<1x1x1x1xf32>
    %max3A = arith.constant 1.000000e+00 : f32
    %max3A_7 = arith.maximumf %reduce_sum3A_6, %max3A : f32
    %get3A_8 = arith.constant 0 : index
    %get3A_9 = arith.constant 0 : index
    %get3A_10 = arith.constant 0 : index
    %get3A_11 = vector.load %arg8[%get3A_8, %get3A_9, %get3A_10] : memref<26x1x128xf32, #tpu.memory_space<vmem>>, vector<26x1x128xf32>
    %reduce_sum3A_12 = arith.constant dense<0.000000e+00> : vector<1x128xf32>
    %reduce_sum3A_13 = vector.multi_reduction <add>, %get3A_11, %reduce_sum3A_12 [0] : vector<26x1x128xf32> to vector<1x128xf32>
    %div3A = vector.broadcast %max3A_7 : f32 to vector<1x128xf32>
    %div3A_14 = arith.divf %reduce_sum3A_13, %div3A : vector<1x128xf32>
    %get3A_15 = arith.constant 0 : index
    %get3A_16 = arith.constant 0 : index
    %get3A_17 = arith.constant 0 : index
    %get3A_18 = vector.load %arg9[%get3A_15, %get3A_16, %get3A_17] : memref<26x1x128xf32, #tpu.memory_space<vmem>>, vector<26x1x128xf32>
    %reduce_sum3A_19 = arith.constant dense<0.000000e+00> : vector<1x128xf32>
    %reduce_sum3A_20 = vector.multi_reduction <add>, %get3A_18, %reduce_sum3A_19 [0] : vector<26x1x128xf32> to vector<1x128xf32>
    %div3A_21 = vector.broadcast %max3A_7 : f32 to vector<1x128xf32>
    %div3A_22 = arith.divf %reduce_sum3A_20, %div3A_21 : vector<1x128xf32>
    %mul3A = arith.mulf %div3A_14, %div3A_14 : vector<1x128xf32>
    %sub3A = arith.subf %div3A_22, %mul3A : vector<1x128xf32>
    %get3A_23 = arith.constant 0 : index
    %get3A_24 = arith.constant 0 : index
    %get3A_25 = vector.load %arg1[%get3A_23, %get3A_24] : memref<8192x144xf32, #tpu.memory_space<vmem>>, vector<8192x144xf32>
    %get3A_26 = arith.constant 0 : index
    %get3A_27 = arith.constant 0 : index
    %get3A_28 = vector.load %arg2[%get3A_26, %get3A_27] : memref<128x144xf32, #tpu.memory_space<vmem>>, vector<128x144xf32>
    %broadcast_in_dim3A = vector.shape_cast %get3A_28 : vector<128x144xf32> to vector<128x1x144xf32>
    %broadcast_in_dim3A_29 = vector.shape_cast %broadcast_in_dim3A : vector<128x1x144xf32> to vector<128x1x144xf32>
    %broadcast_in_dim3A_30 = vector.broadcast %broadcast_in_dim3A_29 : vector<128x1x144xf32> to vector<128x64x144xf32>
    %reshape3A = vector.shape_cast %broadcast_in_dim3A_30 : vector<128x64x144xf32> to vector<8192x144xf32>
    %sub3A_31 = arith.subf %get3A_25, %reshape3A : vector<8192x144xf32>
    %get3A_32 = arith.constant 0 : index
    %get3A_33 = arith.constant 0 : index
    %get3A_34 = vector.load %arg4[%get3A_32, %get3A_33] : memref<144x128xf32, #tpu.memory_space<vmem>>, vector<144x128xf32>
    %dot_general3A = arith.constant dense<0.000000e+00> : vector<8192x128xf32>
    %dot_general3A_35 = tpu.matmul %sub3A_31, %get3A_34, %dot_general3A {dimension_numbers = #tpu.dot_dimension_numbers<[1], [0], [0], [1], [0, 0, 1, 1], [], []>, transpose_lhs_hint = false} : vector<8192x144xf32>, vector<144x128xf32>, vector<8192x128xf32> -> vector<8192x128xf32>
    %get3A_36 = arith.constant 0 : index
    %get3A_37 = arith.constant 0 : index
    %get3A_38 = vector.load %arg5[%get3A_36, %get3A_37] : memref<1x128xf32, #tpu.memory_space<vmem>>, vector<1x128xf32>
    %add3A = vector.broadcast %get3A_38 : vector<1x128xf32> to vector<8192x128xf32>
    %add3A_39 = arith.addf %dot_general3A_35, %add3A : vector<8192x128xf32>
    %sub3A_40 = vector.broadcast %div3A_14 : vector<1x128xf32> to vector<8192x128xf32>
    %sub3A_41 = arith.subf %add3A_39, %sub3A_40 : vector<8192x128xf32>
    %add3A_42 = arith.constant 9.99999974E-6 : f32
    %add3A_43 = vector.broadcast %add3A_42 : f32 to vector<1x128xf32>
    %add3A_44 = arith.addf %sub3A, %add3A_43 : vector<1x128xf32>
    %sqrt3A = math.sqrt %add3A_44 : vector<1x128xf32>
    %div3A_45 = vector.broadcast %sqrt3A : vector<1x128xf32> to vector<8192x128xf32>
    %div3A_46 = arith.divf %sub3A_41, %div3A_45 : vector<8192x128xf32>
    %get3A_47 = arith.constant 0 : index
    %get3A_48 = arith.constant 0 : index
    %get3A_49 = vector.load %arg6[%get3A_47, %get3A_48] : memref<1x128xf32, #tpu.memory_space<vmem>>, vector<1x128xf32>
    %mul3A_50 = vector.broadcast %get3A_49 : vector<1x128xf32> to vector<8192x128xf32>
    %mul3A_51 = arith.mulf %div3A_46, %mul3A_50 : vector<8192x128xf32>
    %get3A_52 = arith.constant 0 : index
    %get3A_53 = arith.constant 0 : index
    %get3A_54 = vector.load %arg7[%get3A_52, %get3A_53] : memref<1x128xf32, #tpu.memory_space<vmem>>, vector<1x128xf32>
    %add3A_55 = vector.broadcast %get3A_54 : vector<1x128xf32> to vector<8192x128xf32>
    %add3A_56 = arith.addf %mul3A_51, %add3A_55 : vector<8192x128xf32>
    %ge3A = arith.constant 0.000000e+00 : f32
    %ge3A_57 = vector.broadcast %ge3A : f32 to vector<8192x128xf32>
    %ge3A_58 = arith.cmpf oge, %add3A_56, %ge3A_57 : vector<8192x128xf32>
    %mul3A_59 = arith.constant 0.00999999977 : f32
    %mul3A_60 = vector.broadcast %mul3A_59 : f32 to vector<8192x128xf32>
    %mul3A_61 = arith.mulf %mul3A_60, %add3A_56 : vector<8192x128xf32>
    %select_n3A = arith.select %ge3A_58, %add3A_56, %mul3A_61 : vector<8192x128xi1>, vector<8192x128xf32>
    %get3A_62 = arith.constant 0 : index
    %get3A_63 = arith.constant 0 : index
    %get3A_64 = vector.load %arg11[%get3A_62, %get3A_63] : memref<128x128xf32, #tpu.memory_space<vmem>>, vector<128x128xf32>
    %dot_general3A_65 = arith.constant dense<0.000000e+00> : vector<8192x128xf32>
    %dot_general3A_66 = tpu.matmul %select_n3A, %get3A_64, %dot_general3A_65 {dimension_numbers = #tpu.dot_dimension_numbers<[1], [0], [0], [1], [0, 0, 1, 1], [], []>, transpose_lhs_hint = false} : vector<8192x128xf32>, vector<128x128xf32>, vector<8192x128xf32> -> vector<8192x128xf32>
    %get3A_67 = arith.constant 0 : index
    %get3A_68 = arith.constant 0 : index
    %get3A_69 = vector.load %arg12[%get3A_67, %get3A_68] : memref<1x128xf32, #tpu.memory_space<vmem>>, vector<1x128xf32>
    %add3A_70 = vector.broadcast %get3A_69 : vector<1x128xf32> to vector<8192x128xf32>
    %add3A_71 = arith.addf %dot_general3A_66, %add3A_70 : vector<8192x128xf32>
    %get3A_72 = arith.constant 0 : index
    %get3A_73 = arith.constant 0 : index
    %get3A_74 = vector.load %arg3[%get3A_72, %get3A_73] : memref<8192x1xf32, #tpu.memory_space<vmem>>, vector<8192x1xf32>
    %mul3A_75 = vector.broadcast %get3A_74 : vector<8192x1xf32> to vector<8192x128xf32>
    %mul3A_76 = arith.mulf %add3A_71, %mul3A_75 : vector<8192x128xf32>
    %reduce_sum3A_77 = arith.constant dense<0.000000e+00> : vector<128xf32>
    %reduce_sum3A_78 = vector.multi_reduction <add>, %mul3A_76, %reduce_sum3A_77 [0] : vector<8192x128xf32> to vector<128xf32>
    %broadcast_in_dim3A_79 = vector.shape_cast %reduce_sum3A_78 : vector<128xf32> to vector<1x128xf32>
    %broadcast_in_dim3A_80 = vector.shape_cast %broadcast_in_dim3A_79 : vector<1x128xf32> to vector<1x1x128xf32>
    %swap3A = arith.constant 0 : index
    %swap3A_81 = arith.constant 0 : index
    %swap3A_82 = arith.constant 0 : index
    %swap3A_83 = vector.load %arg13[%swap3A, %swap3A_81, %swap3A_82] : memref<1x1x128xf32, #tpu.memory_space<vmem>>, vector<1x1x128xf32>
    tpu.vector_store %arg13[%swap3A, %swap3A_81, %swap3A_82], %broadcast_in_dim3A_80 {strides = array<i32>} : memref<1x1x128xf32, #tpu.memory_space<vmem>>, vector<1x1x128xf32>,
    %mul3A_84 = arith.mulf %mul3A_76, %add3A_71 : vector<8192x128xf32>
    %reduce_sum3A_85 = arith.constant dense<0.000000e+00> : vector<128xf32>
    %reduce_sum3A_86 = vector.multi_reduction <add>, %mul3A_84, %reduce_sum3A_85 [0] : vector<8192x128xf32> to vector<128xf32>
    %broadcast_in_dim3A_87 = vector.shape_cast %reduce_sum3A_86 : vector<128xf32> to vector<1x128xf32>
    %broadcast_in_dim3A_88 = vector.shape_cast %broadcast_in_dim3A_87 : vector<1x128xf32> to vector<1x1x128xf32>
    %swap3A_89 = arith.constant 0 : index
    %swap3A_90 = arith.constant 0 : index
    %swap3A_91 = arith.constant 0 : index
    %swap3A_92 = vector.load %arg14[%swap3A_89, %swap3A_90, %swap3A_91] : memref<1x1x128xf32, #tpu.memory_space<vmem>>, vector<1x1x128xf32>
    tpu.vector_store %arg14[%swap3A_89, %swap3A_90, %swap3A_91], %broadcast_in_dim3A_88 {strides = array<i32>} : memref<1x1x128xf32, #tpu.memory_space<vmem>>, vector<1x1x128xf32>,
    return
  }
  func.func @transform_0(%arg0: i32) -> (i32, i32) {
    %c0_i32 = arith.constant 0 : i32
    %c0_i32_0 = arith.constant 0 : i32
    return %arg0, %c0_i32 : i32, i32
  }
  func.func @transform_1(%arg0: i32) -> (i32, i32) {
    %c0_i32 = arith.constant 0 : i32
    %c0_i32_0 = arith.constant 0 : i32
    return %arg0, %c0_i32 : i32, i32
  }
  func.func @transform_2(%arg0: i32) -> (i32, i32) {
    %c0_i32 = arith.constant 0 : i32
    %c0_i32_0 = arith.constant 0 : i32
    return %arg0, %c0_i32 : i32, i32
  }
  func.func @transform_3(%arg0: i32) -> (i32, i32) {
    %c0_i32 = arith.constant 0 : i32
    %c0_i32_0 = arith.constant 0 : i32
    %c0_i32_1 = arith.constant 0 : i32
    return %c0_i32, %c0_i32_0 : i32, i32
  }
  func.func @transform_4(%arg0: i32) -> (i32, i32) {
    %c0_i32 = arith.constant 0 : i32
    %c0_i32_0 = arith.constant 0 : i32
    %c0_i32_1 = arith.constant 0 : i32
    return %c0_i32, %c0_i32_0 : i32, i32
  }
  func.func @transform_5(%arg0: i32) -> (i32, i32) {
    %c0_i32 = arith.constant 0 : i32
    %c0_i32_0 = arith.constant 0 : i32
    %c0_i32_1 = arith.constant 0 : i32
    return %c0_i32, %c0_i32_0 : i32, i32
  }
  func.func @transform_6(%arg0: i32) -> (i32, i32) {
    %c0_i32 = arith.constant 0 : i32
    %c0_i32_0 = arith.constant 0 : i32
    %c0_i32_1 = arith.constant 0 : i32
    return %c0_i32, %c0_i32_0 : i32, i32
  }
  func.func @transform_7(%arg0: i32) -> (i32, i32, i32) {
    %c0_i32 = arith.constant 0 : i32
    %c0_i32_0 = arith.constant 0 : i32
    %c0_i32_1 = arith.constant 0 : i32
    %c0_i32_2 = arith.constant 0 : i32
    return %c0_i32, %c0_i32_0, %c0_i32_1 : i32, i32, i32
  }
  func.func @transform_8(%arg0: i32) -> (i32, i32, i32) {
    %c0_i32 = arith.constant 0 : i32
    %c0_i32_0 = arith.constant 0 : i32
    %c0_i32_1 = arith.constant 0 : i32
    %c0_i32_2 = arith.constant 0 : i32
    return %c0_i32, %c0_i32_0, %c0_i32_1 : i32, i32, i32
  }
  func.func @transform_9(%arg0: i32) -> (i32, i32, i32) {
    %c0_i32 = arith.constant 0 : i32
    %c0_i32_0 = arith.constant 0 : i32
    %c0_i32_1 = arith.constant 0 : i32
    %c0_i32_2 = arith.constant 0 : i32
    return %c0_i32, %c0_i32_0, %c0_i32_1 : i32, i32, i32
  }
  func.func @transform_10(%arg0: i32) -> (i32, i32) {
    %c0_i32 = arith.constant 0 : i32
    %c0_i32_0 = arith.constant 0 : i32
    %c0_i32_1 = arith.constant 0 : i32
    return %c0_i32, %c0_i32_0 : i32, i32
  }
  func.func @transform_11(%arg0: i32) -> (i32, i32) {
    %c0_i32 = arith.constant 0 : i32
    %c0_i32_0 = arith.constant 0 : i32
    %c0_i32_1 = arith.constant 0 : i32
    return %c0_i32, %c0_i32_0 : i32, i32
  }
  func.func @transform_12(%arg0: i32) -> (i32, i32, i32) {
    %c0_i32 = arith.constant 0 : i32
    %c0_i32_0 = arith.constant 0 : i32
    %c0_i32_1 = arith.constant 0 : i32
    return %arg0, %c0_i32, %c0_i32_0 : i32, i32, i32
  }
  func.func @transform_13(%arg0: i32) -> (i32, i32, i32) {
    %c0_i32 = arith.constant 0 : i32
    %c0_i32_0 = arith.constant 0 : i32
    %c0_i32_1 = arith.constant 0 : i32
    return %arg0, %c0_i32, %c0_i32_0 : i32, i32, i32
  }
}

module attributes {stable_mosaic.version = 14 : i64} {
  func.func @_eC_body(%arg0: i32, %arg1: memref<8192x144xf32, #tpu.memory_space<vmem>>, %arg2: memref<128x144xf32, #tpu.memory_space<vmem>>, %arg3: memref<8192x1xf32, #tpu.memory_space<vmem>>, %arg4: memref<144x128xf32, #tpu.memory_space<vmem>>, %arg5: memref<1x128xf32, #tpu.memory_space<vmem>>, %arg6: memref<1x128xf32, #tpu.memory_space<vmem>>, %arg7: memref<1x128xf32, #tpu.memory_space<vmem>>, %arg8: memref<26x1x128xf32, #tpu.memory_space<vmem>>, %arg9: memref<26x1x128xf32, #tpu.memory_space<vmem>>, %arg10: memref<26x1x1xf32, #tpu.memory_space<vmem>>, %arg11: memref<128x128xf32, #tpu.memory_space<vmem>>, %arg12: memref<1x128xf32, #tpu.memory_space<vmem>>, %arg13: memref<1x128xf32, #tpu.memory_space<vmem>>, %arg14: memref<1x128xf32, #tpu.memory_space<vmem>>, %arg15: memref<26x1x128xf32, #tpu.memory_space<vmem>>, %arg16: memref<26x1x128xf32, #tpu.memory_space<vmem>>, %arg17: memref<128x256xf32, #tpu.memory_space<vmem>>, %arg18: memref<1x256xf32, #tpu.memory_space<vmem>>, %arg19: memref<128x256xf32, #tpu.memory_space<vmem>>) attributes {dimension_semantics = [#tpu.dimension_semantics<arbitrary>], iteration_bounds = array<i64: 26>, scalar_prefetch = 0 : i64, scratch_operands = 0 : i64, tpu.core_type = #tpu.core_type<tc>, window_params = [{transform_indices = @transform_0, window_bounds = array<i64: 8192, 144>}, {transform_indices = @transform_1, window_bounds = array<i64: 128, 144>}, {transform_indices = @transform_2, window_bounds = array<i64: 8192, 1>}, {pipeline_mode = #tpu.pipeline_mode<synchronous>, transform_indices = @transform_3, window_bounds = array<i64: 144, 128>}, {pipeline_mode = #tpu.pipeline_mode<synchronous>, transform_indices = @transform_4, window_bounds = array<i64: 1, 128>}, {pipeline_mode = #tpu.pipeline_mode<synchronous>, transform_indices = @transform_5, window_bounds = array<i64: 1, 128>}, {pipeline_mode = #tpu.pipeline_mode<synchronous>, transform_indices = @transform_6, window_bounds = array<i64: 1, 128>}, {pipeline_mode = #tpu.pipeline_mode<synchronous>, transform_indices = @transform_7, window_bounds = array<i64: 26, 1, 128>}, {pipeline_mode = #tpu.pipeline_mode<synchronous>, transform_indices = @transform_8, window_bounds = array<i64: 26, 1, 128>}, {pipeline_mode = #tpu.pipeline_mode<synchronous>, transform_indices = @transform_9, window_bounds = array<i64: 26, 1, 1>}, {pipeline_mode = #tpu.pipeline_mode<synchronous>, transform_indices = @transform_10, window_bounds = array<i64: 128, 128>}, {pipeline_mode = #tpu.pipeline_mode<synchronous>, transform_indices = @transform_11, window_bounds = array<i64: 1, 128>}, {pipeline_mode = #tpu.pipeline_mode<synchronous>, transform_indices = @transform_12, window_bounds = array<i64: 1, 128>}, {pipeline_mode = #tpu.pipeline_mode<synchronous>, transform_indices = @transform_13, window_bounds = array<i64: 1, 128>}, {pipeline_mode = #tpu.pipeline_mode<synchronous>, transform_indices = @transform_14, window_bounds = array<i64: 26, 1, 128>}, {pipeline_mode = #tpu.pipeline_mode<synchronous>, transform_indices = @transform_15, window_bounds = array<i64: 26, 1, 128>}, {pipeline_mode = #tpu.pipeline_mode<synchronous>, transform_indices = @transform_16, window_bounds = array<i64: 128, 256>}, {pipeline_mode = #tpu.pipeline_mode<synchronous>, transform_indices = @transform_17, window_bounds = array<i64: 1, 256>}, {transform_indices = @transform_18, window_bounds = array<i64: 128, 256>}]} {
    %get3A = arith.constant 0 : index
    %get3A_0 = arith.constant 0 : index
    %get3A_1 = arith.constant 0 : index
    %get3A_2 = vector.load %arg10[%get3A, %get3A_0, %get3A_1] : memref<26x1x1xf32, #tpu.memory_space<vmem>>, vector<26x1x1xf32>
    %reduce_sum3A = vector.shape_cast %get3A_2 : vector<26x1x1xf32> to vector<1x26x1x1xf32>
    %reduce_sum3A_3 = arith.constant dense<0.000000e+00> : vector<1xf32>
    %reduce_sum3A_4 = vector.multi_reduction <add>, %reduce_sum3A, %reduce_sum3A_3 [1, 2, 3] : vector<1x26x1x1xf32> to vector<1xf32>
    %reduce_sum3A_5 = vector.shape_cast %reduce_sum3A_4 : vector<1xf32> to vector<1x1x1x1xf32>
    %reduce_sum3A_6 = vector.extract %reduce_sum3A_5[0, 0, 0, 0] : f32 from vector<1x1x1x1xf32>
    %max3A = arith.constant 1.000000e+00 : f32
    %max3A_7 = arith.maximumf %reduce_sum3A_6, %max3A : f32
    %get3A_8 = arith.constant 0 : index
    %get3A_9 = arith.constant 0 : index
    %get3A_10 = arith.constant 0 : index
    %get3A_11 = vector.load %arg8[%get3A_8, %get3A_9, %get3A_10] : memref<26x1x128xf32, #tpu.memory_space<vmem>>, vector<26x1x128xf32>
    %reduce_sum3A_12 = arith.constant dense<0.000000e+00> : vector<1x128xf32>
    %reduce_sum3A_13 = vector.multi_reduction <add>, %get3A_11, %reduce_sum3A_12 [0] : vector<26x1x128xf32> to vector<1x128xf32>
    %div3A = vector.broadcast %max3A_7 : f32 to vector<1x128xf32>
    %div3A_14 = arith.divf %reduce_sum3A_13, %div3A : vector<1x128xf32>
    %get3A_15 = arith.constant 0 : index
    %get3A_16 = arith.constant 0 : index
    %get3A_17 = arith.constant 0 : index
    %get3A_18 = vector.load %arg9[%get3A_15, %get3A_16, %get3A_17] : memref<26x1x128xf32, #tpu.memory_space<vmem>>, vector<26x1x128xf32>
    %reduce_sum3A_19 = arith.constant dense<0.000000e+00> : vector<1x128xf32>
    %reduce_sum3A_20 = vector.multi_reduction <add>, %get3A_18, %reduce_sum3A_19 [0] : vector<26x1x128xf32> to vector<1x128xf32>
    %div3A_21 = vector.broadcast %max3A_7 : f32 to vector<1x128xf32>
    %div3A_22 = arith.divf %reduce_sum3A_20, %div3A_21 : vector<1x128xf32>
    %mul3A = arith.mulf %div3A_14, %div3A_14 : vector<1x128xf32>
    %sub3A = arith.subf %div3A_22, %mul3A : vector<1x128xf32>
    %get3A_23 = arith.constant 0 : index
    %get3A_24 = arith.constant 0 : index
    %get3A_25 = arith.constant 0 : index
    %get3A_26 = vector.load %arg10[%get3A_23, %get3A_24, %get3A_25] : memref<26x1x1xf32, #tpu.memory_space<vmem>>, vector<26x1x1xf32>
    %reduce_sum3A_27 = vector.shape_cast %get3A_26 : vector<26x1x1xf32> to vector<1x26x1x1xf32>
    %reduce_sum3A_28 = arith.constant dense<0.000000e+00> : vector<1xf32>
    %reduce_sum3A_29 = vector.multi_reduction <add>, %reduce_sum3A_27, %reduce_sum3A_28 [1, 2, 3] : vector<1x26x1x1xf32> to vector<1xf32>
    %reduce_sum3A_30 = vector.shape_cast %reduce_sum3A_29 : vector<1xf32> to vector<1x1x1x1xf32>
    %reduce_sum3A_31 = vector.extract %reduce_sum3A_30[0, 0, 0, 0] : f32 from vector<1x1x1x1xf32>
    %max3A_32 = arith.constant 1.000000e+00 : f32
    %max3A_33 = arith.maximumf %reduce_sum3A_31, %max3A_32 : f32
    %get3A_34 = arith.constant 0 : index
    %get3A_35 = arith.constant 0 : index
    %get3A_36 = arith.constant 0 : index
    %get3A_37 = vector.load %arg15[%get3A_34, %get3A_35, %get3A_36] : memref<26x1x128xf32, #tpu.memory_space<vmem>>, vector<26x1x128xf32>
    %reduce_sum3A_38 = arith.constant dense<0.000000e+00> : vector<1x128xf32>
    %reduce_sum3A_39 = vector.multi_reduction <add>, %get3A_37, %reduce_sum3A_38 [0] : vector<26x1x128xf32> to vector<1x128xf32>
    %div3A_40 = vector.broadcast %max3A_33 : f32 to vector<1x128xf32>
    %div3A_41 = arith.divf %reduce_sum3A_39, %div3A_40 : vector<1x128xf32>
    %get3A_42 = arith.constant 0 : index
    %get3A_43 = arith.constant 0 : index
    %get3A_44 = arith.constant 0 : index
    %get3A_45 = vector.load %arg16[%get3A_42, %get3A_43, %get3A_44] : memref<26x1x128xf32, #tpu.memory_space<vmem>>, vector<26x1x128xf32>
    %reduce_sum3A_46 = arith.constant dense<0.000000e+00> : vector<1x128xf32>
    %reduce_sum3A_47 = vector.multi_reduction <add>, %get3A_45, %reduce_sum3A_46 [0] : vector<26x1x128xf32> to vector<1x128xf32>
    %div3A_48 = vector.broadcast %max3A_33 : f32 to vector<1x128xf32>
    %div3A_49 = arith.divf %reduce_sum3A_47, %div3A_48 : vector<1x128xf32>
    %mul3A_50 = arith.mulf %div3A_41, %div3A_41 : vector<1x128xf32>
    %sub3A_51 = arith.subf %div3A_49, %mul3A_50 : vector<1x128xf32>
    %get3A_52 = arith.constant 0 : index
    %get3A_53 = arith.constant 0 : index
    %get3A_54 = vector.load %arg1[%get3A_52, %get3A_53] : memref<8192x144xf32, #tpu.memory_space<vmem>>, vector<8192x144xf32>
    %get3A_55 = arith.constant 0 : index
    %get3A_56 = arith.constant 0 : index
    %get3A_57 = vector.load %arg2[%get3A_55, %get3A_56] : memref<128x144xf32, #tpu.memory_space<vmem>>, vector<128x144xf32>
    %broadcast_in_dim3A = vector.shape_cast %get3A_57 : vector<128x144xf32> to vector<128x1x144xf32>
    %broadcast_in_dim3A_58 = vector.shape_cast %broadcast_in_dim3A : vector<128x1x144xf32> to vector<128x1x144xf32>
    %broadcast_in_dim3A_59 = vector.broadcast %broadcast_in_dim3A_58 : vector<128x1x144xf32> to vector<128x64x144xf32>
    %reshape3A = vector.shape_cast %broadcast_in_dim3A_59 : vector<128x64x144xf32> to vector<8192x144xf32>
    %sub3A_60 = arith.subf %get3A_54, %reshape3A : vector<8192x144xf32>
    %get3A_61 = arith.constant 0 : index
    %get3A_62 = arith.constant 0 : index
    %get3A_63 = vector.load %arg4[%get3A_61, %get3A_62] : memref<144x128xf32, #tpu.memory_space<vmem>>, vector<144x128xf32>
    %dot_general3A = arith.constant dense<0.000000e+00> : vector<8192x128xf32>
    %dot_general3A_64 = tpu.matmul %sub3A_60, %get3A_63, %dot_general3A {dimension_numbers = #tpu.dot_dimension_numbers<[1], [0], [0], [1], [0, 0, 1, 1], [], []>, transpose_lhs_hint = false} : vector<8192x144xf32>, vector<144x128xf32>, vector<8192x128xf32> -> vector<8192x128xf32>
    %get3A_65 = arith.constant 0 : index
    %get3A_66 = arith.constant 0 : index
    %get3A_67 = vector.load %arg5[%get3A_65, %get3A_66] : memref<1x128xf32, #tpu.memory_space<vmem>>, vector<1x128xf32>
    %add3A = vector.broadcast %get3A_67 : vector<1x128xf32> to vector<8192x128xf32>
    %add3A_68 = arith.addf %dot_general3A_64, %add3A : vector<8192x128xf32>
    %sub3A_69 = vector.broadcast %div3A_14 : vector<1x128xf32> to vector<8192x128xf32>
    %sub3A_70 = arith.subf %add3A_68, %sub3A_69 : vector<8192x128xf32>
    %add3A_71 = arith.constant 9.99999974E-6 : f32
    %add3A_72 = vector.broadcast %add3A_71 : f32 to vector<1x128xf32>
    %add3A_73 = arith.addf %sub3A, %add3A_72 : vector<1x128xf32>
    %sqrt3A = math.sqrt %add3A_73 : vector<1x128xf32>
    %div3A_74 = vector.broadcast %sqrt3A : vector<1x128xf32> to vector<8192x128xf32>
    %div3A_75 = arith.divf %sub3A_70, %div3A_74 : vector<8192x128xf32>
    %get3A_76 = arith.constant 0 : index
    %get3A_77 = arith.constant 0 : index
    %get3A_78 = vector.load %arg6[%get3A_76, %get3A_77] : memref<1x128xf32, #tpu.memory_space<vmem>>, vector<1x128xf32>
    %mul3A_79 = vector.broadcast %get3A_78 : vector<1x128xf32> to vector<8192x128xf32>
    %mul3A_80 = arith.mulf %div3A_75, %mul3A_79 : vector<8192x128xf32>
    %get3A_81 = arith.constant 0 : index
    %get3A_82 = arith.constant 0 : index
    %get3A_83 = vector.load %arg7[%get3A_81, %get3A_82] : memref<1x128xf32, #tpu.memory_space<vmem>>, vector<1x128xf32>
    %add3A_84 = vector.broadcast %get3A_83 : vector<1x128xf32> to vector<8192x128xf32>
    %add3A_85 = arith.addf %mul3A_80, %add3A_84 : vector<8192x128xf32>
    %ge3A = arith.constant 0.000000e+00 : f32
    %ge3A_86 = vector.broadcast %ge3A : f32 to vector<8192x128xf32>
    %ge3A_87 = arith.cmpf oge, %add3A_85, %ge3A_86 : vector<8192x128xf32>
    %mul3A_88 = arith.constant 0.00999999977 : f32
    %mul3A_89 = vector.broadcast %mul3A_88 : f32 to vector<8192x128xf32>
    %mul3A_90 = arith.mulf %mul3A_89, %add3A_85 : vector<8192x128xf32>
    %select_n3A = arith.select %ge3A_87, %add3A_85, %mul3A_90 : vector<8192x128xi1>, vector<8192x128xf32>
    %get3A_91 = arith.constant 0 : index
    %get3A_92 = arith.constant 0 : index
    %get3A_93 = vector.load %arg11[%get3A_91, %get3A_92] : memref<128x128xf32, #tpu.memory_space<vmem>>, vector<128x128xf32>
    %dot_general3A_94 = arith.constant dense<0.000000e+00> : vector<8192x128xf32>
    %dot_general3A_95 = tpu.matmul %select_n3A, %get3A_93, %dot_general3A_94 {dimension_numbers = #tpu.dot_dimension_numbers<[1], [0], [0], [1], [0, 0, 1, 1], [], []>, transpose_lhs_hint = false} : vector<8192x128xf32>, vector<128x128xf32>, vector<8192x128xf32> -> vector<8192x128xf32>
    %get3A_96 = arith.constant 0 : index
    %get3A_97 = arith.constant 0 : index
    %get3A_98 = vector.load %arg12[%get3A_96, %get3A_97] : memref<1x128xf32, #tpu.memory_space<vmem>>, vector<1x128xf32>
    %add3A_99 = vector.broadcast %get3A_98 : vector<1x128xf32> to vector<8192x128xf32>
    %add3A_100 = arith.addf %dot_general3A_95, %add3A_99 : vector<8192x128xf32>
    %sub3A_101 = vector.broadcast %div3A_41 : vector<1x128xf32> to vector<8192x128xf32>
    %sub3A_102 = arith.subf %add3A_100, %sub3A_101 : vector<8192x128xf32>
    %add3A_103 = arith.constant 9.99999974E-6 : f32
    %add3A_104 = vector.broadcast %add3A_103 : f32 to vector<1x128xf32>
    %add3A_105 = arith.addf %sub3A_51, %add3A_104 : vector<1x128xf32>
    %sqrt3A_106 = math.sqrt %add3A_105 : vector<1x128xf32>
    %div3A_107 = vector.broadcast %sqrt3A_106 : vector<1x128xf32> to vector<8192x128xf32>
    %div3A_108 = arith.divf %sub3A_102, %div3A_107 : vector<8192x128xf32>
    %get3A_109 = arith.constant 0 : index
    %get3A_110 = arith.constant 0 : index
    %get3A_111 = vector.load %arg13[%get3A_109, %get3A_110] : memref<1x128xf32, #tpu.memory_space<vmem>>, vector<1x128xf32>
    %mul3A_112 = vector.broadcast %get3A_111 : vector<1x128xf32> to vector<8192x128xf32>
    %mul3A_113 = arith.mulf %div3A_108, %mul3A_112 : vector<8192x128xf32>
    %get3A_114 = arith.constant 0 : index
    %get3A_115 = arith.constant 0 : index
    %get3A_116 = vector.load %arg14[%get3A_114, %get3A_115] : memref<1x128xf32, #tpu.memory_space<vmem>>, vector<1x128xf32>
    %add3A_117 = vector.broadcast %get3A_116 : vector<1x128xf32> to vector<8192x128xf32>
    %add3A_118 = arith.addf %mul3A_113, %add3A_117 : vector<8192x128xf32>
    %ge3A_119 = arith.constant 0.000000e+00 : f32
    %ge3A_120 = vector.broadcast %ge3A_119 : f32 to vector<8192x128xf32>
    %ge3A_121 = arith.cmpf oge, %add3A_118, %ge3A_120 : vector<8192x128xf32>
    %mul3A_122 = arith.constant 0.00999999977 : f32
    %mul3A_123 = vector.broadcast %mul3A_122 : f32 to vector<8192x128xf32>
    %mul3A_124 = arith.mulf %mul3A_123, %add3A_118 : vector<8192x128xf32>
    %select_n3A_125 = arith.select %ge3A_121, %add3A_118, %mul3A_124 : vector<8192x128xi1>, vector<8192x128xf32>
    %get3A_126 = arith.constant 0 : index
    %get3A_127 = arith.constant 0 : index
    %get3A_128 = vector.load %arg17[%get3A_126, %get3A_127] : memref<128x256xf32, #tpu.memory_space<vmem>>, vector<128x256xf32>
    %dot_general3A_129 = arith.constant dense<0.000000e+00> : vector<8192x256xf32>
    %dot_general3A_130 = tpu.matmul %select_n3A_125, %get3A_128, %dot_general3A_129 {dimension_numbers = #tpu.dot_dimension_numbers<[1], [0], [0], [1], [0, 0, 1, 1], [], []>, transpose_lhs_hint = false} : vector<8192x128xf32>, vector<128x256xf32>, vector<8192x256xf32> -> vector<8192x256xf32>
    %get3A_131 = arith.constant 0 : index
    %get3A_132 = arith.constant 0 : index
    %get3A_133 = vector.load %arg18[%get3A_131, %get3A_132] : memref<1x256xf32, #tpu.memory_space<vmem>>, vector<1x256xf32>
    %add3A_134 = vector.broadcast %get3A_133 : vector<1x256xf32> to vector<8192x256xf32>
    %add3A_135 = arith.addf %dot_general3A_130, %add3A_134 : vector<8192x256xf32>
    %get3A_136 = arith.constant 0 : index
    %get3A_137 = arith.constant 0 : index
    %get3A_138 = vector.load %arg3[%get3A_136, %get3A_137] : memref<8192x1xf32, #tpu.memory_space<vmem>>, vector<8192x1xf32>
    %gt3A = arith.constant 0.000000e+00 : f32
    %gt3A_139 = vector.broadcast %gt3A : f32 to vector<8192x1xf32>
    %gt3A_140 = arith.cmpf ogt, %get3A_138, %gt3A_139 : vector<8192x1xf32>
    %jit3A = arith.constant 0xFF800000 : f32
    %broadcast_in_dim3A_141 = vector.shape_cast %gt3A_140 : vector<8192x1xi1> to vector<8192x1xi1>
    %broadcast_in_dim3A_142 = vector.broadcast %broadcast_in_dim3A_141 : vector<8192x1xi1> to vector<8192x256xi1>
    %broadcast_in_dim3A_143 = vector.broadcast %jit3A : f32 to vector<8192x256xf32>
    %select_n3A_144 = arith.select %broadcast_in_dim3A_142, %add3A_135, %broadcast_in_dim3A_143 : vector<8192x256xi1>, vector<8192x256xf32>
    %reshape3A_145 = vector.shape_cast %select_n3A_144 : vector<8192x256xf32> to vector<128x64x256xf32>
    %reduce_max3A = arith.constant dense<0xFF800000> : vector<128x256xf32>
    %reduce_max3A_146 = vector.multi_reduction <maximumf>, %reshape3A_145, %reduce_max3A [1] : vector<128x64x256xf32> to vector<128x256xf32>
    %swap3A = arith.constant 0 : index
    %swap3A_147 = arith.constant 0 : index
    %swap3A_148 = vector.load %arg19[%swap3A, %swap3A_147] : memref<128x256xf32, #tpu.memory_space<vmem>>, vector<128x256xf32>
    tpu.vector_store %arg19[%swap3A, %swap3A_147], %reduce_max3A_146 {strides = array<i32>} : memref<128x256xf32, #tpu.memory_space<vmem>>, vector<128x256xf32>,
    return
  }
  func.func @transform_0(%arg0: i32) -> (i32, i32) {
    %c0_i32 = arith.constant 0 : i32
    %c0_i32_0 = arith.constant 0 : i32
    return %arg0, %c0_i32 : i32, i32
  }
  func.func @transform_1(%arg0: i32) -> (i32, i32) {
    %c0_i32 = arith.constant 0 : i32
    %c0_i32_0 = arith.constant 0 : i32
    return %arg0, %c0_i32 : i32, i32
  }
  func.func @transform_2(%arg0: i32) -> (i32, i32) {
    %c0_i32 = arith.constant 0 : i32
    %c0_i32_0 = arith.constant 0 : i32
    return %arg0, %c0_i32 : i32, i32
  }
  func.func @transform_3(%arg0: i32) -> (i32, i32) {
    %c0_i32 = arith.constant 0 : i32
    %c0_i32_0 = arith.constant 0 : i32
    %c0_i32_1 = arith.constant 0 : i32
    return %c0_i32, %c0_i32_0 : i32, i32
  }
  func.func @transform_4(%arg0: i32) -> (i32, i32) {
    %c0_i32 = arith.constant 0 : i32
    %c0_i32_0 = arith.constant 0 : i32
    %c0_i32_1 = arith.constant 0 : i32
    return %c0_i32, %c0_i32_0 : i32, i32
  }
  func.func @transform_5(%arg0: i32) -> (i32, i32) {
    %c0_i32 = arith.constant 0 : i32
    %c0_i32_0 = arith.constant 0 : i32
    %c0_i32_1 = arith.constant 0 : i32
    return %c0_i32, %c0_i32_0 : i32, i32
  }
  func.func @transform_6(%arg0: i32) -> (i32, i32) {
    %c0_i32 = arith.constant 0 : i32
    %c0_i32_0 = arith.constant 0 : i32
    %c0_i32_1 = arith.constant 0 : i32
    return %c0_i32, %c0_i32_0 : i32, i32
  }
  func.func @transform_7(%arg0: i32) -> (i32, i32, i32) {
    %c0_i32 = arith.constant 0 : i32
    %c0_i32_0 = arith.constant 0 : i32
    %c0_i32_1 = arith.constant 0 : i32
    %c0_i32_2 = arith.constant 0 : i32
    return %c0_i32, %c0_i32_0, %c0_i32_1 : i32, i32, i32
  }
  func.func @transform_8(%arg0: i32) -> (i32, i32, i32) {
    %c0_i32 = arith.constant 0 : i32
    %c0_i32_0 = arith.constant 0 : i32
    %c0_i32_1 = arith.constant 0 : i32
    %c0_i32_2 = arith.constant 0 : i32
    return %c0_i32, %c0_i32_0, %c0_i32_1 : i32, i32, i32
  }
  func.func @transform_9(%arg0: i32) -> (i32, i32, i32) {
    %c0_i32 = arith.constant 0 : i32
    %c0_i32_0 = arith.constant 0 : i32
    %c0_i32_1 = arith.constant 0 : i32
    %c0_i32_2 = arith.constant 0 : i32
    return %c0_i32, %c0_i32_0, %c0_i32_1 : i32, i32, i32
  }
  func.func @transform_10(%arg0: i32) -> (i32, i32) {
    %c0_i32 = arith.constant 0 : i32
    %c0_i32_0 = arith.constant 0 : i32
    %c0_i32_1 = arith.constant 0 : i32
    return %c0_i32, %c0_i32_0 : i32, i32
  }
  func.func @transform_11(%arg0: i32) -> (i32, i32) {
    %c0_i32 = arith.constant 0 : i32
    %c0_i32_0 = arith.constant 0 : i32
    %c0_i32_1 = arith.constant 0 : i32
    return %c0_i32, %c0_i32_0 : i32, i32
  }
  func.func @transform_12(%arg0: i32) -> (i32, i32) {
    %c0_i32 = arith.constant 0 : i32
    %c0_i32_0 = arith.constant 0 : i32
    %c0_i32_1 = arith.constant 0 : i32
    return %c0_i32, %c0_i32_0 : i32, i32
  }
  func.func @transform_13(%arg0: i32) -> (i32, i32) {
    %c0_i32 = arith.constant 0 : i32
    %c0_i32_0 = arith.constant 0 : i32
    %c0_i32_1 = arith.constant 0 : i32
    return %c0_i32, %c0_i32_0 : i32, i32
  }
  func.func @transform_14(%arg0: i32) -> (i32, i32, i32) {
    %c0_i32 = arith.constant 0 : i32
    %c0_i32_0 = arith.constant 0 : i32
    %c0_i32_1 = arith.constant 0 : i32
    %c0_i32_2 = arith.constant 0 : i32
    return %c0_i32, %c0_i32_0, %c0_i32_1 : i32, i32, i32
  }
  func.func @transform_15(%arg0: i32) -> (i32, i32, i32) {
    %c0_i32 = arith.constant 0 : i32
    %c0_i32_0 = arith.constant 0 : i32
    %c0_i32_1 = arith.constant 0 : i32
    %c0_i32_2 = arith.constant 0 : i32
    return %c0_i32, %c0_i32_0, %c0_i32_1 : i32, i32, i32
  }
  func.func @transform_16(%arg0: i32) -> (i32, i32) {
    %c0_i32 = arith.constant 0 : i32
    %c0_i32_0 = arith.constant 0 : i32
    %c0_i32_1 = arith.constant 0 : i32
    return %c0_i32, %c0_i32_0 : i32, i32
  }
  func.func @transform_17(%arg0: i32) -> (i32, i32) {
    %c0_i32 = arith.constant 0 : i32
    %c0_i32_0 = arith.constant 0 : i32
    %c0_i32_1 = arith.constant 0 : i32
    return %c0_i32, %c0_i32_0 : i32, i32
  }
  func.func @transform_18(%arg0: i32) -> (i32, i32) {
    %c0_i32 = arith.constant 0 : i32
    %c0_i32_0 = arith.constant 0 : i32
    return %arg0, %c0_i32 : i32, i32
  }
}

module attributes {stable_mosaic.version = 14 : i64} {
  func.func @_head_body(%arg0: memref<3280x259xf32, #tpu.memory_space<vmem>>, %arg1: memref<259x256xf32, #tpu.memory_space<vmem>>, %arg2: memref<256xf32, #tpu.memory_space<vmem>>, %arg3: memref<256xf32, #tpu.memory_space<vmem>>, %arg4: memref<256xf32, #tpu.memory_space<vmem>>, %arg5: memref<256x512xf32, #tpu.memory_space<vmem>>, %arg6: memref<512xf32, #tpu.memory_space<vmem>>, %arg7: memref<512xf32, #tpu.memory_space<vmem>>, %arg8: memref<512xf32, #tpu.memory_space<vmem>>, %arg9: memref<512x1024xf32, #tpu.memory_space<vmem>>, %arg10: memref<1024xf32, #tpu.memory_space<vmem>>, %arg11: memref<1024x256xf32, #tpu.memory_space<vmem>>, %arg12: memref<256xf32, #tpu.memory_space<vmem>>, %arg13: memref<256xf32, #tpu.memory_space<vmem>>, %arg14: memref<256xf32, #tpu.memory_space<vmem>>, %arg15: memref<256x256xf32, #tpu.memory_space<vmem>>, %arg16: memref<256xf32, #tpu.memory_space<vmem>>, %arg17: memref<256xf32, #tpu.memory_space<vmem>>, %arg18: memref<256xf32, #tpu.memory_space<vmem>>, %arg19: memref<256x1xf32, #tpu.memory_space<vmem>>, %arg20: memref<1xf32, #tpu.memory_space<vmem>>, %arg21: memref<16x1xf32, #tpu.memory_space<vmem>>) attributes {dimension_semantics = [], scalar_prefetch = 0 : i64, scratch_operands = 0 : i64, tpu.core_type = #tpu.core_type<tc>} {
    %get3A = arith.constant 0 : index
    %get3A_0 = arith.constant 0 : index
    %get3A_1 = vector.load %arg0[%get3A, %get3A_0] : memref<3280x259xf32, #tpu.memory_space<vmem>>, vector<3280x259xf32>
    %get3A_2 = arith.constant 0 : index
    %get3A_3 = arith.constant 0 : index
    %get3A_4 = vector.load %arg1[%get3A_2, %get3A_3] : memref<259x256xf32, #tpu.memory_space<vmem>>, vector<259x256xf32>
    %dot_general3A = arith.constant dense<0.000000e+00> : vector<3280x256xf32>
    %dot_general3A_5 = tpu.matmul %get3A_1, %get3A_4, %dot_general3A {dimension_numbers = #tpu.dot_dimension_numbers<[1], [0], [0], [1], [0, 0, 1, 1], [], []>, transpose_lhs_hint = false} : vector<3280x259xf32>, vector<259x256xf32>, vector<3280x256xf32> -> vector<3280x256xf32>
    %get3A_6 = arith.constant 0 : index
    %get3A_7 = vector.load %arg2[%get3A_6] : memref<256xf32, #tpu.memory_space<vmem>>, vector<256xf32>
    %broadcast_in_dim3A = vector.shape_cast %get3A_7 : vector<256xf32> to vector<1x256xf32>
    %add3A = vector.broadcast %broadcast_in_dim3A : vector<1x256xf32> to vector<3280x256xf32>
    %add3A_8 = arith.addf %dot_general3A_5, %add3A : vector<3280x256xf32>
    %get3A_9 = arith.constant 0 : index
    %get3A_10 = vector.load %arg3[%get3A_9] : memref<256xf32, #tpu.memory_space<vmem>>, vector<256xf32>
    %get3A_11 = arith.constant 0 : index
    %get3A_12 = vector.load %arg4[%get3A_11] : memref<256xf32, #tpu.memory_space<vmem>>, vector<256xf32>
    %reduce_sum3A = arith.constant dense<0.000000e+00> : vector<256xf32>
    %reduce_sum3A_13 = vector.multi_reduction <add>, %add3A_8, %reduce_sum3A [0] : vector<3280x256xf32> to vector<256xf32>
    %div3A = arith.constant 3.280000e+03 : f32
    %div3A_14 = vector.broadcast %div3A : f32 to vector<256xf32>
    %div3A_15 = arith.divf %reduce_sum3A_13, %div3A_14 : vector<256xf32>
    %broadcast_in_dim3A_16 = vector.shape_cast %div3A_15 : vector<256xf32> to vector<1x256xf32>
    %sub3A = vector.broadcast %broadcast_in_dim3A_16 : vector<1x256xf32> to vector<3280x256xf32>
    %sub3A_17 = arith.subf %add3A_8, %sub3A : vector<3280x256xf32>
    %integer_pow3A = arith.mulf %sub3A_17, %sub3A_17 : vector<3280x256xf32>
    %reduce_sum3A_18 = arith.constant dense<0.000000e+00> : vector<256xf32>
    %reduce_sum3A_19 = vector.multi_reduction <add>, %integer_pow3A, %reduce_sum3A_18 [0] : vector<3280x256xf32> to vector<256xf32>
    %div3A_20 = arith.constant 3.280000e+03 : f32
    %div3A_21 = vector.broadcast %div3A_20 : f32 to vector<256xf32>
    %div3A_22 = arith.divf %reduce_sum3A_19, %div3A_21 : vector<256xf32>
    %broadcast_in_dim3A_23 = vector.shape_cast %div3A_15 : vector<256xf32> to vector<1x256xf32>
    %sub3A_24 = vector.broadcast %broadcast_in_dim3A_23 : vector<1x256xf32> to vector<3280x256xf32>
    %sub3A_25 = arith.subf %add3A_8, %sub3A_24 : vector<3280x256xf32>
    %add3A_26 = arith.constant 9.99999974E-6 : f32
    %add3A_27 = vector.broadcast %add3A_26 : f32 to vector<256xf32>
    %add3A_28 = arith.addf %div3A_22, %add3A_27 : vector<256xf32>
    %sqrt3A = math.sqrt %add3A_28 : vector<256xf32>
    %broadcast_in_dim3A_29 = vector.shape_cast %sqrt3A : vector<256xf32> to vector<1x256xf32>
    %div3A_30 = vector.broadcast %broadcast_in_dim3A_29 : vector<1x256xf32> to vector<3280x256xf32>
    %div3A_31 = arith.divf %sub3A_25, %div3A_30 : vector<3280x256xf32>
    %broadcast_in_dim3A_32 = vector.shape_cast %get3A_10 : vector<256xf32> to vector<1x256xf32>
    %mul3A = vector.broadcast %broadcast_in_dim3A_32 : vector<1x256xf32> to vector<3280x256xf32>
    %mul3A_33 = arith.mulf %div3A_31, %mul3A : vector<3280x256xf32>
    %broadcast_in_dim3A_34 = vector.shape_cast %get3A_12 : vector<256xf32> to vector<1x256xf32>
    %add3A_35 = vector.broadcast %broadcast_in_dim3A_34 : vector<1x256xf32> to vector<3280x256xf32>
    %add3A_36 = arith.addf %mul3A_33, %add3A_35 : vector<3280x256xf32>
    %ge3A = arith.constant 0.000000e+00 : f32
    %ge3A_37 = vector.broadcast %ge3A : f32 to vector<3280x256xf32>
    %ge3A_38 = arith.cmpf oge, %add3A_36, %ge3A_37 : vector<3280x256xf32>
    %mul3A_39 = arith.constant 0.00999999977 : f32
    %mul3A_40 = vector.broadcast %mul3A_39 : f32 to vector<3280x256xf32>
    %mul3A_41 = arith.mulf %mul3A_40, %add3A_36 : vector<3280x256xf32>
    %select_n3A = arith.select %ge3A_38, %add3A_36, %mul3A_41 : vector<3280x256xi1>, vector<3280x256xf32>
    %get3A_42 = arith.constant 0 : index
    %get3A_43 = arith.constant 0 : index
    %get3A_44 = vector.load %arg5[%get3A_42, %get3A_43] : memref<256x512xf32, #tpu.memory_space<vmem>>, vector<256x512xf32>
    %dot_general3A_45 = arith.constant dense<0.000000e+00> : vector<3280x512xf32>
    %dot_general3A_46 = tpu.matmul %select_n3A, %get3A_44, %dot_general3A_45 {dimension_numbers = #tpu.dot_dimension_numbers<[1], [0], [0], [1], [0, 0, 1, 1], [], []>, transpose_lhs_hint = false} : vector<3280x256xf32>, vector<256x512xf32>, vector<3280x512xf32> -> vector<3280x512xf32>
    %get3A_47 = arith.constant 0 : index
    %get3A_48 = vector.load %arg6[%get3A_47] : memref<512xf32, #tpu.memory_space<vmem>>, vector<512xf32>
    %broadcast_in_dim3A_49 = vector.shape_cast %get3A_48 : vector<512xf32> to vector<1x512xf32>
    %add3A_50 = vector.broadcast %broadcast_in_dim3A_49 : vector<1x512xf32> to vector<3280x512xf32>
    %add3A_51 = arith.addf %dot_general3A_46, %add3A_50 : vector<3280x512xf32>
    %get3A_52 = arith.constant 0 : index
    %get3A_53 = vector.load %arg7[%get3A_52] : memref<512xf32, #tpu.memory_space<vmem>>, vector<512xf32>
    %get3A_54 = arith.constant 0 : index
    %get3A_55 = vector.load %arg8[%get3A_54] : memref<512xf32, #tpu.memory_space<vmem>>, vector<512xf32>
    %reduce_sum3A_56 = arith.constant dense<0.000000e+00> : vector<512xf32>
    %reduce_sum3A_57 = vector.multi_reduction <add>, %add3A_51, %reduce_sum3A_56 [0] : vector<3280x512xf32> to vector<512xf32>
    %div3A_58 = arith.constant 3.280000e+03 : f32
    %div3A_59 = vector.broadcast %div3A_58 : f32 to vector<512xf32>
    %div3A_60 = arith.divf %reduce_sum3A_57, %div3A_59 : vector<512xf32>
    %broadcast_in_dim3A_61 = vector.shape_cast %div3A_60 : vector<512xf32> to vector<1x512xf32>
    %sub3A_62 = vector.broadcast %broadcast_in_dim3A_61 : vector<1x512xf32> to vector<3280x512xf32>
    %sub3A_63 = arith.subf %add3A_51, %sub3A_62 : vector<3280x512xf32>
    %integer_pow3A_64 = arith.mulf %sub3A_63, %sub3A_63 : vector<3280x512xf32>
    %reduce_sum3A_65 = arith.constant dense<0.000000e+00> : vector<512xf32>
    %reduce_sum3A_66 = vector.multi_reduction <add>, %integer_pow3A_64, %reduce_sum3A_65 [0] : vector<3280x512xf32> to vector<512xf32>
    %div3A_67 = arith.constant 3.280000e+03 : f32
    %div3A_68 = vector.broadcast %div3A_67 : f32 to vector<512xf32>
    %div3A_69 = arith.divf %reduce_sum3A_66, %div3A_68 : vector<512xf32>
    %broadcast_in_dim3A_70 = vector.shape_cast %div3A_60 : vector<512xf32> to vector<1x512xf32>
    %sub3A_71 = vector.broadcast %broadcast_in_dim3A_70 : vector<1x512xf32> to vector<3280x512xf32>
    %sub3A_72 = arith.subf %add3A_51, %sub3A_71 : vector<3280x512xf32>
    %add3A_73 = arith.constant 9.99999974E-6 : f32
    %add3A_74 = vector.broadcast %add3A_73 : f32 to vector<512xf32>
    %add3A_75 = arith.addf %div3A_69, %add3A_74 : vector<512xf32>
    %sqrt3A_76 = math.sqrt %add3A_75 : vector<512xf32>
    %broadcast_in_dim3A_77 = vector.shape_cast %sqrt3A_76 : vector<512xf32> to vector<1x512xf32>
    %div3A_78 = vector.broadcast %broadcast_in_dim3A_77 : vector<1x512xf32> to vector<3280x512xf32>
    %div3A_79 = arith.divf %sub3A_72, %div3A_78 : vector<3280x512xf32>
    %broadcast_in_dim3A_80 = vector.shape_cast %get3A_53 : vector<512xf32> to vector<1x512xf32>
    %mul3A_81 = vector.broadcast %broadcast_in_dim3A_80 : vector<1x512xf32> to vector<3280x512xf32>
    %mul3A_82 = arith.mulf %div3A_79, %mul3A_81 : vector<3280x512xf32>
    %broadcast_in_dim3A_83 = vector.shape_cast %get3A_55 : vector<512xf32> to vector<1x512xf32>
    %add3A_84 = vector.broadcast %broadcast_in_dim3A_83 : vector<1x512xf32> to vector<3280x512xf32>
    %add3A_85 = arith.addf %mul3A_82, %add3A_84 : vector<3280x512xf32>
    %ge3A_86 = arith.constant 0.000000e+00 : f32
    %ge3A_87 = vector.broadcast %ge3A_86 : f32 to vector<3280x512xf32>
    %ge3A_88 = arith.cmpf oge, %add3A_85, %ge3A_87 : vector<3280x512xf32>
    %mul3A_89 = arith.constant 0.00999999977 : f32
    %mul3A_90 = vector.broadcast %mul3A_89 : f32 to vector<3280x512xf32>
    %mul3A_91 = arith.mulf %mul3A_90, %add3A_85 : vector<3280x512xf32>
    %select_n3A_92 = arith.select %ge3A_88, %add3A_85, %mul3A_91 : vector<3280x512xi1>, vector<3280x512xf32>
    %get3A_93 = arith.constant 0 : index
    %get3A_94 = arith.constant 0 : index
    %get3A_95 = vector.load %arg9[%get3A_93, %get3A_94] : memref<512x1024xf32, #tpu.memory_space<vmem>>, vector<512x1024xf32>
    %dot_general3A_96 = arith.constant dense<0.000000e+00> : vector<3280x1024xf32>
    %dot_general3A_97 = tpu.matmul %select_n3A_92, %get3A_95, %dot_general3A_96 {dimension_numbers = #tpu.dot_dimension_numbers<[1], [0], [0], [1], [0, 0, 1, 1], [], []>, transpose_lhs_hint = false} : vector<3280x512xf32>, vector<512x1024xf32>, vector<3280x1024xf32> -> vector<3280x1024xf32>
    %get3A_98 = arith.constant 0 : index
    %get3A_99 = vector.load %arg10[%get3A_98] : memref<1024xf32, #tpu.memory_space<vmem>>, vector<1024xf32>
    %broadcast_in_dim3A_100 = vector.shape_cast %get3A_99 : vector<1024xf32> to vector<1x1024xf32>
    %add3A_101 = vector.broadcast %broadcast_in_dim3A_100 : vector<1x1024xf32> to vector<3280x1024xf32>
    %add3A_102 = arith.addf %dot_general3A_97, %add3A_101 : vector<3280x1024xf32>
    %reshape3A = vector.shape_cast %add3A_102 : vector<3280x1024xf32> to vector<16x205x1024xf32>
    %reduce_max3A = arith.constant dense<0xFF800000> : vector<16x1024xf32>
    %reduce_max3A_103 = vector.multi_reduction <maximumf>, %reshape3A, %reduce_max3A [1] : vector<16x205x1024xf32> to vector<16x1024xf32>
    %get3A_104 = arith.constant 0 : index
    %get3A_105 = arith.constant 0 : index
    %get3A_106 = vector.load %arg11[%get3A_104, %get3A_105] : memref<1024x256xf32, #tpu.memory_space<vmem>>, vector<1024x256xf32>
    %dot_general3A_107 = arith.constant dense<0.000000e+00> : vector<16x256xf32>
    %dot_general3A_108 = tpu.matmul %reduce_max3A_103, %get3A_106, %dot_general3A_107 {dimension_numbers = #tpu.dot_dimension_numbers<[1], [0], [0], [1], [0, 0, 1, 1], [], []>, transpose_lhs_hint = false} : vector<16x1024xf32>, vector<1024x256xf32>, vector<16x256xf32> -> vector<16x256xf32>
    %get3A_109 = arith.constant 0 : index
    %get3A_110 = vector.load %arg12[%get3A_109] : memref<256xf32, #tpu.memory_space<vmem>>, vector<256xf32>
    %broadcast_in_dim3A_111 = vector.shape_cast %get3A_110 : vector<256xf32> to vector<1x256xf32>
    %add3A_112 = vector.broadcast %broadcast_in_dim3A_111 : vector<1x256xf32> to vector<16x256xf32>
    %add3A_113 = arith.addf %dot_general3A_108, %add3A_112 : vector<16x256xf32>
    %get3A_114 = arith.constant 0 : index
    %get3A_115 = vector.load %arg13[%get3A_114] : memref<256xf32, #tpu.memory_space<vmem>>, vector<256xf32>
    %get3A_116 = arith.constant 0 : index
    %get3A_117 = vector.load %arg14[%get3A_116] : memref<256xf32, #tpu.memory_space<vmem>>, vector<256xf32>
    %reduce_sum3A_118 = arith.constant dense<0.000000e+00> : vector<256xf32>
    %reduce_sum3A_119 = vector.multi_reduction <add>, %add3A_113, %reduce_sum3A_118 [0] : vector<16x256xf32> to vector<256xf32>
    %div3A_120 = arith.constant 1.600000e+01 : f32
    %div3A_121 = vector.broadcast %div3A_120 : f32 to vector<256xf32>
    %div3A_122 = arith.divf %reduce_sum3A_119, %div3A_121 : vector<256xf32>
    %broadcast_in_dim3A_123 = vector.shape_cast %div3A_122 : vector<256xf32> to vector<1x256xf32>
    %sub3A_124 = vector.broadcast %broadcast_in_dim3A_123 : vector<1x256xf32> to vector<16x256xf32>
    %sub3A_125 = arith.subf %add3A_113, %sub3A_124 : vector<16x256xf32>
    %integer_pow3A_126 = arith.mulf %sub3A_125, %sub3A_125 : vector<16x256xf32>
    %reduce_sum3A_127 = arith.constant dense<0.000000e+00> : vector<256xf32>
    %reduce_sum3A_128 = vector.multi_reduction <add>, %integer_pow3A_126, %reduce_sum3A_127 [0] : vector<16x256xf32> to vector<256xf32>
    %div3A_129 = arith.constant 1.600000e+01 : f32
    %div3A_130 = vector.broadcast %div3A_129 : f32 to vector<256xf32>
    %div3A_131 = arith.divf %reduce_sum3A_128, %div3A_130 : vector<256xf32>
    %broadcast_in_dim3A_132 = vector.shape_cast %div3A_122 : vector<256xf32> to vector<1x256xf32>
    %sub3A_133 = vector.broadcast %broadcast_in_dim3A_132 : vector<1x256xf32> to vector<16x256xf32>
    %sub3A_134 = arith.subf %add3A_113, %sub3A_133 : vector<16x256xf32>
    %add3A_135 = arith.constant 9.99999974E-6 : f32
    %add3A_136 = vector.broadcast %add3A_135 : f32 to vector<256xf32>
    %add3A_137 = arith.addf %div3A_131, %add3A_136 : vector<256xf32>
    %sqrt3A_138 = math.sqrt %add3A_137 : vector<256xf32>
    %broadcast_in_dim3A_139 = vector.shape_cast %sqrt3A_138 : vector<256xf32> to vector<1x256xf32>
    %div3A_140 = vector.broadcast %broadcast_in_dim3A_139 : vector<1x256xf32> to vector<16x256xf32>
    %div3A_141 = arith.divf %sub3A_134, %div3A_140 : vector<16x256xf32>
    %broadcast_in_dim3A_142 = vector.shape_cast %get3A_115 : vector<256xf32> to vector<1x256xf32>
    %mul3A_143 = vector.broadcast %broadcast_in_dim3A_142 : vector<1x256xf32> to vector<16x256xf32>
    %mul3A_144 = arith.mulf %div3A_141, %mul3A_143 : vector<16x256xf32>
    %broadcast_in_dim3A_145 = vector.shape_cast %get3A_117 : vector<256xf32> to vector<1x256xf32>
    %add3A_146 = vector.broadcast %broadcast_in_dim3A_145 : vector<1x256xf32> to vector<16x256xf32>
    %add3A_147 = arith.addf %mul3A_144, %add3A_146 : vector<16x256xf32>
    %ge3A_148 = arith.constant 0.000000e+00 : f32
    %ge3A_149 = vector.broadcast %ge3A_148 : f32 to vector<16x256xf32>
    %ge3A_150 = arith.cmpf oge, %add3A_147, %ge3A_149 : vector<16x256xf32>
    %mul3A_151 = arith.constant 0.00999999977 : f32
    %mul3A_152 = vector.broadcast %mul3A_151 : f32 to vector<16x256xf32>
    %mul3A_153 = arith.mulf %mul3A_152, %add3A_147 : vector<16x256xf32>
    %select_n3A_154 = arith.select %ge3A_150, %add3A_147, %mul3A_153 : vector<16x256xi1>, vector<16x256xf32>
    %get3A_155 = arith.constant 0 : index
    %get3A_156 = arith.constant 0 : index
    %get3A_157 = vector.load %arg15[%get3A_155, %get3A_156] : memref<256x256xf32, #tpu.memory_space<vmem>>, vector<256x256xf32>
    %dot_general3A_158 = arith.constant dense<0.000000e+00> : vector<16x256xf32>
    %dot_general3A_159 = tpu.matmul %select_n3A_154, %get3A_157, %dot_general3A_158 {dimension_numbers = #tpu.dot_dimension_numbers<[1], [0], [0], [1], [0, 0, 1, 1], [], []>, transpose_lhs_hint = false} : vector<16x256xf32>, vector<256x256xf32>, vector<16x256xf32> -> vector<16x256xf32>
    %get3A_160 = arith.constant 0 : index
    %get3A_161 = vector.load %arg16[%get3A_160] : memref<256xf32, #tpu.memory_space<vmem>>, vector<256xf32>
    %broadcast_in_dim3A_162 = vector.shape_cast %get3A_161 : vector<256xf32> to vector<1x256xf32>
    %add3A_163 = vector.broadcast %broadcast_in_dim3A_162 : vector<1x256xf32> to vector<16x256xf32>
    %add3A_164 = arith.addf %dot_general3A_159, %add3A_163 : vector<16x256xf32>
    %get3A_165 = arith.constant 0 : index
    %get3A_166 = vector.load %arg17[%get3A_165] : memref<256xf32, #tpu.memory_space<vmem>>, vector<256xf32>
    %get3A_167 = arith.constant 0 : index
    %get3A_168 = vector.load %arg18[%get3A_167] : memref<256xf32, #tpu.memory_space<vmem>>, vector<256xf32>
    %reduce_sum3A_169 = arith.constant dense<0.000000e+00> : vector<256xf32>
    %reduce_sum3A_170 = vector.multi_reduction <add>, %add3A_164, %reduce_sum3A_169 [0] : vector<16x256xf32> to vector<256xf32>
    %div3A_171 = arith.constant 1.600000e+01 : f32
    %div3A_172 = vector.broadcast %div3A_171 : f32 to vector<256xf32>
    %div3A_173 = arith.divf %reduce_sum3A_170, %div3A_172 : vector<256xf32>
    %broadcast_in_dim3A_174 = vector.shape_cast %div3A_173 : vector<256xf32> to vector<1x256xf32>
    %sub3A_175 = vector.broadcast %broadcast_in_dim3A_174 : vector<1x256xf32> to vector<16x256xf32>
    %sub3A_176 = arith.subf %add3A_164, %sub3A_175 : vector<16x256xf32>
    %integer_pow3A_177 = arith.mulf %sub3A_176, %sub3A_176 : vector<16x256xf32>
    %reduce_sum3A_178 = arith.constant dense<0.000000e+00> : vector<256xf32>
    %reduce_sum3A_179 = vector.multi_reduction <add>, %integer_pow3A_177, %reduce_sum3A_178 [0] : vector<16x256xf32> to vector<256xf32>
    %div3A_180 = arith.constant 1.600000e+01 : f32
    %div3A_181 = vector.broadcast %div3A_180 : f32 to vector<256xf32>
    %div3A_182 = arith.divf %reduce_sum3A_179, %div3A_181 : vector<256xf32>
    %broadcast_in_dim3A_183 = vector.shape_cast %div3A_173 : vector<256xf32> to vector<1x256xf32>
    %sub3A_184 = vector.broadcast %broadcast_in_dim3A_183 : vector<1x256xf32> to vector<16x256xf32>
    %sub3A_185 = arith.subf %add3A_164, %sub3A_184 : vector<16x256xf32>
    %add3A_186 = arith.constant 9.99999974E-6 : f32
    %add3A_187 = vector.broadcast %add3A_186 : f32 to vector<256xf32>
    %add3A_188 = arith.addf %div3A_182, %add3A_187 : vector<256xf32>
    %sqrt3A_189 = math.sqrt %add3A_188 : vector<256xf32>
    %broadcast_in_dim3A_190 = vector.shape_cast %sqrt3A_189 : vector<256xf32> to vector<1x256xf32>
    %div3A_191 = vector.broadcast %broadcast_in_dim3A_190 : vector<1x256xf32> to vector<16x256xf32>
    %div3A_192 = arith.divf %sub3A_185, %div3A_191 : vector<16x256xf32>
    %broadcast_in_dim3A_193 = vector.shape_cast %get3A_166 : vector<256xf32> to vector<1x256xf32>
    %mul3A_194 = vector.broadcast %broadcast_in_dim3A_193 : vector<1x256xf32> to vector<16x256xf32>
    %mul3A_195 = arith.mulf %div3A_192, %mul3A_194 : vector<16x256xf32>
    %broadcast_in_dim3A_196 = vector.shape_cast %get3A_168 : vector<256xf32> to vector<1x256xf32>
    %add3A_197 = vector.broadcast %broadcast_in_dim3A_196 : vector<1x256xf32> to vector<16x256xf32>
    %add3A_198 = arith.addf %mul3A_195, %add3A_197 : vector<16x256xf32>
    %ge3A_199 = arith.constant 0.000000e+00 : f32
    %ge3A_200 = vector.broadcast %ge3A_199 : f32 to vector<16x256xf32>
    %ge3A_201 = arith.cmpf oge, %add3A_198, %ge3A_200 : vector<16x256xf32>
    %mul3A_202 = arith.constant 0.00999999977 : f32
    %mul3A_203 = vector.broadcast %mul3A_202 : f32 to vector<16x256xf32>
    %mul3A_204 = arith.mulf %mul3A_203, %add3A_198 : vector<16x256xf32>
    %select_n3A_205 = arith.select %ge3A_201, %add3A_198, %mul3A_204 : vector<16x256xi1>, vector<16x256xf32>
    %get3A_206 = arith.constant 0 : index
    %get3A_207 = arith.constant 0 : index
    %get3A_208 = vector.load %arg19[%get3A_206, %get3A_207] : memref<256x1xf32, #tpu.memory_space<vmem>>, vector<256x1xf32>
    %dot_general3A_209 = arith.constant dense<0.000000e+00> : vector<16x1xf32>
    %dot_general3A_210 = tpu.matmul %select_n3A_205, %get3A_208, %dot_general3A_209 {dimension_numbers = #tpu.dot_dimension_numbers<[1], [0], [0], [1], [0, 0, 1, 1], [], []>, transpose_lhs_hint = false} : vector<16x256xf32>, vector<256x1xf32>, vector<16x1xf32> -> vector<16x1xf32>
    %get3A_211 = arith.constant 0 : index
    %get3A_212 = vector.load %arg20[%get3A_211] : memref<1xf32, #tpu.memory_space<vmem>>, vector<1xf32>
    %broadcast_in_dim3A_213 = vector.shape_cast %get3A_212 : vector<1xf32> to vector<1x1xf32>
    %add3A_214 = vector.broadcast %broadcast_in_dim3A_213 : vector<1x1xf32> to vector<16x1xf32>
    %add3A_215 = arith.addf %dot_general3A_210, %add3A_214 : vector<16x1xf32>
    %swap3A = arith.constant 0 : index
    %swap3A_216 = arith.constant 0 : index
    %swap3A_217 = vector.load %arg21[%swap3A, %swap3A_216] : memref<16x1xf32, #tpu.memory_space<vmem>>, vector<16x1xf32>
    tpu.vector_store %arg21[%swap3A, %swap3A_216], %add3A_215 {strides = array<i32>} : memref<16x1xf32, #tpu.memory_space<vmem>>, vector<16x1xf32>,
    return
  }
}

</mosaic_0001>

<sc_bundles>
// kernel: kernel.15.cloned.1.call-start
scs
__scs_entry_jumppad:
0x0: {  	(pc) =	sbr.rel $0x88, $3  }
0x1: {  	(tag) =	ssettag $0x0;
	lr =	simm.s32 $0x1  }
0x2: {  	[smem:$0x3F77] =	sst lr;
	_ =	strace $0xD0000000  }
0x3: {  	_ = 	snop  }
0x4: {  	_ = 	snop  }
0x5: {  	_ = 	snop  }
0x6: {  	_ = 	snop  }
0x7: {  	_ = 	snop  }
__scs_overlays_trampoline_lowered:
0x8: {  	[smem:$0x3F86] =	sst s0  }
0x9: {  	[smem:$0x3F87] =	sst s1  }
0xa: {  	[smem:$0x3F88] =	sst s2  }
0xb: {  	[smem:$0x3F89] =	sst s3  }
0xc: {  	[smem:$0x3F8A] =	sst s4  }
0xd: {  	[smem:$0x3F8B] =	sst s5  }
0xe: {  	[smem:$0x3F8C] =	sst s6  }
0xf: {  	[smem:$0x3F8D] =	sst s7  }
0x10: {  	[smem:$0x3F8E] =	sst s8  }
0x11: {  	[smem:$0x3F8F] =	sst s9;
	s0 =	simm.s32 @!p0 $0x0  }
0x12: {  	s1 =	sld [smem:$0x3F75];
	s0 =	simm.s32 @p0 $0x1  }
0x13: {  	[smem:$0x3F90] =	sst s0;
	s0 =	simm.s32 @!p1 $0x0  }
0x14: {  	s2 =	sld [smem:$0x3F74];
	s0 =	simm.s32 @p1 $0x1  }
0x15: {  	[smem:$0x3F91] =	sst s0;
	s0 =	simm.s32 @!p2 $0x0  }
0x16: {  	s3 =	sld [smem:$0x3FDB];
	s0 =	simm.s32 @p2 $0x1  }
0x17: {  	s4 =	simm.s32 $0x1BF5;
	[smem:$0x3F93] =	sst s0  }
0x18: {  	s0 =	sld [smem:$0x3F76];
	_ =	swait.ge [sflag:s4], $0x0  }
0x19: {  	s7 =	sld [smem:$0x3F77]  }
0x1a: {  	s8 =	sadd.s32 $0xFFFFE003, lr  }
0x1b: {  	s9 =	sadd.s32 $0xFFFFFEF7, lr;
	s5 =	simm.s32 $0xFFFFFFFF;
	p2 =	slt.u32 s8, $0xFFFFF086  }
0x1c: {  	p1 =	slt.u32 s9, $0xF7A;
	s5 =	simm.s32 @!p2 $0x0  }
0x1d: {  	s5 =	simm.s32 @p1 $0x1;
	p0 =	seq.s32 s7, s2  }
0x1e: {  	s7 =	smul.u32 @!p0 $0xF7A, s2;
	p2 =	seq.s32 @!p0 s5, $0x0  }
0x1f: {  	s9 =	smul.u32 $0xF7A, s1;
	s8 =	simm.s32 @!p0 $0x1BF5;
	p2 =	por !p2, p0  }
0x20: {  	[sflag:s8] =	ssyncset.s32 @!p0 $0xFFFFF086;
	s6 =	sadd.s32 @!p0 s3, s7;
	s7 =	simm.s32 @!p0 $0x108  }
0x21: {  	s3 =	sadd.s32 s3, s9;
	s6 =	sadd.s32 @!p0 $0x88, s6;
	s7 =	simm.s32 @p2 $0x1082  }
0x22: {  	[simem:s7], [sflag:s8] =	dma.local @!p0 [hbm:s6], $0xF7A  }
0x23: {  	s9 =	sor.u32 $0xD0000000, s2;
	s6 =	simm.s32 $0x108;
	_ =	swait.ge @!p0 [sflag:s8], $0x0  }
0x24: {  	s3 =	sadd.s32 $0x88, s3;
	s6 =	simm.s32 @!p1 $0x1082;
	[sflag:s4] =	ssyncset.s32 $0xFFFFF086  }
0x25: {  	[simem:s6], [sflag:s4] =	dma.local [hbm:s3], $0xF7A  }
0x26: {  	[smem:$0x3F77] =	sst s1;
	(tag) =	ssettag s2;
	_ =	strace s9  }
0x27: {  	s1 =	sld [smem:$0x3F87]  }
0x28: {  	s2 =	sld [smem:$0x3F88]  }
0x29: {  	s4 =	sld [smem:$0x3F8A]  }
0x2a: {  	p0 =	seq.s32 s5, $0x0;
	s5 =	sld [smem:$0x3F8B]  }
0x2b: {  	s6 =	sld [smem:$0x3F8C]  }
0x2c: {  	s7 =	sld [smem:$0x3F8D]  }
0x2d: {  	s3 =	simm.s32 $0x108;
	s8 =	sld [smem:$0x3F8E]  }
0x2e: {  	s3 =	simm.s32 @!p0 $0x1082;
	s9 =	sld [smem:$0x3F8F]  }
0x2f: {  	lr =	sadd.s32 s0, s3;
	s0 =	sld [smem:$0x3F86]  }
0x30: {  	s3 =	sld [smem:$0x3F89]  }
0x31: {  	[smem:$0x3F92] =	sst s10  }
0x32: {  	s10 =	sld [smem:$0x3F90];
	_ =	sdelay $0x3  }
0x33: {  	p0 =	seq.s32 s10, $0x1;
	s10 =	sld [smem:$0x3F92];
	_ =	sdelay $0x3  }
0x34: {  	[smem:$0x3F92] =	sst s10  }
0x35: {  	s10 =	sld [smem:$0x3F91];
	_ =	sdelay $0x3  }
0x36: {  	p1 =	seq.s32 s10, $0x1;
	s10 =	sld [smem:$0x3F92];
	_ =	sdelay $0x3  }
0x37: {  	[smem:$0x3F92] =	sst s10  }
0x38: {  	s10 =	sld [smem:$0x3F93]  }
0x39: {  	_ = 	snop;
	(pc) =	sbr.ind lr, $3  }
0x3a: {  	_ = 	snop  }
0x3b: {  	_ = 	snop  }
0x3c: {  	p2 =	seq.s32 s10, $0x1;
	s10 =	sld [smem:$0x3F92]  }
0x3d: {  	_ =	shalt  }
0x3e: {  	_ =	shalt  }
0x3f: {  	_ =	shalt  }
0x40: {  	_ =	shalt  }
0x41: {  	_ =	shalt  }
0x42: {  	_ =	shalt  }
0x43: {  	_ =	shalt  }
0x44: {  	_ =	shalt  }
0x45: {  	_ =	shalt  }
0x46: {  	_ =	shalt  }
0x47: {  	_ =	shalt  }
0x48: {  	_ =	shalt  }
0x49: {  	_ =	shalt  }
0x4a: {  	_ =	shalt  }
0x4b: {  	_ =	shalt  }
0x4c: {  	_ =	shalt  }
0x4d: {  	_ =	shalt  }
0x4e: {  	_ =	shalt  }
0x4f: {  	_ =	shalt  }
0x50: {  	_ =	shalt  }
0x51: {  	_ =	shalt  }
0x52: {  	_ =	shalt  }
0x53: {  	_ =	shalt  }
0x54: {  	_ =	shalt  }
0x55: {  	_ =	shalt  }
0x56: {  	_ =	shalt  }
0x57: {  	_ =	shalt  }
0x58: {  	_ =	shalt  }
0x59: {  	_ =	shalt  }
0x5a: {  	_ =	shalt  }
0x5b: {  	_ =	shalt  }
0x5c: {  	_ =	shalt  }
0x5d: {  	_ =	shalt  }
0x5e: {  	_ =	shalt  }
0x5f: {  	_ =	shalt  }
0x60: {  	_ =	shalt  }
0x61: {  	_ =	shalt  }
0x62: {  	_ =	shalt  }
0x63: {  	_ =	shalt  }
0x64: {  	_ =	shalt  }
0x65: {  	_ =	shalt  }
0x66: {  	_ =	shalt  }
0x67: {  	_ =	shalt  }
0x68: {  	_ =	shalt  }
0x69: {  	_ =	shalt  }
0x6a: {  	_ =	shalt  }
0x6b: {  	_ =	shalt  }
0x6c: {  	_ =	shalt  }
0x6d: {  	_ =	shalt  }
0x6e: {  	_ =	shalt  }
0x6f: {  	_ =	shalt  }
0x70: {  	_ =	shalt  }
0x71: {  	_ =	shalt  }
0x72: {  	_ =	shalt  }
0x73: {  	_ =	shalt  }
0x74: {  	_ =	shalt  }
0x75: {  	_ =	shalt  }
0x76: {  	_ =	shalt  }
0x77: {  	_ =	shalt  }
0x78: {  	_ =	shalt  }
0x79: {  	_ =	shalt  }
0x7a: {  	_ =	shalt  }
0x7b: {  	_ =	shalt  }
0x7c: {  	_ =	shalt  }
0x7d: {  	_ =	shalt  }
0x7e: {  	_ =	shalt  }
0x7f: {  	_ =	shalt  }
0x80: {  	_ =	shalt  }
0x81: {  	_ =	shalt  }
0x82: {  	_ =	shalt  }
0x83: {  	_ =	shalt  }
0x84: {  	_ =	shalt  }
0x85: {  	_ =	shalt  }
0x86: {  	_ =	shalt  }
0x87: {  	_ =	shalt  }
.Lfunc_end0:
.L_simem_size_0:
called_computation_lowered:
.L_overlay_start_0:
0x88: {  	s2 =	sld [smem:$0x3FD9]  }
0x89: {  	s3 =	sld [smem:$0x3FFE];
	_ =	sdelay $0x1  }
0x8a: {  	s1 =	srdreg.scid  }
0x8b: {  	s0 =	sand.u32 $0x1, s1  }
0x8c: {  	s16 =	sshll.u32 s0, $0xA;
	s2 =	sadd.s32 s3, s2  }
0x8d: {  	s2 =	sadd.s32 s2, s16  }
0x8e: {  	[smem:$0x3F9E] =	sst s2  }
0x8f: {  	_ = 	snop  }
0x90: {  	(tm) =	ssettm $0x1  }
0x91: {  	s17 =	sld [smem:$0x3FFB];
	_ =	sdelay $0x3  }
0x92: {  	_ =	strace s17  }
0x93: {  	s2 =	sld [smem:$0x3FFC];
	_ =	sdelay $0x3  }
0x94: {  	_ =	strace s2  }
0x95: {  	s2 =	sld [smem:$0x3FFD];
	_ =	sdelay $0x3  }
0x96: {  	_ =	strace s2  }
0x97: {  	_ =	strace $0x8FFFFFFF  }
0x98: {  	s18 =	sld [smem:$0x3FDB];
	_ =	sdelay $0x1  }
0x99: {  	s19 =	simm.s32 $_scs_section_size  }
0x9a: {  	s4 =	simm.s32 $_size__tile_overlayer_lowered;
	s5 =	simm.s32 $_tile_overlayer_lowered  }
0x9b: {  	s22 =	simm.s32 $0x1BFF;
	s21 =	sshll.u32 s5, $0x1;
	s2 =	sadd.s32 s19, s18  }
0x9c: {  	s6 =	simm.s32 $0x0;
	s20 =	sshll.u32 s4, $0x1;
	s4 =	sadd.s32 s21, s2  }
0x9d: {  	[timem:s6], [sflag:s22] =	dma.local [hbm:s4], s20  }
0x9e: {  	_ =	swait.ge [sflag:s22], s20  }
0x9f: {  	s3 =	ssub.s32 $0x0, s20;
	[sflag:s22] =	ssyncset.done $0x0  }
0xa0: {  	[sflag:s22] =	ssyncadd.s32 s3;
	_ =	sdelay $0x1  }
0xa1: {  	s23 =	simm.s32 $0x1B8B  }
0xa2: {  	_ =	swait.ge [sflag:s23], $0x1  }
0xa3: {  	[sflag:s23] =	ssyncset.done $0x0  }
0xa4: {  	s25 =	simm.s32 $0x1B8E;
	s24 =	sld [smem:$0x3FFE];
	[sflag:s23] =	ssyncadd.s32 $0xFFFFFFFF  }
0xa5: {  	s26 =	simm.s32 $execute0_lowered;
	[smem:$0x3FD2] =	sst s25  }
0xa6: {  	s4 =	sshll.u32 s26, $0x1;
	_ =	strace $0x80000046;
	[dreg:$0x1] =	wrdreg $0xFFFFFFFF  }
0xa7: {  	s28 =	simm.s32 $_size_execute0_lowered;
	s2 =	sadd.s32 s2, s4;
	[dreg:$0x0] =	wrdreg $0x0  }
0xa8: {  	s4 =	sshll.u32 s28, $0x1;
	[dreg:$0x2] =	wrdreg s2  }
0xa9: {  	[dreg:$0x3] =	wrdreg s4  }
0xaa: {  	[dreg:$0x4] =	wrdreg $0xC0  }
0xab: {  	_ =	task [dreg:s6], $0x5FFFF  }
0xac: {  	[dreg:$0x1] =	wrdreg $0xFFFFFFFF  }
0xad: {  	[dreg:$0x0] =	wrdreg $0x60  }
0xae: {  	[dreg:$0x2] =	wrdreg s24  }
0xaf: {  	[dreg:$0x3] =	wrdreg $0xA  }
0xb0: {  	_ =	task.clear_ibuf [dreg:s6], $0x4FFFF;
	_ =	strace $0x90000046  }
0xb1: {  	s29 =	simm.s32 $0xA;
	_ =	strace $0x80000048  }
0xb2: {  	_ =	swait.ge [sflag:s29], $0x1  }
0xb3: {  	[sflag:s29] =	ssyncadd.s32 $0xFFFFFFFF  }
0xb4: {  	_ =	strace $0x90000048  }
0xb5: {  	_ =	sfence  }
0xb6: {  	s30 =	sld [smem:$0x0];
	_ =	sdelay $0x2  }
0xb7: {  	s31 =	sshll.u32 s1, $0xD;
	s1 =	sshrl.u32 s1, $0x2  }
0xb8: {  	s3 =	sand.u32 $0x4000, s31;
	s1 =	sadd.s32 s1, s30  }
0xb9: {  	s0 =	sor.u32 s3, s0;
	s1 =	sshll.u32 s1, $0x11  }
0xba: {  	s0 =	sor.u32 s1, s0  }
0xbb: {  	s0 =	sadd.s32 $0x8F2B, s0  }
0xbc: {  	[sflag:s0] =	ssyncadd.remote.s32 $0x1  }
0xbd: {  	_ =	sfence.sel $0xFFFF  }
0xbe: {  	[dreg:$0x0] =	wrdreg $0xFFFFFFFF;
	(pc) =	sbr.abs _section_cstart, $3  }
0xbf: {  	[dreg:$0x1] =	wrdreg $0xFFFFFFFF  }
0xc0: {  	_ =	task.clear_ibuf [dreg:s6], $0x2FFFF;
	_ =	strace $0x9FFFFFFF  }
0xc1: {  	(tm) =	ssettm $0x7FFFFFFF  }
tec
execute0_lowered:
.L_overlay_start_1:
0x0: {  	(tag) =	ssettag $0x1  }
0x1: {  	s1 =	srdreg.scid  }
0x2: {  	s0 =	stileid.u32;
	s6 =	rddreg [dreg:$0x0]  }
0x3: {  	s4 =	simm.s32 $0x1A0;
	s2 =	simm.s32 $0x0;
	s5 =	sand.u32 $0x1, s1  }
0x4: {  	s14 =	simm.s32 $0x1000;
	s15 =	simm.s32 $0x2000;
	s1 =	sor.u32 s5, s0  }
0x5: {  	s16 =	simm.s32 $0x3000;
	p1 =	seq.s32 s5, $0x1;
	p0 =	seq.s32 s1, $0x0  }
0x6: {  	s17 =	simm.s32 $0x31A0;
	s18 =	simm.s32 $0x3340;
	p0 =	por !p0, !p1  }
0x7: {  	s19 =	simm.s32 $0x34E0;
	s1 =	simm.s32 $0x1;
	p0 =	por !p0, !p0  }
0x8: {  	s20 =	simm.s32 $0x3680;
	s21 =	simm.s32 $0x0;
	s1 =	simm.s32 @!p0 $0x0  }
0x9: {  	[smem:$0x7FF] =	sst s2;
	s5 =	ssub.s32 $0x2, s5;
	s3 =	ssub.s32 s0, s1  }
0xa: {  	_ =	strace $0x80000047;
	s31 =	sshrl.u32 s5, $0x1;
	s7 =	smul.u32 $0x340, s3  }
0xb: {  	s4 =	simm.s32 @!p1 $0x0;
	s13 =	ssub.s32 s5, s31;
	s3 =	sshll.u32 s3, $0xC  }
0xc: {  	s13 =	smax.u32 s13, $0x1;
	s8 =	sshrl.u32 s3, $0x3;
	s7 =	sadd.s32 s4, s7  }
0xd: {  	s8 =	sadd.s32 s8, s6;
	s9 =	smul.u32 $0x60, s7;
	s7 =	sshrl.u32 s7, $0x3  }
0xe: {  	s4 =	simm.s32 $0x1;
	s5 =	sadd.s32 $0x9C00, s8;
	s11 =	sadd.s32 s7, s6  }
0xf: {  	s7 =	sadd.s32 $0xDC00, s8;
	s9 =	sshrl.u32 s9, $0x3;
	s10 =	sadd.s32 $0x11200, s11  }
0x10: {  	s12 =	sadd.s32 s9, s6;
	s6 =	sadd.s32 $0xBC00, s8;
	s8 =	sadd.s32 $0x10200, s11  }
0x11: {  	v0 =	vimm.s32 $0x10000;
	v1 =	vlaneseq.u32;
	v2 =	vimm.s32 $0x0;
	s9 =	sadd.s32 $0x10A00, s11;
	s11 =	sadd.s32 $0x11A00, s11;
	s12 =	sadd.s32 $0x12200, s12  }
.LBB2_1:
0x12: {  	[tilespmem:s2], [sflag:$0x1] =	stream.linear.gather [hbm4b:s5+s2], $0x1000, $0x38;
	[tilespmem:$0xD280] =	vst v63  }
0x13: {  	_ =	swait.ge [sflag:s4], $0x1000  }
0x14: {  	[sflag:s4] =	ssyncset.done $0x0  }
0x15: {  	[sflag:s4] =	ssyncadd.s32 $0xFFFFF000  }
0x16: {  	[tilespmem:s14], [sflag:$0x1] =	stream.linear.gather [hbm4b:s6+s2], $0x1000, $0x38;
	[tilespmem:$0xD280] =	vst v63  }
0x17: {  	_ =	swait.ge [sflag:s4], $0x1000  }
0x18: {  	[sflag:s4] =	ssyncset.done $0x0  }
0x19: {  	[sflag:s4] =	ssyncadd.s32 $0xFFFFF000  }
0x1a: {  	[tilespmem:s15], [sflag:$0x1] =	stream.linear.gather [hbm4b:s7+s2], $0x1000, $0x38;
	[tilespmem:$0xD280] =	vst v63  }
0x1b: {  	_ =	swait.ge [sflag:s4], $0x1000  }
0x1c: {  	[sflag:s4] =	ssyncset.done $0x0  }
0x1d: {  	[sflag:s4] =	ssyncadd.s32 $0xFFFFF000  }
0x1e: {  	[tilespmem:s16], [sflag:$0x1] =	stream.linear.gather [hbm4b:s8+s2], $0x1A0, $0x38;
	[tilespmem:$0xD280] =	vst v63  }
0x1f: {  	_ =	swait.ge [sflag:s4], $0x1A0  }
0x20: {  	[sflag:s4] =	ssyncset.done $0x0  }
0x21: {  	[sflag:s4] =	ssyncadd.s32 $0xFFFFFE60  }
0x22: {  	[tilespmem:s17], [sflag:$0x1] =	stream.linear.gather [hbm4b:s9+s2], $0x1A0, $0x38;
	[tilespmem:$0xD280] =	vst v63  }
0x23: {  	_ =	swait.ge [sflag:s4], $0x1A0  }
0x24: {  	[sflag:s4] =	ssyncset.done $0x0  }
0x25: {  	[sflag:s4] =	ssyncadd.s32 $0xFFFFFE60  }
0x26: {  	[tilespmem:s18], [sflag:$0x1] =	stream.linear.gather [hbm4b:s10+s2], $0x1A0, $0x38;
	[tilespmem:$0xD280] =	vst v63  }
0x27: {  	_ =	swait.ge [sflag:s4], $0x1A0  }
0x28: {  	[sflag:s4] =	ssyncset.done $0x0  }
0x29: {  	[sflag:s4] =	ssyncadd.s32 $0xFFFFFE60  }
0x2a: {  	[tilespmem:s19], [sflag:$0x1] =	stream.linear.gather [hbm4b:s11+s2], $0x1A0, $0x38;
	[tilespmem:$0xD280] =	vst v63  }
0x2b: {  	_ =	swait.ge [sflag:s4], $0x1A0  }
0x2c: {  	[sflag:s4] =	ssyncset.done $0x0  }
0x2d: {  	s22 =	simm.s32 $0x40;
	s23 =	simm.s32 $0x0;
	[sflag:s4] =	ssyncadd.s32 $0xFFFFFE60  }
.LBB2_2:
0x2e: {  	p0 =	sne.s32 s22, $0x26FC0;
	[tilespmem:s23+$0x3680] =	vst v0;
	s23 =	smov.u32 s22;
	s22 =	sadd.s32 $0x40, s22  }
.Ltmp0:
0x2f: {  	(pc) =	sbr.rel @p0 .LBB2_2-.Ltmp0, $2  }
0x30: {  	_ =	sdelay $0x2  }
0x31: {  	s23 =	sshra.s32 s23, $0x2  }
0x32: {  	[tilespmem:s23+$0x3680] =	vst v0;
	s22 =	simm.s32 $0x0;
	s23 =	simm.s32 $0x0  }
.LBB2_4:
0x33: {  	s25 =	sshll.u32 s23, $0x2  }
0x34: {  	s24 =	sand.u32 $0x1F0, s25  }
0x35: {  	v3 =	vld [tilespmem:s24+$0x3000]  }
0x36: {  	v4 =	vld [tilespmem:s24+$0x31A0]  }
0x37: {  	s26 =	sand.u32 $0xC, s25;
	v5 =	vld [tilespmem:s24+$0x3340]  }
0x38: {  	v6 =	vmov s26;
	v7 =	vld [tilespmem:s24+$0x34E0]  }
0x39: {  	vm0 =	veq.s32 v6, v1  }
0x3a: {  	s24 =	sor.u32 $0x1, s25;
	v6 =	vnsel vm0, $0x0, v3  }
0x3b: {  	s1 =	sand.u32 $0xD, s24;
	(xrf2) =	vadd.scan.msk.f32 $0xffff, v6;
	v6 =	vnsel vm0, $0x0, v4  }
0x3c: {  	v8 =	vmov s1;
	(xrf2) =	vadd.scan.msk.f32 $0xffff, v6;
	v6 =	vnsel vm0, $0x0, v5  }
0x3d: {  	vm12 =	veq.s32 v8, v1;
	(xrf2) =	vadd.scan.msk.f32 $0xffff, v6;
	v6 =	vnsel vm0, $0x0, v7  }
0x3e: {  	s25 =	sor.u32 $0x2, s25;
	(xrf2) =	vadd.scan.msk.f32 $0xffff, v6;
	v6 =	vnsel vm12, $0x0, v3  }
0x3f: {  	s31 =	sand.u32 $0xE, s25;
	(xrf2) =	vadd.scan.msk.f32 $0xffff, v6;
	v6 =	vnsel vm12, $0x0, v4  }
0x40: {  	v8 =	vmov s31;
	(xrf2) =	vadd.scan.msk.f32 $0xffff, v6;
	v6 =	vnsel vm12, $0x0, v5  }
0x41: {  	vm13 =	veq.s32 v8, v1;
	(xrf2) =	vadd.scan.msk.f32 $0xffff, v6;
	v6 =	vnsel vm12, $0x0, v7  }
0x42: {  	s1 =	sshllo.u32 s23, $0x2;
	(xrf2) =	vadd.scan.msk.f32 $0xffff, v6;
	v6 =	vnsel vm13, $0x0, v3  }
0x43: {  	s28 =	sand.u32 $0xF, s1;
	(xrf2) =	vadd.scan.msk.f32 $0xffff, v6;
	v6 =	vnsel vm13, $0x0, v4  }
0x44: {  	v8 =	vmov s28;
	(xrf2) =	vadd.scan.msk.f32 $0xffff, v6;
	v6 =	vnsel vm13, $0x0, v5  }
0x45: {  	v9, _, _ =	vpop (xrf2);
	(xrf2) =	vadd.scan.msk.f32 $0xffff, v6;
	v6 =	vnsel vm13, $0x0, v7  }
0x46: {  	vm14 =	veq.s32 v8, v1  }
0x47: {  	v3 =	vnsel vm14, $0x0, v3;
	v8, _, _ =	vpop (xrf2);
	(xrf2) =	vadd.scan.msk.f32 $0xffff, v6  }
0x48: {  	v6, _, _ =	vpop (xrf2);
	(xrf2) =	vadd.scan.msk.f32 $0xffff, v3;
	v3 =	vnsel vm14, $0x0, v4  }
0x49: {  	v4, _, _ =	vpop (xrf2);
	(xrf2) =	vadd.scan.msk.f32 $0xffff, v3;
	v3 =	vnsel vm14, $0x0, v5  }
0x4a: {  	v10, _, _ =	vpop (xrf2);
	(xrf2) =	vadd.scan.msk.f32 $0xffff, v3  }
0x4b: {  	s28 =	simm.s32 $0x0;
	v5 =	vadd.f32 $0.0e+00, v8;
	v6 =	vadd.f32 $0.0e+00, v6;
	v3 =	vnsel vm14, $0x0, v7;
	v11, _, _ =	vpop (xrf2)  }
0x4c: {  	v22 =	vld [tilespmem:s28+$0x1000];
	v8 =	vadd.f32 $0.0e+00, v4;
	(xrf2) =	vadd.scan.msk.f32 $0xffff, v3;
	v3 =	vadd.f32 $0.0e+00, v9;
	v12, _, _ =	vpop (xrf2)  }
0x4d: {  	v23 =	vld [tilespmem:s28+$0x2000];
	v9 =	vadd.f32 $0.0e+00, v10;
	v7 =	vbroadcast v6, $0xF;
	v6 =	vadd.f32 $0.0e+00, v11;
	v13, _, _ =	vpop (xrf2)  }
0x4e: {  	v4 =	vbroadcast v3, $0xF;
	v3 =	vbroadcast v8, $0xF;
	v11 =	vadd.f32 $0.0e+00, v12;
	v14, _, _ =	vpop (xrf2)  }
0x4f: {  	v8 =	vbroadcast v9, $0xF;
	v12 =	vadd.f32 $0.0e+00, v13;
	v9 =	vbroadcast v6, $0xF;
	v15, _, _ =	vpop (xrf2)  }
0x50: {  	v5 =	vbroadcast v5, $0xF;
	v13 =	vadd.f32 $0.0e+00, v14;
	v11 =	vbroadcast v11, $0xF;
	v10, _, _ =	vpop (xrf2)  }
0x51: {  	v14 =	vadd.f32 $0.0e+00, v15;
	v15 =	vld [tilespmem:s28+$0x0];
	v6 =	vbroadcast v12, $0xF;
	v29 =	vsub.f32 v22, v9;
	v16, _, _ =	vpop (xrf2)  }
0x52: {  	v10 =	vadd.f32 $0.0e+00, v10;
	v12 =	vbroadcast v13, $0xF;
	v28 =	vsub.f32 v23, v11;
	v17, _, _ =	vpop (xrf2)  }
0x53: {  	v13 =	vbroadcast v14, $0xF;
	v29 =	vmul.f32 v29, v29;
	v18, _, _ =	vpop (xrf2);
	v17 =	vadd.f32 $0.0e+00, v17  }
0x54: {  	v14 =	vbroadcast v10, $0xF;
	v10 =	vadd.f32 $0.0e+00, v16;
	v20, _, _ =	vpop (xrf2);
	v16 =	vadd.f32 $0.0e+00, v18  }
0x55: {  	v27 =	vsub.f32 v22, v13;
	v19 =	vbroadcast v17, $0xF;
	v17 =	vadd.f32 $0.0e+00, v20  }
0x56: {  	v28 =	vmul.f32 v28, v28;
	v18, _, _ =	vpop (xrf2);
	v24 =	vsub.f32 v15, v4;
	v25 =	vsub.f32 v15, v8  }
0x57: {  	v10 =	vbroadcast v10, $0xF;
	v30 =	vsub.f32 v23, v14;
	v18 =	vadd.f32 $0.0e+00, v18  }
0x58: {  	v20 =	vbroadcast v16, $0xF;
	v16 =	vsub.f32 v22, v5;
	v27 =	vmul.f32 v27, v27  }
0x59: {  	v26 =	vsub.f32 v15, v19;
	v21 =	vbroadcast v17, $0xF;
	v17 =	vsub.f32 v23, v7  }
0x5a: {  	v15 =	vsub.f32 v15, v12;
	v24 =	vmul.f32 v24, v24;
	v16 =	vmul.f32 v16, v16  }
0x5b: {  	v25 =	vmul.f32 v25, v25;
	v22 =	vsub.f32 v22, v20;
	v17 =	vmul.f32 v17, v17  }
0x5c: {  	v23 =	vsub.f32 v23, v21;
	v15 =	vmul.f32 v15, v15;
	v16 =	vadd.f32 v16, v24  }
0x5d: {  	s28 =	smul.u32 $0x600, s23;
	v24 =	vadd.f32 v29, v25;
	v25 =	vmul.f32 v26, v26;
	v22 =	vmul.f32 v22, v22  }
0x5e: {  	s24 =	smul.u32 $0x180, s24;
	v26 =	vmul.f32 v30, v30;
	v15 =	vadd.f32 v27, v15;
	v16 =	vadd.f32 v17, v16  }
0x5f: {  	s25 =	smul.u32 $0x180, s25;
	s28 =	sshra.s32 s28, $0x2;
	v23 =	vmul.f32 v23, v23;
	v17 =	vadd.f32 v28, v24;
	v24 =	vadd.f32 v22, v25  }
0x60: {  	s24 =	sshra.s32 s24, $0x2;
	s26 =	smul.u32 $0x180, s1;
	s28 =	sadd.s32 $0x3680, s28;
	v22 =	vbroadcast v18, $0xF;
	vm15 =	vle.f32 v16, v3;
	v16 =	vadd.f32 v26, v15  }
0x61: {  	s25 =	sshra.s32 s25, $0x2;
	s24 =	sadd.s32 $0x3680, s24;
	v15 =	vmov s28;
	vm1 =	vle.f32 v17, v6;
	v17 =	vadd.f32 v23, v24  }
0x62: {  	s25 =	sadd.s32 $0x3680, s25;
	s26 =	sshra.s32 s26, $0x2;
	v18 =	vmov s24;
	vm2 =	vle.f32 v16, v10  }
0x63: {  	s26 =	sadd.s32 $0x3680, s26;
	v23 =	vsel vm15, $0x1, v2;
	v16 =	vmov s25;
	vm3 =	vle.f32 v17, v22  }
0x64: {  	v24 =	vsel vm1, $0x1, v2;
	v17 =	vmov s26;
	(xrf0) =	vadd.scan.msk.s32 $0xffff, v23  }
0x65: {  	v23 =	vsel vm2, $0x1, v2;
	(xrf0) =	vadd.scan.msk.s32 $0xffff, v24;
	v24 =	vor.u32 s3, v1  }
0x66: {  	v25 =	vsel vm3, $0x1, v2;
	(xrf0) =	vadd.scan.msk.s32 $0xffff, v23;
	[tilespmem:v15+s22+$0x0 ss:$0x1] =	vst.idx.msk vm15, v24  }
0x67: {  	(xrf0) =	vadd.scan.msk.s32 $0xffff, v25;
	[tilespmem:v18+s22+$0x0 ss:$0x1] =	vst.idx.msk vm1, v24  }
0x68: {  	[tilespmem:v16+s22+$0x0 ss:$0x1] =	vst.idx.msk vm2, v24  }
0x69: {  	s31 =	simm.s32 $0x10;
	[tilespmem:v17+s22+$0x0 ss:$0x1] =	vst.idx.msk vm3, v24  }
0x6a: {  	v23, _, _ =	vpop (xrf0);
	v25 =	vld [tilespmem:s31+$0x0]  }
0x6b: {  	(v2sf) =	vpush v23, $0xF;
	v23, _, _ =	vpop (xrf0);
	v28 =	vld [tilespmem:s31+$0x1000]  }
0x6c: {  	(v2sf) =	vpush v23, $0xF;
	v23, _, _ =	vpop (xrf0);
	v35 =	vld [tilespmem:s31+$0x2000]  }
0x6d: {  	(v2sf) =	vpush v23, $0xF;
	v23, _, _ =	vpop (xrf0)  }
0x6e: {  	(v2sf) =	vpush v23, $0xF  }
0x6f: {  	v27 =	vsub.f32 v25, v4  }
0x70: {  	v24 =	vsub.f32 v25, v8;
	v26 =	vsub.f32 v28, v5  }
0x71: {  	v23 =	vsub.f32 v25, v19;
	v31 =	vsub.f32 v35, v7  }
0x72: {  	v32 =	vsub.f32 v28, v13;
	v36 =	vsub.f32 v35, v11  }
0x73: {  	v29 =	vsub.f32 v25, v12;
	v33 =	vsub.f32 v28, v9;
	v24 =	vmul.f32 v24, v24  }
0x74: {  	v30 =	vsub.f32 v35, v14;
	v26 =	vmul.f32 v26, v26;
	v25 =	vmul.f32 v32, v32  }
0x75: {  	s30 =	simm.s32 $0x80;
	s29 =	simm.s32 $0x0;
	s24 =	simm.s32 $0x0;
	v34 =	vmul.f32 v27, v27;
	v27 =	vmul.f32 v31, v31;
	v32 =	vsub.f32 v28, v20  }
0x76: {  	s28 =	simm.s32 $0x0;
	s26 =	simm.s32 $0x0;
	s25 =	smov.u32 s3;
	v33 =	vmul.f32 v33, v33;
	v31 =	vmul.f32 v36, v36;
	v28 =	vsub.f32 v35, v21  }
.LBB2_5:
0x77: {  	p0 =	sne.s32 s30, $0x3FC0  }
0x78: {  	v26 =	vadd.f32 v26, v34;
	v29 =	vmul.f32 v29, v29;
	v30 =	vmul.f32 v30, v30;
	s25 =	sadd.s32 $0x10, s25;
	s31 =	smov.u32 s30;
	s30 =	sadd.s32 $0x40, s30  }
0x79: {  	v23 =	vmul.f32 v23, v23;
	v32 =	vmul.f32 v32, v32;
	v24 =	vadd.f32 v33, v24  }
0x7a: {  	v26 =	vadd.f32 v27, v26;
	v25 =	vadd.f32 v25, v29;
	s1 =	spop (v2sf)  }
0x7b: {  	v23 =	vadd.f32 v32, v23;
	v27 =	vmul.f32 v28, v28;
	v24 =	vadd.f32 v31, v24;
	s26 =	sadd.s32 s26, s1;
	s1 =	spop (v2sf)  }
0x7c: {  	vm0 =	vle.f32 v26, v3;
	v25 =	vadd.f32 v30, v25;
	p1 =	slt.s32 s26, $0x50;
	s28 =	sadd.s32 s28, s1;
	s1 =	spop (v2sf)  }
0x7d: {  	v23 =	vadd.f32 v27, v23;
	v26 =	vsel vm0, $0x1, v2;
	vm1 =	vle.f32 v24, v6;
	p2 =	slt.s32 s28, $0x50;
	s29 =	sadd.s32 s29, s1;
	s1 =	spop (v2sf)  }
0x7e: {  	v24 =	vsel vm1, $0x1, v2;
	vm2 =	vle.f32 v25, v10;
	(xrf0) =	vadd.scan.msk.s32 $0xffff, v26;
	s28 =	simm.s32 @!p2 $0x50;
	p2 =	slt.s32 s29, $0x50;
	s24 =	sadd.s32 s24, s1  }
0x7f: {  	s26 =	simm.s32 @!p1 $0x50;
	vm3 =	vle.f32 v23, v22;
	v25 =	vsel vm2, $0x1, v2;
	(xrf0) =	vadd.scan.msk.s32 $0xffff, v24;
	s29 =	simm.s32 @!p2 $0x50;
	p1 =	slt.s32 s24, $0x50  }
0x80: {  	v23 =	vsel vm3, $0x1, v2;
	(xrf0) =	vadd.scan.msk.s32 $0xffff, v25;
	s24 =	simm.s32 @!p1 $0x50  }
0x81: {  	v24 =	vor.u32 s25, v1;
	(xrf0) =	vadd.scan.msk.s32 $0xffff, v23  }
0x82: {  	[tilespmem:v15+s26+$0x0 ss:$0x1] =	vst.idx.msk vm0, v24  }
0x83: {  	s1 =	sshra.s32 s31, $0x2;
	[tilespmem:v18+s28+$0x0 ss:$0x1] =	vst.idx.msk vm1, v24  }
0x84: {  	[tilespmem:v16+s29+$0x0 ss:$0x1] =	vst.idx.msk vm2, v24;
	v23, _, _ =	vpop (xrf0)  }
0x85: {  	[tilespmem:v17+s24+$0x0 ss:$0x1] =	vst.idx.msk vm3, v24;
	(v2sf) =	vpush v23, $0xF;
	v23, _, _ =	vpop (xrf0)  }
0x86: {  	v25 =	vld [tilespmem:s1+$0x0];
	(v2sf) =	vpush v23, $0xF;
	v23, _, _ =	vpop (xrf0)  }
0x87: {  	v28 =	vld [tilespmem:s1+$0x1000];
	(v2sf) =	vpush v23, $0xF;
	v23, _, _ =	vpop (xrf0)  }
0x88: {  	v35 =	vld [tilespmem:s1+$0x2000];
	(v2sf) =	vpush v23, $0xF;
	_ =	sdelay $0x2  }
0x89: {  	v27 =	vsub.f32 v25, v4;
	v24 =	vsub.f32 v25, v8  }
0x8a: {  	v23 =	vsub.f32 v25, v19;
	v26 =	vsub.f32 v28, v5  }
.Ltmp1:
0x8b: {  	v32 =	vsub.f32 v28, v13;
	v31 =	vsub.f32 v35, v7;
	v24 =	vmul.f32 v24, v24;
	(pc) =	sbr.rel @p0 .LBB2_5-.Ltmp1, $4  }
0x8c: {  	v29 =	vsub.f32 v25, v12;
	v36 =	vsub.f32 v35, v11;
	v26 =	vmul.f32 v26, v26  }
0x8d: {  	v33 =	vsub.f32 v28, v9;
	v30 =	vsub.f32 v35, v14;
	v25 =	vmul.f32 v32, v32  }
0x8e: {  	v34 =	vmul.f32 v27, v27;
	v32 =	vsub.f32 v28, v20;
	v27 =	vmul.f32 v31, v31  }
0x8f: {  	v33 =	vmul.f32 v33, v33;
	v28 =	vsub.f32 v35, v21;
	v31 =	vmul.f32 v36, v36  }
0x90: {  	v4 =	vadd.f32 v26, v34;
	v5 =	vmul.f32 v29, v29  }
0x91: {  	v8 =	vmul.f32 v23, v23;
	v9 =	vmul.f32 v32, v32;
	v7 =	vadd.f32 v33, v24  }
0x92: {  	v11 =	vmul.f32 v30, v30;
	v4 =	vadd.f32 v27, v4;
	v5 =	vadd.f32 v25, v5  }
0x93: {  	v61 =	vmul.f32 v28, v28;
	v8 =	vadd.f32 v9, v8;
	v7 =	vadd.f32 v31, v7  }
0x94: {  	vm2 =	vle.f32 v4, v3;
	v3 =	vadd.f32 v11, v5  }
0x95: {  	v62 =	vadd.f32 v61, v8;
	v4 =	vsel vm2, $0x1, v2;
	vm3 =	vle.f32 v7, v6  }
0x96: {  	v6 =	vsel vm3, $0x1, v2;
	vm0 =	vle.f32 v3, v10;
	(xrf0) =	vadd.scan.msk.s32 $0xffff, v4  }
0x97: {  	vm1 =	vle.f32 v62, v22;
	v3 =	vsel vm0, $0x1, v2;
	(xrf0) =	vadd.scan.msk.s32 $0xffff, v6  }
0x98: {  	v63 =	vsel vm1, $0x1, v2;
	(xrf0) =	vadd.scan.msk.s32 $0xffff, v3  }
0x99: {  	(xrf0) =	vadd.scan.msk.s32 $0xffff, v63;
	_ =	sdelay $0x2  }
0x9a: {  	v3, _, _ =	vpop (xrf0)  }
0x9b: {  	(v2sf) =	vpush v3, $0xF;
	v3, _, _ =	vpop (xrf0)  }
0x9c: {  	(v2sf) =	vpush v3, $0xF;
	v3, _, _ =	vpop (xrf0)  }
0x9d: {  	(v2sf) =	vpush v3, $0xF;
	v3, _, _ =	vpop (xrf0)  }
0x9e: {  	(v2sf) =	vpush v3, $0xF;
	_ =	sdelay $0x3  }
0x9f: {  	s1 =	spop (v2sf)  }
0xa0: {  	s30 =	spop (v2sf)  }
0xa1: {  	s31 =	spop (v2sf)  }
0xa2: {  	s1 =	sadd.s32 s26, s1;
	s26 =	sadd.s32 s29, s31;
	s31 =	spop (v2sf)  }
0xa3: {  	s25 =	sadd.s32 $0x10, s25;
	p0 =	slt.s32 s1, $0x50;
	s24 =	sadd.s32 s24, s31  }
0xa4: {  	s23 =	sadd.s32 $0x1, s23;
	s1 =	simm.s32 @!p0 $0x50;
	p0 =	slt.s32 s24, $0x50  }
0xa5: {  	s28 =	sadd.s32 s28, s30;
	s24 =	simm.s32 @!p0 $0x50;
	p0 =	sne.s32 s23, $0x68  }
.Ltmp2:
0xa6: {  	p1 =	slt.s32 s28, $0x50;
	v3 =	vor.u32 s25, v1;
	(pc) =	sbr.rel @p0 .LBB2_4-.Ltmp2, $4  }
0xa7: {  	s28 =	simm.s32 @!p1 $0x50;
	p1 =	slt.s32 s26, $0x50;
	[tilespmem:v15+s1+$0x0 ss:$0x1] =	vst.idx.msk vm2, v3;
	s25 =	spop (v2sf)  }
0xa8: {  	s26 =	simm.s32 @!p1 $0x50;
	[tilespmem:v18+s28+$0x0 ss:$0x1] =	vst.idx.msk vm3, v3;
	s29 =	spop (v2sf)  }
0xa9: {  	[tilespmem:v16+s26+$0x0 ss:$0x1] =	vst.idx.msk vm0, v3;
	s30 =	spop (v2sf)  }
0xaa: {  	[tilespmem:v17+s24+$0x0 ss:$0x1] =	vst.idx.msk vm1, v3;
	s31 =	spop (v2sf)  }
0xab: {  	s21 =	sadd.s32 $0x1, s21  }
0xac: {  	p0 =	sne.s32 s21, s13  }
.Ltmp3:
0xad: {  	_ = 	snop;
	(pc) =	sbr.rel @p0 .LBB2_1-.Ltmp3, $4  }
0xae: {  	[hbm4b:s12+s2] =	stream.linear.scatter [tilespmem:s20], [sflag:$0x1], $0x9C00, $0x38;
	[tilespmem:$0xD280] =	vst v63  }
0xaf: {  	_ =	swait.ge [sflag:s4], $0x9C00  }
0xb0: {  	[sflag:s4] =	ssyncset.done $0x0  }
0xb1: {  	[sflag:s4] =	ssyncadd.s32 $0xFFFF6400  }
0xb2: {  	_ =	sfence.sel $0x180000  }
0xb3: {  	[bflag:$0x0] =	sbarrier.arrive $0xFFFF  }
0xb4: {  	_ =	strace $0x90000047  }
0xb5: {  	[bflag:$0x2] =	sbarrier.arrive $0xFFFF  }
0xb6: {  	p0 =	sne.s32 s0, $0x0;
	s0 =	rddreg [dreg:$0x1]  }
0xb7: {  	s0 =	sadd.s32 @!p0 $0x100000, s0  }
0xb8: {  	[sflag:s0] =	ssyncadd.tile.s32 @!p0 $0x1;
	_ =	shalt  }
.Lfunc_end2:
_tile_overlayer_lowered:
.L_overlay_start_2:
0xb9: {  	(tag) =	ssettag $0x2  }
0xba: {  	s0 =	rddreg [dreg:$0x0];
	s2 =	stileid.u32  }
0xbb: {  	s1 =	rddreg [dreg:$0x1];
	p0 =	sne.s32 s2, $0x0  }
0xbc: {  	s3 =	rddreg [dreg:$0x2];
	[bflag:$0x3] =	sbarrier.arrive $0xFFFF;
	s2 =	simm.s32 @!p0 $0x1C01  }
0xbd: {  	[timem:s3], [sflag:s2] =	dma.local @!p0 [hbm:s0], s1  }
0xbe: {  	s0 =	simm.s32 @!p0 $0x1  }
0xbf: {  	_ =	swait.ge @!p0 [sflag:s0], s1  }
0xc0: {  	s1 =	ssub.s32 @!p0 $0x0, s1;
	[sflag:s0] =	ssyncset.done @!p0 $0x0  }
0xc1: {  	[sflag:s0] =	ssyncadd.s32 @!p0 s1  }
0xc2: {  	[bflag:$0x3] =	sbarrier.arrive $0xFFFF  }
0xc3: {  	_ =	shalt  }

// kernel: kernel.18.cloned.1.call-start
scs
__scs_entry_jumppad:
0x0: {  	(pc) =	sbr.rel $0x88, $3  }
0x1: {  	(tag) =	ssettag $0x0;
	lr =	simm.s32 $0x1  }
0x2: {  	[smem:$0x3F77] =	sst lr;
	_ =	strace $0xD0000000  }
0x3: {  	_ = 	snop  }
0x4: {  	_ = 	snop  }
0x5: {  	_ = 	snop  }
0x6: {  	_ = 	snop  }
0x7: {  	_ = 	snop  }
__scs_overlays_trampoline_lowered:
0x8: {  	[smem:$0x3F86] =	sst s0  }
0x9: {  	[smem:$0x3F87] =	sst s1  }
0xa: {  	[smem:$0x3F88] =	sst s2  }
0xb: {  	[smem:$0x3F89] =	sst s3  }
0xc: {  	[smem:$0x3F8A] =	sst s4  }
0xd: {  	[smem:$0x3F8B] =	sst s5  }
0xe: {  	[smem:$0x3F8C] =	sst s6  }
0xf: {  	[smem:$0x3F8D] =	sst s7  }
0x10: {  	[smem:$0x3F8E] =	sst s8  }
0x11: {  	[smem:$0x3F8F] =	sst s9;
	s0 =	simm.s32 @!p0 $0x0  }
0x12: {  	s1 =	sld [smem:$0x3F75];
	s0 =	simm.s32 @p0 $0x1  }
0x13: {  	[smem:$0x3F90] =	sst s0;
	s0 =	simm.s32 @!p1 $0x0  }
0x14: {  	s2 =	sld [smem:$0x3F74];
	s0 =	simm.s32 @p1 $0x1  }
0x15: {  	[smem:$0x3F91] =	sst s0;
	s0 =	simm.s32 @!p2 $0x0  }
0x16: {  	s3 =	sld [smem:$0x3FDB];
	s0 =	simm.s32 @p2 $0x1  }
0x17: {  	s4 =	simm.s32 $0x1BF5;
	[smem:$0x3F93] =	sst s0  }
0x18: {  	s0 =	sld [smem:$0x3F76];
	_ =	swait.ge [sflag:s4], $0x0  }
0x19: {  	s7 =	sld [smem:$0x3F77]  }
0x1a: {  	s8 =	sadd.s32 $0xFFFFE003, lr  }
0x1b: {  	s9 =	sadd.s32 $0xFFFFFEF7, lr;
	s5 =	simm.s32 $0xFFFFFFFF;
	p2 =	slt.u32 s8, $0xFFFFF086  }
0x1c: {  	p1 =	slt.u32 s9, $0xF7A;
	s5 =	simm.s32 @!p2 $0x0  }
0x1d: {  	s5 =	simm.s32 @p1 $0x1;
	p0 =	seq.s32 s7, s2  }
0x1e: {  	s7 =	smul.u32 @!p0 $0xF7A, s2;
	p2 =	seq.s32 @!p0 s5, $0x0  }
0x1f: {  	s9 =	smul.u32 $0xF7A, s1;
	s8 =	simm.s32 @!p0 $0x1BF5;
	p2 =	por !p2, p0  }
0x20: {  	[sflag:s8] =	ssyncset.s32 @!p0 $0xFFFFF086;
	s6 =	sadd.s32 @!p0 s3, s7;
	s7 =	simm.s32 @!p0 $0x108  }
0x21: {  	s3 =	sadd.s32 s3, s9;
	s6 =	sadd.s32 @!p0 $0x88, s6;
	s7 =	simm.s32 @p2 $0x1082  }
0x22: {  	[simem:s7], [sflag:s8] =	dma.local @!p0 [hbm:s6], $0xF7A  }
0x23: {  	s9 =	sor.u32 $0xD0000000, s2;
	s6 =	simm.s32 $0x108;
	_ =	swait.ge @!p0 [sflag:s8], $0x0  }
0x24: {  	s3 =	sadd.s32 $0x88, s3;
	s6 =	simm.s32 @!p1 $0x1082;
	[sflag:s4] =	ssyncset.s32 $0xFFFFF086  }
0x25: {  	[simem:s6], [sflag:s4] =	dma.local [hbm:s3], $0xF7A  }
0x26: {  	[smem:$0x3F77] =	sst s1;
	(tag) =	ssettag s2;
	_ =	strace s9  }
0x27: {  	s1 =	sld [smem:$0x3F87]  }
0x28: {  	s2 =	sld [smem:$0x3F88]  }
0x29: {  	s4 =	sld [smem:$0x3F8A]  }
0x2a: {  	p0 =	seq.s32 s5, $0x0;
	s5 =	sld [smem:$0x3F8B]  }
0x2b: {  	s6 =	sld [smem:$0x3F8C]  }
0x2c: {  	s7 =	sld [smem:$0x3F8D]  }
0x2d: {  	s3 =	simm.s32 $0x108;
	s8 =	sld [smem:$0x3F8E]  }
0x2e: {  	s3 =	simm.s32 @!p0 $0x1082;
	s9 =	sld [smem:$0x3F8F]  }
0x2f: {  	lr =	sadd.s32 s0, s3;
	s0 =	sld [smem:$0x3F86]  }
0x30: {  	s3 =	sld [smem:$0x3F89]  }
0x31: {  	[smem:$0x3F92] =	sst s10  }
0x32: {  	s10 =	sld [smem:$0x3F90];
	_ =	sdelay $0x3  }
0x33: {  	p0 =	seq.s32 s10, $0x1;
	s10 =	sld [smem:$0x3F92];
	_ =	sdelay $0x3  }
0x34: {  	[smem:$0x3F92] =	sst s10  }
0x35: {  	s10 =	sld [smem:$0x3F91];
	_ =	sdelay $0x3  }
0x36: {  	p1 =	seq.s32 s10, $0x1;
	s10 =	sld [smem:$0x3F92];
	_ =	sdelay $0x3  }
0x37: {  	[smem:$0x3F92] =	sst s10  }
0x38: {  	s10 =	sld [smem:$0x3F93]  }
0x39: {  	_ = 	snop;
	(pc) =	sbr.ind lr, $3  }
0x3a: {  	_ = 	snop  }
0x3b: {  	_ = 	snop  }
0x3c: {  	p2 =	seq.s32 s10, $0x1;
	s10 =	sld [smem:$0x3F92]  }
0x3d: {  	_ =	shalt  }
0x3e: {  	_ =	shalt  }
0x3f: {  	_ =	shalt  }
0x40: {  	_ =	shalt  }
0x41: {  	_ =	shalt  }
0x42: {  	_ =	shalt  }
0x43: {  	_ =	shalt  }
0x44: {  	_ =	shalt  }
0x45: {  	_ =	shalt  }
0x46: {  	_ =	shalt  }
0x47: {  	_ =	shalt  }
0x48: {  	_ =	shalt  }
0x49: {  	_ =	shalt  }
0x4a: {  	_ =	shalt  }
0x4b: {  	_ =	shalt  }
0x4c: {  	_ =	shalt  }
0x4d: {  	_ =	shalt  }
0x4e: {  	_ =	shalt  }
0x4f: {  	_ =	shalt  }
0x50: {  	_ =	shalt  }
0x51: {  	_ =	shalt  }
0x52: {  	_ =	shalt  }
0x53: {  	_ =	shalt  }
0x54: {  	_ =	shalt  }
0x55: {  	_ =	shalt  }
0x56: {  	_ =	shalt  }
0x57: {  	_ =	shalt  }
0x58: {  	_ =	shalt  }
0x59: {  	_ =	shalt  }
0x5a: {  	_ =	shalt  }
0x5b: {  	_ =	shalt  }
0x5c: {  	_ =	shalt  }
0x5d: {  	_ =	shalt  }
0x5e: {  	_ =	shalt  }
0x5f: {  	_ =	shalt  }
0x60: {  	_ =	shalt  }
0x61: {  	_ =	shalt  }
0x62: {  	_ =	shalt  }
0x63: {  	_ =	shalt  }
0x64: {  	_ =	shalt  }
0x65: {  	_ =	shalt  }
0x66: {  	_ =	shalt  }
0x67: {  	_ =	shalt  }
0x68: {  	_ =	shalt  }
0x69: {  	_ =	shalt  }
0x6a: {  	_ =	shalt  }
0x6b: {  	_ =	shalt  }
0x6c: {  	_ =	shalt  }
0x6d: {  	_ =	shalt  }
0x6e: {  	_ =	shalt  }
0x6f: {  	_ =	shalt  }
0x70: {  	_ =	shalt  }
0x71: {  	_ =	shalt  }
0x72: {  	_ =	shalt  }
0x73: {  	_ =	shalt  }
0x74: {  	_ =	shalt  }
0x75: {  	_ =	shalt  }
0x76: {  	_ =	shalt  }
0x77: {  	_ =	shalt  }
0x78: {  	_ =	shalt  }
0x79: {  	_ =	shalt  }
0x7a: {  	_ =	shalt  }
0x7b: {  	_ =	shalt  }
0x7c: {  	_ =	shalt  }
0x7d: {  	_ =	shalt  }
0x7e: {  	_ =	shalt  }
0x7f: {  	_ =	shalt  }
0x80: {  	_ =	shalt  }
0x81: {  	_ =	shalt  }
0x82: {  	_ =	shalt  }
0x83: {  	_ =	shalt  }
0x84: {  	_ =	shalt  }
0x85: {  	_ =	shalt  }
0x86: {  	_ =	shalt  }
0x87: {  	_ =	shalt  }
.Lfunc_end0:
.L_simem_size_0:
called_computation.1_lowered:
.L_overlay_start_0:
0x88: {  	s2 =	sld [smem:$0x3FD9]  }
0x89: {  	s3 =	sld [smem:$0x3FFE];
	_ =	sdelay $0x1  }
0x8a: {  	s1 =	srdreg.scid  }
0x8b: {  	s0 =	sand.u32 $0x1, s1  }
0x8c: {  	s17 =	sshll.u32 s0, $0xA;
	s2 =	sadd.s32 s3, s2  }
0x8d: {  	s2 =	sadd.s32 s2, s17  }
0x8e: {  	[smem:$0x3F9E] =	sst s2  }
0x8f: {  	_ = 	snop  }
0x90: {  	(tm) =	ssettm $0x1  }
0x91: {  	s18 =	sld [smem:$0x3FFB];
	_ =	sdelay $0x3  }
0x92: {  	_ =	strace s18  }
0x93: {  	s2 =	sld [smem:$0x3FFC];
	_ =	sdelay $0x3  }
0x94: {  	_ =	strace s2  }
0x95: {  	s2 =	sld [smem:$0x3FFD];
	_ =	sdelay $0x3  }
0x96: {  	_ =	strace s2  }
0x97: {  	_ =	strace $0x8FFFFFFF  }
0x98: {  	s19 =	sld [smem:$0x3FDB];
	_ =	sdelay $0x1  }
0x99: {  	s20 =	simm.s32 $_scs_section_size  }
0x9a: {  	s4 =	simm.s32 $_size__tile_overlayer_lowered;
	s5 =	simm.s32 $_tile_overlayer_lowered  }
0x9b: {  	s6 =	simm.s32 $0x1BFF;
	s21 =	sshll.u32 s5, $0x1;
	s3 =	sadd.s32 s20, s19  }
0x9c: {  	s22 =	simm.s32 $0x0;
	s4 =	sshll.u32 s4, $0x1;
	s5 =	sadd.s32 s21, s3  }
0x9d: {  	[timem:s22], [sflag:s6] =	dma.local [hbm:s5], s4  }
0x9e: {  	_ =	swait.ge [sflag:s6], s4  }
0x9f: {  	s4 =	ssub.s32 $0x0, s4;
	[sflag:s6] =	ssyncset.done $0x0  }
0xa0: {  	[sflag:s6] =	ssyncadd.s32 s4;
	_ =	sdelay $0x1  }
0xa1: {  	s23 =	simm.s32 $0x1B8B  }
0xa2: {  	_ =	swait.ge [sflag:s23], $0x1  }
0xa3: {  	[sflag:s23] =	ssyncset.done $0x0  }
0xa4: {  	[sflag:s23] =	ssyncadd.s32 $0xFFFFFFFF  }
0xa5: {  	s4 =	sld [smem:$0x0]  }
0xa6: {  	s5 =	sand.u32 $0xFFFFFFFE, s1  }
0xa7: {  	p0 =	sne.s32 s1, s5  }
0xa8: {  	s5 =	sshll.u32 @p0 s5, $0xE  }
0xa9: {  	s5 =	sadd.s32 @p0 $0x11B8D, s5;
	s6 =	sshll.u32 @p0 s4, $0x11  }
0xaa: {  	s5 =	sor.u32 @p0 s6, s5  }
0xab: {  	[sflag:s5] =	ssyncadd.remote.s32 @p0 $0x1;
	_ =	sdelay $0x1  }
0xac: {  	s5 =	simm.s32 @p0 $0x1B8D  }
0xad: {  	_ =	swait.eq @p0 [sflag:s5], $0x1  }
0xae: {  	[sflag:s5] =	ssyncadd.s32 @p0 $0xFFFFFFFF  }
0xaf: {  	s6 =	sshll.u32 @!p0 s1, $0xE  }
0xb0: {  	s6 =	sor.u32 @!p0 $0x4000, s6;
	s5 =	simm.s32 @!p0 $0x1B8D  }
0xb1: {  	s4 =	sshll.u32 @!p0 s4, $0x11;
	s6 =	sadd.s32 @!p0 $0x11B8D, s6;
	_ =	swait.eq @!p0 [sflag:s5], $0x1  }
0xb2: {  	s4 =	sor.u32 @!p0 s4, s6;
	[sflag:s5] =	ssyncadd.s32 @!p0 $0xFFFFFFFF  }
0xb3: {  	s25 =	simm.s32 $0x1B8E;
	s24 =	sld [smem:$0x3FFE];
	[sflag:s4] =	ssyncadd.remote.s32 @!p0 $0x1  }
0xb4: {  	s26 =	simm.s32 $execute0_lowered;
	[smem:$0x3FD2] =	sst s25  }
0xb5: {  	s5 =	sshll.u32 s26, $0x1;
	_ =	strace $0x8000004C;
	[dreg:$0x1] =	wrdreg $0xFFFFFFFF  }
0xb6: {  	s28 =	simm.s32 $_size_execute0_lowered;
	s3 =	sadd.s32 s3, s5;
	[dreg:$0x0] =	wrdreg $0x0  }
0xb7: {  	s5 =	sshll.u32 s28, $0x1;
	[dreg:$0x2] =	wrdreg s3  }
0xb8: {  	[dreg:$0x3] =	wrdreg s5  }
0xb9: {  	[dreg:$0x4] =	wrdreg $0xC0  }
0xba: {  	_ =	task [dreg:s22], $0x5FFFF  }
0xbb: {  	[dreg:$0x1] =	wrdreg $0xFFFFFFFF  }
0xbc: {  	[dreg:$0x0] =	wrdreg $0x60  }
0xbd: {  	[dreg:$0x2] =	wrdreg s24  }
0xbe: {  	[dreg:$0x3] =	wrdreg $0xA  }
0xbf: {  	_ =	task.clear_ibuf [dreg:s22], $0x4FFFF;
	_ =	strace $0x9000004C  }
0xc0: {  	s29 =	simm.s32 $0xA;
	_ =	strace $0x8000004E  }
0xc1: {  	_ =	swait.ge [sflag:s29], $0x1  }
0xc2: {  	[sflag:s29] =	ssyncadd.s32 $0xFFFFFFFF  }
0xc3: {  	_ =	strace $0x9000004E  }
0xc4: {  	_ =	sfence  }
0xc5: {  	s30 =	sld [smem:$0x0];
	_ =	sdelay $0x2  }
0xc6: {  	s31 =	sshll.u32 s1, $0xD;
	s1 =	sshrl.u32 s1, $0x2  }
0xc7: {  	s4 =	sand.u32 $0x4000, s31;
	s1 =	sadd.s32 s1, s30  }
0xc8: {  	s0 =	sor.u32 s4, s0;
	s1 =	sshll.u32 s1, $0x11  }
0xc9: {  	s0 =	sor.u32 s1, s0  }
0xca: {  	s0 =	sadd.s32 $0x8F2B, s0  }
0xcb: {  	[sflag:s0] =	ssyncadd.remote.s32 $0x1  }
0xcc: {  	_ =	sfence.sel $0xFFFF  }
0xcd: {  	[dreg:$0x0] =	wrdreg $0xFFFFFFFF;
	(pc) =	sbr.abs _section_cstart, $3  }
0xce: {  	[dreg:$0x1] =	wrdreg $0xFFFFFFFF  }
0xcf: {  	_ =	task.clear_ibuf [dreg:s22], $0x2FFFF;
	_ =	strace $0x9FFFFFFF  }
0xd0: {  	(tm) =	ssettm $0x7FFFFFFF  }
0xd1: {  	_ =	shalt  }
tec
execute0_lowered:
.L_overlay_start_1:
0x0: {  	(tag) =	ssettag $0x1  }
0x1: {  	s4 =	rddreg [dreg:$0x0]  }
0x2: {  	s0 =	rddreg [dreg:$0x1];
	s2 =	simm.s32 $0x0;
	s1 =	stileid.u32  }
0x3: {  	s3 =	srdreg.scid;
	s10 =	simm.s32 $0x0;
	s6 =	smul.u32 $0xD000, s1  }
0x4: {  	[smem:$0x7FF] =	sst s2;
	s5 =	sand.u32 $0x1, s3;
	s8 =	smul.u32 $0x1A000, s1  }
0x5: {  	s3 =	sadd.s32 $0x44E00, s4;
	s7 =	smul.u32 $0x6800, s5;
	s9 =	ssub.s32 $0x2, s5  }
0x6: {  	_ =	strace $0x8000004D;
	s5 =	smul.u32 $0xD000, s5;
	s31 =	sshrl.u32 s9, $0x1  }
0x7: {  	s8 =	sadd.s32 s8, s4;
	s6 =	sadd.s32 s7, s6;
	s7 =	ssub.s32 s9, s31  }
0x8: {  	s5 =	sadd.s32 s5, s8;
	s8 =	simm.s32 $0x800;
	s6 =	sshrl.u32 s6, $0x3  }
0x9: {  	s9 =	simm.s32 $0x1;
	s5 =	sadd.s32 $0x65E00, s5;
	s6 =	sadd.s32 s6, s4  }
0xa: {  	s4 =	smax.u32 s7, $0x1;
	s7 =	simm.s32 $0x2;
	s6 =	sadd.s32 $0x10200, s6  }
.LBB2_1:
0xb: {  	s11 =	sadd.s32 $0x0, s6  }
0xc: {  	[tilespmem:s2], [sflag:$0x2] =	stream.linear.gather [hbm4b:s11+s2], $0x800, $0x38;
	[tilespmem:$0x8800] =	vst v63  }
0xd: {  	_ =	swait.ge [sflag:s7], $0x800  }
0xe: {  	[sflag:s7] =	ssyncset.done $0x0  }
0xf: {  	[sflag:s7] =	ssyncadd.s32 $0xFFFFF800  }
0x10: {  	[tilespmem:s8], [sflag:$0x1] =	stream.indirect.gather [hbm4b:s3+s8], $0x10, s2, s8, $0xb8;
	[tilespmem:$0x8800] =	vst v63  }
0x11: {  	_ =	swait.ge [sflag:s9], $0x8000  }
0x12: {  	[sflag:s9] =	ssyncset.done $0x0  }
0x13: {  	[sflag:s9] =	ssyncadd.s32 $0xFFFF8000  }
0x14: {  	[hbm4b:s5+s2] =	stream.linear.scatter [tilespmem:s8], [sflag:$0x2], $0x8000, $0x38;
	[tilespmem:$0x8800] =	vst v63  }
0x15: {  	s12 =	simm.s32 $0x100;
	_ =	swait.ge [sflag:s7], $0x8000  }
0x16: {  	s13 =	simm.s32 $0x200;
	s11 =	sadd.s32 $0x1000, s5;
	[sflag:s7] =	ssyncset.done $0x0  }
.LBB2_2:
0x17: {  	s14 =	sadd.s32 s12, s6  }
0x18: {  	[sflag:s7] =	ssyncadd.s32 $0xFFFF8000;
	s12 =	smov.u32 s13;
	s15 =	sadd.s32 $0x100, s13  }
0x19: {  	[tilespmem:s2], [sflag:$0x2] =	stream.linear.gather [hbm4b:s14+s2], $0x800, $0x38;
	[tilespmem:$0x8800] =	vst v63  }
0x1a: {  	p0 =	sne.s32 s13, $0xC00;
	_ =	swait.ge [sflag:s7], $0x800  }
0x1b: {  	[sflag:s7] =	ssyncset.done $0x0  }
0x1c: {  	[sflag:s7] =	ssyncadd.s32 $0xFFFFF800  }
0x1d: {  	[tilespmem:s8], [sflag:$0x1] =	stream.indirect.gather [hbm4b:s3+s8], $0x10, s2, s8, $0xb8;
	[tilespmem:$0x8800] =	vst v63  }
0x1e: {  	_ =	swait.ge [sflag:s9], $0x8000  }
.Ltmp0:
0x1f: {  	[sflag:s9] =	ssyncset.done $0x0;
	(pc) =	sbr.rel @p0 .LBB2_2-.Ltmp0, $4  }
0x20: {  	[sflag:s9] =	ssyncadd.s32 $0xFFFF8000  }
0x21: {  	[hbm4b:s11+s2] =	stream.linear.scatter [tilespmem:s8], [sflag:$0x2], $0x8000, $0x38;
	[tilespmem:$0x8800] =	vst v63  }
0x22: {  	_ =	swait.ge [sflag:s7], $0x8000  }
0x23: {  	s13 =	smov.u32 s15;
	s11 =	sadd.s32 $0x1000, s11;
	[sflag:s7] =	ssyncset.done $0x0  }
0x24: {  	s12 =	sadd.s32 s12, s6;
	[sflag:s7] =	ssyncadd.s32 $0xFFFF8000  }
0x25: {  	[tilespmem:s2], [sflag:$0x2] =	stream.linear.gather [hbm4b:s12+s2], $0x800, $0x38;
	[tilespmem:$0x8800] =	vst v63  }
0x26: {  	_ =	swait.ge [sflag:s7], $0x800  }
0x27: {  	[sflag:s7] =	ssyncset.done $0x0  }
0x28: {  	[sflag:s7] =	ssyncadd.s32 $0xFFFFF800  }
0x29: {  	[tilespmem:s8], [sflag:$0x1] =	stream.indirect.gather [hbm4b:s3+s8], $0x10, s2, s8, $0xb8;
	[tilespmem:$0x8800] =	vst v63  }
0x2a: {  	s10 =	sadd.s32 $0x1, s10;
	_ =	swait.ge [sflag:s9], $0x8000  }
0x2b: {  	p0 =	sne.s32 s10, s4;
	[sflag:s9] =	ssyncset.done $0x0  }
.Ltmp1:
0x2c: {  	[sflag:s9] =	ssyncadd.s32 $0xFFFF8000;
	(pc) =	sbr.rel @p0 .LBB2_1-.Ltmp1, $4  }
0x2d: {  	[hbm4b:s11+s2] =	stream.linear.scatter [tilespmem:s8], [sflag:$0x2], $0x8000, $0x38;
	[tilespmem:$0x8800] =	vst v63  }
0x2e: {  	_ =	swait.ge [sflag:s7], $0x8000  }
0x2f: {  	[sflag:s7] =	ssyncset.done $0x0  }
0x30: {  	[sflag:s7] =	ssyncadd.s32 $0xFFFF8000  }
0x31: {  	_ =	sfence.sel $0x180000  }
0x32: {  	[bflag:$0x0] =	sbarrier.arrive $0xFFFF  }
0x33: {  	p0 =	sne.s32 s1, $0x0;
	_ =	strace $0x9000004D  }
0x34: {  	s0 =	sadd.s32 @!p0 $0x100000, s0;
	[bflag:$0x2] =	sbarrier.arrive $0xFFFF  }
0x35: {  	[sflag:s0] =	ssyncadd.tile.s32 @!p0 $0x1;
	_ =	shalt  }
.Lfunc_end2:
_tile_overlayer_lowered:
.L_overlay_start_2:
0x36: {  	(tag) =	ssettag $0x2  }
0x37: {  	s0 =	rddreg [dreg:$0x0];
	s2 =	stileid.u32  }
0x38: {  	s1 =	rddreg [dreg:$0x1];
	p0 =	sne.s32 s2, $0x0  }
0x39: {  	s3 =	rddreg [dreg:$0x2];
	[bflag:$0x3] =	sbarrier.arrive $0xFFFF;
	s2 =	simm.s32 @!p0 $0x1C02  }
0x3a: {  	[timem:s3], [sflag:s2] =	dma.local @!p0 [hbm:s0], s1  }
0x3b: {  	s0 =	simm.s32 @!p0 $0x2  }
0x3c: {  	_ =	swait.ge @!p0 [sflag:s0], s1  }
0x3d: {  	s1 =	ssub.s32 @!p0 $0x0, s1;
	[sflag:s0] =	ssyncset.done @!p0 $0x0  }
0x3e: {  	[sflag:s0] =	ssyncadd.s32 @!p0 s1  }
0x3f: {  	[bflag:$0x3] =	sbarrier.arrive $0xFFFF  }
0x40: {  	_ =	shalt  }

// kernel: kernel.21.cloned.1.call-start
scs
__scs_entry_jumppad:
0x0: {  	(pc) =	sbr.rel $0x88, $3  }
0x1: {  	(tag) =	ssettag $0x0;
	lr =	simm.s32 $0x1  }
0x2: {  	[smem:$0x3F77] =	sst lr;
	_ =	strace $0xD0000000  }
0x3: {  	_ = 	snop  }
0x4: {  	_ = 	snop  }
0x5: {  	_ = 	snop  }
0x6: {  	_ = 	snop  }
0x7: {  	_ = 	snop  }
__scs_overlays_trampoline_lowered:
0x8: {  	[smem:$0x3F86] =	sst s0  }
0x9: {  	[smem:$0x3F87] =	sst s1  }
0xa: {  	[smem:$0x3F88] =	sst s2  }
0xb: {  	[smem:$0x3F89] =	sst s3  }
0xc: {  	[smem:$0x3F8A] =	sst s4  }
0xd: {  	[smem:$0x3F8B] =	sst s5  }
0xe: {  	[smem:$0x3F8C] =	sst s6  }
0xf: {  	[smem:$0x3F8D] =	sst s7  }
0x10: {  	[smem:$0x3F8E] =	sst s8  }
0x11: {  	[smem:$0x3F8F] =	sst s9;
	s0 =	simm.s32 @!p0 $0x0  }
0x12: {  	s1 =	sld [smem:$0x3F75];
	s0 =	simm.s32 @p0 $0x1  }
0x13: {  	[smem:$0x3F90] =	sst s0;
	s0 =	simm.s32 @!p1 $0x0  }
0x14: {  	s2 =	sld [smem:$0x3F74];
	s0 =	simm.s32 @p1 $0x1  }
0x15: {  	[smem:$0x3F91] =	sst s0;
	s0 =	simm.s32 @!p2 $0x0  }
0x16: {  	s3 =	sld [smem:$0x3FDB];
	s0 =	simm.s32 @p2 $0x1  }
0x17: {  	s4 =	simm.s32 $0x1BF5;
	[smem:$0x3F93] =	sst s0  }
0x18: {  	s0 =	sld [smem:$0x3F76];
	_ =	swait.ge [sflag:s4], $0x0  }
0x19: {  	s7 =	sld [smem:$0x3F77]  }
0x1a: {  	s8 =	sadd.s32 $0xFFFFE003, lr  }
0x1b: {  	s9 =	sadd.s32 $0xFFFFFEF7, lr;
	s5 =	simm.s32 $0xFFFFFFFF;
	p2 =	slt.u32 s8, $0xFFFFF086  }
0x1c: {  	p1 =	slt.u32 s9, $0xF7A;
	s5 =	simm.s32 @!p2 $0x0  }
0x1d: {  	s5 =	simm.s32 @p1 $0x1;
	p0 =	seq.s32 s7, s2  }
0x1e: {  	s7 =	smul.u32 @!p0 $0xF7A, s2;
	p2 =	seq.s32 @!p0 s5, $0x0  }
0x1f: {  	s9 =	smul.u32 $0xF7A, s1;
	s8 =	simm.s32 @!p0 $0x1BF5;
	p2 =	por !p2, p0  }
0x20: {  	[sflag:s8] =	ssyncset.s32 @!p0 $0xFFFFF086;
	s6 =	sadd.s32 @!p0 s3, s7;
	s7 =	simm.s32 @!p0 $0x108  }
0x21: {  	s3 =	sadd.s32 s3, s9;
	s6 =	sadd.s32 @!p0 $0x88, s6;
	s7 =	simm.s32 @p2 $0x1082  }
0x22: {  	[simem:s7], [sflag:s8] =	dma.local @!p0 [hbm:s6], $0xF7A  }
0x23: {  	s9 =	sor.u32 $0xD0000000, s2;
	s6 =	simm.s32 $0x108;
	_ =	swait.ge @!p0 [sflag:s8], $0x0  }
0x24: {  	s3 =	sadd.s32 $0x88, s3;
	s6 =	simm.s32 @!p1 $0x1082;
	[sflag:s4] =	ssyncset.s32 $0xFFFFF086  }
0x25: {  	[simem:s6], [sflag:s4] =	dma.local [hbm:s3], $0xF7A  }
0x26: {  	[smem:$0x3F77] =	sst s1;
	(tag) =	ssettag s2;
	_ =	strace s9  }
0x27: {  	s1 =	sld [smem:$0x3F87]  }
0x28: {  	s2 =	sld [smem:$0x3F88]  }
0x29: {  	s4 =	sld [smem:$0x3F8A]  }
0x2a: {  	p0 =	seq.s32 s5, $0x0;
	s5 =	sld [smem:$0x3F8B]  }
0x2b: {  	s6 =	sld [smem:$0x3F8C]  }
0x2c: {  	s7 =	sld [smem:$0x3F8D]  }
0x2d: {  	s3 =	simm.s32 $0x108;
	s8 =	sld [smem:$0x3F8E]  }
0x2e: {  	s3 =	simm.s32 @!p0 $0x1082;
	s9 =	sld [smem:$0x3F8F]  }
0x2f: {  	lr =	sadd.s32 s0, s3;
	s0 =	sld [smem:$0x3F86]  }
0x30: {  	s3 =	sld [smem:$0x3F89]  }
0x31: {  	[smem:$0x3F92] =	sst s10  }
0x32: {  	s10 =	sld [smem:$0x3F90];
	_ =	sdelay $0x3  }
0x33: {  	p0 =	seq.s32 s10, $0x1;
	s10 =	sld [smem:$0x3F92];
	_ =	sdelay $0x3  }
0x34: {  	[smem:$0x3F92] =	sst s10  }
0x35: {  	s10 =	sld [smem:$0x3F91];
	_ =	sdelay $0x3  }
0x36: {  	p1 =	seq.s32 s10, $0x1;
	s10 =	sld [smem:$0x3F92];
	_ =	sdelay $0x3  }
0x37: {  	[smem:$0x3F92] =	sst s10  }
0x38: {  	s10 =	sld [smem:$0x3F93]  }
0x39: {  	_ = 	snop;
	(pc) =	sbr.ind lr, $3  }
0x3a: {  	_ = 	snop  }
0x3b: {  	_ = 	snop  }
0x3c: {  	p2 =	seq.s32 s10, $0x1;
	s10 =	sld [smem:$0x3F92]  }
0x3d: {  	_ =	shalt  }
0x3e: {  	_ =	shalt  }
0x3f: {  	_ =	shalt  }
0x40: {  	_ =	shalt  }
0x41: {  	_ =	shalt  }
0x42: {  	_ =	shalt  }
0x43: {  	_ =	shalt  }
0x44: {  	_ =	shalt  }
0x45: {  	_ =	shalt  }
0x46: {  	_ =	shalt  }
0x47: {  	_ =	shalt  }
0x48: {  	_ =	shalt  }
0x49: {  	_ =	shalt  }
0x4a: {  	_ =	shalt  }
0x4b: {  	_ =	shalt  }
0x4c: {  	_ =	shalt  }
0x4d: {  	_ =	shalt  }
0x4e: {  	_ =	shalt  }
0x4f: {  	_ =	shalt  }
0x50: {  	_ =	shalt  }
0x51: {  	_ =	shalt  }
0x52: {  	_ =	shalt  }
0x53: {  	_ =	shalt  }
0x54: {  	_ =	shalt  }
0x55: {  	_ =	shalt  }
0x56: {  	_ =	shalt  }
0x57: {  	_ =	shalt  }
0x58: {  	_ =	shalt  }
0x59: {  	_ =	shalt  }
0x5a: {  	_ =	shalt  }
0x5b: {  	_ =	shalt  }
0x5c: {  	_ =	shalt  }
0x5d: {  	_ =	shalt  }
0x5e: {  	_ =	shalt  }
0x5f: {  	_ =	shalt  }
0x60: {  	_ =	shalt  }
0x61: {  	_ =	shalt  }
0x62: {  	_ =	shalt  }
0x63: {  	_ =	shalt  }
0x64: {  	_ =	shalt  }
0x65: {  	_ =	shalt  }
0x66: {  	_ =	shalt  }
0x67: {  	_ =	shalt  }
0x68: {  	_ =	shalt  }
0x69: {  	_ =	shalt  }
0x6a: {  	_ =	shalt  }
0x6b: {  	_ =	shalt  }
0x6c: {  	_ =	shalt  }
0x6d: {  	_ =	shalt  }
0x6e: {  	_ =	shalt  }
0x6f: {  	_ =	shalt  }
0x70: {  	_ =	shalt  }
0x71: {  	_ =	shalt  }
0x72: {  	_ =	shalt  }
0x73: {  	_ =	shalt  }
0x74: {  	_ =	shalt  }
0x75: {  	_ =	shalt  }
0x76: {  	_ =	shalt  }
0x77: {  	_ =	shalt  }
0x78: {  	_ =	shalt  }
0x79: {  	_ =	shalt  }
0x7a: {  	_ =	shalt  }
0x7b: {  	_ =	shalt  }
0x7c: {  	_ =	shalt  }
0x7d: {  	_ =	shalt  }
0x7e: {  	_ =	shalt  }
0x7f: {  	_ =	shalt  }
0x80: {  	_ =	shalt  }
0x81: {  	_ =	shalt  }
0x82: {  	_ =	shalt  }
0x83: {  	_ =	shalt  }
0x84: {  	_ =	shalt  }
0x85: {  	_ =	shalt  }
0x86: {  	_ =	shalt  }
0x87: {  	_ =	shalt  }
.Lfunc_end0:
.L_simem_size_0:
called_computation.2_lowered:
.L_overlay_start_0:
0x88: {  	s2 =	sld [smem:$0x3FD9]  }
0x89: {  	s3 =	sld [smem:$0x3FFE];
	_ =	sdelay $0x1  }
0x8a: {  	s1 =	srdreg.scid  }
0x8b: {  	s0 =	sand.u32 $0x1, s1  }
0x8c: {  	s17 =	sshll.u32 s0, $0xA;
	s2 =	sadd.s32 s3, s2  }
0x8d: {  	s2 =	sadd.s32 s2, s17  }
0x8e: {  	[smem:$0x3F9E] =	sst s2  }
0x8f: {  	_ = 	snop  }
0x90: {  	(tm) =	ssettm $0x1  }
0x91: {  	s18 =	sld [smem:$0x3FFB];
	_ =	sdelay $0x3  }
0x92: {  	_ =	strace s18  }
0x93: {  	s2 =	sld [smem:$0x3FFC];
	_ =	sdelay $0x3  }
0x94: {  	_ =	strace s2  }
0x95: {  	s2 =	sld [smem:$0x3FFD];
	_ =	sdelay $0x3  }
0x96: {  	_ =	strace s2  }
0x97: {  	_ =	strace $0x8FFFFFFF  }
0x98: {  	s19 =	sld [smem:$0x3FDB];
	_ =	sdelay $0x1  }
0x99: {  	s20 =	simm.s32 $_scs_section_size  }
0x9a: {  	s4 =	simm.s32 $_size__tile_overlayer_lowered;
	s5 =	simm.s32 $_tile_overlayer_lowered  }
0x9b: {  	s6 =	simm.s32 $0x1BFF;
	s21 =	sshll.u32 s5, $0x1;
	s3 =	sadd.s32 s20, s19  }
0x9c: {  	s22 =	simm.s32 $0x0;
	s4 =	sshll.u32 s4, $0x1;
	s5 =	sadd.s32 s21, s3  }
0x9d: {  	[timem:s22], [sflag:s6] =	dma.local [hbm:s5], s4  }
0x9e: {  	_ =	swait.ge [sflag:s6], s4  }
0x9f: {  	s4 =	ssub.s32 $0x0, s4;
	[sflag:s6] =	ssyncset.done $0x0  }
0xa0: {  	[sflag:s6] =	ssyncadd.s32 s4;
	_ =	sdelay $0x1  }
0xa1: {  	s23 =	simm.s32 $0x1B8B  }
0xa2: {  	_ =	swait.ge [sflag:s23], $0x1  }
0xa3: {  	[sflag:s23] =	ssyncset.done $0x0  }
0xa4: {  	[sflag:s23] =	ssyncadd.s32 $0xFFFFFFFF  }
0xa5: {  	s4 =	sld [smem:$0x0]  }
0xa6: {  	s5 =	sand.u32 $0xFFFFFFFE, s1  }
0xa7: {  	p0 =	sne.s32 s1, s5  }
0xa8: {  	s5 =	sshll.u32 @p0 s5, $0xE  }
0xa9: {  	s5 =	sadd.s32 @p0 $0x11B8D, s5;
	s6 =	sshll.u32 @p0 s4, $0x11  }
0xaa: {  	s5 =	sor.u32 @p0 s6, s5  }
0xab: {  	[sflag:s5] =	ssyncadd.remote.s32 @p0 $0x1;
	_ =	sdelay $0x1  }
0xac: {  	s5 =	simm.s32 @p0 $0x1B8D  }
0xad: {  	_ =	swait.eq @p0 [sflag:s5], $0x1  }
0xae: {  	[sflag:s5] =	ssyncadd.s32 @p0 $0xFFFFFFFF  }
0xaf: {  	s6 =	sshll.u32 @!p0 s1, $0xE  }
0xb0: {  	s6 =	sor.u32 @!p0 $0x4000, s6;
	s5 =	simm.s32 @!p0 $0x1B8D  }
0xb1: {  	s4 =	sshll.u32 @!p0 s4, $0x11;
	s6 =	sadd.s32 @!p0 $0x11B8D, s6;
	_ =	swait.eq @!p0 [sflag:s5], $0x1  }
0xb2: {  	s4 =	sor.u32 @!p0 s4, s6;
	[sflag:s5] =	ssyncadd.s32 @!p0 $0xFFFFFFFF  }
0xb3: {  	s25 =	simm.s32 $0x1B8E;
	s24 =	sld [smem:$0x3FFE];
	[sflag:s4] =	ssyncadd.remote.s32 @!p0 $0x1  }
0xb4: {  	s26 =	simm.s32 $execute0_lowered;
	[smem:$0x3FD2] =	sst s25  }
0xb5: {  	s5 =	sshll.u32 s26, $0x1;
	_ =	strace $0x80000049;
	[dreg:$0x1] =	wrdreg $0xFFFFFFFF  }
0xb6: {  	s28 =	simm.s32 $_size_execute0_lowered;
	s3 =	sadd.s32 s3, s5;
	[dreg:$0x0] =	wrdreg $0x0  }
0xb7: {  	s5 =	sshll.u32 s28, $0x1;
	[dreg:$0x2] =	wrdreg s3  }
0xb8: {  	[dreg:$0x3] =	wrdreg s5  }
0xb9: {  	[dreg:$0x4] =	wrdreg $0xC0  }
0xba: {  	_ =	task [dreg:s22], $0x5FFFF  }
0xbb: {  	[dreg:$0x1] =	wrdreg $0xFFFFFFFF  }
0xbc: {  	[dreg:$0x0] =	wrdreg $0x60  }
0xbd: {  	[dreg:$0x2] =	wrdreg s24  }
0xbe: {  	[dreg:$0x3] =	wrdreg $0x9  }
0xbf: {  	_ =	task.clear_ibuf [dreg:s22], $0x4FFFF;
	_ =	strace $0x90000049  }
0xc0: {  	s29 =	simm.s32 $0x9;
	_ =	strace $0x8000004B  }
0xc1: {  	_ =	swait.ge [sflag:s29], $0x1  }
0xc2: {  	[sflag:s29] =	ssyncadd.s32 $0xFFFFFFFF  }
0xc3: {  	_ =	strace $0x9000004B  }
0xc4: {  	_ =	sfence  }
0xc5: {  	s30 =	sld [smem:$0x0];
	_ =	sdelay $0x2  }
0xc6: {  	s31 =	sshll.u32 s1, $0xD;
	s1 =	sshrl.u32 s1, $0x2  }
0xc7: {  	s4 =	sand.u32 $0x4000, s31;
	s1 =	sadd.s32 s1, s30  }
0xc8: {  	s0 =	sor.u32 s4, s0;
	s1 =	sshll.u32 s1, $0x11  }
0xc9: {  	s0 =	sor.u32 s1, s0  }
0xca: {  	s0 =	sadd.s32 $0x8F2B, s0  }
0xcb: {  	[sflag:s0] =	ssyncadd.remote.s32 $0x1  }
0xcc: {  	_ =	sfence.sel $0xFFFF  }
0xcd: {  	[dreg:$0x0] =	wrdreg $0xFFFFFFFF;
	(pc) =	sbr.abs _section_cstart, $3  }
0xce: {  	[dreg:$0x1] =	wrdreg $0xFFFFFFFF  }
0xcf: {  	_ =	task.clear_ibuf [dreg:s22], $0x2FFFF;
	_ =	strace $0x9FFFFFFF  }
0xd0: {  	(tm) =	ssettm $0x7FFFFFFF  }
0xd1: {  	_ =	shalt  }
tec
execute0_lowered:
.L_overlay_start_1:
0x0: {  	(tag) =	ssettag $0x1  }
0x1: {  	s1 =	srdreg.scid  }
0x2: {  	s0 =	stileid.u32;
	s5 =	sand.u32 $0x1, s1  }
0x3: {  	s6 =	rddreg [dreg:$0x0];
	s4 =	simm.s32 $0x68;
	s1 =	sor.u32 s5, s0  }
0x4: {  	s3 =	simm.s32 $0x0;
	p1 =	seq.s32 s5, $0x1;
	p0 =	seq.s32 s1, $0x0  }
0x5: {  	s14 =	simm.s32 $0x340;
	s15 =	simm.s32 $0x680;
	p0 =	por !p0, !p1  }
0x6: {  	s16 =	simm.s32 $0x9C0;
	s1 =	simm.s32 $0x1;
	p0 =	por !p0, !p0  }
0x7: {  	s17 =	simm.s32 $0xA28;
	s18 =	simm.s32 $0xA90;
	s1 =	simm.s32 @!p0 $0x0  }
0x8: {  	s19 =	simm.s32 $0xAF8;
	s20 =	simm.s32 $0xB60;
	s1 =	ssub.s32 s0, s1  }
0x9: {  	s21 =	simm.s32 $0x0;
	s5 =	ssub.s32 $0x2, s5;
	s7 =	smul.u32 $0xD0, s1  }
0xa: {  	[smem:$0x7FF] =	sst s3;
	s31 =	sshrl.u32 s5, $0x1;
	s2 =	smul.u32 $0x340, s1  }
0xb: {  	_ =	strace $0x8000004A;
	s4 =	simm.s32 @!p1 $0x0;
	s13 =	ssub.s32 s5, s31  }
0xc: {  	s13 =	smax.u32 s13, $0x1;
	s7 =	sadd.s32 s4, s7;
	s8 =	sshrl.u32 s2, $0x3  }
0xd: {  	s9 =	smul.u32 $0x60, s7;
	s8 =	sadd.s32 s8, s6;
	s7 =	sshrl.u32 s7, $0x3  }
0xe: {  	s4 =	simm.s32 $0x1;
	s11 =	sadd.s32 s7, s6;
	s5 =	sadd.s32 $0x39200, s8  }
0xf: {  	s7 =	sadd.s32 $0x3A200, s8;
	s9 =	sshrl.u32 s9, $0x3;
	s10 =	sadd.s32 $0x3AE00, s11  }
0x10: {  	s12 =	sadd.s32 s9, s6;
	s6 =	sadd.s32 $0x39A00, s8;
	s8 =	sadd.s32 $0x3AA00, s11  }
0x11: {  	v0 =	vimm.s32 $0x3400;
	v1 =	vlaneseq.u32;
	v2 =	vimm.s32 $0x0;
	s9 =	sadd.s32 $0x3AC00, s11;
	s11 =	sadd.s32 $0x3B000, s11;
	s12 =	sadd.s32 $0x3B200, s12  }
.LBB2_1:
0x12: {  	[tilespmem:s3], [sflag:$0x1] =	stream.linear.gather [hbm4b:s5+s3], $0x340, $0x38;
	[tilespmem:$0x3260] =	vst v63  }
0x13: {  	_ =	swait.ge [sflag:s4], $0x340  }
0x14: {  	[sflag:s4] =	ssyncset.done $0x0  }
0x15: {  	[sflag:s4] =	ssyncadd.s32 $0xFFFFFCC0  }
0x16: {  	[tilespmem:s14], [sflag:$0x1] =	stream.linear.gather [hbm4b:s6+s3], $0x340, $0x38;
	[tilespmem:$0x3260] =	vst v63  }
0x17: {  	_ =	swait.ge [sflag:s4], $0x340  }
0x18: {  	[sflag:s4] =	ssyncset.done $0x0  }
0x19: {  	[sflag:s4] =	ssyncadd.s32 $0xFFFFFCC0  }
0x1a: {  	[tilespmem:s15], [sflag:$0x1] =	stream.linear.gather [hbm4b:s7+s3], $0x340, $0x38;
	[tilespmem:$0x3260] =	vst v63  }
0x1b: {  	_ =	swait.ge [sflag:s4], $0x340  }
0x1c: {  	[sflag:s4] =	ssyncset.done $0x0  }
0x1d: {  	[sflag:s4] =	ssyncadd.s32 $0xFFFFFCC0  }
0x1e: {  	[tilespmem:s16], [sflag:$0x1] =	stream.linear.gather [hbm4b:s8+s3], $0x68, $0x38;
	[tilespmem:$0x3260] =	vst v63  }
0x1f: {  	_ =	swait.ge [sflag:s4], $0x68  }
0x20: {  	[sflag:s4] =	ssyncset.done $0x0  }
0x21: {  	[sflag:s4] =	ssyncadd.s32 $0xFFFFFF98  }
0x22: {  	[tilespmem:s17], [sflag:$0x1] =	stream.linear.gather [hbm4b:s9+s3], $0x68, $0x38;
	[tilespmem:$0x3260] =	vst v63  }
0x23: {  	_ =	swait.ge [sflag:s4], $0x68  }
0x24: {  	[sflag:s4] =	ssyncset.done $0x0  }
0x25: {  	[sflag:s4] =	ssyncadd.s32 $0xFFFFFF98  }
0x26: {  	[tilespmem:s18], [sflag:$0x1] =	stream.linear.gather [hbm4b:s10+s3], $0x68, $0x38;
	[tilespmem:$0x3260] =	vst v63  }
0x27: {  	_ =	swait.ge [sflag:s4], $0x68  }
0x28: {  	[sflag:s4] =	ssyncset.done $0x0  }
0x29: {  	[sflag:s4] =	ssyncadd.s32 $0xFFFFFF98  }
0x2a: {  	[tilespmem:s19], [sflag:$0x1] =	stream.linear.gather [hbm4b:s11+s3], $0x68, $0x38;
	[tilespmem:$0x3260] =	vst v63  }
0x2b: {  	_ =	swait.ge [sflag:s4], $0x68  }
0x2c: {  	[sflag:s4] =	ssyncset.done $0x0  }
0x2d: {  	s22 =	simm.s32 $0x40;
	s23 =	simm.s32 $0x0;
	[sflag:s4] =	ssyncadd.s32 $0xFFFFFF98  }
.LBB2_2:
0x2e: {  	p0 =	sne.s32 s22, $0x9BC0;
	[tilespmem:s23+$0xB60] =	vst v0;
	s23 =	smov.u32 s22;
	s22 =	sadd.s32 $0x40, s22  }
.Ltmp0:
0x2f: {  	(pc) =	sbr.rel @p0 .LBB2_2-.Ltmp0, $2  }
0x30: {  	_ =	sdelay $0x2  }
0x31: {  	s23 =	sshra.s32 s23, $0x2  }
0x32: {  	[tilespmem:s23+$0xB60] =	vst v0;
	s22 =	simm.s32 $0x0;
	s23 =	simm.s32 $0x0  }
.LBB2_4:
0x33: {  	s25 =	sshll.u32 s23, $0x2  }
0x34: {  	s24 =	sand.u32 $0x70, s25  }
0x35: {  	v3 =	vld [tilespmem:s24+$0x9C0]  }
0x36: {  	v4 =	vld [tilespmem:s24+$0xA28]  }
0x37: {  	s26 =	sand.u32 $0xC, s25;
	v5 =	vld [tilespmem:s24+$0xA90]  }
0x38: {  	v6 =	vmov s26;
	v7 =	vld [tilespmem:s24+$0xAF8]  }
0x39: {  	vm0 =	veq.s32 v6, v1  }
0x3a: {  	s24 =	sor.u32 $0x1, s25;
	v6 =	vnsel vm0, $0x0, v3  }
0x3b: {  	s1 =	sand.u32 $0xD, s24;
	(xrf2) =	vadd.scan.msk.f32 $0xffff, v6;
	v6 =	vnsel vm0, $0x0, v4  }
0x3c: {  	v8 =	vmov s1;
	(xrf2) =	vadd.scan.msk.f32 $0xffff, v6;
	v6 =	vnsel vm0, $0x0, v5  }
0x3d: {  	vm12 =	veq.s32 v8, v1;
	(xrf2) =	vadd.scan.msk.f32 $0xffff, v6;
	v6 =	vnsel vm0, $0x0, v7  }
0x3e: {  	s25 =	sor.u32 $0x2, s25;
	(xrf2) =	vadd.scan.msk.f32 $0xffff, v6;
	v6 =	vnsel vm12, $0x0, v3  }
0x3f: {  	s31 =	sand.u32 $0xE, s25;
	(xrf2) =	vadd.scan.msk.f32 $0xffff, v6;
	v6 =	vnsel vm12, $0x0, v4  }
0x40: {  	v8 =	vmov s31;
	(xrf2) =	vadd.scan.msk.f32 $0xffff, v6;
	v6 =	vnsel vm12, $0x0, v5  }
0x41: {  	vm13 =	veq.s32 v8, v1;
	(xrf2) =	vadd.scan.msk.f32 $0xffff, v6;
	v6 =	vnsel vm12, $0x0, v7  }
0x42: {  	s1 =	sshllo.u32 s23, $0x2;
	(xrf2) =	vadd.scan.msk.f32 $0xffff, v6;
	v6 =	vnsel vm13, $0x0, v3  }
0x43: {  	s28 =	sand.u32 $0xF, s1;
	(xrf2) =	vadd.scan.msk.f32 $0xffff, v6;
	v6 =	vnsel vm13, $0x0, v4  }
0x44: {  	v8 =	vmov s28;
	(xrf2) =	vadd.scan.msk.f32 $0xffff, v6;
	v6 =	vnsel vm13, $0x0, v5  }
0x45: {  	v9, _, _ =	vpop (xrf2);
	(xrf2) =	vadd.scan.msk.f32 $0xffff, v6;
	v6 =	vnsel vm13, $0x0, v7  }
0x46: {  	vm14 =	veq.s32 v8, v1  }
0x47: {  	v3 =	vnsel vm14, $0x0, v3;
	v8, _, _ =	vpop (xrf2);
	(xrf2) =	vadd.scan.msk.f32 $0xffff, v6  }
0x48: {  	v6, _, _ =	vpop (xrf2);
	(xrf2) =	vadd.scan.msk.f32 $0xffff, v3;
	v3 =	vnsel vm14, $0x0, v4  }
0x49: {  	v4, _, _ =	vpop (xrf2);
	(xrf2) =	vadd.scan.msk.f32 $0xffff, v3;
	v3 =	vnsel vm14, $0x0, v5  }
0x4a: {  	v10, _, _ =	vpop (xrf2);
	(xrf2) =	vadd.scan.msk.f32 $0xffff, v3  }
0x4b: {  	s28 =	simm.s32 $0x0;
	v5 =	vadd.f32 $0.0e+00, v8;
	v6 =	vadd.f32 $0.0e+00, v6;
	v3 =	vnsel vm14, $0x0, v7;
	v11, _, _ =	vpop (xrf2)  }
0x4c: {  	v22 =	vld [tilespmem:s28+$0x340];
	v8 =	vadd.f32 $0.0e+00, v4;
	(xrf2) =	vadd.scan.msk.f32 $0xffff, v3;
	v3 =	vadd.f32 $0.0e+00, v9;
	v12, _, _ =	vpop (xrf2)  }
0x4d: {  	v23 =	vld [tilespmem:s28+$0x680];
	v9 =	vadd.f32 $0.0e+00, v10;
	v7 =	vbroadcast v6, $0xF;
	v6 =	vadd.f32 $0.0e+00, v11;
	v13, _, _ =	vpop (xrf2)  }
0x4e: {  	v4 =	vbroadcast v3, $0xF;
	v3 =	vbroadcast v8, $0xF;
	v11 =	vadd.f32 $0.0e+00, v12;
	v14, _, _ =	vpop (xrf2)  }
0x4f: {  	v8 =	vbroadcast v9, $0xF;
	v12 =	vadd.f32 $0.0e+00, v13;
	v9 =	vbroadcast v6, $0xF;
	v15, _, _ =	vpop (xrf2)  }
0x50: {  	v5 =	vbroadcast v5, $0xF;
	v13 =	vadd.f32 $0.0e+00, v14;
	v11 =	vbroadcast v11, $0xF;
	v10, _, _ =	vpop (xrf2)  }
0x51: {  	v14 =	vadd.f32 $0.0e+00, v15;
	v15 =	vld [tilespmem:s28+$0x0];
	v6 =	vbroadcast v12, $0xF;
	v29 =	vsub.f32 v22, v9;
	v16, _, _ =	vpop (xrf2)  }
0x52: {  	v10 =	vadd.f32 $0.0e+00, v10;
	v12 =	vbroadcast v13, $0xF;
	v28 =	vsub.f32 v23, v11;
	v17, _, _ =	vpop (xrf2)  }
0x53: {  	v13 =	vbroadcast v14, $0xF;
	v29 =	vmul.f32 v29, v29;
	v18, _, _ =	vpop (xrf2);
	v17 =	vadd.f32 $0.0e+00, v17  }
0x54: {  	v14 =	vbroadcast v10, $0xF;
	v10 =	vadd.f32 $0.0e+00, v16;
	v20, _, _ =	vpop (xrf2);
	v16 =	vadd.f32 $0.0e+00, v18  }
0x55: {  	v27 =	vsub.f32 v22, v13;
	v19 =	vbroadcast v17, $0xF;
	v17 =	vadd.f32 $0.0e+00, v20  }
0x56: {  	v28 =	vmul.f32 v28, v28;
	v18, _, _ =	vpop (xrf2);
	v24 =	vsub.f32 v15, v4;
	v25 =	vsub.f32 v15, v8  }
0x57: {  	v10 =	vbroadcast v10, $0xF;
	v30 =	vsub.f32 v23, v14;
	v18 =	vadd.f32 $0.0e+00, v18  }
0x58: {  	v20 =	vbroadcast v16, $0xF;
	v16 =	vsub.f32 v22, v5;
	v27 =	vmul.f32 v27, v27  }
0x59: {  	v26 =	vsub.f32 v15, v19;
	v21 =	vbroadcast v17, $0xF;
	v17 =	vsub.f32 v23, v7  }
0x5a: {  	v15 =	vsub.f32 v15, v12;
	v24 =	vmul.f32 v24, v24;
	v16 =	vmul.f32 v16, v16  }
0x5b: {  	v25 =	vmul.f32 v25, v25;
	v22 =	vsub.f32 v22, v20;
	v17 =	vmul.f32 v17, v17  }
0x5c: {  	v23 =	vsub.f32 v23, v21;
	v15 =	vmul.f32 v15, v15;
	v16 =	vadd.f32 v16, v24  }
0x5d: {  	s28 =	smul.u32 $0x600, s23;
	v24 =	vadd.f32 v29, v25;
	v25 =	vmul.f32 v26, v26;
	v22 =	vmul.f32 v22, v22  }
0x5e: {  	s24 =	smul.u32 $0x180, s24;
	v26 =	vmul.f32 v30, v30;
	v15 =	vadd.f32 v27, v15;
	v16 =	vadd.f32 v17, v16  }
0x5f: {  	s25 =	smul.u32 $0x180, s25;
	s28 =	sshra.s32 s28, $0x2;
	v23 =	vmul.f32 v23, v23;
	v17 =	vadd.f32 v28, v24;
	v24 =	vadd.f32 v22, v25  }
0x60: {  	s24 =	sshra.s32 s24, $0x2;
	s26 =	smul.u32 $0x180, s1;
	s28 =	sadd.s32 $0xB60, s28;
	v22 =	vbroadcast v18, $0xF;
	vm15 =	vle.f32 v16, v3;
	v16 =	vadd.f32 v26, v15  }
0x61: {  	s25 =	sshra.s32 s25, $0x2;
	s24 =	sadd.s32 $0xB60, s24;
	v15 =	vmov s28;
	vm1 =	vle.f32 v17, v6;
	v17 =	vadd.f32 v23, v24  }
0x62: {  	s25 =	sadd.s32 $0xB60, s25;
	s26 =	sshra.s32 s26, $0x2;
	v18 =	vmov s24;
	vm2 =	vle.f32 v16, v10  }
0x63: {  	s26 =	sadd.s32 $0xB60, s26;
	v23 =	vsel vm15, $0x1, v2;
	v16 =	vmov s25;
	vm3 =	vle.f32 v17, v22  }
0x64: {  	v24 =	vsel vm1, $0x1, v2;
	v17 =	vmov s26;
	(xrf0) =	vadd.scan.msk.s32 $0xffff, v23  }
0x65: {  	v23 =	vsel vm2, $0x1, v2;
	(xrf0) =	vadd.scan.msk.s32 $0xffff, v24;
	v24 =	vor.u32 s2, v1  }
0x66: {  	v25 =	vsel vm3, $0x1, v2;
	(xrf0) =	vadd.scan.msk.s32 $0xffff, v23;
	[tilespmem:v15+s22+$0x0 ss:$0x1] =	vst.idx.msk vm15, v24  }
0x67: {  	(xrf0) =	vadd.scan.msk.s32 $0xffff, v25;
	[tilespmem:v18+s22+$0x0 ss:$0x1] =	vst.idx.msk vm1, v24  }
0x68: {  	[tilespmem:v16+s22+$0x0 ss:$0x1] =	vst.idx.msk vm2, v24  }
0x69: {  	s31 =	simm.s32 $0x10;
	[tilespmem:v17+s22+$0x0 ss:$0x1] =	vst.idx.msk vm3, v24  }
0x6a: {  	v23, _, _ =	vpop (xrf0);
	v25 =	vld [tilespmem:s31+$0x0]  }
0x6b: {  	(v2sf) =	vpush v23, $0xF;
	v23, _, _ =	vpop (xrf0);
	v28 =	vld [tilespmem:s31+$0x340]  }
0x6c: {  	(v2sf) =	vpush v23, $0xF;
	v23, _, _ =	vpop (xrf0);
	v35 =	vld [tilespmem:s31+$0x680]  }
0x6d: {  	(v2sf) =	vpush v23, $0xF;
	v23, _, _ =	vpop (xrf0)  }
0x6e: {  	(v2sf) =	vpush v23, $0xF  }
0x6f: {  	v27 =	vsub.f32 v25, v4  }
0x70: {  	v24 =	vsub.f32 v25, v8;
	v26 =	vsub.f32 v28, v5  }
0x71: {  	v23 =	vsub.f32 v25, v19;
	v31 =	vsub.f32 v35, v7  }
0x72: {  	v32 =	vsub.f32 v28, v13;
	v36 =	vsub.f32 v35, v11  }
0x73: {  	v29 =	vsub.f32 v25, v12;
	v33 =	vsub.f32 v28, v9;
	v24 =	vmul.f32 v24, v24  }
0x74: {  	v30 =	vsub.f32 v35, v14;
	v26 =	vmul.f32 v26, v26;
	v25 =	vmul.f32 v32, v32  }
0x75: {  	s30 =	simm.s32 $0x80;
	s29 =	simm.s32 $0x0;
	s24 =	simm.s32 $0x0;
	v34 =	vmul.f32 v27, v27;
	v27 =	vmul.f32 v31, v31;
	v32 =	vsub.f32 v28, v20  }
0x76: {  	s28 =	simm.s32 $0x0;
	s26 =	simm.s32 $0x0;
	s25 =	smov.u32 s2;
	v33 =	vmul.f32 v33, v33;
	v31 =	vmul.f32 v36, v36;
	v28 =	vsub.f32 v35, v21  }
.LBB2_5:
0x77: {  	p0 =	sne.s32 s30, $0xCC0  }
0x78: {  	v26 =	vadd.f32 v26, v34;
	v29 =	vmul.f32 v29, v29;
	v30 =	vmul.f32 v30, v30;
	s25 =	sadd.s32 $0x10, s25;
	s31 =	smov.u32 s30;
	s30 =	sadd.s32 $0x40, s30  }
0x79: {  	v23 =	vmul.f32 v23, v23;
	v32 =	vmul.f32 v32, v32;
	v24 =	vadd.f32 v33, v24  }
0x7a: {  	v26 =	vadd.f32 v27, v26;
	v25 =	vadd.f32 v25, v29;
	s1 =	spop (v2sf)  }
0x7b: {  	v23 =	vadd.f32 v32, v23;
	v27 =	vmul.f32 v28, v28;
	v24 =	vadd.f32 v31, v24;
	s26 =	sadd.s32 s26, s1;
	s1 =	spop (v2sf)  }
0x7c: {  	vm0 =	vle.f32 v26, v3;
	v25 =	vadd.f32 v30, v25;
	p1 =	slt.s32 s26, $0x50;
	s28 =	sadd.s32 s28, s1;
	s1 =	spop (v2sf)  }
0x7d: {  	v23 =	vadd.f32 v27, v23;
	v26 =	vsel vm0, $0x1, v2;
	vm1 =	vle.f32 v24, v6;
	p2 =	slt.s32 s28, $0x50;
	s29 =	sadd.s32 s29, s1;
	s1 =	spop (v2sf)  }
0x7e: {  	v24 =	vsel vm1, $0x1, v2;
	vm2 =	vle.f32 v25, v10;
	(xrf0) =	vadd.scan.msk.s32 $0xffff, v26;
	s28 =	simm.s32 @!p2 $0x50;
	p2 =	slt.s32 s29, $0x50;
	s24 =	sadd.s32 s24, s1  }
0x7f: {  	s26 =	simm.s32 @!p1 $0x50;
	vm3 =	vle.f32 v23, v22;
	v25 =	vsel vm2, $0x1, v2;
	(xrf0) =	vadd.scan.msk.s32 $0xffff, v24;
	s29 =	simm.s32 @!p2 $0x50;
	p1 =	slt.s32 s24, $0x50  }
0x80: {  	v23 =	vsel vm3, $0x1, v2;
	(xrf0) =	vadd.scan.msk.s32 $0xffff, v25;
	s24 =	simm.s32 @!p1 $0x50  }
0x81: {  	v24 =	vor.u32 s25, v1;
	(xrf0) =	vadd.scan.msk.s32 $0xffff, v23  }
0x82: {  	[tilespmem:v15+s26+$0x0 ss:$0x1] =	vst.idx.msk vm0, v24  }
0x83: {  	s1 =	sshra.s32 s31, $0x2;
	[tilespmem:v18+s28+$0x0 ss:$0x1] =	vst.idx.msk vm1, v24  }
0x84: {  	[tilespmem:v16+s29+$0x0 ss:$0x1] =	vst.idx.msk vm2, v24;
	v23, _, _ =	vpop (xrf0)  }
0x85: {  	[tilespmem:v17+s24+$0x0 ss:$0x1] =	vst.idx.msk vm3, v24;
	(v2sf) =	vpush v23, $0xF;
	v23, _, _ =	vpop (xrf0)  }
0x86: {  	v25 =	vld [tilespmem:s1+$0x0];
	(v2sf) =	vpush v23, $0xF;
	v23, _, _ =	vpop (xrf0)  }
0x87: {  	v28 =	vld [tilespmem:s1+$0x340];
	(v2sf) =	vpush v23, $0xF;
	v23, _, _ =	vpop (xrf0)  }
0x88: {  	v35 =	vld [tilespmem:s1+$0x680];
	(v2sf) =	vpush v23, $0xF;
	_ =	sdelay $0x2  }
0x89: {  	v27 =	vsub.f32 v25, v4;
	v24 =	vsub.f32 v25, v8  }
0x8a: {  	v23 =	vsub.f32 v25, v19;
	v26 =	vsub.f32 v28, v5  }
.Ltmp1:
0x8b: {  	v32 =	vsub.f32 v28, v13;
	v31 =	vsub.f32 v35, v7;
	v24 =	vmul.f32 v24, v24;
	(pc) =	sbr.rel @p0 .LBB2_5-.Ltmp1, $4  }
0x8c: {  	v29 =	vsub.f32 v25, v12;
	v36 =	vsub.f32 v35, v11;
	v26 =	vmul.f32 v26, v26  }
0x8d: {  	v33 =	vsub.f32 v28, v9;
	v30 =	vsub.f32 v35, v14;
	v25 =	vmul.f32 v32, v32  }
0x8e: {  	v34 =	vmul.f32 v27, v27;
	v32 =	vsub.f32 v28, v20;
	v27 =	vmul.f32 v31, v31  }
0x8f: {  	v33 =	vmul.f32 v33, v33;
	v28 =	vsub.f32 v35, v21;
	v31 =	vmul.f32 v36, v36  }
0x90: {  	v4 =	vadd.f32 v26, v34;
	v5 =	vmul.f32 v29, v29  }
0x91: {  	v8 =	vmul.f32 v23, v23;
	v9 =	vmul.f32 v32, v32;
	v7 =	vadd.f32 v33, v24  }
0x92: {  	v11 =	vmul.f32 v30, v30;
	v4 =	vadd.f32 v27, v4;
	v5 =	vadd.f32 v25, v5  }
0x93: {  	v61 =	vmul.f32 v28, v28;
	v8 =	vadd.f32 v9, v8;
	v7 =	vadd.f32 v31, v7  }
0x94: {  	vm2 =	vle.f32 v4, v3;
	v3 =	vadd.f32 v11, v5  }
0x95: {  	v62 =	vadd.f32 v61, v8;
	v4 =	vsel vm2, $0x1, v2;
	vm3 =	vle.f32 v7, v6  }
0x96: {  	v6 =	vsel vm3, $0x1, v2;
	vm0 =	vle.f32 v3, v10;
	(xrf0) =	vadd.scan.msk.s32 $0xffff, v4  }
0x97: {  	vm1 =	vle.f32 v62, v22;
	v3 =	vsel vm0, $0x1, v2;
	(xrf0) =	vadd.scan.msk.s32 $0xffff, v6  }
0x98: {  	v63 =	vsel vm1, $0x1, v2;
	(xrf0) =	vadd.scan.msk.s32 $0xffff, v3  }
0x99: {  	(xrf0) =	vadd.scan.msk.s32 $0xffff, v63;
	_ =	sdelay $0x2  }
0x9a: {  	v3, _, _ =	vpop (xrf0)  }
0x9b: {  	(v2sf) =	vpush v3, $0xF;
	v3, _, _ =	vpop (xrf0)  }
0x9c: {  	(v2sf) =	vpush v3, $0xF;
	v3, _, _ =	vpop (xrf0)  }
0x9d: {  	(v2sf) =	vpush v3, $0xF;
	v3, _, _ =	vpop (xrf0)  }
0x9e: {  	(v2sf) =	vpush v3, $0xF;
	_ =	sdelay $0x3  }
0x9f: {  	s1 =	spop (v2sf)  }
0xa0: {  	s30 =	spop (v2sf)  }
0xa1: {  	s31 =	spop (v2sf)  }
0xa2: {  	s1 =	sadd.s32 s26, s1;
	s26 =	sadd.s32 s29, s31;
	s31 =	spop (v2sf)  }
0xa3: {  	s25 =	sadd.s32 $0x10, s25;
	p0 =	slt.s32 s1, $0x50;
	s24 =	sadd.s32 s24, s31  }
0xa4: {  	s23 =	sadd.s32 $0x1, s23;
	s1 =	simm.s32 @!p0 $0x50;
	p0 =	slt.s32 s24, $0x50  }
0xa5: {  	s28 =	sadd.s32 s28, s30;
	s24 =	simm.s32 @!p0 $0x50;
	p0 =	sne.s32 s23, $0x1A  }
.Ltmp2:
0xa6: {  	p1 =	slt.s32 s28, $0x50;
	v3 =	vor.u32 s25, v1;
	(pc) =	sbr.rel @p0 .LBB2_4-.Ltmp2, $4  }
0xa7: {  	s28 =	simm.s32 @!p1 $0x50;
	p1 =	slt.s32 s26, $0x50;
	[tilespmem:v15+s1+$0x0 ss:$0x1] =	vst.idx.msk vm2, v3;
	s25 =	spop (v2sf)  }
0xa8: {  	s26 =	simm.s32 @!p1 $0x50;
	[tilespmem:v18+s28+$0x0 ss:$0x1] =	vst.idx.msk vm3, v3;
	s29 =	spop (v2sf)  }
0xa9: {  	[tilespmem:v16+s26+$0x0 ss:$0x1] =	vst.idx.msk vm0, v3;
	s30 =	spop (v2sf)  }
0xaa: {  	[tilespmem:v17+s24+$0x0 ss:$0x1] =	vst.idx.msk vm1, v3;
	s31 =	spop (v2sf)  }
0xab: {  	s21 =	sadd.s32 $0x1, s21  }
0xac: {  	p0 =	sne.s32 s21, s13  }
.Ltmp3:
0xad: {  	_ = 	snop;
	(pc) =	sbr.rel @p0 .LBB2_1-.Ltmp3, $4  }
0xae: {  	[hbm4b:s12+s3] =	stream.linear.scatter [tilespmem:s20], [sflag:$0x1], $0x2700, $0x38;
	[tilespmem:$0x3260] =	vst v63  }
0xaf: {  	_ =	swait.ge [sflag:s4], $0x2700  }
0xb0: {  	[sflag:s4] =	ssyncset.done $0x0  }
0xb1: {  	[sflag:s4] =	ssyncadd.s32 $0xFFFFD900  }
0xb2: {  	_ =	sfence.sel $0x180000  }
0xb3: {  	[bflag:$0x0] =	sbarrier.arrive $0xFFFF  }
0xb4: {  	_ =	strace $0x9000004A  }
0xb5: {  	[bflag:$0x2] =	sbarrier.arrive $0xFFFF  }
0xb6: {  	p0 =	sne.s32 s0, $0x0;
	s0 =	rddreg [dreg:$0x1]  }
0xb7: {  	s0 =	sadd.s32 @!p0 $0x100000, s0  }
0xb8: {  	[sflag:s0] =	ssyncadd.tile.s32 @!p0 $0x1;
	_ =	shalt  }
.Lfunc_end2:
_tile_overlayer_lowered:
.L_overlay_start_2:
0xb9: {  	(tag) =	ssettag $0x2  }
0xba: {  	s0 =	rddreg [dreg:$0x0];
	s2 =	stileid.u32  }
0xbb: {  	s1 =	rddreg [dreg:$0x1];
	p0 =	sne.s32 s2, $0x0  }
0xbc: {  	s3 =	rddreg [dreg:$0x2];
	[bflag:$0x3] =	sbarrier.arrive $0xFFFF;
	s2 =	simm.s32 @!p0 $0x1C01  }
0xbd: {  	[timem:s3], [sflag:s2] =	dma.local @!p0 [hbm:s0], s1  }
0xbe: {  	s0 =	simm.s32 @!p0 $0x1  }
0xbf: {  	_ =	swait.ge @!p0 [sflag:s0], s1  }
0xc0: {  	s1 =	ssub.s32 @!p0 $0x0, s1;
	[sflag:s0] =	ssyncset.done @!p0 $0x0  }
0xc1: {  	[sflag:s0] =	ssyncadd.s32 @!p0 s1  }
0xc2: {  	[bflag:$0x3] =	sbarrier.arrive $0xFFFF  }
0xc3: {  	_ =	shalt  }

// kernel: kernel.24.cloned.1.call-start
scs
__scs_entry_jumppad:
0x0: {  	(pc) =	sbr.rel $0x88, $3  }
0x1: {  	(tag) =	ssettag $0x0;
	lr =	simm.s32 $0x1  }
0x2: {  	[smem:$0x3F77] =	sst lr;
	_ =	strace $0xD0000000  }
0x3: {  	_ = 	snop  }
0x4: {  	_ = 	snop  }
0x5: {  	_ = 	snop  }
0x6: {  	_ = 	snop  }
0x7: {  	_ = 	snop  }
__scs_overlays_trampoline_lowered:
0x8: {  	[smem:$0x3F86] =	sst s0  }
0x9: {  	[smem:$0x3F87] =	sst s1  }
0xa: {  	[smem:$0x3F88] =	sst s2  }
0xb: {  	[smem:$0x3F89] =	sst s3  }
0xc: {  	[smem:$0x3F8A] =	sst s4  }
0xd: {  	[smem:$0x3F8B] =	sst s5  }
0xe: {  	[smem:$0x3F8C] =	sst s6  }
0xf: {  	[smem:$0x3F8D] =	sst s7  }
0x10: {  	[smem:$0x3F8E] =	sst s8  }
0x11: {  	[smem:$0x3F8F] =	sst s9;
	s0 =	simm.s32 @!p0 $0x0  }
0x12: {  	s1 =	sld [smem:$0x3F75];
	s0 =	simm.s32 @p0 $0x1  }
0x13: {  	[smem:$0x3F90] =	sst s0;
	s0 =	simm.s32 @!p1 $0x0  }
0x14: {  	s2 =	sld [smem:$0x3F74];
	s0 =	simm.s32 @p1 $0x1  }
0x15: {  	[smem:$0x3F91] =	sst s0;
	s0 =	simm.s32 @!p2 $0x0  }
0x16: {  	s3 =	sld [smem:$0x3FDB];
	s0 =	simm.s32 @p2 $0x1  }
0x17: {  	s4 =	simm.s32 $0x1BF5;
	[smem:$0x3F93] =	sst s0  }
0x18: {  	s0 =	sld [smem:$0x3F76];
	_ =	swait.ge [sflag:s4], $0x0  }
0x19: {  	s7 =	sld [smem:$0x3F77]  }
0x1a: {  	s8 =	sadd.s32 $0xFFFFE003, lr  }
0x1b: {  	s9 =	sadd.s32 $0xFFFFFEF7, lr;
	s5 =	simm.s32 $0xFFFFFFFF;
	p2 =	slt.u32 s8, $0xFFFFF086  }
0x1c: {  	p1 =	slt.u32 s9, $0xF7A;
	s5 =	simm.s32 @!p2 $0x0  }
0x1d: {  	s5 =	simm.s32 @p1 $0x1;
	p0 =	seq.s32 s7, s2  }
0x1e: {  	s7 =	smul.u32 @!p0 $0xF7A, s2;
	p2 =	seq.s32 @!p0 s5, $0x0  }
0x1f: {  	s9 =	smul.u32 $0xF7A, s1;
	s8 =	simm.s32 @!p0 $0x1BF5;
	p2 =	por !p2, p0  }
0x20: {  	[sflag:s8] =	ssyncset.s32 @!p0 $0xFFFFF086;
	s6 =	sadd.s32 @!p0 s3, s7;
	s7 =	simm.s32 @!p0 $0x108  }
0x21: {  	s3 =	sadd.s32 s3, s9;
	s6 =	sadd.s32 @!p0 $0x88, s6;
	s7 =	simm.s32 @p2 $0x1082  }
0x22: {  	[simem:s7], [sflag:s8] =	dma.local @!p0 [hbm:s6], $0xF7A  }
0x23: {  	s9 =	sor.u32 $0xD0000000, s2;
	s6 =	simm.s32 $0x108;
	_ =	swait.ge @!p0 [sflag:s8], $0x0  }
0x24: {  	s3 =	sadd.s32 $0x88, s3;
	s6 =	simm.s32 @!p1 $0x1082;
	[sflag:s4] =	ssyncset.s32 $0xFFFFF086  }
0x25: {  	[simem:s6], [sflag:s4] =	dma.local [hbm:s3], $0xF7A  }
0x26: {  	[smem:$0x3F77] =	sst s1;
	(tag) =	ssettag s2;
	_ =	strace s9  }
0x27: {  	s1 =	sld [smem:$0x3F87]  }
0x28: {  	s2 =	sld [smem:$0x3F88]  }
0x29: {  	s4 =	sld [smem:$0x3F8A]  }
0x2a: {  	p0 =	seq.s32 s5, $0x0;
	s5 =	sld [smem:$0x3F8B]  }
0x2b: {  	s6 =	sld [smem:$0x3F8C]  }
0x2c: {  	s7 =	sld [smem:$0x3F8D]  }
0x2d: {  	s3 =	simm.s32 $0x108;
	s8 =	sld [smem:$0x3F8E]  }
0x2e: {  	s3 =	simm.s32 @!p0 $0x1082;
	s9 =	sld [smem:$0x3F8F]  }
0x2f: {  	lr =	sadd.s32 s0, s3;
	s0 =	sld [smem:$0x3F86]  }
0x30: {  	s3 =	sld [smem:$0x3F89]  }
0x31: {  	[smem:$0x3F92] =	sst s10  }
0x32: {  	s10 =	sld [smem:$0x3F90];
	_ =	sdelay $0x3  }
0x33: {  	p0 =	seq.s32 s10, $0x1;
	s10 =	sld [smem:$0x3F92];
	_ =	sdelay $0x3  }
0x34: {  	[smem:$0x3F92] =	sst s10  }
0x35: {  	s10 =	sld [smem:$0x3F91];
	_ =	sdelay $0x3  }
0x36: {  	p1 =	seq.s32 s10, $0x1;
	s10 =	sld [smem:$0x3F92];
	_ =	sdelay $0x3  }
0x37: {  	[smem:$0x3F92] =	sst s10  }
0x38: {  	s10 =	sld [smem:$0x3F93]  }
0x39: {  	_ = 	snop;
	(pc) =	sbr.ind lr, $3  }
0x3a: {  	_ = 	snop  }
0x3b: {  	_ = 	snop  }
0x3c: {  	p2 =	seq.s32 s10, $0x1;
	s10 =	sld [smem:$0x3F92]  }
0x3d: {  	_ =	shalt  }
0x3e: {  	_ =	shalt  }
0x3f: {  	_ =	shalt  }
0x40: {  	_ =	shalt  }
0x41: {  	_ =	shalt  }
0x42: {  	_ =	shalt  }
0x43: {  	_ =	shalt  }
0x44: {  	_ =	shalt  }
0x45: {  	_ =	shalt  }
0x46: {  	_ =	shalt  }
0x47: {  	_ =	shalt  }
0x48: {  	_ =	shalt  }
0x49: {  	_ =	shalt  }
0x4a: {  	_ =	shalt  }
0x4b: {  	_ =	shalt  }
0x4c: {  	_ =	shalt  }
0x4d: {  	_ =	shalt  }
0x4e: {  	_ =	shalt  }
0x4f: {  	_ =	shalt  }
0x50: {  	_ =	shalt  }
0x51: {  	_ =	shalt  }
0x52: {  	_ =	shalt  }
0x53: {  	_ =	shalt  }
0x54: {  	_ =	shalt  }
0x55: {  	_ =	shalt  }
0x56: {  	_ =	shalt  }
0x57: {  	_ =	shalt  }
0x58: {  	_ =	shalt  }
0x59: {  	_ =	shalt  }
0x5a: {  	_ =	shalt  }
0x5b: {  	_ =	shalt  }
0x5c: {  	_ =	shalt  }
0x5d: {  	_ =	shalt  }
0x5e: {  	_ =	shalt  }
0x5f: {  	_ =	shalt  }
0x60: {  	_ =	shalt  }
0x61: {  	_ =	shalt  }
0x62: {  	_ =	shalt  }
0x63: {  	_ =	shalt  }
0x64: {  	_ =	shalt  }
0x65: {  	_ =	shalt  }
0x66: {  	_ =	shalt  }
0x67: {  	_ =	shalt  }
0x68: {  	_ =	shalt  }
0x69: {  	_ =	shalt  }
0x6a: {  	_ =	shalt  }
0x6b: {  	_ =	shalt  }
0x6c: {  	_ =	shalt  }
0x6d: {  	_ =	shalt  }
0x6e: {  	_ =	shalt  }
0x6f: {  	_ =	shalt  }
0x70: {  	_ =	shalt  }
0x71: {  	_ =	shalt  }
0x72: {  	_ =	shalt  }
0x73: {  	_ =	shalt  }
0x74: {  	_ =	shalt  }
0x75: {  	_ =	shalt  }
0x76: {  	_ =	shalt  }
0x77: {  	_ =	shalt  }
0x78: {  	_ =	shalt  }
0x79: {  	_ =	shalt  }
0x7a: {  	_ =	shalt  }
0x7b: {  	_ =	shalt  }
0x7c: {  	_ =	shalt  }
0x7d: {  	_ =	shalt  }
0x7e: {  	_ =	shalt  }
0x7f: {  	_ =	shalt  }
0x80: {  	_ =	shalt  }
0x81: {  	_ =	shalt  }
0x82: {  	_ =	shalt  }
0x83: {  	_ =	shalt  }
0x84: {  	_ =	shalt  }
0x85: {  	_ =	shalt  }
0x86: {  	_ =	shalt  }
0x87: {  	_ =	shalt  }
.Lfunc_end0:
.L_simem_size_0:
called_computation.3_lowered:
.L_overlay_start_0:
0x88: {  	s2 =	sld [smem:$0x3FD9]  }
0x89: {  	s3 =	sld [smem:$0x3FFE];
	_ =	sdelay $0x1  }
0x8a: {  	s1 =	srdreg.scid  }
0x8b: {  	s0 =	sand.u32 $0x1, s1  }
0x8c: {  	s16 =	sshll.u32 s0, $0xA;
	s2 =	sadd.s32 s3, s2  }
0x8d: {  	s2 =	sadd.s32 s2, s16  }
0x8e: {  	[smem:$0x3F9E] =	sst s2  }
0x8f: {  	_ = 	snop  }
0x90: {  	(tm) =	ssettm $0x1  }
0x91: {  	s17 =	sld [smem:$0x3FFB];
	_ =	sdelay $0x3  }
0x92: {  	_ =	strace s17  }
0x93: {  	s2 =	sld [smem:$0x3FFC];
	_ =	sdelay $0x3  }
0x94: {  	_ =	strace s2  }
0x95: {  	s2 =	sld [smem:$0x3FFD];
	_ =	sdelay $0x3  }
0x96: {  	_ =	strace s2  }
0x97: {  	_ =	strace $0x8FFFFFFF  }
0x98: {  	s18 =	sld [smem:$0x3FDB];
	_ =	sdelay $0x1  }
0x99: {  	s19 =	simm.s32 $_scs_section_size  }
0x9a: {  	s4 =	simm.s32 $_size__tile_overlayer_lowered;
	s5 =	simm.s32 $_tile_overlayer_lowered  }
0x9b: {  	s22 =	simm.s32 $0x1BFF;
	s21 =	sshll.u32 s5, $0x1;
	s2 =	sadd.s32 s19, s18  }
0x9c: {  	s6 =	simm.s32 $0x0;
	s20 =	sshll.u32 s4, $0x1;
	s4 =	sadd.s32 s21, s2  }
0x9d: {  	[timem:s6], [sflag:s22] =	dma.local [hbm:s4], s20  }
0x9e: {  	_ =	swait.ge [sflag:s22], s20  }
0x9f: {  	s3 =	ssub.s32 $0x0, s20;
	[sflag:s22] =	ssyncset.done $0x0  }
0xa0: {  	[sflag:s22] =	ssyncadd.s32 s3;
	_ =	sdelay $0x1  }
0xa1: {  	s23 =	simm.s32 $0x1B8B  }
0xa2: {  	_ =	swait.ge [sflag:s23], $0x1  }
0xa3: {  	[sflag:s23] =	ssyncset.done $0x0  }
0xa4: {  	s25 =	simm.s32 $0x1B8E;
	s24 =	sld [smem:$0x3FFE];
	[sflag:s23] =	ssyncadd.s32 $0xFFFFFFFF  }
0xa5: {  	s26 =	simm.s32 $execute0_lowered;
	[smem:$0x3FD2] =	sst s25  }
0xa6: {  	s4 =	sshll.u32 s26, $0x1;
	_ =	strace $0x8000004F;
	[dreg:$0x1] =	wrdreg $0xFFFFFFFF  }
0xa7: {  	s28 =	simm.s32 $_size_execute0_lowered;
	s2 =	sadd.s32 s2, s4;
	[dreg:$0x0] =	wrdreg $0x0  }
0xa8: {  	s4 =	sshll.u32 s28, $0x1;
	[dreg:$0x2] =	wrdreg s2  }
0xa9: {  	[dreg:$0x3] =	wrdreg s4  }
0xaa: {  	[dreg:$0x4] =	wrdreg $0xC0  }
0xab: {  	_ =	task [dreg:s6], $0x5FFFF  }
0xac: {  	[dreg:$0x1] =	wrdreg $0xFFFFFFFF  }
0xad: {  	[dreg:$0x0] =	wrdreg $0x60  }
0xae: {  	[dreg:$0x2] =	wrdreg s24  }
0xaf: {  	[dreg:$0x3] =	wrdreg $0x9  }
0xb0: {  	_ =	task.clear_ibuf [dreg:s6], $0x4FFFF;
	_ =	strace $0x9000004F  }
0xb1: {  	s29 =	simm.s32 $0x9;
	_ =	strace $0x80000051  }
0xb2: {  	_ =	swait.ge [sflag:s29], $0x1  }
0xb3: {  	[sflag:s29] =	ssyncadd.s32 $0xFFFFFFFF  }
0xb4: {  	_ =	strace $0x90000051  }
0xb5: {  	_ =	sfence  }
0xb6: {  	s30 =	sld [smem:$0x0];
	_ =	sdelay $0x2  }
0xb7: {  	s31 =	sshll.u32 s1, $0xD;
	s1 =	sshrl.u32 s1, $0x2  }
0xb8: {  	s3 =	sand.u32 $0x4000, s31;
	s1 =	sadd.s32 s1, s30  }
0xb9: {  	s0 =	sor.u32 s3, s0;
	s1 =	sshll.u32 s1, $0x11  }
0xba: {  	s0 =	sor.u32 s1, s0  }
0xbb: {  	s0 =	sadd.s32 $0x8F2B, s0  }
0xbc: {  	[sflag:s0] =	ssyncadd.remote.s32 $0x1  }
0xbd: {  	_ =	sfence.sel $0xFFFF  }
0xbe: {  	[dreg:$0x0] =	wrdreg $0xFFFFFFFF;
	(pc) =	sbr.abs _section_cstart, $3  }
0xbf: {  	[dreg:$0x1] =	wrdreg $0xFFFFFFFF  }
0xc0: {  	_ =	task.clear_ibuf [dreg:s6], $0x2FFFF;
	_ =	strace $0x9FFFFFFF  }
0xc1: {  	(tm) =	ssettm $0x7FFFFFFF  }
tec
execute0_lowered:
.L_overlay_start_1:
0x0: {  	(tag) =	ssettag $0x1  }
0x1: {  	s4 =	rddreg [dreg:$0x0]  }
0x2: {  	s0 =	rddreg [dreg:$0x1];
	s2 =	simm.s32 $0x0;
	s1 =	stileid.u32  }
0x3: {  	s3 =	srdreg.scid;
	s10 =	simm.s32 $0x0;
	s6 =	smul.u32 $0x3400, s1  }
0x4: {  	[smem:$0x7FF] =	sst s2;
	s5 =	sand.u32 $0x1, s3;
	s8 =	smul.u32 $0x3A800, s1  }
0x5: {  	s3 =	sadd.s32 $0x37200, s4;
	s7 =	smul.u32 $0x1A00, s5;
	s9 =	ssub.s32 $0x2, s5  }
0x6: {  	_ =	strace $0x80000050;
	s5 =	smul.u32 $0x1D400, s5;
	s31 =	sshrl.u32 s9, $0x1  }
0x7: {  	s8 =	sadd.s32 s8, s4;
	s6 =	sadd.s32 s7, s6;
	s7 =	ssub.s32 s9, s31  }
0x8: {  	s5 =	sadd.s32 s5, s8;
	s8 =	simm.s32 $0x200;
	s6 =	sshrl.u32 s6, $0x3  }
0x9: {  	s9 =	simm.s32 $0x1;
	s5 =	sadd.s32 $0x7AA00, s5;
	s6 =	sadd.s32 s6, s4  }
0xa: {  	s4 =	smax.u32 s7, $0x1;
	s7 =	simm.s32 $0x2;
	s6 =	sadd.s32 $0x30A00, s6  }
.LBB2_1:
0xb: {  	s11 =	sadd.s32 $0x0, s6  }
0xc: {  	[tilespmem:s2], [sflag:$0x2] =	stream.linear.gather [hbm4b:s11+s2], $0x200, $0x38;
	[tilespmem:$0x12200] =	vst v63  }
0xd: {  	_ =	swait.ge [sflag:s7], $0x200  }
0xe: {  	[sflag:s7] =	ssyncset.done $0x0  }
0xf: {  	[sflag:s7] =	ssyncadd.s32 $0xFFFFFE00  }
0x10: {  	[tilespmem:s8], [sflag:$0x1] =	stream.indirect.gather [hbm4b:s3+s8], $0x90, s2, s8, $0xb8;
	[tilespmem:$0x12200] =	vst v63  }
0x11: {  	_ =	swait.ge [sflag:s9], $0x12000  }
0x12: {  	[sflag:s9] =	ssyncset.done $0x0  }
0x13: {  	[sflag:s9] =	ssyncadd.s32 $0xFFFEE000  }
0x14: {  	[hbm4b:s5+s2] =	stream.linear.scatter [tilespmem:s8], [sflag:$0x2], $0x12000, $0x38;
	[tilespmem:$0x12200] =	vst v63  }
0x15: {  	s12 =	simm.s32 $0x40;
	_ =	swait.ge [sflag:s7], $0x12000  }
0x16: {  	s13 =	simm.s32 $0x80;
	s11 =	sadd.s32 $0x2400, s5;
	[sflag:s7] =	ssyncset.done $0x0  }
.LBB2_2:
0x17: {  	s14 =	sadd.s32 s12, s6  }
0x18: {  	[sflag:s7] =	ssyncadd.s32 $0xFFFEE000;
	s12 =	smov.u32 s13;
	s15 =	sadd.s32 $0x40, s13  }
0x19: {  	[tilespmem:s2], [sflag:$0x2] =	stream.linear.gather [hbm4b:s14+s2], $0x200, $0x38;
	[tilespmem:$0x12200] =	vst v63  }
0x1a: {  	p0 =	sne.s32 s13, $0x300;
	_ =	swait.ge [sflag:s7], $0x200  }
0x1b: {  	[sflag:s7] =	ssyncset.done $0x0  }
0x1c: {  	[sflag:s7] =	ssyncadd.s32 $0xFFFFFE00  }
0x1d: {  	[tilespmem:s8], [sflag:$0x1] =	stream.indirect.gather [hbm4b:s3+s8], $0x90, s2, s8, $0xb8;
	[tilespmem:$0x12200] =	vst v63  }
0x1e: {  	_ =	swait.ge [sflag:s9], $0x12000  }
.Ltmp0:
0x1f: {  	[sflag:s9] =	ssyncset.done $0x0;
	(pc) =	sbr.rel @p0 .LBB2_2-.Ltmp0, $4  }
0x20: {  	[sflag:s9] =	ssyncadd.s32 $0xFFFEE000  }
0x21: {  	[hbm4b:s11+s2] =	stream.linear.scatter [tilespmem:s8], [sflag:$0x2], $0x12000, $0x38;
	[tilespmem:$0x12200] =	vst v63  }
0x22: {  	_ =	swait.ge [sflag:s7], $0x12000  }
0x23: {  	s13 =	smov.u32 s15;
	s11 =	sadd.s32 $0x2400, s11;
	[sflag:s7] =	ssyncset.done $0x0  }
0x24: {  	s12 =	sadd.s32 s12, s6;
	[sflag:s7] =	ssyncadd.s32 $0xFFFEE000  }
0x25: {  	[tilespmem:s2], [sflag:$0x2] =	stream.linear.gather [hbm4b:s12+s2], $0x200, $0x38;
	[tilespmem:$0x12200] =	vst v63  }
0x26: {  	_ =	swait.ge [sflag:s7], $0x200  }
0x27: {  	[sflag:s7] =	ssyncset.done $0x0  }
0x28: {  	[sflag:s7] =	ssyncadd.s32 $0xFFFFFE00  }
0x29: {  	[tilespmem:s8], [sflag:$0x1] =	stream.indirect.gather [hbm4b:s3+s8], $0x90, s2, s8, $0xb8;
	[tilespmem:$0x12200] =	vst v63  }
0x2a: {  	s10 =	sadd.s32 $0x1, s10;
	_ =	swait.ge [sflag:s9], $0x12000  }
0x2b: {  	p0 =	sne.s32 s10, s4;
	[sflag:s9] =	ssyncset.done $0x0  }
.Ltmp1:
0x2c: {  	[sflag:s9] =	ssyncadd.s32 $0xFFFEE000;
	(pc) =	sbr.rel @p0 .LBB2_1-.Ltmp1, $4  }
0x2d: {  	[hbm4b:s11+s2] =	stream.linear.scatter [tilespmem:s8], [sflag:$0x2], $0x12000, $0x38;
	[tilespmem:$0x12200] =	vst v63  }
0x2e: {  	_ =	swait.ge [sflag:s7], $0x12000  }
0x2f: {  	[sflag:s7] =	ssyncset.done $0x0  }
0x30: {  	[sflag:s7] =	ssyncadd.s32 $0xFFFEE000  }
0x31: {  	_ =	sfence.sel $0x180000  }
0x32: {  	[bflag:$0x0] =	sbarrier.arrive $0xFFFF  }
0x33: {  	p0 =	sne.s32 s1, $0x0;
	_ =	strace $0x90000050  }
0x34: {  	s0 =	sadd.s32 @!p0 $0x100000, s0;
	[bflag:$0x2] =	sbarrier.arrive $0xFFFF  }
0x35: {  	[sflag:s0] =	ssyncadd.tile.s32 @!p0 $0x1;
	_ =	shalt  }
.Lfunc_end2:
_tile_overlayer_lowered:
.L_overlay_start_2:
0x36: {  	(tag) =	ssettag $0x2  }
0x37: {  	s0 =	rddreg [dreg:$0x0];
	s2 =	stileid.u32  }
0x38: {  	s1 =	rddreg [dreg:$0x1];
	p0 =	sne.s32 s2, $0x0  }
0x39: {  	s3 =	rddreg [dreg:$0x2];
	[bflag:$0x3] =	sbarrier.arrive $0xFFFF;
	s2 =	simm.s32 @!p0 $0x1C02  }
0x3a: {  	[timem:s3], [sflag:s2] =	dma.local @!p0 [hbm:s0], s1  }
0x3b: {  	s0 =	simm.s32 @!p0 $0x2  }
0x3c: {  	_ =	swait.ge @!p0 [sflag:s0], s1  }
0x3d: {  	s1 =	ssub.s32 @!p0 $0x0, s1;
	[sflag:s0] =	ssyncset.done @!p0 $0x0  }
0x3e: {  	[sflag:s0] =	ssyncadd.s32 @!p0 s1  }
0x3f: {  	[bflag:$0x3] =	sbarrier.arrive $0xFFFF  }
0x40: {  	_ =	shalt  }

</sc_bundles>
